<compile_context>
chip_gen: v7x
topology: tpu7x:2x2x1
jax: 0.10.2.dev20260603
libtpu: 0.0.44.dev20260713+nightly
codegen_flags: <defaults>
</compile_context>

<pallas_src>
import functools

import jax
import jax.numpy as jnp
from jax import lax
from jax.experimental import pallas as pl
from jax.experimental.pallas import tpu as pltpu
from jax.experimental.pallas import tpu_sc as plsc

_ROT0 = (13, 15, 26, 6)
_ROT1 = (17, 29, 16, 24)
_KS0 = 0
_KS1 = 42
_KS2 = _KS0 ^ _KS1 ^ 0x1BD11BDA
_TINY = 1.1754943508222875e-38

_B = 128
_V = 100000
_SC_W = 33920
_TC_START = 33792
_CHUNK = 1024


def _rotl(x, d):
    return (x << jnp.uint32(d)) | (x >> jnp.uint32(32 - d))


def _threefry_bits(p):
    ks = (jnp.uint32(_KS0), jnp.uint32(_KS1), jnp.uint32(_KS2))
    x1 = p + ks[1]
    x0 = x1
    x1 = x0 ^ _rotl(x1, _ROT0[0])
    for r in _ROT0[1:]:
        x0 = x0 + x1
        x1 = x0 ^ _rotl(x1, r)
    x0 = x0 + ks[1]
    x1 = x1 + ks[2] + jnp.uint32(1)
    for i in range(1, 5):
        rots = _ROT0 if i % 2 == 0 else _ROT1
        for r in rots:
            x0 = x0 + x1
            x1 = x0 ^ _rotl(x1, r)
        x0 = x0 + ks[(i + 1) % 3]
        x1 = x1 + ks[(i + 2) % 3] + jnp.uint32(i + 1)
    return x0 ^ x1


def _uniform_from_bits(bits):
    float_bits = (bits >> jnp.uint32(9)) | jnp.uint32(0x3F800000)
    floats = lax.bitcast_convert_type(float_bits, jnp.float32) - jnp.float32(1.0)
    return jnp.maximum(jnp.float32(_TINY), floats + jnp.float32(_TINY))


def _gumbel_from_u(u):
    return -jnp.log(-jnp.log(u))


@functools.cache
def _make_sc_uniform():
    mesh = plsc.VectorSubcoreMesh(core_axis_name="c", subcore_axis_name="s")

    @functools.partial(
        pl.kernel,
        out_type=jax.ShapeDtypeStruct((_B, _SC_W), jnp.float32),
        mesh=mesh,
        scratch_types=[pltpu.VMEM((_SC_W,), jnp.float32)],
    )
    def _sc_uniform(out_hbm, row_buf):
        wid = lax.axis_index("s") * 2 + lax.axis_index("c")
        lane = lax.iota(jnp.int32, 16)
        rows_per_w = _B // 32

        def do_row(r, _):
            row = wid * rows_per_w + r
            base = row * _V

            def chunk(i, _):
                p = (base + i * 16 + lane).astype(jnp.uint32)
                row_buf[pl.ds(i * 16, 16)] = _uniform_from_bits(
                    _threefry_bits(p))
                return 0

            lax.fori_loop(0, _SC_W // 16, chunk, 0, unroll=8)
            pltpu.sync_copy(row_buf, out_hbm.at[row])
            return 0

        lax.fori_loop(0, rows_per_w, do_row, 0)

    return _sc_uniform


def _tc_main_kernel(logits_ref, val_ref, idx_ref, *, block_rows, vpad):
    row0 = pl.program_id(0) * block_rows
    span = vpad - _TC_START
    nchunks = pl.cdiv(span, _CHUNK)
    rows = lax.broadcasted_iota(jnp.int32, (block_rows, _CHUNK), 0) + row0
    base_cols = lax.broadcasted_iota(jnp.int32, (block_rows, _CHUNK), 1)
    row_off = rows * _V

    def step(start, carry, masked):
        acc_val, acc_col = carry
        cols = base_cols + start
        p = (row_off + cols).astype(jnp.uint32)
        g = _gumbel_from_u(_uniform_from_bits(_threefry_bits(p)))
        vals = g + logits_ref[:, pl.ds(start, _CHUNK)]
        if masked:
            vals = jnp.where(cols < _V, vals, -jnp.inf)
        better = vals > acc_val
        acc_val = jnp.where(better, vals, acc_val)
        acc_col = jnp.where(better, cols, acc_col)
        return acc_val, acc_col

    init = (jnp.full((block_rows, _CHUNK), -jnp.inf, jnp.float32),
            jnp.zeros((block_rows, _CHUNK), jnp.int32))
    acc_val, acc_col = lax.fori_loop(
        0, nchunks - 1,
        lambda c, carry: step(_TC_START + c * _CHUNK, carry, masked=False),
        init, unroll=8)
    acc_val, acc_col = lax.fori_loop(
        nchunks - 1, nchunks,
        lambda c, carry: step(
            jnp.minimum(_TC_START + c * _CHUNK, vpad - _CHUNK), carry,
            masked=True),
        (acc_val, acc_col))

    m = jnp.max(acc_val, axis=1, keepdims=True)
    idx = jnp.min(jnp.where(acc_val == m, acc_col, jnp.int32(2**31 - 1)),
                  axis=1, keepdims=True)
    val_ref[...] = m
    idx_ref[...] = idx


def _tc_merge_kernel(logits_ref, u_ref, pval_ref, pidx_ref, out_ref, *,
                     block_rows):
    base_cols = lax.broadcasted_iota(jnp.int32, (block_rows, _CHUNK), 1)

    def body(c, carry):
        acc_val, acc_col = carry
        start = jnp.minimum(c * _CHUNK, _SC_W - _CHUNK)
        cols = base_cols + start
        vals = (_gumbel_from_u(u_ref[:, pl.ds(start, _CHUNK)])
                + logits_ref[:, pl.ds(start, _CHUNK)])
        better = vals > acc_val
        acc_val = jnp.where(better, vals, acc_val)
        acc_col = jnp.where(better, cols, acc_col)
        return acc_val, acc_col

    init = (jnp.full((block_rows, _CHUNK), -jnp.inf, jnp.float32),
            jnp.zeros((block_rows, _CHUNK), jnp.int32))
    acc_val, acc_col = lax.fori_loop(0, pl.cdiv(_SC_W, _CHUNK), body, init,
                                     unroll=8)

    m2 = jnp.max(acc_val, axis=1, keepdims=True)
    idx2 = jnp.min(jnp.where(acc_val == m2, acc_col, jnp.int32(2**31 - 1)),
                   axis=1, keepdims=True)
    win2 = m2 >= pval_ref[...]
    out_ref[...] = jnp.where(win2, idx2, pidx_ref[...])


@jax.jit
def kernel(logits):
    b, vocab = logits.shape
    block_rows = 16
    grid = (b // block_rows,)
    vpad = pl.cdiv(vocab, 128) * 128

    u_sc = _make_sc_uniform()()

    pval, pidx = pl.pallas_call(
        functools.partial(_tc_main_kernel, block_rows=block_rows, vpad=vpad),
        grid=grid,
        in_specs=[pl.BlockSpec((block_rows, vocab), lambda i: (i, 0))],
        out_specs=[pl.BlockSpec((block_rows, 1), lambda i: (i, 0)),
                   pl.BlockSpec((block_rows, 1), lambda i: (i, 0))],
        out_shape=[jax.ShapeDtypeStruct((b, 1), jnp.float32),
                   jax.ShapeDtypeStruct((b, 1), jnp.int32)],
        compiler_params=pltpu.CompilerParams(
            dimension_semantics=("arbitrary",),
        ),
    )(logits)

    out = pl.pallas_call(
        functools.partial(_tc_merge_kernel, block_rows=block_rows),
        grid=grid,
        in_specs=[pl.BlockSpec((block_rows, _SC_W), lambda i: (i, 0)),
                  pl.BlockSpec((block_rows, _SC_W), lambda i: (i, 0)),
                  pl.BlockSpec((block_rows, 1), lambda i: (i, 0)),
                  pl.BlockSpec((block_rows, 1), lambda i: (i, 0))],
        out_specs=pl.BlockSpec((block_rows, 1), lambda i: (i, 0)),
        out_shape=jax.ShapeDtypeStruct((b, 1), jnp.int32),
        compiler_params=pltpu.CompilerParams(
            dimension_semantics=("arbitrary",),
        ),
    )(logits, u_sc, pval, pidx)

    return out[:, 0].astype(jnp.int64)

# --- scband reference (transcript-rebuilt; emitter-appended) ---
"""Pipeline reference for scband-probability-distribution-17523466567789 (READ-ONLY COPY).

The authoritative reference and input builder live on the scoring server;
editing this copy changes nothing except your own understanding.
"""

import jax, jax.numpy as jnp
import numpy as np

B = 128
VOCAB = 100000

def setup_inputs(seed: int = 0) -> dict:
    key = jax.random.key(seed)
    logits = jax.random.normal(key, (B, VOCAB), dtype=jnp.float32)
    return {"logits": logits}

def reference(logits):
    # tf.squeeze(tf.random.categorical(logits, 1), axis=-1)
    # tf.random.categorical samples 1 index per row from the categorical
    # distribution defined by unnormalized log-probabilities `logits`.
    # jax.random.categorical implements the same gumbel-max sampling and
    # returns shape [B] directly (equivalent to the squeeze of [B, 1]).
    key = jax.random.key(42)
    samples = jax.random.categorical(key, logits, axis=-1)
    return samples.astype(jnp.int64)

if __name__ == "__main__":
    import jax
    _d = setup_inputs()
    print(jax.jit(kernel)(*tuple(_d.values())))

</pallas_src>

<mosaic_0001>
#map = affine_map<(d0, d1) -> (0, 0)>
module attributes {stable_mosaic.version = 14 : i64} {
  func.func @_sc_uniform(%arg0: i32, %arg1: i32, %arg2: memref<128x33920xf32, #tpu.memory_space<hbm>>, %arg3: memref<33920xf32, #tpu.memory_space<vmem>>) attributes {dimension_semantics = [#tpu.dimension_semantics<core_parallel>, #tpu.dimension_semantics<subcore_parallel>], iteration_bounds = array<i64: 2, 16>, scalar_prefetch = 0 : i64, scratch_operands = 1 : i64, tpu.core_type = #tpu.core_type<sc_vector_subcore>, window_params = [{transform_indices = #map}]} {
    %mul3A = arith.constant 2 : i32
    %mul3A_0 = arith.muli %arg1, %mul3A : i32
    %add3A = arith.addi %mul3A_0, %arg0 : i32
    %iota3A = tpu.iota {dimensions = array<i32: 0>} : vector<16xi32>
    %scan3A = arith.constant 0 : i32
    %scan3A_1 = arith.constant 0 : i32
    %scan3A_2 = arith.constant 4 : i32
    %scan3A_3 = arith.addi %scan3A_1, %scan3A_2 : i32
    %scan3A_4 = arith.constant 1 : i32
    %scan3A_5 = scf.for %scan3A_7 = %scan3A_1 to %scan3A_3 step %scan3A_4 iter_args(%scan3A_8 = %scan3A) -> (i32)  : i32 {
      %mul3A_9 = arith.constant 4 : i32
      %mul3A_10 = arith.muli %add3A, %mul3A_9 : i32
      %add3A_11 = arith.addi %mul3A_10, %scan3A_7 : i32
      %mul3A_12 = arith.constant 100000 : i32
      %mul3A_13 = arith.muli %add3A_11, %mul3A_12 : i32
      %scan3A_14 = arith.constant 0 : i32
      %scan3A_15 = arith.constant 0 : i32
      %scan3A_16 = arith.constant 2120 : i32
      %scan3A_17 = arith.addi %scan3A_15, %scan3A_16 : i32
      %scan3A_18 = arith.constant 8 : i32
      %scan3A_19 = scf.for %scan3A_22 = %scan3A_15 to %scan3A_17 step %scan3A_18 iter_args(%scan3A_23 = %scan3A_14) -> (i32)  : i32 {
        %mul3A_24 = arith.constant 16 : i32
        %mul3A_25 = arith.muli %scan3A_22, %mul3A_24 : i32
        %add3A_26 = arith.addi %mul3A_13, %mul3A_25 : i32
        %add3A_27 = vector.broadcast %add3A_26 : i32 to vector<16xi32>
        %add3A_28 = arith.addi %add3A_27, %iota3A : vector<16xi32>
        %add3A_29 = arith.constant 42 : i32
        %add3A_30 = vector.broadcast %add3A_29 : i32 to vector<16xi32>
        %add3A_31 = arith.addi %add3A_28, %add3A_30 : vector<16xi32>
        %shift_left3A = arith.constant 13 : i32
        %shift_left3A_32 = vector.broadcast %shift_left3A : i32 to vector<16xi32>
        %shift_left3A_33 = arith.shli %add3A_31, %shift_left3A_32 : vector<16xi32>
        %shift_right_logical3A = arith.constant 19 : i32
        %shift_right_logical3A_34 = vector.broadcast %shift_right_logical3A : i32 to vector<16xi32>
        %shift_right_logical3A_35 = arith.shrui %add3A_31, %shift_right_logical3A_34 : vector<16xi32>
        %or3A = arith.ori %shift_left3A_33, %shift_right_logical3A_35 : vector<16xi32>
        %xor3A = arith.xori %add3A_31, %or3A : vector<16xi32>
        %add3A_36 = arith.addi %add3A_31, %xor3A : vector<16xi32>
        %shift_left3A_37 = arith.constant 15 : i32
        %shift_left3A_38 = vector.broadcast %shift_left3A_37 : i32 to vector<16xi32>
        %shift_left3A_39 = arith.shli %xor3A, %shift_left3A_38 : vector<16xi32>
        %shift_right_logical3A_40 = arith.constant 17 : i32
        %shift_right_logical3A_41 = vector.broadcast %shift_right_logical3A_40 : i32 to vector<16xi32>
        %shift_right_logical3A_42 = arith.shrui %xor3A, %shift_right_logical3A_41 : vector<16xi32>
        %or3A_43 = arith.ori %shift_left3A_39, %shift_right_logical3A_42 : vector<16xi32>
        %xor3A_44 = arith.xori %add3A_36, %or3A_43 : vector<16xi32>
        %add3A_45 = arith.addi %add3A_36, %xor3A_44 : vector<16xi32>
        %shift_left3A_46 = arith.constant 26 : i32
        %shift_left3A_47 = vector.broadcast %shift_left3A_46 : i32 to vector<16xi32>
        %shift_left3A_48 = arith.shli %xor3A_44, %shift_left3A_47 : vector<16xi32>
        %shift_right_logical3A_49 = arith.constant 6 : i32
        %shift_right_logical3A_50 = vector.broadcast %shift_right_logical3A_49 : i32 to vector<16xi32>
        %shift_right_logical3A_51 = arith.shrui %xor3A_44, %shift_right_logical3A_50 : vector<16xi32>
        %or3A_52 = arith.ori %shift_left3A_48, %shift_right_logical3A_51 : vector<16xi32>
        %xor3A_53 = arith.xori %add3A_45, %or3A_52 : vector<16xi32>
        %add3A_54 = arith.addi %add3A_45, %xor3A_53 : vector<16xi32>
        %shift_left3A_55 = arith.constant 6 : i32
        %shift_left3A_56 = vector.broadcast %shift_left3A_55 : i32 to vector<16xi32>
        %shift_left3A_57 = arith.shli %xor3A_53, %shift_left3A_56 : vector<16xi32>
        %shift_right_logical3A_58 = arith.constant 26 : i32
        %shift_right_logical3A_59 = vector.broadcast %shift_right_logical3A_58 : i32 to vector<16xi32>
        %shift_right_logical3A_60 = arith.shrui %xor3A_53, %shift_right_logical3A_59 : vector<16xi32>
        %or3A_61 = arith.ori %shift_left3A_57, %shift_right_logical3A_60 : vector<16xi32>
        %xor3A_62 = arith.xori %add3A_54, %or3A_61 : vector<16xi32>
        %add3A_63 = arith.constant 42 : i32
        %add3A_64 = vector.broadcast %add3A_63 : i32 to vector<16xi32>
        %add3A_65 = arith.addi %add3A_54, %add3A_64 : vector<16xi32>
        %add3A_66 = arith.constant 466689008 : i32
        %add3A_67 = vector.broadcast %add3A_66 : i32 to vector<16xi32>
        %add3A_68 = arith.addi %xor3A_62, %add3A_67 : vector<16xi32>
        %add3A_69 = arith.constant 1 : i32
        %add3A_70 = vector.broadcast %add3A_69 : i32 to vector<16xi32>
        %add3A_71 = arith.addi %add3A_68, %add3A_70 : vector<16xi32>
        %add3A_72 = arith.addi %add3A_65, %add3A_71 : vector<16xi32>
        %shift_left3A_73 = arith.constant 17 : i32
        %shift_left3A_74 = vector.broadcast %shift_left3A_73 : i32 to vector<16xi32>
        %shift_left3A_75 = arith.shli %add3A_71, %shift_left3A_74 : vector<16xi32>
        %shift_right_logical3A_76 = arith.constant 15 : i32
        %shift_right_logical3A_77 = vector.broadcast %shift_right_logical3A_76 : i32 to vector<16xi32>
        %shift_right_logical3A_78 = arith.shrui %add3A_71, %shift_right_logical3A_77 : vector<16xi32>
        %or3A_79 = arith.ori %shift_left3A_75, %shift_right_logical3A_78 : vector<16xi32>
        %xor3A_80 = arith.xori %add3A_72, %or3A_79 : vector<16xi32>
        %add3A_81 = arith.addi %add3A_72, %xor3A_80 : vector<16xi32>
        %shift_left3A_82 = arith.constant 29 : i32
        %shift_left3A_83 = vector.broadcast %shift_left3A_82 : i32 to vector<16xi32>
        %shift_left3A_84 = arith.shli %xor3A_80, %shift_left3A_83 : vector<16xi32>
        %shift_right_logical3A_85 = arith.constant 3 : i32
        %shift_right_logical3A_86 = vector.broadcast %shift_right_logical3A_85 : i32 to vector<16xi32>
        %shift_right_logical3A_87 = arith.shrui %xor3A_80, %shift_right_logical3A_86 : vector<16xi32>
        %or3A_88 = arith.ori %shift_left3A_84, %shift_right_logical3A_87 : vector<16xi32>
        %xor3A_89 = arith.xori %add3A_81, %or3A_88 : vector<16xi32>
        %add3A_90 = arith.addi %add3A_81, %xor3A_89 : vector<16xi32>
        %shift_left3A_91 = arith.constant 16 : i32
        %shift_left3A_92 = vector.broadcast %shift_left3A_91 : i32 to vector<16xi32>
        %shift_left3A_93 = arith.shli %xor3A_89, %shift_left3A_92 : vector<16xi32>
        %shift_right_logical3A_94 = arith.constant 16 : i32
        %shift_right_logical3A_95 = vector.broadcast %shift_right_logical3A_94 : i32 to vector<16xi32>
        %shift_right_logical3A_96 = arith.shrui %xor3A_89, %shift_right_logical3A_95 : vector<16xi32>
        %or3A_97 = arith.ori %shift_left3A_93, %shift_right_logical3A_96 : vector<16xi32>
        %xor3A_98 = arith.xori %add3A_90, %or3A_97 : vector<16xi32>
        %add3A_99 = arith.addi %add3A_90, %xor3A_98 : vector<16xi32>
        %shift_left3A_100 = arith.constant 24 : i32
        %shift_left3A_101 = vector.broadcast %shift_left3A_100 : i32 to vector<16xi32>
        %shift_left3A_102 = arith.shli %xor3A_98, %shift_left3A_101 : vector<16xi32>
        %shift_right_logical3A_103 = arith.constant 8 : i32
        %shift_right_logical3A_104 = vector.broadcast %shift_right_logical3A_103 : i32 to vector<16xi32>
        %shift_right_logical3A_105 = arith.shrui %xor3A_98, %shift_right_logical3A_104 : vector<16xi32>
        %or3A_106 = arith.ori %shift_left3A_102, %shift_right_logical3A_105 : vector<16xi32>
        %xor3A_107 = arith.xori %add3A_99, %or3A_106 : vector<16xi32>
        %add3A_108 = arith.constant 466689008 : i32
        %add3A_109 = vector.broadcast %add3A_108 : i32 to vector<16xi32>
        %add3A_110 = arith.addi %add3A_99, %add3A_109 : vector<16xi32>
        %add3A_111 = arith.constant 0 : i32
        %add3A_112 = vector.broadcast %add3A_111 : i32 to vector<16xi32>
        %add3A_113 = arith.addi %xor3A_107, %add3A_112 : vector<16xi32>
        %add3A_114 = arith.constant 2 : i32
        %add3A_115 = vector.broadcast %add3A_114 : i32 to vector<16xi32>
        %add3A_116 = arith.addi %add3A_113, %add3A_115 : vector<16xi32>
        %add3A_117 = arith.addi %add3A_110, %add3A_116 : vector<16xi32>
        %shift_left3A_118 = arith.constant 13 : i32
        %shift_left3A_119 = vector.broadcast %shift_left3A_118 : i32 to vector<16xi32>
        %shift_left3A_120 = arith.shli %add3A_116, %shift_left3A_119 : vector<16xi32>
        %shift_right_logical3A_121 = arith.constant 19 : i32
        %shift_right_logical3A_122 = vector.broadcast %shift_right_logical3A_121 : i32 to vector<16xi32>
        %shift_right_logical3A_123 = arith.shrui %add3A_116, %shift_right_logical3A_122 : vector<16xi32>
        %or3A_124 = arith.ori %shift_left3A_120, %shift_right_logical3A_123 : vector<16xi32>
        %xor3A_125 = arith.xori %add3A_117, %or3A_124 : vector<16xi32>
        %add3A_126 = arith.addi %add3A_117, %xor3A_125 : vector<16xi32>
        %shift_left3A_127 = arith.constant 15 : i32
        %shift_left3A_128 = vector.broadcast %shift_left3A_127 : i32 to vector<16xi32>
        %shift_left3A_129 = arith.shli %xor3A_125, %shift_left3A_128 : vector<16xi32>
        %shift_right_logical3A_130 = arith.constant 17 : i32
        %shift_right_logical3A_131 = vector.broadcast %shift_right_logical3A_130 : i32 to vector<16xi32>
        %shift_right_logical3A_132 = arith.shrui %xor3A_125, %shift_right_logical3A_131 : vector<16xi32>
        %or3A_133 = arith.ori %shift_left3A_129, %shift_right_logical3A_132 : vector<16xi32>
        %xor3A_134 = arith.xori %add3A_126, %or3A_133 : vector<16xi32>
        %add3A_135 = arith.addi %add3A_126, %xor3A_134 : vector<16xi32>
        %shift_left3A_136 = arith.constant 26 : i32
        %shift_left3A_137 = vector.broadcast %shift_left3A_136 : i32 to vector<16xi32>
        %shift_left3A_138 = arith.shli %xor3A_134, %shift_left3A_137 : vector<16xi32>
        %shift_right_logical3A_139 = arith.constant 6 : i32
        %shift_right_logical3A_140 = vector.broadcast %shift_right_logical3A_139 : i32 to vector<16xi32>
        %shift_right_logical3A_141 = arith.shrui %xor3A_134, %shift_right_logical3A_140 : vector<16xi32>
        %or3A_142 = arith.ori %shift_left3A_138, %shift_right_logical3A_141 : vector<16xi32>
        %xor3A_143 = arith.xori %add3A_135, %or3A_142 : vector<16xi32>
        %add3A_144 = arith.addi %add3A_135, %xor3A_143 : vector<16xi32>
        %shift_left3A_145 = arith.constant 6 : i32
        %shift_left3A_146 = vector.broadcast %shift_left3A_145 : i32 to vector<16xi32>
        %shift_left3A_147 = arith.shli %xor3A_143, %shift_left3A_146 : vector<16xi32>
        %shift_right_logical3A_148 = arith.constant 26 : i32
        %shift_right_logical3A_149 = vector.broadcast %shift_right_logical3A_148 : i32 to vector<16xi32>
        %shift_right_logical3A_150 = arith.shrui %xor3A_143, %shift_right_logical3A_149 : vector<16xi32>
        %or3A_151 = arith.ori %shift_left3A_147, %shift_right_logical3A_150 : vector<16xi32>
        %xor3A_152 = arith.xori %add3A_144, %or3A_151 : vector<16xi32>
        %add3A_153 = arith.constant 0 : i32
        %add3A_154 = vector.broadcast %add3A_153 : i32 to vector<16xi32>
        %add3A_155 = arith.addi %add3A_144, %add3A_154 : vector<16xi32>
        %add3A_156 = arith.constant 42 : i32
        %add3A_157 = vector.broadcast %add3A_156 : i32 to vector<16xi32>
        %add3A_158 = arith.addi %xor3A_152, %add3A_157 : vector<16xi32>
        %add3A_159 = arith.constant 3 : i32
        %add3A_160 = vector.broadcast %add3A_159 : i32 to vector<16xi32>
        %add3A_161 = arith.addi %add3A_158, %add3A_160 : vector<16xi32>
        %add3A_162 = arith.addi %add3A_155, %add3A_161 : vector<16xi32>
        %shift_left3A_163 = arith.constant 17 : i32
        %shift_left3A_164 = vector.broadcast %shift_left3A_163 : i32 to vector<16xi32>
        %shift_left3A_165 = arith.shli %add3A_161, %shift_left3A_164 : vector<16xi32>
        %shift_right_logical3A_166 = arith.constant 15 : i32
        %shift_right_logical3A_167 = vector.broadcast %shift_right_logical3A_166 : i32 to vector<16xi32>
        %shift_right_logical3A_168 = arith.shrui %add3A_161, %shift_right_logical3A_167 : vector<16xi32>
        %or3A_169 = arith.ori %shift_left3A_165, %shift_right_logical3A_168 : vector<16xi32>
        %xor3A_170 = arith.xori %add3A_162, %or3A_169 : vector<16xi32>
        %add3A_171 = arith.addi %add3A_162, %xor3A_170 : vector<16xi32>
        %shift_left3A_172 = arith.constant 29 : i32
        %shift_left3A_173 = vector.broadcast %shift_left3A_172 : i32 to vector<16xi32>
        %shift_left3A_174 = arith.shli %xor3A_170, %shift_left3A_173 : vector<16xi32>
        %shift_right_logical3A_175 = arith.constant 3 : i32
        %shift_right_logical3A_176 = vector.broadcast %shift_right_logical3A_175 : i32 to vector<16xi32>
        %shift_right_logical3A_177 = arith.shrui %xor3A_170, %shift_right_logical3A_176 : vector<16xi32>
        %or3A_178 = arith.ori %shift_left3A_174, %shift_right_logical3A_177 : vector<16xi32>
        %xor3A_179 = arith.xori %add3A_171, %or3A_178 : vector<16xi32>
        %add3A_180 = arith.addi %add3A_171, %xor3A_179 : vector<16xi32>
        %shift_left3A_181 = arith.constant 16 : i32
        %shift_left3A_182 = vector.broadcast %shift_left3A_181 : i32 to vector<16xi32>
        %shift_left3A_183 = arith.shli %xor3A_179, %shift_left3A_182 : vector<16xi32>
        %shift_right_logical3A_184 = arith.constant 16 : i32
        %shift_right_logical3A_185 = vector.broadcast %shift_right_logical3A_184 : i32 to vector<16xi32>
        %shift_right_logical3A_186 = arith.shrui %xor3A_179, %shift_right_logical3A_185 : vector<16xi32>
        %or3A_187 = arith.ori %shift_left3A_183, %shift_right_logical3A_186 : vector<16xi32>
        %xor3A_188 = arith.xori %add3A_180, %or3A_187 : vector<16xi32>
        %add3A_189 = arith.addi %add3A_180, %xor3A_188 : vector<16xi32>
        %shift_left3A_190 = arith.constant 24 : i32
        %shift_left3A_191 = vector.broadcast %shift_left3A_190 : i32 to vector<16xi32>
        %shift_left3A_192 = arith.shli %xor3A_188, %shift_left3A_191 : vector<16xi32>
        %shift_right_logical3A_193 = arith.constant 8 : i32
        %shift_right_logical3A_194 = vector.broadcast %shift_right_logical3A_193 : i32 to vector<16xi32>
        %shift_right_logical3A_195 = arith.shrui %xor3A_188, %shift_right_logical3A_194 : vector<16xi32>
        %or3A_196 = arith.ori %shift_left3A_192, %shift_right_logical3A_195 : vector<16xi32>
        %xor3A_197 = arith.xori %add3A_189, %or3A_196 : vector<16xi32>
        %add3A_198 = arith.constant 42 : i32
        %add3A_199 = vector.broadcast %add3A_198 : i32 to vector<16xi32>
        %add3A_200 = arith.addi %add3A_189, %add3A_199 : vector<16xi32>
        %add3A_201 = arith.constant 466689008 : i32
        %add3A_202 = vector.broadcast %add3A_201 : i32 to vector<16xi32>
        %add3A_203 = arith.addi %xor3A_197, %add3A_202 : vector<16xi32>
        %add3A_204 = arith.constant 4 : i32
        %add3A_205 = vector.broadcast %add3A_204 : i32 to vector<16xi32>
        %add3A_206 = arith.addi %add3A_203, %add3A_205 : vector<16xi32>
        %add3A_207 = arith.addi %add3A_200, %add3A_206 : vector<16xi32>
        %shift_left3A_208 = arith.constant 13 : i32
        %shift_left3A_209 = vector.broadcast %shift_left3A_208 : i32 to vector<16xi32>
        %shift_left3A_210 = arith.shli %add3A_206, %shift_left3A_209 : vector<16xi32>
        %shift_right_logical3A_211 = arith.constant 19 : i32
        %shift_right_logical3A_212 = vector.broadcast %shift_right_logical3A_211 : i32 to vector<16xi32>
        %shift_right_logical3A_213 = arith.shrui %add3A_206, %shift_right_logical3A_212 : vector<16xi32>
        %or3A_214 = arith.ori %shift_left3A_210, %shift_right_logical3A_213 : vector<16xi32>
        %xor3A_215 = arith.xori %add3A_207, %or3A_214 : vector<16xi32>
        %add3A_216 = arith.addi %add3A_207, %xor3A_215 : vector<16xi32>
        %shift_left3A_217 = arith.constant 15 : i32
        %shift_left3A_218 = vector.broadcast %shift_left3A_217 : i32 to vector<16xi32>
        %shift_left3A_219 = arith.shli %xor3A_215, %shift_left3A_218 : vector<16xi32>
        %shift_right_logical3A_220 = arith.constant 17 : i32
        %shift_right_logical3A_221 = vector.broadcast %shift_right_logical3A_220 : i32 to vector<16xi32>
        %shift_right_logical3A_222 = arith.shrui %xor3A_215, %shift_right_logical3A_221 : vector<16xi32>
        %or3A_223 = arith.ori %shift_left3A_219, %shift_right_logical3A_222 : vector<16xi32>
        %xor3A_224 = arith.xori %add3A_216, %or3A_223 : vector<16xi32>
        %add3A_225 = arith.addi %add3A_216, %xor3A_224 : vector<16xi32>
        %shift_left3A_226 = arith.constant 26 : i32
        %shift_left3A_227 = vector.broadcast %shift_left3A_226 : i32 to vector<16xi32>
        %shift_left3A_228 = arith.shli %xor3A_224, %shift_left3A_227 : vector<16xi32>
        %shift_right_logical3A_229 = arith.constant 6 : i32
        %shift_right_logical3A_230 = vector.broadcast %shift_right_logical3A_229 : i32 to vector<16xi32>
        %shift_right_logical3A_231 = arith.shrui %xor3A_224, %shift_right_logical3A_230 : vector<16xi32>
        %or3A_232 = arith.ori %shift_left3A_228, %shift_right_logical3A_231 : vector<16xi32>
        %xor3A_233 = arith.xori %add3A_225, %or3A_232 : vector<16xi32>
        %add3A_234 = arith.addi %add3A_225, %xor3A_233 : vector<16xi32>
        %shift_left3A_235 = arith.constant 6 : i32
        %shift_left3A_236 = vector.broadcast %shift_left3A_235 : i32 to vector<16xi32>
        %shift_left3A_237 = arith.shli %xor3A_233, %shift_left3A_236 : vector<16xi32>
        %shift_right_logical3A_238 = arith.constant 26 : i32
        %shift_right_logical3A_239 = vector.broadcast %shift_right_logical3A_238 : i32 to vector<16xi32>
        %shift_right_logical3A_240 = arith.shrui %xor3A_233, %shift_right_logical3A_239 : vector<16xi32>
        %or3A_241 = arith.ori %shift_left3A_237, %shift_right_logical3A_240 : vector<16xi32>
        %xor3A_242 = arith.xori %add3A_234, %or3A_241 : vector<16xi32>
        %add3A_243 = arith.constant 466689008 : i32
        %add3A_244 = vector.broadcast %add3A_243 : i32 to vector<16xi32>
        %add3A_245 = arith.addi %add3A_234, %add3A_244 : vector<16xi32>
        %add3A_246 = arith.constant 0 : i32
        %add3A_247 = vector.broadcast %add3A_246 : i32 to vector<16xi32>
        %add3A_248 = arith.addi %xor3A_242, %add3A_247 : vector<16xi32>
        %add3A_249 = arith.constant 5 : i32
        %add3A_250 = vector.broadcast %add3A_249 : i32 to vector<16xi32>
        %add3A_251 = arith.addi %add3A_248, %add3A_250 : vector<16xi32>
        %xor3A_252 = arith.xori %add3A_245, %add3A_251 : vector<16xi32>
        %shift_right_logical3A_253 = arith.constant 9 : i32
        %shift_right_logical3A_254 = vector.broadcast %shift_right_logical3A_253 : i32 to vector<16xi32>
        %shift_right_logical3A_255 = arith.shrui %xor3A_252, %shift_right_logical3A_254 : vector<16xi32>
        %or3A_256 = arith.constant 1065353216 : i32
        %or3A_257 = vector.broadcast %or3A_256 : i32 to vector<16xi32>
        %or3A_258 = arith.ori %shift_right_logical3A_255, %or3A_257 : vector<16xi32>
        %bitcast_convert_type3A = tpu.bitcast %or3A_258 : vector<16xi32> -> vector<16xf32>
        %sub3A = arith.constant 1.000000e+00 : f32
        %sub3A_259 = vector.broadcast %sub3A : f32 to vector<16xf32>
        %sub3A_260 = arith.subf %bitcast_convert_type3A, %sub3A_259 : vector<16xf32>
        %add3A_261 = arith.constant 1.17549435E-38 : f32
        %add3A_262 = vector.broadcast %add3A_261 : f32 to vector<16xf32>
        %add3A_263 = arith.addf %sub3A_260, %add3A_262 : vector<16xf32>
        %max3A = arith.constant 1.17549435E-38 : f32
        %max3A_264 = vector.broadcast %max3A : f32 to vector<16xf32>
        %max3A_265 = arith.maximumf %max3A_264, %add3A_263 : vector<16xf32>
        %mul3A_266 = arith.constant 16 : i32
        %mul3A_267 = arith.muli %scan3A_22, %mul3A_266 : i32
        %swap3A = arith.index_cast %mul3A_267 : i32 to index
        %swap3A_268 = tpu.vector_load %arg3[%swap3A] {strides = array<i32>} : memref<33920xf32, #tpu.memory_space<vmem>>, vector<16xf32>,
        %swap3A_269 = vector.shape_cast %swap3A_268 : vector<16xf32> to vector<16xf32>
        %swap3A_270 = vector.shape_cast %max3A_265 : vector<16xf32> to vector<16xf32>
        tpu.vector_store %arg3[%swap3A], %swap3A_270 {strides = array<i32>} : memref<33920xf32, #tpu.memory_space<vmem>>, vector<16xf32>,
        %scan3A_271 = arith.constant 0 : i32
        %scan3A_272 = arith.constant 1 : i32
        %scan3A_273 = arith.addi %scan3A_22, %scan3A_272 : i32
        %mul3A_274 = arith.constant 16 : i32
        %mul3A_275 = arith.muli %scan3A_273, %mul3A_274 : i32
        %add3A_276 = arith.addi %mul3A_13, %mul3A_275 : i32
        %add3A_277 = vector.broadcast %add3A_276 : i32 to vector<16xi32>
        %add3A_278 = arith.addi %add3A_277, %iota3A : vector<16xi32>
        %add3A_279 = arith.constant 42 : i32
        %add3A_280 = vector.broadcast %add3A_279 : i32 to vector<16xi32>
        %add3A_281 = arith.addi %add3A_278, %add3A_280 : vector<16xi32>
        %shift_left3A_282 = arith.constant 13 : i32
        %shift_left3A_283 = vector.broadcast %shift_left3A_282 : i32 to vector<16xi32>
        %shift_left3A_284 = arith.shli %add3A_281, %shift_left3A_283 : vector<16xi32>
        %shift_right_logical3A_285 = arith.constant 19 : i32
        %shift_right_logical3A_286 = vector.broadcast %shift_right_logical3A_285 : i32 to vector<16xi32>
        %shift_right_logical3A_287 = arith.shrui %add3A_281, %shift_right_logical3A_286 : vector<16xi32>
        %or3A_288 = arith.ori %shift_left3A_284, %shift_right_logical3A_287 : vector<16xi32>
        %xor3A_289 = arith.xori %add3A_281, %or3A_288 : vector<16xi32>
        %add3A_290 = arith.addi %add3A_281, %xor3A_289 : vector<16xi32>
        %shift_left3A_291 = arith.constant 15 : i32
        %shift_left3A_292 = vector.broadcast %shift_left3A_291 : i32 to vector<16xi32>
        %shift_left3A_293 = arith.shli %xor3A_289, %shift_left3A_292 : vector<16xi32>
        %shift_right_logical3A_294 = arith.constant 17 : i32
        %shift_right_logical3A_295 = vector.broadcast %shift_right_logical3A_294 : i32 to vector<16xi32>
        %shift_right_logical3A_296 = arith.shrui %xor3A_289, %shift_right_logical3A_295 : vector<16xi32>
        %or3A_297 = arith.ori %shift_left3A_293, %shift_right_logical3A_296 : vector<16xi32>
        %xor3A_298 = arith.xori %add3A_290, %or3A_297 : vector<16xi32>
        %add3A_299 = arith.addi %add3A_290, %xor3A_298 : vector<16xi32>
        %shift_left3A_300 = arith.constant 26 : i32
        %shift_left3A_301 = vector.broadcast %shift_left3A_300 : i32 to vector<16xi32>
        %shift_left3A_302 = arith.shli %xor3A_298, %shift_left3A_301 : vector<16xi32>
        %shift_right_logical3A_303 = arith.constant 6 : i32
        %shift_right_logical3A_304 = vector.broadcast %shift_right_logical3A_303 : i32 to vector<16xi32>
        %shift_right_logical3A_305 = arith.shrui %xor3A_298, %shift_right_logical3A_304 : vector<16xi32>
        %or3A_306 = arith.ori %shift_left3A_302, %shift_right_logical3A_305 : vector<16xi32>
        %xor3A_307 = arith.xori %add3A_299, %or3A_306 : vector<16xi32>
        %add3A_308 = arith.addi %add3A_299, %xor3A_307 : vector<16xi32>
        %shift_left3A_309 = arith.constant 6 : i32
        %shift_left3A_310 = vector.broadcast %shift_left3A_309 : i32 to vector<16xi32>
        %shift_left3A_311 = arith.shli %xor3A_307, %shift_left3A_310 : vector<16xi32>
        %shift_right_logical3A_312 = arith.constant 26 : i32
        %shift_right_logical3A_313 = vector.broadcast %shift_right_logical3A_312 : i32 to vector<16xi32>
        %shift_right_logical3A_314 = arith.shrui %xor3A_307, %shift_right_logical3A_313 : vector<16xi32>
        %or3A_315 = arith.ori %shift_left3A_311, %shift_right_logical3A_314 : vector<16xi32>
        %xor3A_316 = arith.xori %add3A_308, %or3A_315 : vector<16xi32>
        %add3A_317 = arith.constant 42 : i32
        %add3A_318 = vector.broadcast %add3A_317 : i32 to vector<16xi32>
        %add3A_319 = arith.addi %add3A_308, %add3A_318 : vector<16xi32>
        %add3A_320 = arith.constant 466689008 : i32
        %add3A_321 = vector.broadcast %add3A_320 : i32 to vector<16xi32>
        %add3A_322 = arith.addi %xor3A_316, %add3A_321 : vector<16xi32>
        %add3A_323 = arith.constant 1 : i32
        %add3A_324 = vector.broadcast %add3A_323 : i32 to vector<16xi32>
        %add3A_325 = arith.addi %add3A_322, %add3A_324 : vector<16xi32>
        %add3A_326 = arith.addi %add3A_319, %add3A_325 : vector<16xi32>
        %shift_left3A_327 = arith.constant 17 : i32
        %shift_left3A_328 = vector.broadcast %shift_left3A_327 : i32 to vector<16xi32>
        %shift_left3A_329 = arith.shli %add3A_325, %shift_left3A_328 : vector<16xi32>
        %shift_right_logical3A_330 = arith.constant 15 : i32
        %shift_right_logical3A_331 = vector.broadcast %shift_right_logical3A_330 : i32 to vector<16xi32>
        %shift_right_logical3A_332 = arith.shrui %add3A_325, %shift_right_logical3A_331 : vector<16xi32>
        %or3A_333 = arith.ori %shift_left3A_329, %shift_right_logical3A_332 : vector<16xi32>
        %xor3A_334 = arith.xori %add3A_326, %or3A_333 : vector<16xi32>
        %add3A_335 = arith.addi %add3A_326, %xor3A_334 : vector<16xi32>
        %shift_left3A_336 = arith.constant 29 : i32
        %shift_left3A_337 = vector.broadcast %shift_left3A_336 : i32 to vector<16xi32>
        %shift_left3A_338 = arith.shli %xor3A_334, %shift_left3A_337 : vector<16xi32>
        %shift_right_logical3A_339 = arith.constant 3 : i32
        %shift_right_logical3A_340 = vector.broadcast %shift_right_logical3A_339 : i32 to vector<16xi32>
        %shift_right_logical3A_341 = arith.shrui %xor3A_334, %shift_right_logical3A_340 : vector<16xi32>
        %or3A_342 = arith.ori %shift_left3A_338, %shift_right_logical3A_341 : vector<16xi32>
        %xor3A_343 = arith.xori %add3A_335, %or3A_342 : vector<16xi32>
        %add3A_344 = arith.addi %add3A_335, %xor3A_343 : vector<16xi32>
        %shift_left3A_345 = arith.constant 16 : i32
        %shift_left3A_346 = vector.broadcast %shift_left3A_345 : i32 to vector<16xi32>
        %shift_left3A_347 = arith.shli %xor3A_343, %shift_left3A_346 : vector<16xi32>
        %shift_right_logical3A_348 = arith.constant 16 : i32
        %shift_right_logical3A_349 = vector.broadcast %shift_right_logical3A_348 : i32 to vector<16xi32>
        %shift_right_logical3A_350 = arith.shrui %xor3A_343, %shift_right_logical3A_349 : vector<16xi32>
        %or3A_351 = arith.ori %shift_left3A_347, %shift_right_logical3A_350 : vector<16xi32>
        %xor3A_352 = arith.xori %add3A_344, %or3A_351 : vector<16xi32>
        %add3A_353 = arith.addi %add3A_344, %xor3A_352 : vector<16xi32>
        %shift_left3A_354 = arith.constant 24 : i32
        %shift_left3A_355 = vector.broadcast %shift_left3A_354 : i32 to vector<16xi32>
        %shift_left3A_356 = arith.shli %xor3A_352, %shift_left3A_355 : vector<16xi32>
        %shift_right_logical3A_357 = arith.constant 8 : i32
        %shift_right_logical3A_358 = vector.broadcast %shift_right_logical3A_357 : i32 to vector<16xi32>
        %shift_right_logical3A_359 = arith.shrui %xor3A_352, %shift_right_logical3A_358 : vector<16xi32>
        %or3A_360 = arith.ori %shift_left3A_356, %shift_right_logical3A_359 : vector<16xi32>
        %xor3A_361 = arith.xori %add3A_353, %or3A_360 : vector<16xi32>
        %add3A_362 = arith.constant 466689008 : i32
        %add3A_363 = vector.broadcast %add3A_362 : i32 to vector<16xi32>
        %add3A_364 = arith.addi %add3A_353, %add3A_363 : vector<16xi32>
        %add3A_365 = arith.constant 0 : i32
        %add3A_366 = vector.broadcast %add3A_365 : i32 to vector<16xi32>
        %add3A_367 = arith.addi %xor3A_361, %add3A_366 : vector<16xi32>
        %add3A_368 = arith.constant 2 : i32
        %add3A_369 = vector.broadcast %add3A_368 : i32 to vector<16xi32>
        %add3A_370 = arith.addi %add3A_367, %add3A_369 : vector<16xi32>
        %add3A_371 = arith.addi %add3A_364, %add3A_370 : vector<16xi32>
        %shift_left3A_372 = arith.constant 13 : i32
        %shift_left3A_373 = vector.broadcast %shift_left3A_372 : i32 to vector<16xi32>
        %shift_left3A_374 = arith.shli %add3A_370, %shift_left3A_373 : vector<16xi32>
        %shift_right_logical3A_375 = arith.constant 19 : i32
        %shift_right_logical3A_376 = vector.broadcast %shift_right_logical3A_375 : i32 to vector<16xi32>
        %shift_right_logical3A_377 = arith.shrui %add3A_370, %shift_right_logical3A_376 : vector<16xi32>
        %or3A_378 = arith.ori %shift_left3A_374, %shift_right_logical3A_377 : vector<16xi32>
        %xor3A_379 = arith.xori %add3A_371, %or3A_378 : vector<16xi32>
        %add3A_380 = arith.addi %add3A_371, %xor3A_379 : vector<16xi32>
        %shift_left3A_381 = arith.constant 15 : i32
        %shift_left3A_382 = vector.broadcast %shift_left3A_381 : i32 to vector<16xi32>
        %shift_left3A_383 = arith.shli %xor3A_379, %shift_left3A_382 : vector<16xi32>
        %shift_right_logical3A_384 = arith.constant 17 : i32
        %shift_right_logical3A_385 = vector.broadcast %shift_right_logical3A_384 : i32 to vector<16xi32>
        %shift_right_logical3A_386 = arith.shrui %xor3A_379, %shift_right_logical3A_385 : vector<16xi32>
        %or3A_387 = arith.ori %shift_left3A_383, %shift_right_logical3A_386 : vector<16xi32>
        %xor3A_388 = arith.xori %add3A_380, %or3A_387 : vector<16xi32>
        %add3A_389 = arith.addi %add3A_380, %xor3A_388 : vector<16xi32>
        %shift_left3A_390 = arith.constant 26 : i32
        %shift_left3A_391 = vector.broadcast %shift_left3A_390 : i32 to vector<16xi32>
        %shift_left3A_392 = arith.shli %xor3A_388, %shift_left3A_391 : vector<16xi32>
        %shift_right_logical3A_393 = arith.constant 6 : i32
        %shift_right_logical3A_394 = vector.broadcast %shift_right_logical3A_393 : i32 to vector<16xi32>
        %shift_right_logical3A_395 = arith.shrui %xor3A_388, %shift_right_logical3A_394 : vector<16xi32>
        %or3A_396 = arith.ori %shift_left3A_392, %shift_right_logical3A_395 : vector<16xi32>
        %xor3A_397 = arith.xori %add3A_389, %or3A_396 : vector<16xi32>
        %add3A_398 = arith.addi %add3A_389, %xor3A_397 : vector<16xi32>
        %shift_left3A_399 = arith.constant 6 : i32
        %shift_left3A_400 = vector.broadcast %shift_left3A_399 : i32 to vector<16xi32>
        %shift_left3A_401 = arith.shli %xor3A_397, %shift_left3A_400 : vector<16xi32>
        %shift_right_logical3A_402 = arith.constant 26 : i32
        %shift_right_logical3A_403 = vector.broadcast %shift_right_logical3A_402 : i32 to vector<16xi32>
        %shift_right_logical3A_404 = arith.shrui %xor3A_397, %shift_right_logical3A_403 : vector<16xi32>
        %or3A_405 = arith.ori %shift_left3A_401, %shift_right_logical3A_404 : vector<16xi32>
        %xor3A_406 = arith.xori %add3A_398, %or3A_405 : vector<16xi32>
        %add3A_407 = arith.constant 0 : i32
        %add3A_408 = vector.broadcast %add3A_407 : i32 to vector<16xi32>
        %add3A_409 = arith.addi %add3A_398, %add3A_408 : vector<16xi32>
        %add3A_410 = arith.constant 42 : i32
        %add3A_411 = vector.broadcast %add3A_410 : i32 to vector<16xi32>
        %add3A_412 = arith.addi %xor3A_406, %add3A_411 : vector<16xi32>
        %add3A_413 = arith.constant 3 : i32
        %add3A_414 = vector.broadcast %add3A_413 : i32 to vector<16xi32>
        %add3A_415 = arith.addi %add3A_412, %add3A_414 : vector<16xi32>
        %add3A_416 = arith.addi %add3A_409, %add3A_415 : vector<16xi32>
        %shift_left3A_417 = arith.constant 17 : i32
        %shift_left3A_418 = vector.broadcast %shift_left3A_417 : i32 to vector<16xi32>
        %shift_left3A_419 = arith.shli %add3A_415, %shift_left3A_418 : vector<16xi32>
        %shift_right_logical3A_420 = arith.constant 15 : i32
        %shift_right_logical3A_421 = vector.broadcast %shift_right_logical3A_420 : i32 to vector<16xi32>
        %shift_right_logical3A_422 = arith.shrui %add3A_415, %shift_right_logical3A_421 : vector<16xi32>
        %or3A_423 = arith.ori %shift_left3A_419, %shift_right_logical3A_422 : vector<16xi32>
        %xor3A_424 = arith.xori %add3A_416, %or3A_423 : vector<16xi32>
        %add3A_425 = arith.addi %add3A_416, %xor3A_424 : vector<16xi32>
        %shift_left3A_426 = arith.constant 29 : i32
        %shift_left3A_427 = vector.broadcast %shift_left3A_426 : i32 to vector<16xi32>
        %shift_left3A_428 = arith.shli %xor3A_424, %shift_left3A_427 : vector<16xi32>
        %shift_right_logical3A_429 = arith.constant 3 : i32
        %shift_right_logical3A_430 = vector.broadcast %shift_right_logical3A_429 : i32 to vector<16xi32>
        %shift_right_logical3A_431 = arith.shrui %xor3A_424, %shift_right_logical3A_430 : vector<16xi32>
        %or3A_432 = arith.ori %shift_left3A_428, %shift_right_logical3A_431 : vector<16xi32>
        %xor3A_433 = arith.xori %add3A_425, %or3A_432 : vector<16xi32>
        %add3A_434 = arith.addi %add3A_425, %xor3A_433 : vector<16xi32>
        %shift_left3A_435 = arith.constant 16 : i32
        %shift_left3A_436 = vector.broadcast %shift_left3A_435 : i32 to vector<16xi32>
        %shift_left3A_437 = arith.shli %xor3A_433, %shift_left3A_436 : vector<16xi32>
        %shift_right_logical3A_438 = arith.constant 16 : i32
        %shift_right_logical3A_439 = vector.broadcast %shift_right_logical3A_438 : i32 to vector<16xi32>
        %shift_right_logical3A_440 = arith.shrui %xor3A_433, %shift_right_logical3A_439 : vector<16xi32>
        %or3A_441 = arith.ori %shift_left3A_437, %shift_right_logical3A_440 : vector<16xi32>
        %xor3A_442 = arith.xori %add3A_434, %or3A_441 : vector<16xi32>
        %add3A_443 = arith.addi %add3A_434, %xor3A_442 : vector<16xi32>
        %shift_left3A_444 = arith.constant 24 : i32
        %shift_left3A_445 = vector.broadcast %shift_left3A_444 : i32 to vector<16xi32>
        %shift_left3A_446 = arith.shli %xor3A_442, %shift_left3A_445 : vector<16xi32>
        %shift_right_logical3A_447 = arith.constant 8 : i32
        %shift_right_logical3A_448 = vector.broadcast %shift_right_logical3A_447 : i32 to vector<16xi32>
        %shift_right_logical3A_449 = arith.shrui %xor3A_442, %shift_right_logical3A_448 : vector<16xi32>
        %or3A_450 = arith.ori %shift_left3A_446, %shift_right_logical3A_449 : vector<16xi32>
        %xor3A_451 = arith.xori %add3A_443, %or3A_450 : vector<16xi32>
        %add3A_452 = arith.constant 42 : i32
        %add3A_453 = vector.broadcast %add3A_452 : i32 to vector<16xi32>
        %add3A_454 = arith.addi %add3A_443, %add3A_453 : vector<16xi32>
        %add3A_455 = arith.constant 466689008 : i32
        %add3A_456 = vector.broadcast %add3A_455 : i32 to vector<16xi32>
        %add3A_457 = arith.addi %xor3A_451, %add3A_456 : vector<16xi32>
        %add3A_458 = arith.constant 4 : i32
        %add3A_459 = vector.broadcast %add3A_458 : i32 to vector<16xi32>
        %add3A_460 = arith.addi %add3A_457, %add3A_459 : vector<16xi32>
        %add3A_461 = arith.addi %add3A_454, %add3A_460 : vector<16xi32>
        %shift_left3A_462 = arith.constant 13 : i32
        %shift_left3A_463 = vector.broadcast %shift_left3A_462 : i32 to vector<16xi32>
        %shift_left3A_464 = arith.shli %add3A_460, %shift_left3A_463 : vector<16xi32>
        %shift_right_logical3A_465 = arith.constant 19 : i32
        %shift_right_logical3A_466 = vector.broadcast %shift_right_logical3A_465 : i32 to vector<16xi32>
        %shift_right_logical3A_467 = arith.shrui %add3A_460, %shift_right_logical3A_466 : vector<16xi32>
        %or3A_468 = arith.ori %shift_left3A_464, %shift_right_logical3A_467 : vector<16xi32>
        %xor3A_469 = arith.xori %add3A_461, %or3A_468 : vector<16xi32>
        %add3A_470 = arith.addi %add3A_461, %xor3A_469 : vector<16xi32>
        %shift_left3A_471 = arith.constant 15 : i32
        %shift_left3A_472 = vector.broadcast %shift_left3A_471 : i32 to vector<16xi32>
        %shift_left3A_473 = arith.shli %xor3A_469, %shift_left3A_472 : vector<16xi32>
        %shift_right_logical3A_474 = arith.constant 17 : i32
        %shift_right_logical3A_475 = vector.broadcast %shift_right_logical3A_474 : i32 to vector<16xi32>
        %shift_right_logical3A_476 = arith.shrui %xor3A_469, %shift_right_logical3A_475 : vector<16xi32>
        %or3A_477 = arith.ori %shift_left3A_473, %shift_right_logical3A_476 : vector<16xi32>
        %xor3A_478 = arith.xori %add3A_470, %or3A_477 : vector<16xi32>
        %add3A_479 = arith.addi %add3A_470, %xor3A_478 : vector<16xi32>
        %shift_left3A_480 = arith.constant 26 : i32
        %shift_left3A_481 = vector.broadcast %shift_left3A_480 : i32 to vector<16xi32>
        %shift_left3A_482 = arith.shli %xor3A_478, %shift_left3A_481 : vector<16xi32>
        %shift_right_logical3A_483 = arith.constant 6 : i32
        %shift_right_logical3A_484 = vector.broadcast %shift_right_logical3A_483 : i32 to vector<16xi32>
        %shift_right_logical3A_485 = arith.shrui %xor3A_478, %shift_right_logical3A_484 : vector<16xi32>
        %or3A_486 = arith.ori %shift_left3A_482, %shift_right_logical3A_485 : vector<16xi32>
        %xor3A_487 = arith.xori %add3A_479, %or3A_486 : vector<16xi32>
        %add3A_488 = arith.addi %add3A_479, %xor3A_487 : vector<16xi32>
        %shift_left3A_489 = arith.constant 6 : i32
        %shift_left3A_490 = vector.broadcast %shift_left3A_489 : i32 to vector<16xi32>
        %shift_left3A_491 = arith.shli %xor3A_487, %shift_left3A_490 : vector<16xi32>
        %shift_right_logical3A_492 = arith.constant 26 : i32
        %shift_right_logical3A_493 = vector.broadcast %shift_right_logical3A_492 : i32 to vector<16xi32>
        %shift_right_logical3A_494 = arith.shrui %xor3A_487, %shift_right_logical3A_493 : vector<16xi32>
        %or3A_495 = arith.ori %shift_left3A_491, %shift_right_logical3A_494 : vector<16xi32>
        %xor3A_496 = arith.xori %add3A_488, %or3A_495 : vector<16xi32>
        %add3A_497 = arith.constant 466689008 : i32
        %add3A_498 = vector.broadcast %add3A_497 : i32 to vector<16xi32>
        %add3A_499 = arith.addi %add3A_488, %add3A_498 : vector<16xi32>
        %add3A_500 = arith.constant 0 : i32
        %add3A_501 = vector.broadcast %add3A_500 : i32 to vector<16xi32>
        %add3A_502 = arith.addi %xor3A_496, %add3A_501 : vector<16xi32>
        %add3A_503 = arith.constant 5 : i32
        %add3A_504 = vector.broadcast %add3A_503 : i32 to vector<16xi32>
        %add3A_505 = arith.addi %add3A_502, %add3A_504 : vector<16xi32>
        %xor3A_506 = arith.xori %add3A_499, %add3A_505 : vector<16xi32>
        %shift_right_logical3A_507 = arith.constant 9 : i32
        %shift_right_logical3A_508 = vector.broadcast %shift_right_logical3A_507 : i32 to vector<16xi32>
        %shift_right_logical3A_509 = arith.shrui %xor3A_506, %shift_right_logical3A_508 : vector<16xi32>
        %or3A_510 = arith.constant 1065353216 : i32
        %or3A_511 = vector.broadcast %or3A_510 : i32 to vector<16xi32>
        %or3A_512 = arith.ori %shift_right_logical3A_509, %or3A_511 : vector<16xi32>
        %bitcast_convert_type3A_513 = tpu.bitcast %or3A_512 : vector<16xi32> -> vector<16xf32>
        %sub3A_514 = arith.constant 1.000000e+00 : f32
        %sub3A_515 = vector.broadcast %sub3A_514 : f32 to vector<16xf32>
        %sub3A_516 = arith.subf %bitcast_convert_type3A_513, %sub3A_515 : vector<16xf32>
        %add3A_517 = arith.constant 1.17549435E-38 : f32
        %add3A_518 = vector.broadcast %add3A_517 : f32 to vector<16xf32>
        %add3A_519 = arith.addf %sub3A_516, %add3A_518 : vector<16xf32>
        %max3A_520 = arith.constant 1.17549435E-38 : f32
        %max3A_521 = vector.broadcast %max3A_520 : f32 to vector<16xf32>
        %max3A_522 = arith.maximumf %max3A_521, %add3A_519 : vector<16xf32>
        %mul3A_523 = arith.constant 16 : i32
        %mul3A_524 = arith.muli %scan3A_273, %mul3A_523 : i32
        %swap3A_525 = arith.index_cast %mul3A_524 : i32 to index
        %swap3A_526 = tpu.vector_load %arg3[%swap3A_525] {strides = array<i32>} : memref<33920xf32, #tpu.memory_space<vmem>>, vector<16xf32>,
        %swap3A_527 = vector.shape_cast %swap3A_526 : vector<16xf32> to vector<16xf32>
        %swap3A_528 = vector.shape_cast %max3A_522 : vector<16xf32> to vector<16xf32>
        tpu.vector_store %arg3[%swap3A_525], %swap3A_528 {strides = array<i32>} : memref<33920xf32, #tpu.memory_space<vmem>>, vector<16xf32>,
        %scan3A_529 = arith.constant 0 : i32
        %scan3A_530 = arith.constant 2 : i32
        %scan3A_531 = arith.addi %scan3A_22, %scan3A_530 : i32
        %mul3A_532 = arith.constant 16 : i32
        %mul3A_533 = arith.muli %scan3A_531, %mul3A_532 : i32
        %add3A_534 = arith.addi %mul3A_13, %mul3A_533 : i32
        %add3A_535 = vector.broadcast %add3A_534 : i32 to vector<16xi32>
        %add3A_536 = arith.addi %add3A_535, %iota3A : vector<16xi32>
        %add3A_537 = arith.constant 42 : i32
        %add3A_538 = vector.broadcast %add3A_537 : i32 to vector<16xi32>
        %add3A_539 = arith.addi %add3A_536, %add3A_538 : vector<16xi32>
        %shift_left3A_540 = arith.constant 13 : i32
        %shift_left3A_541 = vector.broadcast %shift_left3A_540 : i32 to vector<16xi32>
        %shift_left3A_542 = arith.shli %add3A_539, %shift_left3A_541 : vector<16xi32>
        %shift_right_logical3A_543 = arith.constant 19 : i32
        %shift_right_logical3A_544 = vector.broadcast %shift_right_logical3A_543 : i32 to vector<16xi32>
        %shift_right_logical3A_545 = arith.shrui %add3A_539, %shift_right_logical3A_544 : vector<16xi32>
        %or3A_546 = arith.ori %shift_left3A_542, %shift_right_logical3A_545 : vector<16xi32>
        %xor3A_547 = arith.xori %add3A_539, %or3A_546 : vector<16xi32>
        %add3A_548 = arith.addi %add3A_539, %xor3A_547 : vector<16xi32>
        %shift_left3A_549 = arith.constant 15 : i32
        %shift_left3A_550 = vector.broadcast %shift_left3A_549 : i32 to vector<16xi32>
        %shift_left3A_551 = arith.shli %xor3A_547, %shift_left3A_550 : vector<16xi32>
        %shift_right_logical3A_552 = arith.constant 17 : i32
        %shift_right_logical3A_553 = vector.broadcast %shift_right_logical3A_552 : i32 to vector<16xi32>
        %shift_right_logical3A_554 = arith.shrui %xor3A_547, %shift_right_logical3A_553 : vector<16xi32>
        %or3A_555 = arith.ori %shift_left3A_551, %shift_right_logical3A_554 : vector<16xi32>
        %xor3A_556 = arith.xori %add3A_548, %or3A_555 : vector<16xi32>
        %add3A_557 = arith.addi %add3A_548, %xor3A_556 : vector<16xi32>
        %shift_left3A_558 = arith.constant 26 : i32
        %shift_left3A_559 = vector.broadcast %shift_left3A_558 : i32 to vector<16xi32>
        %shift_left3A_560 = arith.shli %xor3A_556, %shift_left3A_559 : vector<16xi32>
        %shift_right_logical3A_561 = arith.constant 6 : i32
        %shift_right_logical3A_562 = vector.broadcast %shift_right_logical3A_561 : i32 to vector<16xi32>
        %shift_right_logical3A_563 = arith.shrui %xor3A_556, %shift_right_logical3A_562 : vector<16xi32>
        %or3A_564 = arith.ori %shift_left3A_560, %shift_right_logical3A_563 : vector<16xi32>
        %xor3A_565 = arith.xori %add3A_557, %or3A_564 : vector<16xi32>
        %add3A_566 = arith.addi %add3A_557, %xor3A_565 : vector<16xi32>
        %shift_left3A_567 = arith.constant 6 : i32
        %shift_left3A_568 = vector.broadcast %shift_left3A_567 : i32 to vector<16xi32>
        %shift_left3A_569 = arith.shli %xor3A_565, %shift_left3A_568 : vector<16xi32>
        %shift_right_logical3A_570 = arith.constant 26 : i32
        %shift_right_logical3A_571 = vector.broadcast %shift_right_logical3A_570 : i32 to vector<16xi32>
        %shift_right_logical3A_572 = arith.shrui %xor3A_565, %shift_right_logical3A_571 : vector<16xi32>
        %or3A_573 = arith.ori %shift_left3A_569, %shift_right_logical3A_572 : vector<16xi32>
        %xor3A_574 = arith.xori %add3A_566, %or3A_573 : vector<16xi32>
        %add3A_575 = arith.constant 42 : i32
        %add3A_576 = vector.broadcast %add3A_575 : i32 to vector<16xi32>
        %add3A_577 = arith.addi %add3A_566, %add3A_576 : vector<16xi32>
        %add3A_578 = arith.constant 466689008 : i32
        %add3A_579 = vector.broadcast %add3A_578 : i32 to vector<16xi32>
        %add3A_580 = arith.addi %xor3A_574, %add3A_579 : vector<16xi32>
        %add3A_581 = arith.constant 1 : i32
        %add3A_582 = vector.broadcast %add3A_581 : i32 to vector<16xi32>
        %add3A_583 = arith.addi %add3A_580, %add3A_582 : vector<16xi32>
        %add3A_584 = arith.addi %add3A_577, %add3A_583 : vector<16xi32>
        %shift_left3A_585 = arith.constant 17 : i32
        %shift_left3A_586 = vector.broadcast %shift_left3A_585 : i32 to vector<16xi32>
        %shift_left3A_587 = arith.shli %add3A_583, %shift_left3A_586 : vector<16xi32>
        %shift_right_logical3A_588 = arith.constant 15 : i32
        %shift_right_logical3A_589 = vector.broadcast %shift_right_logical3A_588 : i32 to vector<16xi32>
        %shift_right_logical3A_590 = arith.shrui %add3A_583, %shift_right_logical3A_589 : vector<16xi32>
        %or3A_591 = arith.ori %shift_left3A_587, %shift_right_logical3A_590 : vector<16xi32>
        %xor3A_592 = arith.xori %add3A_584, %or3A_591 : vector<16xi32>
        %add3A_593 = arith.addi %add3A_584, %xor3A_592 : vector<16xi32>
        %shift_left3A_594 = arith.constant 29 : i32
        %shift_left3A_595 = vector.broadcast %shift_left3A_594 : i32 to vector<16xi32>
        %shift_left3A_596 = arith.shli %xor3A_592, %shift_left3A_595 : vector<16xi32>
        %shift_right_logical3A_597 = arith.constant 3 : i32
        %shift_right_logical3A_598 = vector.broadcast %shift_right_logical3A_597 : i32 to vector<16xi32>
        %shift_right_logical3A_599 = arith.shrui %xor3A_592, %shift_right_logical3A_598 : vector<16xi32>
        %or3A_600 = arith.ori %shift_left3A_596, %shift_right_logical3A_599 : vector<16xi32>
        %xor3A_601 = arith.xori %add3A_593, %or3A_600 : vector<16xi32>
        %add3A_602 = arith.addi %add3A_593, %xor3A_601 : vector<16xi32>
        %shift_left3A_603 = arith.constant 16 : i32
        %shift_left3A_604 = vector.broadcast %shift_left3A_603 : i32 to vector<16xi32>
        %shift_left3A_605 = arith.shli %xor3A_601, %shift_left3A_604 : vector<16xi32>
        %shift_right_logical3A_606 = arith.constant 16 : i32
        %shift_right_logical3A_607 = vector.broadcast %shift_right_logical3A_606 : i32 to vector<16xi32>
        %shift_right_logical3A_608 = arith.shrui %xor3A_601, %shift_right_logical3A_607 : vector<16xi32>
        %or3A_609 = arith.ori %shift_left3A_605, %shift_right_logical3A_608 : vector<16xi32>
        %xor3A_610 = arith.xori %add3A_602, %or3A_609 : vector<16xi32>
        %add3A_611 = arith.addi %add3A_602, %xor3A_610 : vector<16xi32>
        %shift_left3A_612 = arith.constant 24 : i32
        %shift_left3A_613 = vector.broadcast %shift_left3A_612 : i32 to vector<16xi32>
        %shift_left3A_614 = arith.shli %xor3A_610, %shift_left3A_613 : vector<16xi32>
        %shift_right_logical3A_615 = arith.constant 8 : i32
        %shift_right_logical3A_616 = vector.broadcast %shift_right_logical3A_615 : i32 to vector<16xi32>
        %shift_right_logical3A_617 = arith.shrui %xor3A_610, %shift_right_logical3A_616 : vector<16xi32>
        %or3A_618 = arith.ori %shift_left3A_614, %shift_right_logical3A_617 : vector<16xi32>
        %xor3A_619 = arith.xori %add3A_611, %or3A_618 : vector<16xi32>
        %add3A_620 = arith.constant 466689008 : i32
        %add3A_621 = vector.broadcast %add3A_620 : i32 to vector<16xi32>
        %add3A_622 = arith.addi %add3A_611, %add3A_621 : vector<16xi32>
        %add3A_623 = arith.constant 0 : i32
        %add3A_624 = vector.broadcast %add3A_623 : i32 to vector<16xi32>
        %add3A_625 = arith.addi %xor3A_619, %add3A_624 : vector<16xi32>
        %add3A_626 = arith.constant 2 : i32
        %add3A_627 = vector.broadcast %add3A_626 : i32 to vector<16xi32>
        %add3A_628 = arith.addi %add3A_625, %add3A_627 : vector<16xi32>
        %add3A_629 = arith.addi %add3A_622, %add3A_628 : vector<16xi32>
        %shift_left3A_630 = arith.constant 13 : i32
        %shift_left3A_631 = vector.broadcast %shift_left3A_630 : i32 to vector<16xi32>
        %shift_left3A_632 = arith.shli %add3A_628, %shift_left3A_631 : vector<16xi32>
        %shift_right_logical3A_633 = arith.constant 19 : i32
        %shift_right_logical3A_634 = vector.broadcast %shift_right_logical3A_633 : i32 to vector<16xi32>
        %shift_right_logical3A_635 = arith.shrui %add3A_628, %shift_right_logical3A_634 : vector<16xi32>
        %or3A_636 = arith.ori %shift_left3A_632, %shift_right_logical3A_635 : vector<16xi32>
        %xor3A_637 = arith.xori %add3A_629, %or3A_636 : vector<16xi32>
        %add3A_638 = arith.addi %add3A_629, %xor3A_637 : vector<16xi32>
        %shift_left3A_639 = arith.constant 15 : i32
        %shift_left3A_640 = vector.broadcast %shift_left3A_639 : i32 to vector<16xi32>
        %shift_left3A_641 = arith.shli %xor3A_637, %shift_left3A_640 : vector<16xi32>
        %shift_right_logical3A_642 = arith.constant 17 : i32
        %shift_right_logical3A_643 = vector.broadcast %shift_right_logical3A_642 : i32 to vector<16xi32>
        %shift_right_logical3A_644 = arith.shrui %xor3A_637, %shift_right_logical3A_643 : vector<16xi32>
        %or3A_645 = arith.ori %shift_left3A_641, %shift_right_logical3A_644 : vector<16xi32>
        %xor3A_646 = arith.xori %add3A_638, %or3A_645 : vector<16xi32>
        %add3A_647 = arith.addi %add3A_638, %xor3A_646 : vector<16xi32>
        %shift_left3A_648 = arith.constant 26 : i32
        %shift_left3A_649 = vector.broadcast %shift_left3A_648 : i32 to vector<16xi32>
        %shift_left3A_650 = arith.shli %xor3A_646, %shift_left3A_649 : vector<16xi32>
        %shift_right_logical3A_651 = arith.constant 6 : i32
        %shift_right_logical3A_652 = vector.broadcast %shift_right_logical3A_651 : i32 to vector<16xi32>
        %shift_right_logical3A_653 = arith.shrui %xor3A_646, %shift_right_logical3A_652 : vector<16xi32>
        %or3A_654 = arith.ori %shift_left3A_650, %shift_right_logical3A_653 : vector<16xi32>
        %xor3A_655 = arith.xori %add3A_647, %or3A_654 : vector<16xi32>
        %add3A_656 = arith.addi %add3A_647, %xor3A_655 : vector<16xi32>
        %shift_left3A_657 = arith.constant 6 : i32
        %shift_left3A_658 = vector.broadcast %shift_left3A_657 : i32 to vector<16xi32>
        %shift_left3A_659 = arith.shli %xor3A_655, %shift_left3A_658 : vector<16xi32>
        %shift_right_logical3A_660 = arith.constant 26 : i32
        %shift_right_logical3A_661 = vector.broadcast %shift_right_logical3A_660 : i32 to vector<16xi32>
        %shift_right_logical3A_662 = arith.shrui %xor3A_655, %shift_right_logical3A_661 : vector<16xi32>
        %or3A_663 = arith.ori %shift_left3A_659, %shift_right_logical3A_662 : vector<16xi32>
        %xor3A_664 = arith.xori %add3A_656, %or3A_663 : vector<16xi32>
        %add3A_665 = arith.constant 0 : i32
        %add3A_666 = vector.broadcast %add3A_665 : i32 to vector<16xi32>
        %add3A_667 = arith.addi %add3A_656, %add3A_666 : vector<16xi32>
        %add3A_668 = arith.constant 42 : i32
        %add3A_669 = vector.broadcast %add3A_668 : i32 to vector<16xi32>
        %add3A_670 = arith.addi %xor3A_664, %add3A_669 : vector<16xi32>
        %add3A_671 = arith.constant 3 : i32
        %add3A_672 = vector.broadcast %add3A_671 : i32 to vector<16xi32>
        %add3A_673 = arith.addi %add3A_670, %add3A_672 : vector<16xi32>
        %add3A_674 = arith.addi %add3A_667, %add3A_673 : vector<16xi32>
        %shift_left3A_675 = arith.constant 17 : i32
        %shift_left3A_676 = vector.broadcast %shift_left3A_675 : i32 to vector<16xi32>
        %shift_left3A_677 = arith.shli %add3A_673, %shift_left3A_676 : vector<16xi32>
        %shift_right_logical3A_678 = arith.constant 15 : i32
        %shift_right_logical3A_679 = vector.broadcast %shift_right_logical3A_678 : i32 to vector<16xi32>
        %shift_right_logical3A_680 = arith.shrui %add3A_673, %shift_right_logical3A_679 : vector<16xi32>
        %or3A_681 = arith.ori %shift_left3A_677, %shift_right_logical3A_680 : vector<16xi32>
        %xor3A_682 = arith.xori %add3A_674, %or3A_681 : vector<16xi32>
        %add3A_683 = arith.addi %add3A_674, %xor3A_682 : vector<16xi32>
        %shift_left3A_684 = arith.constant 29 : i32
        %shift_left3A_685 = vector.broadcast %shift_left3A_684 : i32 to vector<16xi32>
        %shift_left3A_686 = arith.shli %xor3A_682, %shift_left3A_685 : vector<16xi32>
        %shift_right_logical3A_687 = arith.constant 3 : i32
        %shift_right_logical3A_688 = vector.broadcast %shift_right_logical3A_687 : i32 to vector<16xi32>
        %shift_right_logical3A_689 = arith.shrui %xor3A_682, %shift_right_logical3A_688 : vector<16xi32>
        %or3A_690 = arith.ori %shift_left3A_686, %shift_right_logical3A_689 : vector<16xi32>
        %xor3A_691 = arith.xori %add3A_683, %or3A_690 : vector<16xi32>
        %add3A_692 = arith.addi %add3A_683, %xor3A_691 : vector<16xi32>
        %shift_left3A_693 = arith.constant 16 : i32
        %shift_left3A_694 = vector.broadcast %shift_left3A_693 : i32 to vector<16xi32>
        %shift_left3A_695 = arith.shli %xor3A_691, %shift_left3A_694 : vector<16xi32>
        %shift_right_logical3A_696 = arith.constant 16 : i32
        %shift_right_logical3A_697 = vector.broadcast %shift_right_logical3A_696 : i32 to vector<16xi32>
        %shift_right_logical3A_698 = arith.shrui %xor3A_691, %shift_right_logical3A_697 : vector<16xi32>
        %or3A_699 = arith.ori %shift_left3A_695, %shift_right_logical3A_698 : vector<16xi32>
        %xor3A_700 = arith.xori %add3A_692, %or3A_699 : vector<16xi32>
        %add3A_701 = arith.addi %add3A_692, %xor3A_700 : vector<16xi32>
        %shift_left3A_702 = arith.constant 24 : i32
        %shift_left3A_703 = vector.broadcast %shift_left3A_702 : i32 to vector<16xi32>
        %shift_left3A_704 = arith.shli %xor3A_700, %shift_left3A_703 : vector<16xi32>
        %shift_right_logical3A_705 = arith.constant 8 : i32
        %shift_right_logical3A_706 = vector.broadcast %shift_right_logical3A_705 : i32 to vector<16xi32>
        %shift_right_logical3A_707 = arith.shrui %xor3A_700, %shift_right_logical3A_706 : vector<16xi32>
        %or3A_708 = arith.ori %shift_left3A_704, %shift_right_logical3A_707 : vector<16xi32>
        %xor3A_709 = arith.xori %add3A_701, %or3A_708 : vector<16xi32>
        %add3A_710 = arith.constant 42 : i32
        %add3A_711 = vector.broadcast %add3A_710 : i32 to vector<16xi32>
        %add3A_712 = arith.addi %add3A_701, %add3A_711 : vector<16xi32>
        %add3A_713 = arith.constant 466689008 : i32
        %add3A_714 = vector.broadcast %add3A_713 : i32 to vector<16xi32>
        %add3A_715 = arith.addi %xor3A_709, %add3A_714 : vector<16xi32>
        %add3A_716 = arith.constant 4 : i32
        %add3A_717 = vector.broadcast %add3A_716 : i32 to vector<16xi32>
        %add3A_718 = arith.addi %add3A_715, %add3A_717 : vector<16xi32>
        %add3A_719 = arith.addi %add3A_712, %add3A_718 : vector<16xi32>
        %shift_left3A_720 = arith.constant 13 : i32
        %shift_left3A_721 = vector.broadcast %shift_left3A_720 : i32 to vector<16xi32>
        %shift_left3A_722 = arith.shli %add3A_718, %shift_left3A_721 : vector<16xi32>
        %shift_right_logical3A_723 = arith.constant 19 : i32
        %shift_right_logical3A_724 = vector.broadcast %shift_right_logical3A_723 : i32 to vector<16xi32>
        %shift_right_logical3A_725 = arith.shrui %add3A_718, %shift_right_logical3A_724 : vector<16xi32>
        %or3A_726 = arith.ori %shift_left3A_722, %shift_right_logical3A_725 : vector<16xi32>
        %xor3A_727 = arith.xori %add3A_719, %or3A_726 : vector<16xi32>
        %add3A_728 = arith.addi %add3A_719, %xor3A_727 : vector<16xi32>
        %shift_left3A_729 = arith.constant 15 : i32
        %shift_left3A_730 = vector.broadcast %shift_left3A_729 : i32 to vector<16xi32>
        %shift_left3A_731 = arith.shli %xor3A_727, %shift_left3A_730 : vector<16xi32>
        %shift_right_logical3A_732 = arith.constant 17 : i32
        %shift_right_logical3A_733 = vector.broadcast %shift_right_logical3A_732 : i32 to vector<16xi32>
        %shift_right_logical3A_734 = arith.shrui %xor3A_727, %shift_right_logical3A_733 : vector<16xi32>
        %or3A_735 = arith.ori %shift_left3A_731, %shift_right_logical3A_734 : vector<16xi32>
        %xor3A_736 = arith.xori %add3A_728, %or3A_735 : vector<16xi32>
        %add3A_737 = arith.addi %add3A_728, %xor3A_736 : vector<16xi32>
        %shift_left3A_738 = arith.constant 26 : i32
        %shift_left3A_739 = vector.broadcast %shift_left3A_738 : i32 to vector<16xi32>
        %shift_left3A_740 = arith.shli %xor3A_736, %shift_left3A_739 : vector<16xi32>
        %shift_right_logical3A_741 = arith.constant 6 : i32
        %shift_right_logical3A_742 = vector.broadcast %shift_right_logical3A_741 : i32 to vector<16xi32>
        %shift_right_logical3A_743 = arith.shrui %xor3A_736, %shift_right_logical3A_742 : vector<16xi32>
        %or3A_744 = arith.ori %shift_left3A_740, %shift_right_logical3A_743 : vector<16xi32>
        %xor3A_745 = arith.xori %add3A_737, %or3A_744 : vector<16xi32>
        %add3A_746 = arith.addi %add3A_737, %xor3A_745 : vector<16xi32>
        %shift_left3A_747 = arith.constant 6 : i32
        %shift_left3A_748 = vector.broadcast %shift_left3A_747 : i32 to vector<16xi32>
        %shift_left3A_749 = arith.shli %xor3A_745, %shift_left3A_748 : vector<16xi32>
        %shift_right_logical3A_750 = arith.constant 26 : i32
        %shift_right_logical3A_751 = vector.broadcast %shift_right_logical3A_750 : i32 to vector<16xi32>
        %shift_right_logical3A_752 = arith.shrui %xor3A_745, %shift_right_logical3A_751 : vector<16xi32>
        %or3A_753 = arith.ori %shift_left3A_749, %shift_right_logical3A_752 : vector<16xi32>
        %xor3A_754 = arith.xori %add3A_746, %or3A_753 : vector<16xi32>
        %add3A_755 = arith.constant 466689008 : i32
        %add3A_756 = vector.broadcast %add3A_755 : i32 to vector<16xi32>
        %add3A_757 = arith.addi %add3A_746, %add3A_756 : vector<16xi32>
        %add3A_758 = arith.constant 0 : i32
        %add3A_759 = vector.broadcast %add3A_758 : i32 to vector<16xi32>
        %add3A_760 = arith.addi %xor3A_754, %add3A_759 : vector<16xi32>
        %add3A_761 = arith.constant 5 : i32
        %add3A_762 = vector.broadcast %add3A_761 : i32 to vector<16xi32>
        %add3A_763 = arith.addi %add3A_760, %add3A_762 : vector<16xi32>
        %xor3A_764 = arith.xori %add3A_757, %add3A_763 : vector<16xi32>
        %shift_right_logical3A_765 = arith.constant 9 : i32
        %shift_right_logical3A_766 = vector.broadcast %shift_right_logical3A_765 : i32 to vector<16xi32>
        %shift_right_logical3A_767 = arith.shrui %xor3A_764, %shift_right_logical3A_766 : vector<16xi32>
        %or3A_768 = arith.constant 1065353216 : i32
        %or3A_769 = vector.broadcast %or3A_768 : i32 to vector<16xi32>
        %or3A_770 = arith.ori %shift_right_logical3A_767, %or3A_769 : vector<16xi32>
        %bitcast_convert_type3A_771 = tpu.bitcast %or3A_770 : vector<16xi32> -> vector<16xf32>
        %sub3A_772 = arith.constant 1.000000e+00 : f32
        %sub3A_773 = vector.broadcast %sub3A_772 : f32 to vector<16xf32>
        %sub3A_774 = arith.subf %bitcast_convert_type3A_771, %sub3A_773 : vector<16xf32>
        %add3A_775 = arith.constant 1.17549435E-38 : f32
        %add3A_776 = vector.broadcast %add3A_775 : f32 to vector<16xf32>
        %add3A_777 = arith.addf %sub3A_774, %add3A_776 : vector<16xf32>
        %max3A_778 = arith.constant 1.17549435E-38 : f32
        %max3A_779 = vector.broadcast %max3A_778 : f32 to vector<16xf32>
        %max3A_780 = arith.maximumf %max3A_779, %add3A_777 : vector<16xf32>
        %mul3A_781 = arith.constant 16 : i32
        %mul3A_782 = arith.muli %scan3A_531, %mul3A_781 : i32
        %swap3A_783 = arith.index_cast %mul3A_782 : i32 to index
        %swap3A_784 = tpu.vector_load %arg3[%swap3A_783] {strides = array<i32>} : memref<33920xf32, #tpu.memory_space<vmem>>, vector<16xf32>,
        %swap3A_785 = vector.shape_cast %swap3A_784 : vector<16xf32> to vector<16xf32>
        %swap3A_786 = vector.shape_cast %max3A_780 : vector<16xf32> to vector<16xf32>
        tpu.vector_store %arg3[%swap3A_783], %swap3A_786 {strides = array<i32>} : memref<33920xf32, #tpu.memory_space<vmem>>, vector<16xf32>,
        %scan3A_787 = arith.constant 0 : i32
        %scan3A_788 = arith.constant 3 : i32
        %scan3A_789 = arith.addi %scan3A_22, %scan3A_788 : i32
        %mul3A_790 = arith.constant 16 : i32
        %mul3A_791 = arith.muli %scan3A_789, %mul3A_790 : i32
        %add3A_792 = arith.addi %mul3A_13, %mul3A_791 : i32
        %add3A_793 = vector.broadcast %add3A_792 : i32 to vector<16xi32>
        %add3A_794 = arith.addi %add3A_793, %iota3A : vector<16xi32>
        %add3A_795 = arith.constant 42 : i32
        %add3A_796 = vector.broadcast %add3A_795 : i32 to vector<16xi32>
        %add3A_797 = arith.addi %add3A_794, %add3A_796 : vector<16xi32>
        %shift_left3A_798 = arith.constant 13 : i32
        %shift_left3A_799 = vector.broadcast %shift_left3A_798 : i32 to vector<16xi32>
        %shift_left3A_800 = arith.shli %add3A_797, %shift_left3A_799 : vector<16xi32>
        %shift_right_logical3A_801 = arith.constant 19 : i32
        %shift_right_logical3A_802 = vector.broadcast %shift_right_logical3A_801 : i32 to vector<16xi32>
        %shift_right_logical3A_803 = arith.shrui %add3A_797, %shift_right_logical3A_802 : vector<16xi32>
        %or3A_804 = arith.ori %shift_left3A_800, %shift_right_logical3A_803 : vector<16xi32>
        %xor3A_805 = arith.xori %add3A_797, %or3A_804 : vector<16xi32>
        %add3A_806 = arith.addi %add3A_797, %xor3A_805 : vector<16xi32>
        %shift_left3A_807 = arith.constant 15 : i32
        %shift_left3A_808 = vector.broadcast %shift_left3A_807 : i32 to vector<16xi32>
        %shift_left3A_809 = arith.shli %xor3A_805, %shift_left3A_808 : vector<16xi32>
        %shift_right_logical3A_810 = arith.constant 17 : i32
        %shift_right_logical3A_811 = vector.broadcast %shift_right_logical3A_810 : i32 to vector<16xi32>
        %shift_right_logical3A_812 = arith.shrui %xor3A_805, %shift_right_logical3A_811 : vector<16xi32>
        %or3A_813 = arith.ori %shift_left3A_809, %shift_right_logical3A_812 : vector<16xi32>
        %xor3A_814 = arith.xori %add3A_806, %or3A_813 : vector<16xi32>
        %add3A_815 = arith.addi %add3A_806, %xor3A_814 : vector<16xi32>
        %shift_left3A_816 = arith.constant 26 : i32
        %shift_left3A_817 = vector.broadcast %shift_left3A_816 : i32 to vector<16xi32>
        %shift_left3A_818 = arith.shli %xor3A_814, %shift_left3A_817 : vector<16xi32>
        %shift_right_logical3A_819 = arith.constant 6 : i32
        %shift_right_logical3A_820 = vector.broadcast %shift_right_logical3A_819 : i32 to vector<16xi32>
        %shift_right_logical3A_821 = arith.shrui %xor3A_814, %shift_right_logical3A_820 : vector<16xi32>
        %or3A_822 = arith.ori %shift_left3A_818, %shift_right_logical3A_821 : vector<16xi32>
        %xor3A_823 = arith.xori %add3A_815, %or3A_822 : vector<16xi32>
        %add3A_824 = arith.addi %add3A_815, %xor3A_823 : vector<16xi32>
        %shift_left3A_825 = arith.constant 6 : i32
        %shift_left3A_826 = vector.broadcast %shift_left3A_825 : i32 to vector<16xi32>
        %shift_left3A_827 = arith.shli %xor3A_823, %shift_left3A_826 : vector<16xi32>
        %shift_right_logical3A_828 = arith.constant 26 : i32
        %shift_right_logical3A_829 = vector.broadcast %shift_right_logical3A_828 : i32 to vector<16xi32>
        %shift_right_logical3A_830 = arith.shrui %xor3A_823, %shift_right_logical3A_829 : vector<16xi32>
        %or3A_831 = arith.ori %shift_left3A_827, %shift_right_logical3A_830 : vector<16xi32>
        %xor3A_832 = arith.xori %add3A_824, %or3A_831 : vector<16xi32>
        %add3A_833 = arith.constant 42 : i32
        %add3A_834 = vector.broadcast %add3A_833 : i32 to vector<16xi32>
        %add3A_835 = arith.addi %add3A_824, %add3A_834 : vector<16xi32>
        %add3A_836 = arith.constant 466689008 : i32
        %add3A_837 = vector.broadcast %add3A_836 : i32 to vector<16xi32>
        %add3A_838 = arith.addi %xor3A_832, %add3A_837 : vector<16xi32>
        %add3A_839 = arith.constant 1 : i32
        %add3A_840 = vector.broadcast %add3A_839 : i32 to vector<16xi32>
        %add3A_841 = arith.addi %add3A_838, %add3A_840 : vector<16xi32>
        %add3A_842 = arith.addi %add3A_835, %add3A_841 : vector<16xi32>
        %shift_left3A_843 = arith.constant 17 : i32
        %shift_left3A_844 = vector.broadcast %shift_left3A_843 : i32 to vector<16xi32>
        %shift_left3A_845 = arith.shli %add3A_841, %shift_left3A_844 : vector<16xi32>
        %shift_right_logical3A_846 = arith.constant 15 : i32
        %shift_right_logical3A_847 = vector.broadcast %shift_right_logical3A_846 : i32 to vector<16xi32>
        %shift_right_logical3A_848 = arith.shrui %add3A_841, %shift_right_logical3A_847 : vector<16xi32>
        %or3A_849 = arith.ori %shift_left3A_845, %shift_right_logical3A_848 : vector<16xi32>
        %xor3A_850 = arith.xori %add3A_842, %or3A_849 : vector<16xi32>
        %add3A_851 = arith.addi %add3A_842, %xor3A_850 : vector<16xi32>
        %shift_left3A_852 = arith.constant 29 : i32
        %shift_left3A_853 = vector.broadcast %shift_left3A_852 : i32 to vector<16xi32>
        %shift_left3A_854 = arith.shli %xor3A_850, %shift_left3A_853 : vector<16xi32>
        %shift_right_logical3A_855 = arith.constant 3 : i32
        %shift_right_logical3A_856 = vector.broadcast %shift_right_logical3A_855 : i32 to vector<16xi32>
        %shift_right_logical3A_857 = arith.shrui %xor3A_850, %shift_right_logical3A_856 : vector<16xi32>
        %or3A_858 = arith.ori %shift_left3A_854, %shift_right_logical3A_857 : vector<16xi32>
        %xor3A_859 = arith.xori %add3A_851, %or3A_858 : vector<16xi32>
        %add3A_860 = arith.addi %add3A_851, %xor3A_859 : vector<16xi32>
        %shift_left3A_861 = arith.constant 16 : i32
        %shift_left3A_862 = vector.broadcast %shift_left3A_861 : i32 to vector<16xi32>
        %shift_left3A_863 = arith.shli %xor3A_859, %shift_left3A_862 : vector<16xi32>
        %shift_right_logical3A_864 = arith.constant 16 : i32
        %shift_right_logical3A_865 = vector.broadcast %shift_right_logical3A_864 : i32 to vector<16xi32>
        %shift_right_logical3A_866 = arith.shrui %xor3A_859, %shift_right_logical3A_865 : vector<16xi32>
        %or3A_867 = arith.ori %shift_left3A_863, %shift_right_logical3A_866 : vector<16xi32>
        %xor3A_868 = arith.xori %add3A_860, %or3A_867 : vector<16xi32>
        %add3A_869 = arith.addi %add3A_860, %xor3A_868 : vector<16xi32>
        %shift_left3A_870 = arith.constant 24 : i32
        %shift_left3A_871 = vector.broadcast %shift_left3A_870 : i32 to vector<16xi32>
        %shift_left3A_872 = arith.shli %xor3A_868, %shift_left3A_871 : vector<16xi32>
        %shift_right_logical3A_873 = arith.constant 8 : i32
        %shift_right_logical3A_874 = vector.broadcast %shift_right_logical3A_873 : i32 to vector<16xi32>
        %shift_right_logical3A_875 = arith.shrui %xor3A_868, %shift_right_logical3A_874 : vector<16xi32>
        %or3A_876 = arith.ori %shift_left3A_872, %shift_right_logical3A_875 : vector<16xi32>
        %xor3A_877 = arith.xori %add3A_869, %or3A_876 : vector<16xi32>
        %add3A_878 = arith.constant 466689008 : i32
        %add3A_879 = vector.broadcast %add3A_878 : i32 to vector<16xi32>
        %add3A_880 = arith.addi %add3A_869, %add3A_879 : vector<16xi32>
        %add3A_881 = arith.constant 0 : i32
        %add3A_882 = vector.broadcast %add3A_881 : i32 to vector<16xi32>
        %add3A_883 = arith.addi %xor3A_877, %add3A_882 : vector<16xi32>
        %add3A_884 = arith.constant 2 : i32
        %add3A_885 = vector.broadcast %add3A_884 : i32 to vector<16xi32>
        %add3A_886 = arith.addi %add3A_883, %add3A_885 : vector<16xi32>
        %add3A_887 = arith.addi %add3A_880, %add3A_886 : vector<16xi32>
        %shift_left3A_888 = arith.constant 13 : i32
        %shift_left3A_889 = vector.broadcast %shift_left3A_888 : i32 to vector<16xi32>
        %shift_left3A_890 = arith.shli %add3A_886, %shift_left3A_889 : vector<16xi32>
        %shift_right_logical3A_891 = arith.constant 19 : i32
        %shift_right_logical3A_892 = vector.broadcast %shift_right_logical3A_891 : i32 to vector<16xi32>
        %shift_right_logical3A_893 = arith.shrui %add3A_886, %shift_right_logical3A_892 : vector<16xi32>
        %or3A_894 = arith.ori %shift_left3A_890, %shift_right_logical3A_893 : vector<16xi32>
        %xor3A_895 = arith.xori %add3A_887, %or3A_894 : vector<16xi32>
        %add3A_896 = arith.addi %add3A_887, %xor3A_895 : vector<16xi32>
        %shift_left3A_897 = arith.constant 15 : i32
        %shift_left3A_898 = vector.broadcast %shift_left3A_897 : i32 to vector<16xi32>
        %shift_left3A_899 = arith.shli %xor3A_895, %shift_left3A_898 : vector<16xi32>
        %shift_right_logical3A_900 = arith.constant 17 : i32
        %shift_right_logical3A_901 = vector.broadcast %shift_right_logical3A_900 : i32 to vector<16xi32>
        %shift_right_logical3A_902 = arith.shrui %xor3A_895, %shift_right_logical3A_901 : vector<16xi32>
        %or3A_903 = arith.ori %shift_left3A_899, %shift_right_logical3A_902 : vector<16xi32>
        %xor3A_904 = arith.xori %add3A_896, %or3A_903 : vector<16xi32>
        %add3A_905 = arith.addi %add3A_896, %xor3A_904 : vector<16xi32>
        %shift_left3A_906 = arith.constant 26 : i32
        %shift_left3A_907 = vector.broadcast %shift_left3A_906 : i32 to vector<16xi32>
        %shift_left3A_908 = arith.shli %xor3A_904, %shift_left3A_907 : vector<16xi32>
        %shift_right_logical3A_909 = arith.constant 6 : i32
        %shift_right_logical3A_910 = vector.broadcast %shift_right_logical3A_909 : i32 to vector<16xi32>
        %shift_right_logical3A_911 = arith.shrui %xor3A_904, %shift_right_logical3A_910 : vector<16xi32>
        %or3A_912 = arith.ori %shift_left3A_908, %shift_right_logical3A_911 : vector<16xi32>
        %xor3A_913 = arith.xori %add3A_905, %or3A_912 : vector<16xi32>
        %add3A_914 = arith.addi %add3A_905, %xor3A_913 : vector<16xi32>
        %shift_left3A_915 = arith.constant 6 : i32
        %shift_left3A_916 = vector.broadcast %shift_left3A_915 : i32 to vector<16xi32>
        %shift_left3A_917 = arith.shli %xor3A_913, %shift_left3A_916 : vector<16xi32>
        %shift_right_logical3A_918 = arith.constant 26 : i32
        %shift_right_logical3A_919 = vector.broadcast %shift_right_logical3A_918 : i32 to vector<16xi32>
        %shift_right_logical3A_920 = arith.shrui %xor3A_913, %shift_right_logical3A_919 : vector<16xi32>
        %or3A_921 = arith.ori %shift_left3A_917, %shift_right_logical3A_920 : vector<16xi32>
        %xor3A_922 = arith.xori %add3A_914, %or3A_921 : vector<16xi32>
        %add3A_923 = arith.constant 0 : i32
        %add3A_924 = vector.broadcast %add3A_923 : i32 to vector<16xi32>
        %add3A_925 = arith.addi %add3A_914, %add3A_924 : vector<16xi32>
        %add3A_926 = arith.constant 42 : i32
        %add3A_927 = vector.broadcast %add3A_926 : i32 to vector<16xi32>
        %add3A_928 = arith.addi %xor3A_922, %add3A_927 : vector<16xi32>
        %add3A_929 = arith.constant 3 : i32
        %add3A_930 = vector.broadcast %add3A_929 : i32 to vector<16xi32>
        %add3A_931 = arith.addi %add3A_928, %add3A_930 : vector<16xi32>
        %add3A_932 = arith.addi %add3A_925, %add3A_931 : vector<16xi32>
        %shift_left3A_933 = arith.constant 17 : i32
        %shift_left3A_934 = vector.broadcast %shift_left3A_933 : i32 to vector<16xi32>
        %shift_left3A_935 = arith.shli %add3A_931, %shift_left3A_934 : vector<16xi32>
        %shift_right_logical3A_936 = arith.constant 15 : i32
        %shift_right_logical3A_937 = vector.broadcast %shift_right_logical3A_936 : i32 to vector<16xi32>
        %shift_right_logical3A_938 = arith.shrui %add3A_931, %shift_right_logical3A_937 : vector<16xi32>
        %or3A_939 = arith.ori %shift_left3A_935, %shift_right_logical3A_938 : vector<16xi32>
        %xor3A_940 = arith.xori %add3A_932, %or3A_939 : vector<16xi32>
        %add3A_941 = arith.addi %add3A_932, %xor3A_940 : vector<16xi32>
        %shift_left3A_942 = arith.constant 29 : i32
        %shift_left3A_943 = vector.broadcast %shift_left3A_942 : i32 to vector<16xi32>
        %shift_left3A_944 = arith.shli %xor3A_940, %shift_left3A_943 : vector<16xi32>
        %shift_right_logical3A_945 = arith.constant 3 : i32
        %shift_right_logical3A_946 = vector.broadcast %shift_right_logical3A_945 : i32 to vector<16xi32>
        %shift_right_logical3A_947 = arith.shrui %xor3A_940, %shift_right_logical3A_946 : vector<16xi32>
        %or3A_948 = arith.ori %shift_left3A_944, %shift_right_logical3A_947 : vector<16xi32>
        %xor3A_949 = arith.xori %add3A_941, %or3A_948 : vector<16xi32>
        %add3A_950 = arith.addi %add3A_941, %xor3A_949 : vector<16xi32>
        %shift_left3A_951 = arith.constant 16 : i32
        %shift_left3A_952 = vector.broadcast %shift_left3A_951 : i32 to vector<16xi32>
        %shift_left3A_953 = arith.shli %xor3A_949, %shift_left3A_952 : vector<16xi32>
        %shift_right_logical3A_954 = arith.constant 16 : i32
        %shift_right_logical3A_955 = vector.broadcast %shift_right_logical3A_954 : i32 to vector<16xi32>
        %shift_right_logical3A_956 = arith.shrui %xor3A_949, %shift_right_logical3A_955 : vector<16xi32>
        %or3A_957 = arith.ori %shift_left3A_953, %shift_right_logical3A_956 : vector<16xi32>
        %xor3A_958 = arith.xori %add3A_950, %or3A_957 : vector<16xi32>
        %add3A_959 = arith.addi %add3A_950, %xor3A_958 : vector<16xi32>
        %shift_left3A_960 = arith.constant 24 : i32
        %shift_left3A_961 = vector.broadcast %shift_left3A_960 : i32 to vector<16xi32>
        %shift_left3A_962 = arith.shli %xor3A_958, %shift_left3A_961 : vector<16xi32>
        %shift_right_logical3A_963 = arith.constant 8 : i32
        %shift_right_logical3A_964 = vector.broadcast %shift_right_logical3A_963 : i32 to vector<16xi32>
        %shift_right_logical3A_965 = arith.shrui %xor3A_958, %shift_right_logical3A_964 : vector<16xi32>
        %or3A_966 = arith.ori %shift_left3A_962, %shift_right_logical3A_965 : vector<16xi32>
        %xor3A_967 = arith.xori %add3A_959, %or3A_966 : vector<16xi32>
        %add3A_968 = arith.constant 42 : i32
        %add3A_969 = vector.broadcast %add3A_968 : i32 to vector<16xi32>
        %add3A_970 = arith.addi %add3A_959, %add3A_969 : vector<16xi32>
        %add3A_971 = arith.constant 466689008 : i32
        %add3A_972 = vector.broadcast %add3A_971 : i32 to vector<16xi32>
        %add3A_973 = arith.addi %xor3A_967, %add3A_972 : vector<16xi32>
        %add3A_974 = arith.constant 4 : i32
        %add3A_975 = vector.broadcast %add3A_974 : i32 to vector<16xi32>
        %add3A_976 = arith.addi %add3A_973, %add3A_975 : vector<16xi32>
        %add3A_977 = arith.addi %add3A_970, %add3A_976 : vector<16xi32>
        %shift_left3A_978 = arith.constant 13 : i32
        %shift_left3A_979 = vector.broadcast %shift_left3A_978 : i32 to vector<16xi32>
        %shift_left3A_980 = arith.shli %add3A_976, %shift_left3A_979 : vector<16xi32>
        %shift_right_logical3A_981 = arith.constant 19 : i32
        %shift_right_logical3A_982 = vector.broadcast %shift_right_logical3A_981 : i32 to vector<16xi32>
        %shift_right_logical3A_983 = arith.shrui %add3A_976, %shift_right_logical3A_982 : vector<16xi32>
        %or3A_984 = arith.ori %shift_left3A_980, %shift_right_logical3A_983 : vector<16xi32>
        %xor3A_985 = arith.xori %add3A_977, %or3A_984 : vector<16xi32>
        %add3A_986 = arith.addi %add3A_977, %xor3A_985 : vector<16xi32>
        %shift_left3A_987 = arith.constant 15 : i32
        %shift_left3A_988 = vector.broadcast %shift_left3A_987 : i32 to vector<16xi32>
        %shift_left3A_989 = arith.shli %xor3A_985, %shift_left3A_988 : vector<16xi32>
        %shift_right_logical3A_990 = arith.constant 17 : i32
        %shift_right_logical3A_991 = vector.broadcast %shift_right_logical3A_990 : i32 to vector<16xi32>
        %shift_right_logical3A_992 = arith.shrui %xor3A_985, %shift_right_logical3A_991 : vector<16xi32>
        %or3A_993 = arith.ori %shift_left3A_989, %shift_right_logical3A_992 : vector<16xi32>
        %xor3A_994 = arith.xori %add3A_986, %or3A_993 : vector<16xi32>
        %add3A_995 = arith.addi %add3A_986, %xor3A_994 : vector<16xi32>
        %shift_left3A_996 = arith.constant 26 : i32
        %shift_left3A_997 = vector.broadcast %shift_left3A_996 : i32 to vector<16xi32>
        %shift_left3A_998 = arith.shli %xor3A_994, %shift_left3A_997 : vector<16xi32>
        %shift_right_logical3A_999 = arith.constant 6 : i32
        %shift_right_logical3A_1000 = vector.broadcast %shift_right_logical3A_999 : i32 to vector<16xi32>
        %shift_right_logical3A_1001 = arith.shrui %xor3A_994, %shift_right_logical3A_1000 : vector<16xi32>
        %or3A_1002 = arith.ori %shift_left3A_998, %shift_right_logical3A_1001 : vector<16xi32>
        %xor3A_1003 = arith.xori %add3A_995, %or3A_1002 : vector<16xi32>
        %add3A_1004 = arith.addi %add3A_995, %xor3A_1003 : vector<16xi32>
        %shift_left3A_1005 = arith.constant 6 : i32
        %shift_left3A_1006 = vector.broadcast %shift_left3A_1005 : i32 to vector<16xi32>
        %shift_left3A_1007 = arith.shli %xor3A_1003, %shift_left3A_1006 : vector<16xi32>
        %shift_right_logical3A_1008 = arith.constant 26 : i32
        %shift_right_logical3A_1009 = vector.broadcast %shift_right_logical3A_1008 : i32 to vector<16xi32>
        %shift_right_logical3A_1010 = arith.shrui %xor3A_1003, %shift_right_logical3A_1009 : vector<16xi32>
        %or3A_1011 = arith.ori %shift_left3A_1007, %shift_right_logical3A_1010 : vector<16xi32>
        %xor3A_1012 = arith.xori %add3A_1004, %or3A_1011 : vector<16xi32>
        %add3A_1013 = arith.constant 466689008 : i32
        %add3A_1014 = vector.broadcast %add3A_1013 : i32 to vector<16xi32>
        %add3A_1015 = arith.addi %add3A_1004, %add3A_1014 : vector<16xi32>
        %add3A_1016 = arith.constant 0 : i32
        %add3A_1017 = vector.broadcast %add3A_1016 : i32 to vector<16xi32>
        %add3A_1018 = arith.addi %xor3A_1012, %add3A_1017 : vector<16xi32>
        %add3A_1019 = arith.constant 5 : i32
        %add3A_1020 = vector.broadcast %add3A_1019 : i32 to vector<16xi32>
        %add3A_1021 = arith.addi %add3A_1018, %add3A_1020 : vector<16xi32>
        %xor3A_1022 = arith.xori %add3A_1015, %add3A_1021 : vector<16xi32>
        %shift_right_logical3A_1023 = arith.constant 9 : i32
        %shift_right_logical3A_1024 = vector.broadcast %shift_right_logical3A_1023 : i32 to vector<16xi32>
        %shift_right_logical3A_1025 = arith.shrui %xor3A_1022, %shift_right_logical3A_1024 : vector<16xi32>
        %or3A_1026 = arith.constant 1065353216 : i32
        %or3A_1027 = vector.broadcast %or3A_1026 : i32 to vector<16xi32>
        %or3A_1028 = arith.ori %shift_right_logical3A_1025, %or3A_1027 : vector<16xi32>
        %bitcast_convert_type3A_1029 = tpu.bitcast %or3A_1028 : vector<16xi32> -> vector<16xf32>
        %sub3A_1030 = arith.constant 1.000000e+00 : f32
        %sub3A_1031 = vector.broadcast %sub3A_1030 : f32 to vector<16xf32>
        %sub3A_1032 = arith.subf %bitcast_convert_type3A_1029, %sub3A_1031 : vector<16xf32>
        %add3A_1033 = arith.constant 1.17549435E-38 : f32
        %add3A_1034 = vector.broadcast %add3A_1033 : f32 to vector<16xf32>
        %add3A_1035 = arith.addf %sub3A_1032, %add3A_1034 : vector<16xf32>
        %max3A_1036 = arith.constant 1.17549435E-38 : f32
        %max3A_1037 = vector.broadcast %max3A_1036 : f32 to vector<16xf32>
        %max3A_1038 = arith.maximumf %max3A_1037, %add3A_1035 : vector<16xf32>
        %mul3A_1039 = arith.constant 16 : i32
        %mul3A_1040 = arith.muli %scan3A_789, %mul3A_1039 : i32
        %swap3A_1041 = arith.index_cast %mul3A_1040 : i32 to index
        %swap3A_1042 = tpu.vector_load %arg3[%swap3A_1041] {strides = array<i32>} : memref<33920xf32, #tpu.memory_space<vmem>>, vector<16xf32>,
        %swap3A_1043 = vector.shape_cast %swap3A_1042 : vector<16xf32> to vector<16xf32>
        %swap3A_1044 = vector.shape_cast %max3A_1038 : vector<16xf32> to vector<16xf32>
        tpu.vector_store %arg3[%swap3A_1041], %swap3A_1044 {strides = array<i32>} : memref<33920xf32, #tpu.memory_space<vmem>>, vector<16xf32>,
        %scan3A_1045 = arith.constant 0 : i32
        %scan3A_1046 = arith.constant 4 : i32
        %scan3A_1047 = arith.addi %scan3A_22, %scan3A_1046 : i32
        %mul3A_1048 = arith.constant 16 : i32
        %mul3A_1049 = arith.muli %scan3A_1047, %mul3A_1048 : i32
        %add3A_1050 = arith.addi %mul3A_13, %mul3A_1049 : i32
        %add3A_1051 = vector.broadcast %add3A_1050 : i32 to vector<16xi32>
        %add3A_1052 = arith.addi %add3A_1051, %iota3A : vector<16xi32>
        %add3A_1053 = arith.constant 42 : i32
        %add3A_1054 = vector.broadcast %add3A_1053 : i32 to vector<16xi32>
        %add3A_1055 = arith.addi %add3A_1052, %add3A_1054 : vector<16xi32>
        %shift_left3A_1056 = arith.constant 13 : i32
        %shift_left3A_1057 = vector.broadcast %shift_left3A_1056 : i32 to vector<16xi32>
        %shift_left3A_1058 = arith.shli %add3A_1055, %shift_left3A_1057 : vector<16xi32>
        %shift_right_logical3A_1059 = arith.constant 19 : i32
        %shift_right_logical3A_1060 = vector.broadcast %shift_right_logical3A_1059 : i32 to vector<16xi32>
        %shift_right_logical3A_1061 = arith.shrui %add3A_1055, %shift_right_logical3A_1060 : vector<16xi32>
        %or3A_1062 = arith.ori %shift_left3A_1058, %shift_right_logical3A_1061 : vector<16xi32>
        %xor3A_1063 = arith.xori %add3A_1055, %or3A_1062 : vector<16xi32>
        %add3A_1064 = arith.addi %add3A_1055, %xor3A_1063 : vector<16xi32>
        %shift_left3A_1065 = arith.constant 15 : i32
        %shift_left3A_1066 = vector.broadcast %shift_left3A_1065 : i32 to vector<16xi32>
        %shift_left3A_1067 = arith.shli %xor3A_1063, %shift_left3A_1066 : vector<16xi32>
        %shift_right_logical3A_1068 = arith.constant 17 : i32
        %shift_right_logical3A_1069 = vector.broadcast %shift_right_logical3A_1068 : i32 to vector<16xi32>
        %shift_right_logical3A_1070 = arith.shrui %xor3A_1063, %shift_right_logical3A_1069 : vector<16xi32>
        %or3A_1071 = arith.ori %shift_left3A_1067, %shift_right_logical3A_1070 : vector<16xi32>
        %xor3A_1072 = arith.xori %add3A_1064, %or3A_1071 : vector<16xi32>
        %add3A_1073 = arith.addi %add3A_1064, %xor3A_1072 : vector<16xi32>
        %shift_left3A_1074 = arith.constant 26 : i32
        %shift_left3A_1075 = vector.broadcast %shift_left3A_1074 : i32 to vector<16xi32>
        %shift_left3A_1076 = arith.shli %xor3A_1072, %shift_left3A_1075 : vector<16xi32>
        %shift_right_logical3A_1077 = arith.constant 6 : i32
        %shift_right_logical3A_1078 = vector.broadcast %shift_right_logical3A_1077 : i32 to vector<16xi32>
        %shift_right_logical3A_1079 = arith.shrui %xor3A_1072, %shift_right_logical3A_1078 : vector<16xi32>
        %or3A_1080 = arith.ori %shift_left3A_1076, %shift_right_logical3A_1079 : vector<16xi32>
        %xor3A_1081 = arith.xori %add3A_1073, %or3A_1080 : vector<16xi32>
        %add3A_1082 = arith.addi %add3A_1073, %xor3A_1081 : vector<16xi32>
        %shift_left3A_1083 = arith.constant 6 : i32
        %shift_left3A_1084 = vector.broadcast %shift_left3A_1083 : i32 to vector<16xi32>
        %shift_left3A_1085 = arith.shli %xor3A_1081, %shift_left3A_1084 : vector<16xi32>
        %shift_right_logical3A_1086 = arith.constant 26 : i32
        %shift_right_logical3A_1087 = vector.broadcast %shift_right_logical3A_1086 : i32 to vector<16xi32>
        %shift_right_logical3A_1088 = arith.shrui %xor3A_1081, %shift_right_logical3A_1087 : vector<16xi32>
        %or3A_1089 = arith.ori %shift_left3A_1085, %shift_right_logical3A_1088 : vector<16xi32>
        %xor3A_1090 = arith.xori %add3A_1082, %or3A_1089 : vector<16xi32>
        %add3A_1091 = arith.constant 42 : i32
        %add3A_1092 = vector.broadcast %add3A_1091 : i32 to vector<16xi32>
        %add3A_1093 = arith.addi %add3A_1082, %add3A_1092 : vector<16xi32>
        %add3A_1094 = arith.constant 466689008 : i32
        %add3A_1095 = vector.broadcast %add3A_1094 : i32 to vector<16xi32>
        %add3A_1096 = arith.addi %xor3A_1090, %add3A_1095 : vector<16xi32>
        %add3A_1097 = arith.constant 1 : i32
        %add3A_1098 = vector.broadcast %add3A_1097 : i32 to vector<16xi32>
        %add3A_1099 = arith.addi %add3A_1096, %add3A_1098 : vector<16xi32>
        %add3A_1100 = arith.addi %add3A_1093, %add3A_1099 : vector<16xi32>
        %shift_left3A_1101 = arith.constant 17 : i32
        %shift_left3A_1102 = vector.broadcast %shift_left3A_1101 : i32 to vector<16xi32>
        %shift_left3A_1103 = arith.shli %add3A_1099, %shift_left3A_1102 : vector<16xi32>
        %shift_right_logical3A_1104 = arith.constant 15 : i32
        %shift_right_logical3A_1105 = vector.broadcast %shift_right_logical3A_1104 : i32 to vector<16xi32>
        %shift_right_logical3A_1106 = arith.shrui %add3A_1099, %shift_right_logical3A_1105 : vector<16xi32>
        %or3A_1107 = arith.ori %shift_left3A_1103, %shift_right_logical3A_1106 : vector<16xi32>
        %xor3A_1108 = arith.xori %add3A_1100, %or3A_1107 : vector<16xi32>
        %add3A_1109 = arith.addi %add3A_1100, %xor3A_1108 : vector<16xi32>
        %shift_left3A_1110 = arith.constant 29 : i32
        %shift_left3A_1111 = vector.broadcast %shift_left3A_1110 : i32 to vector<16xi32>
        %shift_left3A_1112 = arith.shli %xor3A_1108, %shift_left3A_1111 : vector<16xi32>
        %shift_right_logical3A_1113 = arith.constant 3 : i32
        %shift_right_logical3A_1114 = vector.broadcast %shift_right_logical3A_1113 : i32 to vector<16xi32>
        %shift_right_logical3A_1115 = arith.shrui %xor3A_1108, %shift_right_logical3A_1114 : vector<16xi32>
        %or3A_1116 = arith.ori %shift_left3A_1112, %shift_right_logical3A_1115 : vector<16xi32>
        %xor3A_1117 = arith.xori %add3A_1109, %or3A_1116 : vector<16xi32>
        %add3A_1118 = arith.addi %add3A_1109, %xor3A_1117 : vector<16xi32>
        %shift_left3A_1119 = arith.constant 16 : i32
        %shift_left3A_1120 = vector.broadcast %shift_left3A_1119 : i32 to vector<16xi32>
        %shift_left3A_1121 = arith.shli %xor3A_1117, %shift_left3A_1120 : vector<16xi32>
        %shift_right_logical3A_1122 = arith.constant 16 : i32
        %shift_right_logical3A_1123 = vector.broadcast %shift_right_logical3A_1122 : i32 to vector<16xi32>
        %shift_right_logical3A_1124 = arith.shrui %xor3A_1117, %shift_right_logical3A_1123 : vector<16xi32>
        %or3A_1125 = arith.ori %shift_left3A_1121, %shift_right_logical3A_1124 : vector<16xi32>
        %xor3A_1126 = arith.xori %add3A_1118, %or3A_1125 : vector<16xi32>
        %add3A_1127 = arith.addi %add3A_1118, %xor3A_1126 : vector<16xi32>
        %shift_left3A_1128 = arith.constant 24 : i32
        %shift_left3A_1129 = vector.broadcast %shift_left3A_1128 : i32 to vector<16xi32>
        %shift_left3A_1130 = arith.shli %xor3A_1126, %shift_left3A_1129 : vector<16xi32>
        %shift_right_logical3A_1131 = arith.constant 8 : i32
        %shift_right_logical3A_1132 = vector.broadcast %shift_right_logical3A_1131 : i32 to vector<16xi32>
        %shift_right_logical3A_1133 = arith.shrui %xor3A_1126, %shift_right_logical3A_1132 : vector<16xi32>
        %or3A_1134 = arith.ori %shift_left3A_1130, %shift_right_logical3A_1133 : vector<16xi32>
        %xor3A_1135 = arith.xori %add3A_1127, %or3A_1134 : vector<16xi32>
        %add3A_1136 = arith.constant 466689008 : i32
        %add3A_1137 = vector.broadcast %add3A_1136 : i32 to vector<16xi32>
        %add3A_1138 = arith.addi %add3A_1127, %add3A_1137 : vector<16xi32>
        %add3A_1139 = arith.constant 0 : i32
        %add3A_1140 = vector.broadcast %add3A_1139 : i32 to vector<16xi32>
        %add3A_1141 = arith.addi %xor3A_1135, %add3A_1140 : vector<16xi32>
        %add3A_1142 = arith.constant 2 : i32
        %add3A_1143 = vector.broadcast %add3A_1142 : i32 to vector<16xi32>
        %add3A_1144 = arith.addi %add3A_1141, %add3A_1143 : vector<16xi32>
        %add3A_1145 = arith.addi %add3A_1138, %add3A_1144 : vector<16xi32>
        %shift_left3A_1146 = arith.constant 13 : i32
        %shift_left3A_1147 = vector.broadcast %shift_left3A_1146 : i32 to vector<16xi32>
        %shift_left3A_1148 = arith.shli %add3A_1144, %shift_left3A_1147 : vector<16xi32>
        %shift_right_logical3A_1149 = arith.constant 19 : i32
        %shift_right_logical3A_1150 = vector.broadcast %shift_right_logical3A_1149 : i32 to vector<16xi32>
        %shift_right_logical3A_1151 = arith.shrui %add3A_1144, %shift_right_logical3A_1150 : vector<16xi32>
        %or3A_1152 = arith.ori %shift_left3A_1148, %shift_right_logical3A_1151 : vector<16xi32>
        %xor3A_1153 = arith.xori %add3A_1145, %or3A_1152 : vector<16xi32>
        %add3A_1154 = arith.addi %add3A_1145, %xor3A_1153 : vector<16xi32>
        %shift_left3A_1155 = arith.constant 15 : i32
        %shift_left3A_1156 = vector.broadcast %shift_left3A_1155 : i32 to vector<16xi32>
        %shift_left3A_1157 = arith.shli %xor3A_1153, %shift_left3A_1156 : vector<16xi32>
        %shift_right_logical3A_1158 = arith.constant 17 : i32
        %shift_right_logical3A_1159 = vector.broadcast %shift_right_logical3A_1158 : i32 to vector<16xi32>
        %shift_right_logical3A_1160 = arith.shrui %xor3A_1153, %shift_right_logical3A_1159 : vector<16xi32>
        %or3A_1161 = arith.ori %shift_left3A_1157, %shift_right_logical3A_1160 : vector<16xi32>
        %xor3A_1162 = arith.xori %add3A_1154, %or3A_1161 : vector<16xi32>
        %add3A_1163 = arith.addi %add3A_1154, %xor3A_1162 : vector<16xi32>
        %shift_left3A_1164 = arith.constant 26 : i32
        %shift_left3A_1165 = vector.broadcast %shift_left3A_1164 : i32 to vector<16xi32>
        %shift_left3A_1166 = arith.shli %xor3A_1162, %shift_left3A_1165 : vector<16xi32>
        %shift_right_logical3A_1167 = arith.constant 6 : i32
        %shift_right_logical3A_1168 = vector.broadcast %shift_right_logical3A_1167 : i32 to vector<16xi32>
        %shift_right_logical3A_1169 = arith.shrui %xor3A_1162, %shift_right_logical3A_1168 : vector<16xi32>
        %or3A_1170 = arith.ori %shift_left3A_1166, %shift_right_logical3A_1169 : vector<16xi32>
        %xor3A_1171 = arith.xori %add3A_1163, %or3A_1170 : vector<16xi32>
        %add3A_1172 = arith.addi %add3A_1163, %xor3A_1171 : vector<16xi32>
        %shift_left3A_1173 = arith.constant 6 : i32
        %shift_left3A_1174 = vector.broadcast %shift_left3A_1173 : i32 to vector<16xi32>
        %shift_left3A_1175 = arith.shli %xor3A_1171, %shift_left3A_1174 : vector<16xi32>
        %shift_right_logical3A_1176 = arith.constant 26 : i32
        %shift_right_logical3A_1177 = vector.broadcast %shift_right_logical3A_1176 : i32 to vector<16xi32>
        %shift_right_logical3A_1178 = arith.shrui %xor3A_1171, %shift_right_logical3A_1177 : vector<16xi32>
        %or3A_1179 = arith.ori %shift_left3A_1175, %shift_right_logical3A_1178 : vector<16xi32>
        %xor3A_1180 = arith.xori %add3A_1172, %or3A_1179 : vector<16xi32>
        %add3A_1181 = arith.constant 0 : i32
        %add3A_1182 = vector.broadcast %add3A_1181 : i32 to vector<16xi32>
        %add3A_1183 = arith.addi %add3A_1172, %add3A_1182 : vector<16xi32>
        %add3A_1184 = arith.constant 42 : i32
        %add3A_1185 = vector.broadcast %add3A_1184 : i32 to vector<16xi32>
        %add3A_1186 = arith.addi %xor3A_1180, %add3A_1185 : vector<16xi32>
        %add3A_1187 = arith.constant 3 : i32
        %add3A_1188 = vector.broadcast %add3A_1187 : i32 to vector<16xi32>
        %add3A_1189 = arith.addi %add3A_1186, %add3A_1188 : vector<16xi32>
        %add3A_1190 = arith.addi %add3A_1183, %add3A_1189 : vector<16xi32>
        %shift_left3A_1191 = arith.constant 17 : i32
        %shift_left3A_1192 = vector.broadcast %shift_left3A_1191 : i32 to vector<16xi32>
        %shift_left3A_1193 = arith.shli %add3A_1189, %shift_left3A_1192 : vector<16xi32>
        %shift_right_logical3A_1194 = arith.constant 15 : i32
        %shift_right_logical3A_1195 = vector.broadcast %shift_right_logical3A_1194 : i32 to vector<16xi32>
        %shift_right_logical3A_1196 = arith.shrui %add3A_1189, %shift_right_logical3A_1195 : vector<16xi32>
        %or3A_1197 = arith.ori %shift_left3A_1193, %shift_right_logical3A_1196 : vector<16xi32>
        %xor3A_1198 = arith.xori %add3A_1190, %or3A_1197 : vector<16xi32>
        %add3A_1199 = arith.addi %add3A_1190, %xor3A_1198 : vector<16xi32>
        %shift_left3A_1200 = arith.constant 29 : i32
        %shift_left3A_1201 = vector.broadcast %shift_left3A_1200 : i32 to vector<16xi32>
        %shift_left3A_1202 = arith.shli %xor3A_1198, %shift_left3A_1201 : vector<16xi32>
        %shift_right_logical3A_1203 = arith.constant 3 : i32
        %shift_right_logical3A_1204 = vector.broadcast %shift_right_logical3A_1203 : i32 to vector<16xi32>
        %shift_right_logical3A_1205 = arith.shrui %xor3A_1198, %shift_right_logical3A_1204 : vector<16xi32>
        %or3A_1206 = arith.ori %shift_left3A_1202, %shift_right_logical3A_1205 : vector<16xi32>
        %xor3A_1207 = arith.xori %add3A_1199, %or3A_1206 : vector<16xi32>
        %add3A_1208 = arith.addi %add3A_1199, %xor3A_1207 : vector<16xi32>
        %shift_left3A_1209 = arith.constant 16 : i32
        %shift_left3A_1210 = vector.broadcast %shift_left3A_1209 : i32 to vector<16xi32>
        %shift_left3A_1211 = arith.shli %xor3A_1207, %shift_left3A_1210 : vector<16xi32>
        %shift_right_logical3A_1212 = arith.constant 16 : i32
        %shift_right_logical3A_1213 = vector.broadcast %shift_right_logical3A_1212 : i32 to vector<16xi32>
        %shift_right_logical3A_1214 = arith.shrui %xor3A_1207, %shift_right_logical3A_1213 : vector<16xi32>
        %or3A_1215 = arith.ori %shift_left3A_1211, %shift_right_logical3A_1214 : vector<16xi32>
        %xor3A_1216 = arith.xori %add3A_1208, %or3A_1215 : vector<16xi32>
        %add3A_1217 = arith.addi %add3A_1208, %xor3A_1216 : vector<16xi32>
        %shift_left3A_1218 = arith.constant 24 : i32
        %shift_left3A_1219 = vector.broadcast %shift_left3A_1218 : i32 to vector<16xi32>
        %shift_left3A_1220 = arith.shli %xor3A_1216, %shift_left3A_1219 : vector<16xi32>
        %shift_right_logical3A_1221 = arith.constant 8 : i32
        %shift_right_logical3A_1222 = vector.broadcast %shift_right_logical3A_1221 : i32 to vector<16xi32>
        %shift_right_logical3A_1223 = arith.shrui %xor3A_1216, %shift_right_logical3A_1222 : vector<16xi32>
        %or3A_1224 = arith.ori %shift_left3A_1220, %shift_right_logical3A_1223 : vector<16xi32>
        %xor3A_1225 = arith.xori %add3A_1217, %or3A_1224 : vector<16xi32>
        %add3A_1226 = arith.constant 42 : i32
        %add3A_1227 = vector.broadcast %add3A_1226 : i32 to vector<16xi32>
        %add3A_1228 = arith.addi %add3A_1217, %add3A_1227 : vector<16xi32>
        %add3A_1229 = arith.constant 466689008 : i32
        %add3A_1230 = vector.broadcast %add3A_1229 : i32 to vector<16xi32>
        %add3A_1231 = arith.addi %xor3A_1225, %add3A_1230 : vector<16xi32>
        %add3A_1232 = arith.constant 4 : i32
        %add3A_1233 = vector.broadcast %add3A_1232 : i32 to vector<16xi32>
        %add3A_1234 = arith.addi %add3A_1231, %add3A_1233 : vector<16xi32>
        %add3A_1235 = arith.addi %add3A_1228, %add3A_1234 : vector<16xi32>
        %shift_left3A_1236 = arith.constant 13 : i32
        %shift_left3A_1237 = vector.broadcast %shift_left3A_1236 : i32 to vector<16xi32>
        %shift_left3A_1238 = arith.shli %add3A_1234, %shift_left3A_1237 : vector<16xi32>
        %shift_right_logical3A_1239 = arith.constant 19 : i32
        %shift_right_logical3A_1240 = vector.broadcast %shift_right_logical3A_1239 : i32 to vector<16xi32>
        %shift_right_logical3A_1241 = arith.shrui %add3A_1234, %shift_right_logical3A_1240 : vector<16xi32>
        %or3A_1242 = arith.ori %shift_left3A_1238, %shift_right_logical3A_1241 : vector<16xi32>
        %xor3A_1243 = arith.xori %add3A_1235, %or3A_1242 : vector<16xi32>
        %add3A_1244 = arith.addi %add3A_1235, %xor3A_1243 : vector<16xi32>
        %shift_left3A_1245 = arith.constant 15 : i32
        %shift_left3A_1246 = vector.broadcast %shift_left3A_1245 : i32 to vector<16xi32>
        %shift_left3A_1247 = arith.shli %xor3A_1243, %shift_left3A_1246 : vector<16xi32>
        %shift_right_logical3A_1248 = arith.constant 17 : i32
        %shift_right_logical3A_1249 = vector.broadcast %shift_right_logical3A_1248 : i32 to vector<16xi32>
        %shift_right_logical3A_1250 = arith.shrui %xor3A_1243, %shift_right_logical3A_1249 : vector<16xi32>
        %or3A_1251 = arith.ori %shift_left3A_1247, %shift_right_logical3A_1250 : vector<16xi32>
        %xor3A_1252 = arith.xori %add3A_1244, %or3A_1251 : vector<16xi32>
        %add3A_1253 = arith.addi %add3A_1244, %xor3A_1252 : vector<16xi32>
        %shift_left3A_1254 = arith.constant 26 : i32
        %shift_left3A_1255 = vector.broadcast %shift_left3A_1254 : i32 to vector<16xi32>
        %shift_left3A_1256 = arith.shli %xor3A_1252, %shift_left3A_1255 : vector<16xi32>
        %shift_right_logical3A_1257 = arith.constant 6 : i32
        %shift_right_logical3A_1258 = vector.broadcast %shift_right_logical3A_1257 : i32 to vector<16xi32>
        %shift_right_logical3A_1259 = arith.shrui %xor3A_1252, %shift_right_logical3A_1258 : vector<16xi32>
        %or3A_1260 = arith.ori %shift_left3A_1256, %shift_right_logical3A_1259 : vector<16xi32>
        %xor3A_1261 = arith.xori %add3A_1253, %or3A_1260 : vector<16xi32>
        %add3A_1262 = arith.addi %add3A_1253, %xor3A_1261 : vector<16xi32>
        %shift_left3A_1263 = arith.constant 6 : i32
        %shift_left3A_1264 = vector.broadcast %shift_left3A_1263 : i32 to vector<16xi32>
        %shift_left3A_1265 = arith.shli %xor3A_1261, %shift_left3A_1264 : vector<16xi32>
        %shift_right_logical3A_1266 = arith.constant 26 : i32
        %shift_right_logical3A_1267 = vector.broadcast %shift_right_logical3A_1266 : i32 to vector<16xi32>
        %shift_right_logical3A_1268 = arith.shrui %xor3A_1261, %shift_right_logical3A_1267 : vector<16xi32>
        %or3A_1269 = arith.ori %shift_left3A_1265, %shift_right_logical3A_1268 : vector<16xi32>
        %xor3A_1270 = arith.xori %add3A_1262, %or3A_1269 : vector<16xi32>
        %add3A_1271 = arith.constant 466689008 : i32
        %add3A_1272 = vector.broadcast %add3A_1271 : i32 to vector<16xi32>
        %add3A_1273 = arith.addi %add3A_1262, %add3A_1272 : vector<16xi32>
        %add3A_1274 = arith.constant 0 : i32
        %add3A_1275 = vector.broadcast %add3A_1274 : i32 to vector<16xi32>
        %add3A_1276 = arith.addi %xor3A_1270, %add3A_1275 : vector<16xi32>
        %add3A_1277 = arith.constant 5 : i32
        %add3A_1278 = vector.broadcast %add3A_1277 : i32 to vector<16xi32>
        %add3A_1279 = arith.addi %add3A_1276, %add3A_1278 : vector<16xi32>
        %xor3A_1280 = arith.xori %add3A_1273, %add3A_1279 : vector<16xi32>
        %shift_right_logical3A_1281 = arith.constant 9 : i32
        %shift_right_logical3A_1282 = vector.broadcast %shift_right_logical3A_1281 : i32 to vector<16xi32>
        %shift_right_logical3A_1283 = arith.shrui %xor3A_1280, %shift_right_logical3A_1282 : vector<16xi32>
        %or3A_1284 = arith.constant 1065353216 : i32
        %or3A_1285 = vector.broadcast %or3A_1284 : i32 to vector<16xi32>
        %or3A_1286 = arith.ori %shift_right_logical3A_1283, %or3A_1285 : vector<16xi32>
        %bitcast_convert_type3A_1287 = tpu.bitcast %or3A_1286 : vector<16xi32> -> vector<16xf32>
        %sub3A_1288 = arith.constant 1.000000e+00 : f32
        %sub3A_1289 = vector.broadcast %sub3A_1288 : f32 to vector<16xf32>
        %sub3A_1290 = arith.subf %bitcast_convert_type3A_1287, %sub3A_1289 : vector<16xf32>
        %add3A_1291 = arith.constant 1.17549435E-38 : f32
        %add3A_1292 = vector.broadcast %add3A_1291 : f32 to vector<16xf32>
        %add3A_1293 = arith.addf %sub3A_1290, %add3A_1292 : vector<16xf32>
        %max3A_1294 = arith.constant 1.17549435E-38 : f32
        %max3A_1295 = vector.broadcast %max3A_1294 : f32 to vector<16xf32>
        %max3A_1296 = arith.maximumf %max3A_1295, %add3A_1293 : vector<16xf32>
        %mul3A_1297 = arith.constant 16 : i32
        %mul3A_1298 = arith.muli %scan3A_1047, %mul3A_1297 : i32
        %swap3A_1299 = arith.index_cast %mul3A_1298 : i32 to index
        %swap3A_1300 = tpu.vector_load %arg3[%swap3A_1299] {strides = array<i32>} : memref<33920xf32, #tpu.memory_space<vmem>>, vector<16xf32>,
        %swap3A_1301 = vector.shape_cast %swap3A_1300 : vector<16xf32> to vector<16xf32>
        %swap3A_1302 = vector.shape_cast %max3A_1296 : vector<16xf32> to vector<16xf32>
        tpu.vector_store %arg3[%swap3A_1299], %swap3A_1302 {strides = array<i32>} : memref<33920xf32, #tpu.memory_space<vmem>>, vector<16xf32>,
        %scan3A_1303 = arith.constant 0 : i32
        %scan3A_1304 = arith.constant 5 : i32
        %scan3A_1305 = arith.addi %scan3A_22, %scan3A_1304 : i32
        %mul3A_1306 = arith.constant 16 : i32
        %mul3A_1307 = arith.muli %scan3A_1305, %mul3A_1306 : i32
        %add3A_1308 = arith.addi %mul3A_13, %mul3A_1307 : i32
        %add3A_1309 = vector.broadcast %add3A_1308 : i32 to vector<16xi32>
        %add3A_1310 = arith.addi %add3A_1309, %iota3A : vector<16xi32>
        %add3A_1311 = arith.constant 42 : i32
        %add3A_1312 = vector.broadcast %add3A_1311 : i32 to vector<16xi32>
        %add3A_1313 = arith.addi %add3A_1310, %add3A_1312 : vector<16xi32>
        %shift_left3A_1314 = arith.constant 13 : i32
        %shift_left3A_1315 = vector.broadcast %shift_left3A_1314 : i32 to vector<16xi32>
        %shift_left3A_1316 = arith.shli %add3A_1313, %shift_left3A_1315 : vector<16xi32>
        %shift_right_logical3A_1317 = arith.constant 19 : i32
        %shift_right_logical3A_1318 = vector.broadcast %shift_right_logical3A_1317 : i32 to vector<16xi32>
        %shift_right_logical3A_1319 = arith.shrui %add3A_1313, %shift_right_logical3A_1318 : vector<16xi32>
        %or3A_1320 = arith.ori %shift_left3A_1316, %shift_right_logical3A_1319 : vector<16xi32>
        %xor3A_1321 = arith.xori %add3A_1313, %or3A_1320 : vector<16xi32>
        %add3A_1322 = arith.addi %add3A_1313, %xor3A_1321 : vector<16xi32>
        %shift_left3A_1323 = arith.constant 15 : i32
        %shift_left3A_1324 = vector.broadcast %shift_left3A_1323 : i32 to vector<16xi32>
        %shift_left3A_1325 = arith.shli %xor3A_1321, %shift_left3A_1324 : vector<16xi32>
        %shift_right_logical3A_1326 = arith.constant 17 : i32
        %shift_right_logical3A_1327 = vector.broadcast %shift_right_logical3A_1326 : i32 to vector<16xi32>
        %shift_right_logical3A_1328 = arith.shrui %xor3A_1321, %shift_right_logical3A_1327 : vector<16xi32>
        %or3A_1329 = arith.ori %shift_left3A_1325, %shift_right_logical3A_1328 : vector<16xi32>
        %xor3A_1330 = arith.xori %add3A_1322, %or3A_1329 : vector<16xi32>
        %add3A_1331 = arith.addi %add3A_1322, %xor3A_1330 : vector<16xi32>
        %shift_left3A_1332 = arith.constant 26 : i32
        %shift_left3A_1333 = vector.broadcast %shift_left3A_1332 : i32 to vector<16xi32>
        %shift_left3A_1334 = arith.shli %xor3A_1330, %shift_left3A_1333 : vector<16xi32>
        %shift_right_logical3A_1335 = arith.constant 6 : i32
        %shift_right_logical3A_1336 = vector.broadcast %shift_right_logical3A_1335 : i32 to vector<16xi32>
        %shift_right_logical3A_1337 = arith.shrui %xor3A_1330, %shift_right_logical3A_1336 : vector<16xi32>
        %or3A_1338 = arith.ori %shift_left3A_1334, %shift_right_logical3A_1337 : vector<16xi32>
        %xor3A_1339 = arith.xori %add3A_1331, %or3A_1338 : vector<16xi32>
        %add3A_1340 = arith.addi %add3A_1331, %xor3A_1339 : vector<16xi32>
        %shift_left3A_1341 = arith.constant 6 : i32
        %shift_left3A_1342 = vector.broadcast %shift_left3A_1341 : i32 to vector<16xi32>
        %shift_left3A_1343 = arith.shli %xor3A_1339, %shift_left3A_1342 : vector<16xi32>
        %shift_right_logical3A_1344 = arith.constant 26 : i32
        %shift_right_logical3A_1345 = vector.broadcast %shift_right_logical3A_1344 : i32 to vector<16xi32>
        %shift_right_logical3A_1346 = arith.shrui %xor3A_1339, %shift_right_logical3A_1345 : vector<16xi32>
        %or3A_1347 = arith.ori %shift_left3A_1343, %shift_right_logical3A_1346 : vector<16xi32>
        %xor3A_1348 = arith.xori %add3A_1340, %or3A_1347 : vector<16xi32>
        %add3A_1349 = arith.constant 42 : i32
        %add3A_1350 = vector.broadcast %add3A_1349 : i32 to vector<16xi32>
        %add3A_1351 = arith.addi %add3A_1340, %add3A_1350 : vector<16xi32>
        %add3A_1352 = arith.constant 466689008 : i32
        %add3A_1353 = vector.broadcast %add3A_1352 : i32 to vector<16xi32>
        %add3A_1354 = arith.addi %xor3A_1348, %add3A_1353 : vector<16xi32>
        %add3A_1355 = arith.constant 1 : i32
        %add3A_1356 = vector.broadcast %add3A_1355 : i32 to vector<16xi32>
        %add3A_1357 = arith.addi %add3A_1354, %add3A_1356 : vector<16xi32>
        %add3A_1358 = arith.addi %add3A_1351, %add3A_1357 : vector<16xi32>
        %shift_left3A_1359 = arith.constant 17 : i32
        %shift_left3A_1360 = vector.broadcast %shift_left3A_1359 : i32 to vector<16xi32>
        %shift_left3A_1361 = arith.shli %add3A_1357, %shift_left3A_1360 : vector<16xi32>
        %shift_right_logical3A_1362 = arith.constant 15 : i32
        %shift_right_logical3A_1363 = vector.broadcast %shift_right_logical3A_1362 : i32 to vector<16xi32>
        %shift_right_logical3A_1364 = arith.shrui %add3A_1357, %shift_right_logical3A_1363 : vector<16xi32>
        %or3A_1365 = arith.ori %shift_left3A_1361, %shift_right_logical3A_1364 : vector<16xi32>
        %xor3A_1366 = arith.xori %add3A_1358, %or3A_1365 : vector<16xi32>
        %add3A_1367 = arith.addi %add3A_1358, %xor3A_1366 : vector<16xi32>
        %shift_left3A_1368 = arith.constant 29 : i32
        %shift_left3A_1369 = vector.broadcast %shift_left3A_1368 : i32 to vector<16xi32>
        %shift_left3A_1370 = arith.shli %xor3A_1366, %shift_left3A_1369 : vector<16xi32>
        %shift_right_logical3A_1371 = arith.constant 3 : i32
        %shift_right_logical3A_1372 = vector.broadcast %shift_right_logical3A_1371 : i32 to vector<16xi32>
        %shift_right_logical3A_1373 = arith.shrui %xor3A_1366, %shift_right_logical3A_1372 : vector<16xi32>
        %or3A_1374 = arith.ori %shift_left3A_1370, %shift_right_logical3A_1373 : vector<16xi32>
        %xor3A_1375 = arith.xori %add3A_1367, %or3A_1374 : vector<16xi32>
        %add3A_1376 = arith.addi %add3A_1367, %xor3A_1375 : vector<16xi32>
        %shift_left3A_1377 = arith.constant 16 : i32
        %shift_left3A_1378 = vector.broadcast %shift_left3A_1377 : i32 to vector<16xi32>
        %shift_left3A_1379 = arith.shli %xor3A_1375, %shift_left3A_1378 : vector<16xi32>
        %shift_right_logical3A_1380 = arith.constant 16 : i32
        %shift_right_logical3A_1381 = vector.broadcast %shift_right_logical3A_1380 : i32 to vector<16xi32>
        %shift_right_logical3A_1382 = arith.shrui %xor3A_1375, %shift_right_logical3A_1381 : vector<16xi32>
        %or3A_1383 = arith.ori %shift_left3A_1379, %shift_right_logical3A_1382 : vector<16xi32>
        %xor3A_1384 = arith.xori %add3A_1376, %or3A_1383 : vector<16xi32>
        %add3A_1385 = arith.addi %add3A_1376, %xor3A_1384 : vector<16xi32>
        %shift_left3A_1386 = arith.constant 24 : i32
        %shift_left3A_1387 = vector.broadcast %shift_left3A_1386 : i32 to vector<16xi32>
        %shift_left3A_1388 = arith.shli %xor3A_1384, %shift_left3A_1387 : vector<16xi32>
        %shift_right_logical3A_1389 = arith.constant 8 : i32
        %shift_right_logical3A_1390 = vector.broadcast %shift_right_logical3A_1389 : i32 to vector<16xi32>
        %shift_right_logical3A_1391 = arith.shrui %xor3A_1384, %shift_right_logical3A_1390 : vector<16xi32>
        %or3A_1392 = arith.ori %shift_left3A_1388, %shift_right_logical3A_1391 : vector<16xi32>
        %xor3A_1393 = arith.xori %add3A_1385, %or3A_1392 : vector<16xi32>
        %add3A_1394 = arith.constant 466689008 : i32
        %add3A_1395 = vector.broadcast %add3A_1394 : i32 to vector<16xi32>
        %add3A_1396 = arith.addi %add3A_1385, %add3A_1395 : vector<16xi32>
        %add3A_1397 = arith.constant 0 : i32
        %add3A_1398 = vector.broadcast %add3A_1397 : i32 to vector<16xi32>
        %add3A_1399 = arith.addi %xor3A_1393, %add3A_1398 : vector<16xi32>
        %add3A_1400 = arith.constant 2 : i32
        %add3A_1401 = vector.broadcast %add3A_1400 : i32 to vector<16xi32>
        %add3A_1402 = arith.addi %add3A_1399, %add3A_1401 : vector<16xi32>
        %add3A_1403 = arith.addi %add3A_1396, %add3A_1402 : vector<16xi32>
        %shift_left3A_1404 = arith.constant 13 : i32
        %shift_left3A_1405 = vector.broadcast %shift_left3A_1404 : i32 to vector<16xi32>
        %shift_left3A_1406 = arith.shli %add3A_1402, %shift_left3A_1405 : vector<16xi32>
        %shift_right_logical3A_1407 = arith.constant 19 : i32
        %shift_right_logical3A_1408 = vector.broadcast %shift_right_logical3A_1407 : i32 to vector<16xi32>
        %shift_right_logical3A_1409 = arith.shrui %add3A_1402, %shift_right_logical3A_1408 : vector<16xi32>
        %or3A_1410 = arith.ori %shift_left3A_1406, %shift_right_logical3A_1409 : vector<16xi32>
        %xor3A_1411 = arith.xori %add3A_1403, %or3A_1410 : vector<16xi32>
        %add3A_1412 = arith.addi %add3A_1403, %xor3A_1411 : vector<16xi32>
        %shift_left3A_1413 = arith.constant 15 : i32
        %shift_left3A_1414 = vector.broadcast %shift_left3A_1413 : i32 to vector<16xi32>
        %shift_left3A_1415 = arith.shli %xor3A_1411, %shift_left3A_1414 : vector<16xi32>
        %shift_right_logical3A_1416 = arith.constant 17 : i32
        %shift_right_logical3A_1417 = vector.broadcast %shift_right_logical3A_1416 : i32 to vector<16xi32>
        %shift_right_logical3A_1418 = arith.shrui %xor3A_1411, %shift_right_logical3A_1417 : vector<16xi32>
        %or3A_1419 = arith.ori %shift_left3A_1415, %shift_right_logical3A_1418 : vector<16xi32>
        %xor3A_1420 = arith.xori %add3A_1412, %or3A_1419 : vector<16xi32>
        %add3A_1421 = arith.addi %add3A_1412, %xor3A_1420 : vector<16xi32>
        %shift_left3A_1422 = arith.constant 26 : i32
        %shift_left3A_1423 = vector.broadcast %shift_left3A_1422 : i32 to vector<16xi32>
        %shift_left3A_1424 = arith.shli %xor3A_1420, %shift_left3A_1423 : vector<16xi32>
        %shift_right_logical3A_1425 = arith.constant 6 : i32
        %shift_right_logical3A_1426 = vector.broadcast %shift_right_logical3A_1425 : i32 to vector<16xi32>
        %shift_right_logical3A_1427 = arith.shrui %xor3A_1420, %shift_right_logical3A_1426 : vector<16xi32>
        %or3A_1428 = arith.ori %shift_left3A_1424, %shift_right_logical3A_1427 : vector<16xi32>
        %xor3A_1429 = arith.xori %add3A_1421, %or3A_1428 : vector<16xi32>
        %add3A_1430 = arith.addi %add3A_1421, %xor3A_1429 : vector<16xi32>
        %shift_left3A_1431 = arith.constant 6 : i32
        %shift_left3A_1432 = vector.broadcast %shift_left3A_1431 : i32 to vector<16xi32>
        %shift_left3A_1433 = arith.shli %xor3A_1429, %shift_left3A_1432 : vector<16xi32>
        %shift_right_logical3A_1434 = arith.constant 26 : i32
        %shift_right_logical3A_1435 = vector.broadcast %shift_right_logical3A_1434 : i32 to vector<16xi32>
        %shift_right_logical3A_1436 = arith.shrui %xor3A_1429, %shift_right_logical3A_1435 : vector<16xi32>
        %or3A_1437 = arith.ori %shift_left3A_1433, %shift_right_logical3A_1436 : vector<16xi32>
        %xor3A_1438 = arith.xori %add3A_1430, %or3A_1437 : vector<16xi32>
        %add3A_1439 = arith.constant 0 : i32
        %add3A_1440 = vector.broadcast %add3A_1439 : i32 to vector<16xi32>
        %add3A_1441 = arith.addi %add3A_1430, %add3A_1440 : vector<16xi32>
        %add3A_1442 = arith.constant 42 : i32
        %add3A_1443 = vector.broadcast %add3A_1442 : i32 to vector<16xi32>
        %add3A_1444 = arith.addi %xor3A_1438, %add3A_1443 : vector<16xi32>
        %add3A_1445 = arith.constant 3 : i32
        %add3A_1446 = vector.broadcast %add3A_1445 : i32 to vector<16xi32>
        %add3A_1447 = arith.addi %add3A_1444, %add3A_1446 : vector<16xi32>
        %add3A_1448 = arith.addi %add3A_1441, %add3A_1447 : vector<16xi32>
        %shift_left3A_1449 = arith.constant 17 : i32
        %shift_left3A_1450 = vector.broadcast %shift_left3A_1449 : i32 to vector<16xi32>
        %shift_left3A_1451 = arith.shli %add3A_1447, %shift_left3A_1450 : vector<16xi32>
        %shift_right_logical3A_1452 = arith.constant 15 : i32
        %shift_right_logical3A_1453 = vector.broadcast %shift_right_logical3A_1452 : i32 to vector<16xi32>
        %shift_right_logical3A_1454 = arith.shrui %add3A_1447, %shift_right_logical3A_1453 : vector<16xi32>
        %or3A_1455 = arith.ori %shift_left3A_1451, %shift_right_logical3A_1454 : vector<16xi32>
        %xor3A_1456 = arith.xori %add3A_1448, %or3A_1455 : vector<16xi32>
        %add3A_1457 = arith.addi %add3A_1448, %xor3A_1456 : vector<16xi32>
        %shift_left3A_1458 = arith.constant 29 : i32
        %shift_left3A_1459 = vector.broadcast %shift_left3A_1458 : i32 to vector<16xi32>
        %shift_left3A_1460 = arith.shli %xor3A_1456, %shift_left3A_1459 : vector<16xi32>
        %shift_right_logical3A_1461 = arith.constant 3 : i32
        %shift_right_logical3A_1462 = vector.broadcast %shift_right_logical3A_1461 : i32 to vector<16xi32>
        %shift_right_logical3A_1463 = arith.shrui %xor3A_1456, %shift_right_logical3A_1462 : vector<16xi32>
        %or3A_1464 = arith.ori %shift_left3A_1460, %shift_right_logical3A_1463 : vector<16xi32>
        %xor3A_1465 = arith.xori %add3A_1457, %or3A_1464 : vector<16xi32>
        %add3A_1466 = arith.addi %add3A_1457, %xor3A_1465 : vector<16xi32>
        %shift_left3A_1467 = arith.constant 16 : i32
        %shift_left3A_1468 = vector.broadcast %shift_left3A_1467 : i32 to vector<16xi32>
        %shift_left3A_1469 = arith.shli %xor3A_1465, %shift_left3A_1468 : vector<16xi32>
        %shift_right_logical3A_1470 = arith.constant 16 : i32
        %shift_right_logical3A_1471 = vector.broadcast %shift_right_logical3A_1470 : i32 to vector<16xi32>
        %shift_right_logical3A_1472 = arith.shrui %xor3A_1465, %shift_right_logical3A_1471 : vector<16xi32>
        %or3A_1473 = arith.ori %shift_left3A_1469, %shift_right_logical3A_1472 : vector<16xi32>
        %xor3A_1474 = arith.xori %add3A_1466, %or3A_1473 : vector<16xi32>
        %add3A_1475 = arith.addi %add3A_1466, %xor3A_1474 : vector<16xi32>
        %shift_left3A_1476 = arith.constant 24 : i32
        %shift_left3A_1477 = vector.broadcast %shift_left3A_1476 : i32 to vector<16xi32>
        %shift_left3A_1478 = arith.shli %xor3A_1474, %shift_left3A_1477 : vector<16xi32>
        %shift_right_logical3A_1479 = arith.constant 8 : i32
        %shift_right_logical3A_1480 = vector.broadcast %shift_right_logical3A_1479 : i32 to vector<16xi32>
        %shift_right_logical3A_1481 = arith.shrui %xor3A_1474, %shift_right_logical3A_1480 : vector<16xi32>
        %or3A_1482 = arith.ori %shift_left3A_1478, %shift_right_logical3A_1481 : vector<16xi32>
        %xor3A_1483 = arith.xori %add3A_1475, %or3A_1482 : vector<16xi32>
        %add3A_1484 = arith.constant 42 : i32
        %add3A_1485 = vector.broadcast %add3A_1484 : i32 to vector<16xi32>
        %add3A_1486 = arith.addi %add3A_1475, %add3A_1485 : vector<16xi32>
        %add3A_1487 = arith.constant 466689008 : i32
        %add3A_1488 = vector.broadcast %add3A_1487 : i32 to vector<16xi32>
        %add3A_1489 = arith.addi %xor3A_1483, %add3A_1488 : vector<16xi32>
        %add3A_1490 = arith.constant 4 : i32
        %add3A_1491 = vector.broadcast %add3A_1490 : i32 to vector<16xi32>
        %add3A_1492 = arith.addi %add3A_1489, %add3A_1491 : vector<16xi32>
        %add3A_1493 = arith.addi %add3A_1486, %add3A_1492 : vector<16xi32>
        %shift_left3A_1494 = arith.constant 13 : i32
        %shift_left3A_1495 = vector.broadcast %shift_left3A_1494 : i32 to vector<16xi32>
        %shift_left3A_1496 = arith.shli %add3A_1492, %shift_left3A_1495 : vector<16xi32>
        %shift_right_logical3A_1497 = arith.constant 19 : i32
        %shift_right_logical3A_1498 = vector.broadcast %shift_right_logical3A_1497 : i32 to vector<16xi32>
        %shift_right_logical3A_1499 = arith.shrui %add3A_1492, %shift_right_logical3A_1498 : vector<16xi32>
        %or3A_1500 = arith.ori %shift_left3A_1496, %shift_right_logical3A_1499 : vector<16xi32>
        %xor3A_1501 = arith.xori %add3A_1493, %or3A_1500 : vector<16xi32>
        %add3A_1502 = arith.addi %add3A_1493, %xor3A_1501 : vector<16xi32>
        %shift_left3A_1503 = arith.constant 15 : i32
        %shift_left3A_1504 = vector.broadcast %shift_left3A_1503 : i32 to vector<16xi32>
        %shift_left3A_1505 = arith.shli %xor3A_1501, %shift_left3A_1504 : vector<16xi32>
        %shift_right_logical3A_1506 = arith.constant 17 : i32
        %shift_right_logical3A_1507 = vector.broadcast %shift_right_logical3A_1506 : i32 to vector<16xi32>
        %shift_right_logical3A_1508 = arith.shrui %xor3A_1501, %shift_right_logical3A_1507 : vector<16xi32>
        %or3A_1509 = arith.ori %shift_left3A_1505, %shift_right_logical3A_1508 : vector<16xi32>
        %xor3A_1510 = arith.xori %add3A_1502, %or3A_1509 : vector<16xi32>
        %add3A_1511 = arith.addi %add3A_1502, %xor3A_1510 : vector<16xi32>
        %shift_left3A_1512 = arith.constant 26 : i32
        %shift_left3A_1513 = vector.broadcast %shift_left3A_1512 : i32 to vector<16xi32>
        %shift_left3A_1514 = arith.shli %xor3A_1510, %shift_left3A_1513 : vector<16xi32>
        %shift_right_logical3A_1515 = arith.constant 6 : i32
        %shift_right_logical3A_1516 = vector.broadcast %shift_right_logical3A_1515 : i32 to vector<16xi32>
        %shift_right_logical3A_1517 = arith.shrui %xor3A_1510, %shift_right_logical3A_1516 : vector<16xi32>
        %or3A_1518 = arith.ori %shift_left3A_1514, %shift_right_logical3A_1517 : vector<16xi32>
        %xor3A_1519 = arith.xori %add3A_1511, %or3A_1518 : vector<16xi32>
        %add3A_1520 = arith.addi %add3A_1511, %xor3A_1519 : vector<16xi32>
        %shift_left3A_1521 = arith.constant 6 : i32
        %shift_left3A_1522 = vector.broadcast %shift_left3A_1521 : i32 to vector<16xi32>
        %shift_left3A_1523 = arith.shli %xor3A_1519, %shift_left3A_1522 : vector<16xi32>
        %shift_right_logical3A_1524 = arith.constant 26 : i32
        %shift_right_logical3A_1525 = vector.broadcast %shift_right_logical3A_1524 : i32 to vector<16xi32>
        %shift_right_logical3A_1526 = arith.shrui %xor3A_1519, %shift_right_logical3A_1525 : vector<16xi32>
        %or3A_1527 = arith.ori %shift_left3A_1523, %shift_right_logical3A_1526 : vector<16xi32>
        %xor3A_1528 = arith.xori %add3A_1520, %or3A_1527 : vector<16xi32>
        %add3A_1529 = arith.constant 466689008 : i32
        %add3A_1530 = vector.broadcast %add3A_1529 : i32 to vector<16xi32>
        %add3A_1531 = arith.addi %add3A_1520, %add3A_1530 : vector<16xi32>
        %add3A_1532 = arith.constant 0 : i32
        %add3A_1533 = vector.broadcast %add3A_1532 : i32 to vector<16xi32>
        %add3A_1534 = arith.addi %xor3A_1528, %add3A_1533 : vector<16xi32>
        %add3A_1535 = arith.constant 5 : i32
        %add3A_1536 = vector.broadcast %add3A_1535 : i32 to vector<16xi32>
        %add3A_1537 = arith.addi %add3A_1534, %add3A_1536 : vector<16xi32>
        %xor3A_1538 = arith.xori %add3A_1531, %add3A_1537 : vector<16xi32>
        %shift_right_logical3A_1539 = arith.constant 9 : i32
        %shift_right_logical3A_1540 = vector.broadcast %shift_right_logical3A_1539 : i32 to vector<16xi32>
        %shift_right_logical3A_1541 = arith.shrui %xor3A_1538, %shift_right_logical3A_1540 : vector<16xi32>
        %or3A_1542 = arith.constant 1065353216 : i32
        %or3A_1543 = vector.broadcast %or3A_1542 : i32 to vector<16xi32>
        %or3A_1544 = arith.ori %shift_right_logical3A_1541, %or3A_1543 : vector<16xi32>
        %bitcast_convert_type3A_1545 = tpu.bitcast %or3A_1544 : vector<16xi32> -> vector<16xf32>
        %sub3A_1546 = arith.constant 1.000000e+00 : f32
        %sub3A_1547 = vector.broadcast %sub3A_1546 : f32 to vector<16xf32>
        %sub3A_1548 = arith.subf %bitcast_convert_type3A_1545, %sub3A_1547 : vector<16xf32>
        %add3A_1549 = arith.constant 1.17549435E-38 : f32
        %add3A_1550 = vector.broadcast %add3A_1549 : f32 to vector<16xf32>
        %add3A_1551 = arith.addf %sub3A_1548, %add3A_1550 : vector<16xf32>
        %max3A_1552 = arith.constant 1.17549435E-38 : f32
        %max3A_1553 = vector.broadcast %max3A_1552 : f32 to vector<16xf32>
        %max3A_1554 = arith.maximumf %max3A_1553, %add3A_1551 : vector<16xf32>
        %mul3A_1555 = arith.constant 16 : i32
        %mul3A_1556 = arith.muli %scan3A_1305, %mul3A_1555 : i32
        %swap3A_1557 = arith.index_cast %mul3A_1556 : i32 to index
        %swap3A_1558 = tpu.vector_load %arg3[%swap3A_1557] {strides = array<i32>} : memref<33920xf32, #tpu.memory_space<vmem>>, vector<16xf32>,
        %swap3A_1559 = vector.shape_cast %swap3A_1558 : vector<16xf32> to vector<16xf32>
        %swap3A_1560 = vector.shape_cast %max3A_1554 : vector<16xf32> to vector<16xf32>
        tpu.vector_store %arg3[%swap3A_1557], %swap3A_1560 {strides = array<i32>} : memref<33920xf32, #tpu.memory_space<vmem>>, vector<16xf32>,
        %scan3A_1561 = arith.constant 0 : i32
        %scan3A_1562 = arith.constant 6 : i32
        %scan3A_1563 = arith.addi %scan3A_22, %scan3A_1562 : i32
        %mul3A_1564 = arith.constant 16 : i32
        %mul3A_1565 = arith.muli %scan3A_1563, %mul3A_1564 : i32
        %add3A_1566 = arith.addi %mul3A_13, %mul3A_1565 : i32
        %add3A_1567 = vector.broadcast %add3A_1566 : i32 to vector<16xi32>
        %add3A_1568 = arith.addi %add3A_1567, %iota3A : vector<16xi32>
        %add3A_1569 = arith.constant 42 : i32
        %add3A_1570 = vector.broadcast %add3A_1569 : i32 to vector<16xi32>
        %add3A_1571 = arith.addi %add3A_1568, %add3A_1570 : vector<16xi32>
        %shift_left3A_1572 = arith.constant 13 : i32
        %shift_left3A_1573 = vector.broadcast %shift_left3A_1572 : i32 to vector<16xi32>
        %shift_left3A_1574 = arith.shli %add3A_1571, %shift_left3A_1573 : vector<16xi32>
        %shift_right_logical3A_1575 = arith.constant 19 : i32
        %shift_right_logical3A_1576 = vector.broadcast %shift_right_logical3A_1575 : i32 to vector<16xi32>
        %shift_right_logical3A_1577 = arith.shrui %add3A_1571, %shift_right_logical3A_1576 : vector<16xi32>
        %or3A_1578 = arith.ori %shift_left3A_1574, %shift_right_logical3A_1577 : vector<16xi32>
        %xor3A_1579 = arith.xori %add3A_1571, %or3A_1578 : vector<16xi32>
        %add3A_1580 = arith.addi %add3A_1571, %xor3A_1579 : vector<16xi32>
        %shift_left3A_1581 = arith.constant 15 : i32
        %shift_left3A_1582 = vector.broadcast %shift_left3A_1581 : i32 to vector<16xi32>
        %shift_left3A_1583 = arith.shli %xor3A_1579, %shift_left3A_1582 : vector<16xi32>
        %shift_right_logical3A_1584 = arith.constant 17 : i32
        %shift_right_logical3A_1585 = vector.broadcast %shift_right_logical3A_1584 : i32 to vector<16xi32>
        %shift_right_logical3A_1586 = arith.shrui %xor3A_1579, %shift_right_logical3A_1585 : vector<16xi32>
        %or3A_1587 = arith.ori %shift_left3A_1583, %shift_right_logical3A_1586 : vector<16xi32>
        %xor3A_1588 = arith.xori %add3A_1580, %or3A_1587 : vector<16xi32>
        %add3A_1589 = arith.addi %add3A_1580, %xor3A_1588 : vector<16xi32>
        %shift_left3A_1590 = arith.constant 26 : i32
        %shift_left3A_1591 = vector.broadcast %shift_left3A_1590 : i32 to vector<16xi32>
        %shift_left3A_1592 = arith.shli %xor3A_1588, %shift_left3A_1591 : vector<16xi32>
        %shift_right_logical3A_1593 = arith.constant 6 : i32
        %shift_right_logical3A_1594 = vector.broadcast %shift_right_logical3A_1593 : i32 to vector<16xi32>
        %shift_right_logical3A_1595 = arith.shrui %xor3A_1588, %shift_right_logical3A_1594 : vector<16xi32>
        %or3A_1596 = arith.ori %shift_left3A_1592, %shift_right_logical3A_1595 : vector<16xi32>
        %xor3A_1597 = arith.xori %add3A_1589, %or3A_1596 : vector<16xi32>
        %add3A_1598 = arith.addi %add3A_1589, %xor3A_1597 : vector<16xi32>
        %shift_left3A_1599 = arith.constant 6 : i32
        %shift_left3A_1600 = vector.broadcast %shift_left3A_1599 : i32 to vector<16xi32>
        %shift_left3A_1601 = arith.shli %xor3A_1597, %shift_left3A_1600 : vector<16xi32>
        %shift_right_logical3A_1602 = arith.constant 26 : i32
        %shift_right_logical3A_1603 = vector.broadcast %shift_right_logical3A_1602 : i32 to vector<16xi32>
        %shift_right_logical3A_1604 = arith.shrui %xor3A_1597, %shift_right_logical3A_1603 : vector<16xi32>
        %or3A_1605 = arith.ori %shift_left3A_1601, %shift_right_logical3A_1604 : vector<16xi32>
        %xor3A_1606 = arith.xori %add3A_1598, %or3A_1605 : vector<16xi32>
        %add3A_1607 = arith.constant 42 : i32
        %add3A_1608 = vector.broadcast %add3A_1607 : i32 to vector<16xi32>
        %add3A_1609 = arith.addi %add3A_1598, %add3A_1608 : vector<16xi32>
        %add3A_1610 = arith.constant 466689008 : i32
        %add3A_1611 = vector.broadcast %add3A_1610 : i32 to vector<16xi32>
        %add3A_1612 = arith.addi %xor3A_1606, %add3A_1611 : vector<16xi32>
        %add3A_1613 = arith.constant 1 : i32
        %add3A_1614 = vector.broadcast %add3A_1613 : i32 to vector<16xi32>
        %add3A_1615 = arith.addi %add3A_1612, %add3A_1614 : vector<16xi32>
        %add3A_1616 = arith.addi %add3A_1609, %add3A_1615 : vector<16xi32>
        %shift_left3A_1617 = arith.constant 17 : i32
        %shift_left3A_1618 = vector.broadcast %shift_left3A_1617 : i32 to vector<16xi32>
        %shift_left3A_1619 = arith.shli %add3A_1615, %shift_left3A_1618 : vector<16xi32>
        %shift_right_logical3A_1620 = arith.constant 15 : i32
        %shift_right_logical3A_1621 = vector.broadcast %shift_right_logical3A_1620 : i32 to vector<16xi32>
        %shift_right_logical3A_1622 = arith.shrui %add3A_1615, %shift_right_logical3A_1621 : vector<16xi32>
        %or3A_1623 = arith.ori %shift_left3A_1619, %shift_right_logical3A_1622 : vector<16xi32>
        %xor3A_1624 = arith.xori %add3A_1616, %or3A_1623 : vector<16xi32>
        %add3A_1625 = arith.addi %add3A_1616, %xor3A_1624 : vector<16xi32>
        %shift_left3A_1626 = arith.constant 29 : i32
        %shift_left3A_1627 = vector.broadcast %shift_left3A_1626 : i32 to vector<16xi32>
        %shift_left3A_1628 = arith.shli %xor3A_1624, %shift_left3A_1627 : vector<16xi32>
        %shift_right_logical3A_1629 = arith.constant 3 : i32
        %shift_right_logical3A_1630 = vector.broadcast %shift_right_logical3A_1629 : i32 to vector<16xi32>
        %shift_right_logical3A_1631 = arith.shrui %xor3A_1624, %shift_right_logical3A_1630 : vector<16xi32>
        %or3A_1632 = arith.ori %shift_left3A_1628, %shift_right_logical3A_1631 : vector<16xi32>
        %xor3A_1633 = arith.xori %add3A_1625, %or3A_1632 : vector<16xi32>
        %add3A_1634 = arith.addi %add3A_1625, %xor3A_1633 : vector<16xi32>
        %shift_left3A_1635 = arith.constant 16 : i32
        %shift_left3A_1636 = vector.broadcast %shift_left3A_1635 : i32 to vector<16xi32>
        %shift_left3A_1637 = arith.shli %xor3A_1633, %shift_left3A_1636 : vector<16xi32>
        %shift_right_logical3A_1638 = arith.constant 16 : i32
        %shift_right_logical3A_1639 = vector.broadcast %shift_right_logical3A_1638 : i32 to vector<16xi32>
        %shift_right_logical3A_1640 = arith.shrui %xor3A_1633, %shift_right_logical3A_1639 : vector<16xi32>
        %or3A_1641 = arith.ori %shift_left3A_1637, %shift_right_logical3A_1640 : vector<16xi32>
        %xor3A_1642 = arith.xori %add3A_1634, %or3A_1641 : vector<16xi32>
        %add3A_1643 = arith.addi %add3A_1634, %xor3A_1642 : vector<16xi32>
        %shift_left3A_1644 = arith.constant 24 : i32
        %shift_left3A_1645 = vector.broadcast %shift_left3A_1644 : i32 to vector<16xi32>
        %shift_left3A_1646 = arith.shli %xor3A_1642, %shift_left3A_1645 : vector<16xi32>
        %shift_right_logical3A_1647 = arith.constant 8 : i32
        %shift_right_logical3A_1648 = vector.broadcast %shift_right_logical3A_1647 : i32 to vector<16xi32>
        %shift_right_logical3A_1649 = arith.shrui %xor3A_1642, %shift_right_logical3A_1648 : vector<16xi32>
        %or3A_1650 = arith.ori %shift_left3A_1646, %shift_right_logical3A_1649 : vector<16xi32>
        %xor3A_1651 = arith.xori %add3A_1643, %or3A_1650 : vector<16xi32>
        %add3A_1652 = arith.constant 466689008 : i32
        %add3A_1653 = vector.broadcast %add3A_1652 : i32 to vector<16xi32>
        %add3A_1654 = arith.addi %add3A_1643, %add3A_1653 : vector<16xi32>
        %add3A_1655 = arith.constant 0 : i32
        %add3A_1656 = vector.broadcast %add3A_1655 : i32 to vector<16xi32>
        %add3A_1657 = arith.addi %xor3A_1651, %add3A_1656 : vector<16xi32>
        %add3A_1658 = arith.constant 2 : i32
        %add3A_1659 = vector.broadcast %add3A_1658 : i32 to vector<16xi32>
        %add3A_1660 = arith.addi %add3A_1657, %add3A_1659 : vector<16xi32>
        %add3A_1661 = arith.addi %add3A_1654, %add3A_1660 : vector<16xi32>
        %shift_left3A_1662 = arith.constant 13 : i32
        %shift_left3A_1663 = vector.broadcast %shift_left3A_1662 : i32 to vector<16xi32>
        %shift_left3A_1664 = arith.shli %add3A_1660, %shift_left3A_1663 : vector<16xi32>
        %shift_right_logical3A_1665 = arith.constant 19 : i32
        %shift_right_logical3A_1666 = vector.broadcast %shift_right_logical3A_1665 : i32 to vector<16xi32>
        %shift_right_logical3A_1667 = arith.shrui %add3A_1660, %shift_right_logical3A_1666 : vector<16xi32>
        %or3A_1668 = arith.ori %shift_left3A_1664, %shift_right_logical3A_1667 : vector<16xi32>
        %xor3A_1669 = arith.xori %add3A_1661, %or3A_1668 : vector<16xi32>
        %add3A_1670 = arith.addi %add3A_1661, %xor3A_1669 : vector<16xi32>
        %shift_left3A_1671 = arith.constant 15 : i32
        %shift_left3A_1672 = vector.broadcast %shift_left3A_1671 : i32 to vector<16xi32>
        %shift_left3A_1673 = arith.shli %xor3A_1669, %shift_left3A_1672 : vector<16xi32>
        %shift_right_logical3A_1674 = arith.constant 17 : i32
        %shift_right_logical3A_1675 = vector.broadcast %shift_right_logical3A_1674 : i32 to vector<16xi32>
        %shift_right_logical3A_1676 = arith.shrui %xor3A_1669, %shift_right_logical3A_1675 : vector<16xi32>
        %or3A_1677 = arith.ori %shift_left3A_1673, %shift_right_logical3A_1676 : vector<16xi32>
        %xor3A_1678 = arith.xori %add3A_1670, %or3A_1677 : vector<16xi32>
        %add3A_1679 = arith.addi %add3A_1670, %xor3A_1678 : vector<16xi32>
        %shift_left3A_1680 = arith.constant 26 : i32
        %shift_left3A_1681 = vector.broadcast %shift_left3A_1680 : i32 to vector<16xi32>
        %shift_left3A_1682 = arith.shli %xor3A_1678, %shift_left3A_1681 : vector<16xi32>
        %shift_right_logical3A_1683 = arith.constant 6 : i32
        %shift_right_logical3A_1684 = vector.broadcast %shift_right_logical3A_1683 : i32 to vector<16xi32>
        %shift_right_logical3A_1685 = arith.shrui %xor3A_1678, %shift_right_logical3A_1684 : vector<16xi32>
        %or3A_1686 = arith.ori %shift_left3A_1682, %shift_right_logical3A_1685 : vector<16xi32>
        %xor3A_1687 = arith.xori %add3A_1679, %or3A_1686 : vector<16xi32>
        %add3A_1688 = arith.addi %add3A_1679, %xor3A_1687 : vector<16xi32>
        %shift_left3A_1689 = arith.constant 6 : i32
        %shift_left3A_1690 = vector.broadcast %shift_left3A_1689 : i32 to vector<16xi32>
        %shift_left3A_1691 = arith.shli %xor3A_1687, %shift_left3A_1690 : vector<16xi32>
        %shift_right_logical3A_1692 = arith.constant 26 : i32
        %shift_right_logical3A_1693 = vector.broadcast %shift_right_logical3A_1692 : i32 to vector<16xi32>
        %shift_right_logical3A_1694 = arith.shrui %xor3A_1687, %shift_right_logical3A_1693 : vector<16xi32>
        %or3A_1695 = arith.ori %shift_left3A_1691, %shift_right_logical3A_1694 : vector<16xi32>
        %xor3A_1696 = arith.xori %add3A_1688, %or3A_1695 : vector<16xi32>
        %add3A_1697 = arith.constant 0 : i32
        %add3A_1698 = vector.broadcast %add3A_1697 : i32 to vector<16xi32>
        %add3A_1699 = arith.addi %add3A_1688, %add3A_1698 : vector<16xi32>
        %add3A_1700 = arith.constant 42 : i32
        %add3A_1701 = vector.broadcast %add3A_1700 : i32 to vector<16xi32>
        %add3A_1702 = arith.addi %xor3A_1696, %add3A_1701 : vector<16xi32>
        %add3A_1703 = arith.constant 3 : i32
        %add3A_1704 = vector.broadcast %add3A_1703 : i32 to vector<16xi32>
        %add3A_1705 = arith.addi %add3A_1702, %add3A_1704 : vector<16xi32>
        %add3A_1706 = arith.addi %add3A_1699, %add3A_1705 : vector<16xi32>
        %shift_left3A_1707 = arith.constant 17 : i32
        %shift_left3A_1708 = vector.broadcast %shift_left3A_1707 : i32 to vector<16xi32>
        %shift_left3A_1709 = arith.shli %add3A_1705, %shift_left3A_1708 : vector<16xi32>
        %shift_right_logical3A_1710 = arith.constant 15 : i32
        %shift_right_logical3A_1711 = vector.broadcast %shift_right_logical3A_1710 : i32 to vector<16xi32>
        %shift_right_logical3A_1712 = arith.shrui %add3A_1705, %shift_right_logical3A_1711 : vector<16xi32>
        %or3A_1713 = arith.ori %shift_left3A_1709, %shift_right_logical3A_1712 : vector<16xi32>
        %xor3A_1714 = arith.xori %add3A_1706, %or3A_1713 : vector<16xi32>
        %add3A_1715 = arith.addi %add3A_1706, %xor3A_1714 : vector<16xi32>
        %shift_left3A_1716 = arith.constant 29 : i32
        %shift_left3A_1717 = vector.broadcast %shift_left3A_1716 : i32 to vector<16xi32>
        %shift_left3A_1718 = arith.shli %xor3A_1714, %shift_left3A_1717 : vector<16xi32>
        %shift_right_logical3A_1719 = arith.constant 3 : i32
        %shift_right_logical3A_1720 = vector.broadcast %shift_right_logical3A_1719 : i32 to vector<16xi32>
        %shift_right_logical3A_1721 = arith.shrui %xor3A_1714, %shift_right_logical3A_1720 : vector<16xi32>
        %or3A_1722 = arith.ori %shift_left3A_1718, %shift_right_logical3A_1721 : vector<16xi32>
        %xor3A_1723 = arith.xori %add3A_1715, %or3A_1722 : vector<16xi32>
        %add3A_1724 = arith.addi %add3A_1715, %xor3A_1723 : vector<16xi32>
        %shift_left3A_1725 = arith.constant 16 : i32
        %shift_left3A_1726 = vector.broadcast %shift_left3A_1725 : i32 to vector<16xi32>
        %shift_left3A_1727 = arith.shli %xor3A_1723, %shift_left3A_1726 : vector<16xi32>
        %shift_right_logical3A_1728 = arith.constant 16 : i32
        %shift_right_logical3A_1729 = vector.broadcast %shift_right_logical3A_1728 : i32 to vector<16xi32>
        %shift_right_logical3A_1730 = arith.shrui %xor3A_1723, %shift_right_logical3A_1729 : vector<16xi32>
        %or3A_1731 = arith.ori %shift_left3A_1727, %shift_right_logical3A_1730 : vector<16xi32>
        %xor3A_1732 = arith.xori %add3A_1724, %or3A_1731 : vector<16xi32>
        %add3A_1733 = arith.addi %add3A_1724, %xor3A_1732 : vector<16xi32>
        %shift_left3A_1734 = arith.constant 24 : i32
        %shift_left3A_1735 = vector.broadcast %shift_left3A_1734 : i32 to vector<16xi32>
        %shift_left3A_1736 = arith.shli %xor3A_1732, %shift_left3A_1735 : vector<16xi32>
        %shift_right_logical3A_1737 = arith.constant 8 : i32
        %shift_right_logical3A_1738 = vector.broadcast %shift_right_logical3A_1737 : i32 to vector<16xi32>
        %shift_right_logical3A_1739 = arith.shrui %xor3A_1732, %shift_right_logical3A_1738 : vector<16xi32>
        %or3A_1740 = arith.ori %shift_left3A_1736, %shift_right_logical3A_1739 : vector<16xi32>
        %xor3A_1741 = arith.xori %add3A_1733, %or3A_1740 : vector<16xi32>
        %add3A_1742 = arith.constant 42 : i32
        %add3A_1743 = vector.broadcast %add3A_1742 : i32 to vector<16xi32>
        %add3A_1744 = arith.addi %add3A_1733, %add3A_1743 : vector<16xi32>
        %add3A_1745 = arith.constant 466689008 : i32
        %add3A_1746 = vector.broadcast %add3A_1745 : i32 to vector<16xi32>
        %add3A_1747 = arith.addi %xor3A_1741, %add3A_1746 : vector<16xi32>
        %add3A_1748 = arith.constant 4 : i32
        %add3A_1749 = vector.broadcast %add3A_1748 : i32 to vector<16xi32>
        %add3A_1750 = arith.addi %add3A_1747, %add3A_1749 : vector<16xi32>
        %add3A_1751 = arith.addi %add3A_1744, %add3A_1750 : vector<16xi32>
        %shift_left3A_1752 = arith.constant 13 : i32
        %shift_left3A_1753 = vector.broadcast %shift_left3A_1752 : i32 to vector<16xi32>
        %shift_left3A_1754 = arith.shli %add3A_1750, %shift_left3A_1753 : vector<16xi32>
        %shift_right_logical3A_1755 = arith.constant 19 : i32
        %shift_right_logical3A_1756 = vector.broadcast %shift_right_logical3A_1755 : i32 to vector<16xi32>
        %shift_right_logical3A_1757 = arith.shrui %add3A_1750, %shift_right_logical3A_1756 : vector<16xi32>
        %or3A_1758 = arith.ori %shift_left3A_1754, %shift_right_logical3A_1757 : vector<16xi32>
        %xor3A_1759 = arith.xori %add3A_1751, %or3A_1758 : vector<16xi32>
        %add3A_1760 = arith.addi %add3A_1751, %xor3A_1759 : vector<16xi32>
        %shift_left3A_1761 = arith.constant 15 : i32
        %shift_left3A_1762 = vector.broadcast %shift_left3A_1761 : i32 to vector<16xi32>
        %shift_left3A_1763 = arith.shli %xor3A_1759, %shift_left3A_1762 : vector<16xi32>
        %shift_right_logical3A_1764 = arith.constant 17 : i32
        %shift_right_logical3A_1765 = vector.broadcast %shift_right_logical3A_1764 : i32 to vector<16xi32>
        %shift_right_logical3A_1766 = arith.shrui %xor3A_1759, %shift_right_logical3A_1765 : vector<16xi32>
        %or3A_1767 = arith.ori %shift_left3A_1763, %shift_right_logical3A_1766 : vector<16xi32>
        %xor3A_1768 = arith.xori %add3A_1760, %or3A_1767 : vector<16xi32>
        %add3A_1769 = arith.addi %add3A_1760, %xor3A_1768 : vector<16xi32>
        %shift_left3A_1770 = arith.constant 26 : i32
        %shift_left3A_1771 = vector.broadcast %shift_left3A_1770 : i32 to vector<16xi32>
        %shift_left3A_1772 = arith.shli %xor3A_1768, %shift_left3A_1771 : vector<16xi32>
        %shift_right_logical3A_1773 = arith.constant 6 : i32
        %shift_right_logical3A_1774 = vector.broadcast %shift_right_logical3A_1773 : i32 to vector<16xi32>
        %shift_right_logical3A_1775 = arith.shrui %xor3A_1768, %shift_right_logical3A_1774 : vector<16xi32>
        %or3A_1776 = arith.ori %shift_left3A_1772, %shift_right_logical3A_1775 : vector<16xi32>
        %xor3A_1777 = arith.xori %add3A_1769, %or3A_1776 : vector<16xi32>
        %add3A_1778 = arith.addi %add3A_1769, %xor3A_1777 : vector<16xi32>
        %shift_left3A_1779 = arith.constant 6 : i32
        %shift_left3A_1780 = vector.broadcast %shift_left3A_1779 : i32 to vector<16xi32>
        %shift_left3A_1781 = arith.shli %xor3A_1777, %shift_left3A_1780 : vector<16xi32>
        %shift_right_logical3A_1782 = arith.constant 26 : i32
        %shift_right_logical3A_1783 = vector.broadcast %shift_right_logical3A_1782 : i32 to vector<16xi32>
        %shift_right_logical3A_1784 = arith.shrui %xor3A_1777, %shift_right_logical3A_1783 : vector<16xi32>
        %or3A_1785 = arith.ori %shift_left3A_1781, %shift_right_logical3A_1784 : vector<16xi32>
        %xor3A_1786 = arith.xori %add3A_1778, %or3A_1785 : vector<16xi32>
        %add3A_1787 = arith.constant 466689008 : i32
        %add3A_1788 = vector.broadcast %add3A_1787 : i32 to vector<16xi32>
        %add3A_1789 = arith.addi %add3A_1778, %add3A_1788 : vector<16xi32>
        %add3A_1790 = arith.constant 0 : i32
        %add3A_1791 = vector.broadcast %add3A_1790 : i32 to vector<16xi32>
        %add3A_1792 = arith.addi %xor3A_1786, %add3A_1791 : vector<16xi32>
        %add3A_1793 = arith.constant 5 : i32
        %add3A_1794 = vector.broadcast %add3A_1793 : i32 to vector<16xi32>
        %add3A_1795 = arith.addi %add3A_1792, %add3A_1794 : vector<16xi32>
        %xor3A_1796 = arith.xori %add3A_1789, %add3A_1795 : vector<16xi32>
        %shift_right_logical3A_1797 = arith.constant 9 : i32
        %shift_right_logical3A_1798 = vector.broadcast %shift_right_logical3A_1797 : i32 to vector<16xi32>
        %shift_right_logical3A_1799 = arith.shrui %xor3A_1796, %shift_right_logical3A_1798 : vector<16xi32>
        %or3A_1800 = arith.constant 1065353216 : i32
        %or3A_1801 = vector.broadcast %or3A_1800 : i32 to vector<16xi32>
        %or3A_1802 = arith.ori %shift_right_logical3A_1799, %or3A_1801 : vector<16xi32>
        %bitcast_convert_type3A_1803 = tpu.bitcast %or3A_1802 : vector<16xi32> -> vector<16xf32>
        %sub3A_1804 = arith.constant 1.000000e+00 : f32
        %sub3A_1805 = vector.broadcast %sub3A_1804 : f32 to vector<16xf32>
        %sub3A_1806 = arith.subf %bitcast_convert_type3A_1803, %sub3A_1805 : vector<16xf32>
        %add3A_1807 = arith.constant 1.17549435E-38 : f32
        %add3A_1808 = vector.broadcast %add3A_1807 : f32 to vector<16xf32>
        %add3A_1809 = arith.addf %sub3A_1806, %add3A_1808 : vector<16xf32>
        %max3A_1810 = arith.constant 1.17549435E-38 : f32
        %max3A_1811 = vector.broadcast %max3A_1810 : f32 to vector<16xf32>
        %max3A_1812 = arith.maximumf %max3A_1811, %add3A_1809 : vector<16xf32>
        %mul3A_1813 = arith.constant 16 : i32
        %mul3A_1814 = arith.muli %scan3A_1563, %mul3A_1813 : i32
        %swap3A_1815 = arith.index_cast %mul3A_1814 : i32 to index
        %swap3A_1816 = tpu.vector_load %arg3[%swap3A_1815] {strides = array<i32>} : memref<33920xf32, #tpu.memory_space<vmem>>, vector<16xf32>,
        %swap3A_1817 = vector.shape_cast %swap3A_1816 : vector<16xf32> to vector<16xf32>
        %swap3A_1818 = vector.shape_cast %max3A_1812 : vector<16xf32> to vector<16xf32>
        tpu.vector_store %arg3[%swap3A_1815], %swap3A_1818 {strides = array<i32>} : memref<33920xf32, #tpu.memory_space<vmem>>, vector<16xf32>,
        %scan3A_1819 = arith.constant 0 : i32
        %scan3A_1820 = arith.constant 7 : i32
        %scan3A_1821 = arith.addi %scan3A_22, %scan3A_1820 : i32
        %mul3A_1822 = arith.constant 16 : i32
        %mul3A_1823 = arith.muli %scan3A_1821, %mul3A_1822 : i32
        %add3A_1824 = arith.addi %mul3A_13, %mul3A_1823 : i32
        %add3A_1825 = vector.broadcast %add3A_1824 : i32 to vector<16xi32>
        %add3A_1826 = arith.addi %add3A_1825, %iota3A : vector<16xi32>
        %add3A_1827 = arith.constant 42 : i32
        %add3A_1828 = vector.broadcast %add3A_1827 : i32 to vector<16xi32>
        %add3A_1829 = arith.addi %add3A_1826, %add3A_1828 : vector<16xi32>
        %shift_left3A_1830 = arith.constant 13 : i32
        %shift_left3A_1831 = vector.broadcast %shift_left3A_1830 : i32 to vector<16xi32>
        %shift_left3A_1832 = arith.shli %add3A_1829, %shift_left3A_1831 : vector<16xi32>
        %shift_right_logical3A_1833 = arith.constant 19 : i32
        %shift_right_logical3A_1834 = vector.broadcast %shift_right_logical3A_1833 : i32 to vector<16xi32>
        %shift_right_logical3A_1835 = arith.shrui %add3A_1829, %shift_right_logical3A_1834 : vector<16xi32>
        %or3A_1836 = arith.ori %shift_left3A_1832, %shift_right_logical3A_1835 : vector<16xi32>
        %xor3A_1837 = arith.xori %add3A_1829, %or3A_1836 : vector<16xi32>
        %add3A_1838 = arith.addi %add3A_1829, %xor3A_1837 : vector<16xi32>
        %shift_left3A_1839 = arith.constant 15 : i32
        %shift_left3A_1840 = vector.broadcast %shift_left3A_1839 : i32 to vector<16xi32>
        %shift_left3A_1841 = arith.shli %xor3A_1837, %shift_left3A_1840 : vector<16xi32>
        %shift_right_logical3A_1842 = arith.constant 17 : i32
        %shift_right_logical3A_1843 = vector.broadcast %shift_right_logical3A_1842 : i32 to vector<16xi32>
        %shift_right_logical3A_1844 = arith.shrui %xor3A_1837, %shift_right_logical3A_1843 : vector<16xi32>
        %or3A_1845 = arith.ori %shift_left3A_1841, %shift_right_logical3A_1844 : vector<16xi32>
        %xor3A_1846 = arith.xori %add3A_1838, %or3A_1845 : vector<16xi32>
        %add3A_1847 = arith.addi %add3A_1838, %xor3A_1846 : vector<16xi32>
        %shift_left3A_1848 = arith.constant 26 : i32
        %shift_left3A_1849 = vector.broadcast %shift_left3A_1848 : i32 to vector<16xi32>
        %shift_left3A_1850 = arith.shli %xor3A_1846, %shift_left3A_1849 : vector<16xi32>
        %shift_right_logical3A_1851 = arith.constant 6 : i32
        %shift_right_logical3A_1852 = vector.broadcast %shift_right_logical3A_1851 : i32 to vector<16xi32>
        %shift_right_logical3A_1853 = arith.shrui %xor3A_1846, %shift_right_logical3A_1852 : vector<16xi32>
        %or3A_1854 = arith.ori %shift_left3A_1850, %shift_right_logical3A_1853 : vector<16xi32>
        %xor3A_1855 = arith.xori %add3A_1847, %or3A_1854 : vector<16xi32>
        %add3A_1856 = arith.addi %add3A_1847, %xor3A_1855 : vector<16xi32>
        %shift_left3A_1857 = arith.constant 6 : i32
        %shift_left3A_1858 = vector.broadcast %shift_left3A_1857 : i32 to vector<16xi32>
        %shift_left3A_1859 = arith.shli %xor3A_1855, %shift_left3A_1858 : vector<16xi32>
        %shift_right_logical3A_1860 = arith.constant 26 : i32
        %shift_right_logical3A_1861 = vector.broadcast %shift_right_logical3A_1860 : i32 to vector<16xi32>
        %shift_right_logical3A_1862 = arith.shrui %xor3A_1855, %shift_right_logical3A_1861 : vector<16xi32>
        %or3A_1863 = arith.ori %shift_left3A_1859, %shift_right_logical3A_1862 : vector<16xi32>
        %xor3A_1864 = arith.xori %add3A_1856, %or3A_1863 : vector<16xi32>
        %add3A_1865 = arith.constant 42 : i32
        %add3A_1866 = vector.broadcast %add3A_1865 : i32 to vector<16xi32>
        %add3A_1867 = arith.addi %add3A_1856, %add3A_1866 : vector<16xi32>
        %add3A_1868 = arith.constant 466689008 : i32
        %add3A_1869 = vector.broadcast %add3A_1868 : i32 to vector<16xi32>
        %add3A_1870 = arith.addi %xor3A_1864, %add3A_1869 : vector<16xi32>
        %add3A_1871 = arith.constant 1 : i32
        %add3A_1872 = vector.broadcast %add3A_1871 : i32 to vector<16xi32>
        %add3A_1873 = arith.addi %add3A_1870, %add3A_1872 : vector<16xi32>
        %add3A_1874 = arith.addi %add3A_1867, %add3A_1873 : vector<16xi32>
        %shift_left3A_1875 = arith.constant 17 : i32
        %shift_left3A_1876 = vector.broadcast %shift_left3A_1875 : i32 to vector<16xi32>
        %shift_left3A_1877 = arith.shli %add3A_1873, %shift_left3A_1876 : vector<16xi32>
        %shift_right_logical3A_1878 = arith.constant 15 : i32
        %shift_right_logical3A_1879 = vector.broadcast %shift_right_logical3A_1878 : i32 to vector<16xi32>
        %shift_right_logical3A_1880 = arith.shrui %add3A_1873, %shift_right_logical3A_1879 : vector<16xi32>
        %or3A_1881 = arith.ori %shift_left3A_1877, %shift_right_logical3A_1880 : vector<16xi32>
        %xor3A_1882 = arith.xori %add3A_1874, %or3A_1881 : vector<16xi32>
        %add3A_1883 = arith.addi %add3A_1874, %xor3A_1882 : vector<16xi32>
        %shift_left3A_1884 = arith.constant 29 : i32
        %shift_left3A_1885 = vector.broadcast %shift_left3A_1884 : i32 to vector<16xi32>
        %shift_left3A_1886 = arith.shli %xor3A_1882, %shift_left3A_1885 : vector<16xi32>
        %shift_right_logical3A_1887 = arith.constant 3 : i32
        %shift_right_logical3A_1888 = vector.broadcast %shift_right_logical3A_1887 : i32 to vector<16xi32>
        %shift_right_logical3A_1889 = arith.shrui %xor3A_1882, %shift_right_logical3A_1888 : vector<16xi32>
        %or3A_1890 = arith.ori %shift_left3A_1886, %shift_right_logical3A_1889 : vector<16xi32>
        %xor3A_1891 = arith.xori %add3A_1883, %or3A_1890 : vector<16xi32>
        %add3A_1892 = arith.addi %add3A_1883, %xor3A_1891 : vector<16xi32>
        %shift_left3A_1893 = arith.constant 16 : i32
        %shift_left3A_1894 = vector.broadcast %shift_left3A_1893 : i32 to vector<16xi32>
        %shift_left3A_1895 = arith.shli %xor3A_1891, %shift_left3A_1894 : vector<16xi32>
        %shift_right_logical3A_1896 = arith.constant 16 : i32
        %shift_right_logical3A_1897 = vector.broadcast %shift_right_logical3A_1896 : i32 to vector<16xi32>
        %shift_right_logical3A_1898 = arith.shrui %xor3A_1891, %shift_right_logical3A_1897 : vector<16xi32>
        %or3A_1899 = arith.ori %shift_left3A_1895, %shift_right_logical3A_1898 : vector<16xi32>
        %xor3A_1900 = arith.xori %add3A_1892, %or3A_1899 : vector<16xi32>
        %add3A_1901 = arith.addi %add3A_1892, %xor3A_1900 : vector<16xi32>
        %shift_left3A_1902 = arith.constant 24 : i32
        %shift_left3A_1903 = vector.broadcast %shift_left3A_1902 : i32 to vector<16xi32>
        %shift_left3A_1904 = arith.shli %xor3A_1900, %shift_left3A_1903 : vector<16xi32>
        %shift_right_logical3A_1905 = arith.constant 8 : i32
        %shift_right_logical3A_1906 = vector.broadcast %shift_right_logical3A_1905 : i32 to vector<16xi32>
        %shift_right_logical3A_1907 = arith.shrui %xor3A_1900, %shift_right_logical3A_1906 : vector<16xi32>
        %or3A_1908 = arith.ori %shift_left3A_1904, %shift_right_logical3A_1907 : vector<16xi32>
        %xor3A_1909 = arith.xori %add3A_1901, %or3A_1908 : vector<16xi32>
        %add3A_1910 = arith.constant 466689008 : i32
        %add3A_1911 = vector.broadcast %add3A_1910 : i32 to vector<16xi32>
        %add3A_1912 = arith.addi %add3A_1901, %add3A_1911 : vector<16xi32>
        %add3A_1913 = arith.constant 0 : i32
        %add3A_1914 = vector.broadcast %add3A_1913 : i32 to vector<16xi32>
        %add3A_1915 = arith.addi %xor3A_1909, %add3A_1914 : vector<16xi32>
        %add3A_1916 = arith.constant 2 : i32
        %add3A_1917 = vector.broadcast %add3A_1916 : i32 to vector<16xi32>
        %add3A_1918 = arith.addi %add3A_1915, %add3A_1917 : vector<16xi32>
        %add3A_1919 = arith.addi %add3A_1912, %add3A_1918 : vector<16xi32>
        %shift_left3A_1920 = arith.constant 13 : i32
        %shift_left3A_1921 = vector.broadcast %shift_left3A_1920 : i32 to vector<16xi32>
        %shift_left3A_1922 = arith.shli %add3A_1918, %shift_left3A_1921 : vector<16xi32>
        %shift_right_logical3A_1923 = arith.constant 19 : i32
        %shift_right_logical3A_1924 = vector.broadcast %shift_right_logical3A_1923 : i32 to vector<16xi32>
        %shift_right_logical3A_1925 = arith.shrui %add3A_1918, %shift_right_logical3A_1924 : vector<16xi32>
        %or3A_1926 = arith.ori %shift_left3A_1922, %shift_right_logical3A_1925 : vector<16xi32>
        %xor3A_1927 = arith.xori %add3A_1919, %or3A_1926 : vector<16xi32>
        %add3A_1928 = arith.addi %add3A_1919, %xor3A_1927 : vector<16xi32>
        %shift_left3A_1929 = arith.constant 15 : i32
        %shift_left3A_1930 = vector.broadcast %shift_left3A_1929 : i32 to vector<16xi32>
        %shift_left3A_1931 = arith.shli %xor3A_1927, %shift_left3A_1930 : vector<16xi32>
        %shift_right_logical3A_1932 = arith.constant 17 : i32
        %shift_right_logical3A_1933 = vector.broadcast %shift_right_logical3A_1932 : i32 to vector<16xi32>
        %shift_right_logical3A_1934 = arith.shrui %xor3A_1927, %shift_right_logical3A_1933 : vector<16xi32>
        %or3A_1935 = arith.ori %shift_left3A_1931, %shift_right_logical3A_1934 : vector<16xi32>
        %xor3A_1936 = arith.xori %add3A_1928, %or3A_1935 : vector<16xi32>
        %add3A_1937 = arith.addi %add3A_1928, %xor3A_1936 : vector<16xi32>
        %shift_left3A_1938 = arith.constant 26 : i32
        %shift_left3A_1939 = vector.broadcast %shift_left3A_1938 : i32 to vector<16xi32>
        %shift_left3A_1940 = arith.shli %xor3A_1936, %shift_left3A_1939 : vector<16xi32>
        %shift_right_logical3A_1941 = arith.constant 6 : i32
        %shift_right_logical3A_1942 = vector.broadcast %shift_right_logical3A_1941 : i32 to vector<16xi32>
        %shift_right_logical3A_1943 = arith.shrui %xor3A_1936, %shift_right_logical3A_1942 : vector<16xi32>
        %or3A_1944 = arith.ori %shift_left3A_1940, %shift_right_logical3A_1943 : vector<16xi32>
        %xor3A_1945 = arith.xori %add3A_1937, %or3A_1944 : vector<16xi32>
        %add3A_1946 = arith.addi %add3A_1937, %xor3A_1945 : vector<16xi32>
        %shift_left3A_1947 = arith.constant 6 : i32
        %shift_left3A_1948 = vector.broadcast %shift_left3A_1947 : i32 to vector<16xi32>
        %shift_left3A_1949 = arith.shli %xor3A_1945, %shift_left3A_1948 : vector<16xi32>
        %shift_right_logical3A_1950 = arith.constant 26 : i32
        %shift_right_logical3A_1951 = vector.broadcast %shift_right_logical3A_1950 : i32 to vector<16xi32>
        %shift_right_logical3A_1952 = arith.shrui %xor3A_1945, %shift_right_logical3A_1951 : vector<16xi32>
        %or3A_1953 = arith.ori %shift_left3A_1949, %shift_right_logical3A_1952 : vector<16xi32>
        %xor3A_1954 = arith.xori %add3A_1946, %or3A_1953 : vector<16xi32>
        %add3A_1955 = arith.constant 0 : i32
        %add3A_1956 = vector.broadcast %add3A_1955 : i32 to vector<16xi32>
        %add3A_1957 = arith.addi %add3A_1946, %add3A_1956 : vector<16xi32>
        %add3A_1958 = arith.constant 42 : i32
        %add3A_1959 = vector.broadcast %add3A_1958 : i32 to vector<16xi32>
        %add3A_1960 = arith.addi %xor3A_1954, %add3A_1959 : vector<16xi32>
        %add3A_1961 = arith.constant 3 : i32
        %add3A_1962 = vector.broadcast %add3A_1961 : i32 to vector<16xi32>
        %add3A_1963 = arith.addi %add3A_1960, %add3A_1962 : vector<16xi32>
        %add3A_1964 = arith.addi %add3A_1957, %add3A_1963 : vector<16xi32>
        %shift_left3A_1965 = arith.constant 17 : i32
        %shift_left3A_1966 = vector.broadcast %shift_left3A_1965 : i32 to vector<16xi32>
        %shift_left3A_1967 = arith.shli %add3A_1963, %shift_left3A_1966 : vector<16xi32>
        %shift_right_logical3A_1968 = arith.constant 15 : i32
        %shift_right_logical3A_1969 = vector.broadcast %shift_right_logical3A_1968 : i32 to vector<16xi32>
        %shift_right_logical3A_1970 = arith.shrui %add3A_1963, %shift_right_logical3A_1969 : vector<16xi32>
        %or3A_1971 = arith.ori %shift_left3A_1967, %shift_right_logical3A_1970 : vector<16xi32>
        %xor3A_1972 = arith.xori %add3A_1964, %or3A_1971 : vector<16xi32>
        %add3A_1973 = arith.addi %add3A_1964, %xor3A_1972 : vector<16xi32>
        %shift_left3A_1974 = arith.constant 29 : i32
        %shift_left3A_1975 = vector.broadcast %shift_left3A_1974 : i32 to vector<16xi32>
        %shift_left3A_1976 = arith.shli %xor3A_1972, %shift_left3A_1975 : vector<16xi32>
        %shift_right_logical3A_1977 = arith.constant 3 : i32
        %shift_right_logical3A_1978 = vector.broadcast %shift_right_logical3A_1977 : i32 to vector<16xi32>
        %shift_right_logical3A_1979 = arith.shrui %xor3A_1972, %shift_right_logical3A_1978 : vector<16xi32>
        %or3A_1980 = arith.ori %shift_left3A_1976, %shift_right_logical3A_1979 : vector<16xi32>
        %xor3A_1981 = arith.xori %add3A_1973, %or3A_1980 : vector<16xi32>
        %add3A_1982 = arith.addi %add3A_1973, %xor3A_1981 : vector<16xi32>
        %shift_left3A_1983 = arith.constant 16 : i32
        %shift_left3A_1984 = vector.broadcast %shift_left3A_1983 : i32 to vector<16xi32>
        %shift_left3A_1985 = arith.shli %xor3A_1981, %shift_left3A_1984 : vector<16xi32>
        %shift_right_logical3A_1986 = arith.constant 16 : i32
        %shift_right_logical3A_1987 = vector.broadcast %shift_right_logical3A_1986 : i32 to vector<16xi32>
        %shift_right_logical3A_1988 = arith.shrui %xor3A_1981, %shift_right_logical3A_1987 : vector<16xi32>
        %or3A_1989 = arith.ori %shift_left3A_1985, %shift_right_logical3A_1988 : vector<16xi32>
        %xor3A_1990 = arith.xori %add3A_1982, %or3A_1989 : vector<16xi32>
        %add3A_1991 = arith.addi %add3A_1982, %xor3A_1990 : vector<16xi32>
        %shift_left3A_1992 = arith.constant 24 : i32
        %shift_left3A_1993 = vector.broadcast %shift_left3A_1992 : i32 to vector<16xi32>
        %shift_left3A_1994 = arith.shli %xor3A_1990, %shift_left3A_1993 : vector<16xi32>
        %shift_right_logical3A_1995 = arith.constant 8 : i32
        %shift_right_logical3A_1996 = vector.broadcast %shift_right_logical3A_1995 : i32 to vector<16xi32>
        %shift_right_logical3A_1997 = arith.shrui %xor3A_1990, %shift_right_logical3A_1996 : vector<16xi32>
        %or3A_1998 = arith.ori %shift_left3A_1994, %shift_right_logical3A_1997 : vector<16xi32>
        %xor3A_1999 = arith.xori %add3A_1991, %or3A_1998 : vector<16xi32>
        %add3A_2000 = arith.constant 42 : i32
        %add3A_2001 = vector.broadcast %add3A_2000 : i32 to vector<16xi32>
        %add3A_2002 = arith.addi %add3A_1991, %add3A_2001 : vector<16xi32>
        %add3A_2003 = arith.constant 466689008 : i32
        %add3A_2004 = vector.broadcast %add3A_2003 : i32 to vector<16xi32>
        %add3A_2005 = arith.addi %xor3A_1999, %add3A_2004 : vector<16xi32>
        %add3A_2006 = arith.constant 4 : i32
        %add3A_2007 = vector.broadcast %add3A_2006 : i32 to vector<16xi32>
        %add3A_2008 = arith.addi %add3A_2005, %add3A_2007 : vector<16xi32>
        %add3A_2009 = arith.addi %add3A_2002, %add3A_2008 : vector<16xi32>
        %shift_left3A_2010 = arith.constant 13 : i32
        %shift_left3A_2011 = vector.broadcast %shift_left3A_2010 : i32 to vector<16xi32>
        %shift_left3A_2012 = arith.shli %add3A_2008, %shift_left3A_2011 : vector<16xi32>
        %shift_right_logical3A_2013 = arith.constant 19 : i32
        %shift_right_logical3A_2014 = vector.broadcast %shift_right_logical3A_2013 : i32 to vector<16xi32>
        %shift_right_logical3A_2015 = arith.shrui %add3A_2008, %shift_right_logical3A_2014 : vector<16xi32>
        %or3A_2016 = arith.ori %shift_left3A_2012, %shift_right_logical3A_2015 : vector<16xi32>
        %xor3A_2017 = arith.xori %add3A_2009, %or3A_2016 : vector<16xi32>
        %add3A_2018 = arith.addi %add3A_2009, %xor3A_2017 : vector<16xi32>
        %shift_left3A_2019 = arith.constant 15 : i32
        %shift_left3A_2020 = vector.broadcast %shift_left3A_2019 : i32 to vector<16xi32>
        %shift_left3A_2021 = arith.shli %xor3A_2017, %shift_left3A_2020 : vector<16xi32>
        %shift_right_logical3A_2022 = arith.constant 17 : i32
        %shift_right_logical3A_2023 = vector.broadcast %shift_right_logical3A_2022 : i32 to vector<16xi32>
        %shift_right_logical3A_2024 = arith.shrui %xor3A_2017, %shift_right_logical3A_2023 : vector<16xi32>
        %or3A_2025 = arith.ori %shift_left3A_2021, %shift_right_logical3A_2024 : vector<16xi32>
        %xor3A_2026 = arith.xori %add3A_2018, %or3A_2025 : vector<16xi32>
        %add3A_2027 = arith.addi %add3A_2018, %xor3A_2026 : vector<16xi32>
        %shift_left3A_2028 = arith.constant 26 : i32
        %shift_left3A_2029 = vector.broadcast %shift_left3A_2028 : i32 to vector<16xi32>
        %shift_left3A_2030 = arith.shli %xor3A_2026, %shift_left3A_2029 : vector<16xi32>
        %shift_right_logical3A_2031 = arith.constant 6 : i32
        %shift_right_logical3A_2032 = vector.broadcast %shift_right_logical3A_2031 : i32 to vector<16xi32>
        %shift_right_logical3A_2033 = arith.shrui %xor3A_2026, %shift_right_logical3A_2032 : vector<16xi32>
        %or3A_2034 = arith.ori %shift_left3A_2030, %shift_right_logical3A_2033 : vector<16xi32>
        %xor3A_2035 = arith.xori %add3A_2027, %or3A_2034 : vector<16xi32>
        %add3A_2036 = arith.addi %add3A_2027, %xor3A_2035 : vector<16xi32>
        %shift_left3A_2037 = arith.constant 6 : i32
        %shift_left3A_2038 = vector.broadcast %shift_left3A_2037 : i32 to vector<16xi32>
        %shift_left3A_2039 = arith.shli %xor3A_2035, %shift_left3A_2038 : vector<16xi32>
        %shift_right_logical3A_2040 = arith.constant 26 : i32
        %shift_right_logical3A_2041 = vector.broadcast %shift_right_logical3A_2040 : i32 to vector<16xi32>
        %shift_right_logical3A_2042 = arith.shrui %xor3A_2035, %shift_right_logical3A_2041 : vector<16xi32>
        %or3A_2043 = arith.ori %shift_left3A_2039, %shift_right_logical3A_2042 : vector<16xi32>
        %xor3A_2044 = arith.xori %add3A_2036, %or3A_2043 : vector<16xi32>
        %add3A_2045 = arith.constant 466689008 : i32
        %add3A_2046 = vector.broadcast %add3A_2045 : i32 to vector<16xi32>
        %add3A_2047 = arith.addi %add3A_2036, %add3A_2046 : vector<16xi32>
        %add3A_2048 = arith.constant 0 : i32
        %add3A_2049 = vector.broadcast %add3A_2048 : i32 to vector<16xi32>
        %add3A_2050 = arith.addi %xor3A_2044, %add3A_2049 : vector<16xi32>
        %add3A_2051 = arith.constant 5 : i32
        %add3A_2052 = vector.broadcast %add3A_2051 : i32 to vector<16xi32>
        %add3A_2053 = arith.addi %add3A_2050, %add3A_2052 : vector<16xi32>
        %xor3A_2054 = arith.xori %add3A_2047, %add3A_2053 : vector<16xi32>
        %shift_right_logical3A_2055 = arith.constant 9 : i32
        %shift_right_logical3A_2056 = vector.broadcast %shift_right_logical3A_2055 : i32 to vector<16xi32>
        %shift_right_logical3A_2057 = arith.shrui %xor3A_2054, %shift_right_logical3A_2056 : vector<16xi32>
        %or3A_2058 = arith.constant 1065353216 : i32
        %or3A_2059 = vector.broadcast %or3A_2058 : i32 to vector<16xi32>
        %or3A_2060 = arith.ori %shift_right_logical3A_2057, %or3A_2059 : vector<16xi32>
        %bitcast_convert_type3A_2061 = tpu.bitcast %or3A_2060 : vector<16xi32> -> vector<16xf32>
        %sub3A_2062 = arith.constant 1.000000e+00 : f32
        %sub3A_2063 = vector.broadcast %sub3A_2062 : f32 to vector<16xf32>
        %sub3A_2064 = arith.subf %bitcast_convert_type3A_2061, %sub3A_2063 : vector<16xf32>
        %add3A_2065 = arith.constant 1.17549435E-38 : f32
        %add3A_2066 = vector.broadcast %add3A_2065 : f32 to vector<16xf32>
        %add3A_2067 = arith.addf %sub3A_2064, %add3A_2066 : vector<16xf32>
        %max3A_2068 = arith.constant 1.17549435E-38 : f32
        %max3A_2069 = vector.broadcast %max3A_2068 : f32 to vector<16xf32>
        %max3A_2070 = arith.maximumf %max3A_2069, %add3A_2067 : vector<16xf32>
        %mul3A_2071 = arith.constant 16 : i32
        %mul3A_2072 = arith.muli %scan3A_1821, %mul3A_2071 : i32
        %swap3A_2073 = arith.index_cast %mul3A_2072 : i32 to index
        %swap3A_2074 = tpu.vector_load %arg3[%swap3A_2073] {strides = array<i32>} : memref<33920xf32, #tpu.memory_space<vmem>>, vector<16xf32>,
        %swap3A_2075 = vector.shape_cast %swap3A_2074 : vector<16xf32> to vector<16xf32>
        %swap3A_2076 = vector.shape_cast %max3A_2070 : vector<16xf32> to vector<16xf32>
        tpu.vector_store %arg3[%swap3A_2073], %swap3A_2076 {strides = array<i32>} : memref<33920xf32, #tpu.memory_space<vmem>>, vector<16xf32>,
        %scan3A_2077 = arith.constant 0 : i32
        scf.yield %scan3A_2077 : i32
      }
      %scan3A_20 = arith.constant 2120 : i32
      "tpu.region"() ({
        %run_scoped3A = tpu.sem_alloc : memref<!tpu.dma_semaphore, #tpu.memory_space<semaphore_mem>>
        %dma_start3A = arith.constant 0 : i32
        %dma_start3A_22 = tpu.memref_slice %arg2[%add3A_11, %dma_start3A] : memref<128x33920xf32, #tpu.memory_space<hbm>> -> memref<1x33920xf32, #tpu.memory_space<hbm>>
        %dma_start3A_23 = tpu.memref_squeeze %dma_start3A_22 : memref<1x33920xf32, #tpu.memory_space<hbm>> -> memref<33920xf32, #tpu.memory_space<hbm>>
        %dma_start3A_24 = arith.constant 0 : i32
        %dma_start3A_25 = tpu.memref_slice %arg2[%add3A_11, %dma_start3A_24] : memref<128x33920xf32, #tpu.memory_space<hbm>> -> memref<1x33920xf32, #tpu.memory_space<hbm>>
        %dma_start3A_26 = tpu.memref_squeeze %dma_start3A_25 : memref<1x33920xf32, #tpu.memory_space<hbm>> -> memref<33920xf32, #tpu.memory_space<hbm>>
        tpu.enqueue_dma source(%arg3 : memref<33920xf32, #tpu.memory_space<vmem>>) target(%dma_start3A_26 : memref<33920xf32, #tpu.memory_space<hbm>>) target_semaphore(%run_scoped3A : memref<!tpu.dma_semaphore, #tpu.memory_space<semaphore_mem>>)
        %dma_wait3A = arith.constant 0 : i32
        %dma_wait3A_27 = tpu.memref_slice %arg2[%add3A_11, %dma_wait3A] : memref<128x33920xf32, #tpu.memory_space<hbm>> -> memref<1x33920xf32, #tpu.memory_space<hbm>>
        %dma_wait3A_28 = tpu.memref_squeeze %dma_wait3A_27 : memref<1x33920xf32, #tpu.memory_space<hbm>> -> memref<33920xf32, #tpu.memory_space<hbm>>
        %dma_wait3A_29 = arith.constant 0 : i32
        %dma_wait3A_30 = tpu.memref_slice %arg2[%add3A_11, %dma_wait3A_29] : memref<128x33920xf32, #tpu.memory_space<hbm>> -> memref<1x33920xf32, #tpu.memory_space<hbm>>
        %dma_wait3A_31 = tpu.memref_squeeze %dma_wait3A_30 : memref<1x33920xf32, #tpu.memory_space<hbm>> -> memref<33920xf32, #tpu.memory_space<hbm>>
        tpu.wait_dma2 semaphore(%run_scoped3A : memref<!tpu.dma_semaphore, #tpu.memory_space<semaphore_mem>>) src(%arg3 : memref<33920xf32, #tpu.memory_space<vmem>>) dst(%dma_wait3A_31 : memref<33920xf32, #tpu.memory_space<hbm>>)
        tpu.yield
      }) : () -> ()
      %scan3A_21 = arith.constant 0 : i32
      scf.yield %scan3A_21 : i32
    }
    %scan3A_6 = arith.constant 4 : i32
    return
  }
}

module attributes {stable_mosaic.version = 14 : i64} {
  func.func @_tc_main_kernel(%arg0: i32, %arg1: memref<16x100000xf32, #tpu.memory_space<vmem>>, %arg2: memref<16x1xf32, #tpu.memory_space<vmem>>, %arg3: memref<16x1xi32, #tpu.memory_space<vmem>>) attributes {dimension_semantics = [#tpu.dimension_semantics<arbitrary>], iteration_bounds = array<i64: 8>, scalar_prefetch = 0 : i64, scratch_operands = 0 : i64, tpu.core_type = #tpu.core_type<tc>, window_params = [{transform_indices = @transform_0, window_bounds = array<i64: 16, 100000>}, {transform_indices = @transform_1, window_bounds = array<i64: 16, 1>}, {transform_indices = @transform_2, window_bounds = array<i64: 16, 1>}]} {
    %mul3A = arith.constant 16 : i32
    %mul3A_0 = arith.muli %arg0, %mul3A : i32
    %iota3A = tpu.iota {dimensions = array<i32: 0>} : vector<16x1024xi32>
    %add3A = vector.broadcast %mul3A_0 : i32 to vector<16x1024xi32>
    %add3A_1 = arith.addi %iota3A, %add3A : vector<16x1024xi32>
    %iota3A_2 = tpu.iota {dimensions = array<i32: 1>} : vector<16x1024xi32>
    %mul3A_3 = arith.constant 100000 : i32
    %mul3A_4 = vector.broadcast %mul3A_3 : i32 to vector<16x1024xi32>
    %mul3A_5 = arith.muli %add3A_1, %mul3A_4 : vector<16x1024xi32>
    %broadcast_in_dim3A = arith.constant 0xFF800000 : f32
    %broadcast_in_dim3A_6 = vector.broadcast %broadcast_in_dim3A : f32 to vector<16x1024xf32>
    %broadcast_in_dim3A_7 = arith.constant 0 : i32
    %broadcast_in_dim3A_8 = vector.broadcast %broadcast_in_dim3A_7 : i32 to vector<16x1024xi32>
    %scan3A = arith.constant 0 : i32
    %scan3A_9 = arith.constant 64 : i32
    %scan3A_10 = arith.addi %scan3A, %scan3A_9 : i32
    %scan3A_11 = arith.constant 8 : i32
    %scan3A_12:2 = scf.for %scan3A_288 = %scan3A to %scan3A_10 step %scan3A_11 iter_args(%scan3A_289 = %broadcast_in_dim3A_6, %scan3A_290 = %broadcast_in_dim3A_8) -> (vector<16x1024xf32>, vector<16x1024xi32>)  : i32 {
      %mul3A_291 = arith.constant 1024 : i32
      %mul3A_292 = arith.muli %scan3A_288, %mul3A_291 : i32
      %add3A_293 = arith.constant 33792 : i32
      %add3A_294 = arith.addi %add3A_293, %mul3A_292 : i32
      %add3A_295 = vector.broadcast %add3A_294 : i32 to vector<16x1024xi32>
      %add3A_296 = arith.addi %iota3A_2, %add3A_295 : vector<16x1024xi32>
      %add3A_297 = arith.addi %mul3A_5, %add3A_296 : vector<16x1024xi32>
      %add3A_298 = arith.constant 42 : i32
      %add3A_299 = vector.broadcast %add3A_298 : i32 to vector<16x1024xi32>
      %add3A_300 = arith.addi %add3A_297, %add3A_299 : vector<16x1024xi32>
      %shift_left3A_301 = arith.constant 13 : i32
      %shift_left3A_302 = vector.broadcast %shift_left3A_301 : i32 to vector<16x1024xi32>
      %shift_left3A_303 = arith.shli %add3A_300, %shift_left3A_302 : vector<16x1024xi32>
      %shift_right_logical3A_304 = arith.constant 19 : i32
      %shift_right_logical3A_305 = vector.broadcast %shift_right_logical3A_304 : i32 to vector<16x1024xi32>
      %shift_right_logical3A_306 = arith.shrui %add3A_300, %shift_right_logical3A_305 : vector<16x1024xi32>
      %or3A_307 = arith.ori %shift_left3A_303, %shift_right_logical3A_306 : vector<16x1024xi32>
      %xor3A_308 = arith.xori %add3A_300, %or3A_307 : vector<16x1024xi32>
      %add3A_309 = arith.addi %add3A_300, %xor3A_308 : vector<16x1024xi32>
      %shift_left3A_310 = arith.constant 15 : i32
      %shift_left3A_311 = vector.broadcast %shift_left3A_310 : i32 to vector<16x1024xi32>
      %shift_left3A_312 = arith.shli %xor3A_308, %shift_left3A_311 : vector<16x1024xi32>
      %shift_right_logical3A_313 = arith.constant 17 : i32
      %shift_right_logical3A_314 = vector.broadcast %shift_right_logical3A_313 : i32 to vector<16x1024xi32>
      %shift_right_logical3A_315 = arith.shrui %xor3A_308, %shift_right_logical3A_314 : vector<16x1024xi32>
      %or3A_316 = arith.ori %shift_left3A_312, %shift_right_logical3A_315 : vector<16x1024xi32>
      %xor3A_317 = arith.xori %add3A_309, %or3A_316 : vector<16x1024xi32>
      %add3A_318 = arith.addi %add3A_309, %xor3A_317 : vector<16x1024xi32>
      %shift_left3A_319 = arith.constant 26 : i32
      %shift_left3A_320 = vector.broadcast %shift_left3A_319 : i32 to vector<16x1024xi32>
      %shift_left3A_321 = arith.shli %xor3A_317, %shift_left3A_320 : vector<16x1024xi32>
      %shift_right_logical3A_322 = arith.constant 6 : i32
      %shift_right_logical3A_323 = vector.broadcast %shift_right_logical3A_322 : i32 to vector<16x1024xi32>
      %shift_right_logical3A_324 = arith.shrui %xor3A_317, %shift_right_logical3A_323 : vector<16x1024xi32>
      %or3A_325 = arith.ori %shift_left3A_321, %shift_right_logical3A_324 : vector<16x1024xi32>
      %xor3A_326 = arith.xori %add3A_318, %or3A_325 : vector<16x1024xi32>
      %add3A_327 = arith.addi %add3A_318, %xor3A_326 : vector<16x1024xi32>
      %shift_left3A_328 = arith.constant 6 : i32
      %shift_left3A_329 = vector.broadcast %shift_left3A_328 : i32 to vector<16x1024xi32>
      %shift_left3A_330 = arith.shli %xor3A_326, %shift_left3A_329 : vector<16x1024xi32>
      %shift_right_logical3A_331 = arith.constant 26 : i32
      %shift_right_logical3A_332 = vector.broadcast %shift_right_logical3A_331 : i32 to vector<16x1024xi32>
      %shift_right_logical3A_333 = arith.shrui %xor3A_326, %shift_right_logical3A_332 : vector<16x1024xi32>
      %or3A_334 = arith.ori %shift_left3A_330, %shift_right_logical3A_333 : vector<16x1024xi32>
      %xor3A_335 = arith.xori %add3A_327, %or3A_334 : vector<16x1024xi32>
      %add3A_336 = arith.constant 42 : i32
      %add3A_337 = vector.broadcast %add3A_336 : i32 to vector<16x1024xi32>
      %add3A_338 = arith.addi %add3A_327, %add3A_337 : vector<16x1024xi32>
      %add3A_339 = arith.constant 466689008 : i32
      %add3A_340 = vector.broadcast %add3A_339 : i32 to vector<16x1024xi32>
      %add3A_341 = arith.addi %xor3A_335, %add3A_340 : vector<16x1024xi32>
      %add3A_342 = arith.constant 1 : i32
      %add3A_343 = vector.broadcast %add3A_342 : i32 to vector<16x1024xi32>
      %add3A_344 = arith.addi %add3A_341, %add3A_343 : vector<16x1024xi32>
      %add3A_345 = arith.addi %add3A_338, %add3A_344 : vector<16x1024xi32>
      %shift_left3A_346 = arith.constant 17 : i32
      %shift_left3A_347 = vector.broadcast %shift_left3A_346 : i32 to vector<16x1024xi32>
      %shift_left3A_348 = arith.shli %add3A_344, %shift_left3A_347 : vector<16x1024xi32>
      %shift_right_logical3A_349 = arith.constant 15 : i32
      %shift_right_logical3A_350 = vector.broadcast %shift_right_logical3A_349 : i32 to vector<16x1024xi32>
      %shift_right_logical3A_351 = arith.shrui %add3A_344, %shift_right_logical3A_350 : vector<16x1024xi32>
      %or3A_352 = arith.ori %shift_left3A_348, %shift_right_logical3A_351 : vector<16x1024xi32>
      %xor3A_353 = arith.xori %add3A_345, %or3A_352 : vector<16x1024xi32>
      %add3A_354 = arith.addi %add3A_345, %xor3A_353 : vector<16x1024xi32>
      %shift_left3A_355 = arith.constant 29 : i32
      %shift_left3A_356 = vector.broadcast %shift_left3A_355 : i32 to vector<16x1024xi32>
      %shift_left3A_357 = arith.shli %xor3A_353, %shift_left3A_356 : vector<16x1024xi32>
      %shift_right_logical3A_358 = arith.constant 3 : i32
      %shift_right_logical3A_359 = vector.broadcast %shift_right_logical3A_358 : i32 to vector<16x1024xi32>
      %shift_right_logical3A_360 = arith.shrui %xor3A_353, %shift_right_logical3A_359 : vector<16x1024xi32>
      %or3A_361 = arith.ori %shift_left3A_357, %shift_right_logical3A_360 : vector<16x1024xi32>
      %xor3A_362 = arith.xori %add3A_354, %or3A_361 : vector<16x1024xi32>
      %add3A_363 = arith.addi %add3A_354, %xor3A_362 : vector<16x1024xi32>
      %shift_left3A_364 = arith.constant 16 : i32
      %shift_left3A_365 = vector.broadcast %shift_left3A_364 : i32 to vector<16x1024xi32>
      %shift_left3A_366 = arith.shli %xor3A_362, %shift_left3A_365 : vector<16x1024xi32>
      %shift_right_logical3A_367 = arith.constant 16 : i32
      %shift_right_logical3A_368 = vector.broadcast %shift_right_logical3A_367 : i32 to vector<16x1024xi32>
      %shift_right_logical3A_369 = arith.shrui %xor3A_362, %shift_right_logical3A_368 : vector<16x1024xi32>
      %or3A_370 = arith.ori %shift_left3A_366, %shift_right_logical3A_369 : vector<16x1024xi32>
      %xor3A_371 = arith.xori %add3A_363, %or3A_370 : vector<16x1024xi32>
      %add3A_372 = arith.addi %add3A_363, %xor3A_371 : vector<16x1024xi32>
      %shift_left3A_373 = arith.constant 24 : i32
      %shift_left3A_374 = vector.broadcast %shift_left3A_373 : i32 to vector<16x1024xi32>
      %shift_left3A_375 = arith.shli %xor3A_371, %shift_left3A_374 : vector<16x1024xi32>
      %shift_right_logical3A_376 = arith.constant 8 : i32
      %shift_right_logical3A_377 = vector.broadcast %shift_right_logical3A_376 : i32 to vector<16x1024xi32>
      %shift_right_logical3A_378 = arith.shrui %xor3A_371, %shift_right_logical3A_377 : vector<16x1024xi32>
      %or3A_379 = arith.ori %shift_left3A_375, %shift_right_logical3A_378 : vector<16x1024xi32>
      %xor3A_380 = arith.xori %add3A_372, %or3A_379 : vector<16x1024xi32>
      %add3A_381 = arith.constant 466689008 : i32
      %add3A_382 = vector.broadcast %add3A_381 : i32 to vector<16x1024xi32>
      %add3A_383 = arith.addi %add3A_372, %add3A_382 : vector<16x1024xi32>
      %add3A_384 = arith.constant 0 : i32
      %add3A_385 = vector.broadcast %add3A_384 : i32 to vector<16x1024xi32>
      %add3A_386 = arith.addi %xor3A_380, %add3A_385 : vector<16x1024xi32>
      %add3A_387 = arith.constant 2 : i32
      %add3A_388 = vector.broadcast %add3A_387 : i32 to vector<16x1024xi32>
      %add3A_389 = arith.addi %add3A_386, %add3A_388 : vector<16x1024xi32>
      %add3A_390 = arith.addi %add3A_383, %add3A_389 : vector<16x1024xi32>
      %shift_left3A_391 = arith.constant 13 : i32
      %shift_left3A_392 = vector.broadcast %shift_left3A_391 : i32 to vector<16x1024xi32>
      %shift_left3A_393 = arith.shli %add3A_389, %shift_left3A_392 : vector<16x1024xi32>
      %shift_right_logical3A_394 = arith.constant 19 : i32
      %shift_right_logical3A_395 = vector.broadcast %shift_right_logical3A_394 : i32 to vector<16x1024xi32>
      %shift_right_logical3A_396 = arith.shrui %add3A_389, %shift_right_logical3A_395 : vector<16x1024xi32>
      %or3A_397 = arith.ori %shift_left3A_393, %shift_right_logical3A_396 : vector<16x1024xi32>
      %xor3A_398 = arith.xori %add3A_390, %or3A_397 : vector<16x1024xi32>
      %add3A_399 = arith.addi %add3A_390, %xor3A_398 : vector<16x1024xi32>
      %shift_left3A_400 = arith.constant 15 : i32
      %shift_left3A_401 = vector.broadcast %shift_left3A_400 : i32 to vector<16x1024xi32>
      %shift_left3A_402 = arith.shli %xor3A_398, %shift_left3A_401 : vector<16x1024xi32>
      %shift_right_logical3A_403 = arith.constant 17 : i32
      %shift_right_logical3A_404 = vector.broadcast %shift_right_logical3A_403 : i32 to vector<16x1024xi32>
      %shift_right_logical3A_405 = arith.shrui %xor3A_398, %shift_right_logical3A_404 : vector<16x1024xi32>
      %or3A_406 = arith.ori %shift_left3A_402, %shift_right_logical3A_405 : vector<16x1024xi32>
      %xor3A_407 = arith.xori %add3A_399, %or3A_406 : vector<16x1024xi32>
      %add3A_408 = arith.addi %add3A_399, %xor3A_407 : vector<16x1024xi32>
      %shift_left3A_409 = arith.constant 26 : i32
      %shift_left3A_410 = vector.broadcast %shift_left3A_409 : i32 to vector<16x1024xi32>
      %shift_left3A_411 = arith.shli %xor3A_407, %shift_left3A_410 : vector<16x1024xi32>
      %shift_right_logical3A_412 = arith.constant 6 : i32
      %shift_right_logical3A_413 = vector.broadcast %shift_right_logical3A_412 : i32 to vector<16x1024xi32>
      %shift_right_logical3A_414 = arith.shrui %xor3A_407, %shift_right_logical3A_413 : vector<16x1024xi32>
      %or3A_415 = arith.ori %shift_left3A_411, %shift_right_logical3A_414 : vector<16x1024xi32>
      %xor3A_416 = arith.xori %add3A_408, %or3A_415 : vector<16x1024xi32>
      %add3A_417 = arith.addi %add3A_408, %xor3A_416 : vector<16x1024xi32>
      %shift_left3A_418 = arith.constant 6 : i32
      %shift_left3A_419 = vector.broadcast %shift_left3A_418 : i32 to vector<16x1024xi32>
      %shift_left3A_420 = arith.shli %xor3A_416, %shift_left3A_419 : vector<16x1024xi32>
      %shift_right_logical3A_421 = arith.constant 26 : i32
      %shift_right_logical3A_422 = vector.broadcast %shift_right_logical3A_421 : i32 to vector<16x1024xi32>
      %shift_right_logical3A_423 = arith.shrui %xor3A_416, %shift_right_logical3A_422 : vector<16x1024xi32>
      %or3A_424 = arith.ori %shift_left3A_420, %shift_right_logical3A_423 : vector<16x1024xi32>
      %xor3A_425 = arith.xori %add3A_417, %or3A_424 : vector<16x1024xi32>
      %add3A_426 = arith.constant 0 : i32
      %add3A_427 = vector.broadcast %add3A_426 : i32 to vector<16x1024xi32>
      %add3A_428 = arith.addi %add3A_417, %add3A_427 : vector<16x1024xi32>
      %add3A_429 = arith.constant 42 : i32
      %add3A_430 = vector.broadcast %add3A_429 : i32 to vector<16x1024xi32>
      %add3A_431 = arith.addi %xor3A_425, %add3A_430 : vector<16x1024xi32>
      %add3A_432 = arith.constant 3 : i32
      %add3A_433 = vector.broadcast %add3A_432 : i32 to vector<16x1024xi32>
      %add3A_434 = arith.addi %add3A_431, %add3A_433 : vector<16x1024xi32>
      %add3A_435 = arith.addi %add3A_428, %add3A_434 : vector<16x1024xi32>
      %shift_left3A_436 = arith.constant 17 : i32
      %shift_left3A_437 = vector.broadcast %shift_left3A_436 : i32 to vector<16x1024xi32>
      %shift_left3A_438 = arith.shli %add3A_434, %shift_left3A_437 : vector<16x1024xi32>
      %shift_right_logical3A_439 = arith.constant 15 : i32
      %shift_right_logical3A_440 = vector.broadcast %shift_right_logical3A_439 : i32 to vector<16x1024xi32>
      %shift_right_logical3A_441 = arith.shrui %add3A_434, %shift_right_logical3A_440 : vector<16x1024xi32>
      %or3A_442 = arith.ori %shift_left3A_438, %shift_right_logical3A_441 : vector<16x1024xi32>
      %xor3A_443 = arith.xori %add3A_435, %or3A_442 : vector<16x1024xi32>
      %add3A_444 = arith.addi %add3A_435, %xor3A_443 : vector<16x1024xi32>
      %shift_left3A_445 = arith.constant 29 : i32
      %shift_left3A_446 = vector.broadcast %shift_left3A_445 : i32 to vector<16x1024xi32>
      %shift_left3A_447 = arith.shli %xor3A_443, %shift_left3A_446 : vector<16x1024xi32>
      %shift_right_logical3A_448 = arith.constant 3 : i32
      %shift_right_logical3A_449 = vector.broadcast %shift_right_logical3A_448 : i32 to vector<16x1024xi32>
      %shift_right_logical3A_450 = arith.shrui %xor3A_443, %shift_right_logical3A_449 : vector<16x1024xi32>
      %or3A_451 = arith.ori %shift_left3A_447, %shift_right_logical3A_450 : vector<16x1024xi32>
      %xor3A_452 = arith.xori %add3A_444, %or3A_451 : vector<16x1024xi32>
      %add3A_453 = arith.addi %add3A_444, %xor3A_452 : vector<16x1024xi32>
      %shift_left3A_454 = arith.constant 16 : i32
      %shift_left3A_455 = vector.broadcast %shift_left3A_454 : i32 to vector<16x1024xi32>
      %shift_left3A_456 = arith.shli %xor3A_452, %shift_left3A_455 : vector<16x1024xi32>
      %shift_right_logical3A_457 = arith.constant 16 : i32
      %shift_right_logical3A_458 = vector.broadcast %shift_right_logical3A_457 : i32 to vector<16x1024xi32>
      %shift_right_logical3A_459 = arith.shrui %xor3A_452, %shift_right_logical3A_458 : vector<16x1024xi32>
      %or3A_460 = arith.ori %shift_left3A_456, %shift_right_logical3A_459 : vector<16x1024xi32>
      %xor3A_461 = arith.xori %add3A_453, %or3A_460 : vector<16x1024xi32>
      %add3A_462 = arith.addi %add3A_453, %xor3A_461 : vector<16x1024xi32>
      %shift_left3A_463 = arith.constant 24 : i32
      %shift_left3A_464 = vector.broadcast %shift_left3A_463 : i32 to vector<16x1024xi32>
      %shift_left3A_465 = arith.shli %xor3A_461, %shift_left3A_464 : vector<16x1024xi32>
      %shift_right_logical3A_466 = arith.constant 8 : i32
      %shift_right_logical3A_467 = vector.broadcast %shift_right_logical3A_466 : i32 to vector<16x1024xi32>
      %shift_right_logical3A_468 = arith.shrui %xor3A_461, %shift_right_logical3A_467 : vector<16x1024xi32>
      %or3A_469 = arith.ori %shift_left3A_465, %shift_right_logical3A_468 : vector<16x1024xi32>
      %xor3A_470 = arith.xori %add3A_462, %or3A_469 : vector<16x1024xi32>
      %add3A_471 = arith.constant 42 : i32
      %add3A_472 = vector.broadcast %add3A_471 : i32 to vector<16x1024xi32>
      %add3A_473 = arith.addi %add3A_462, %add3A_472 : vector<16x1024xi32>
      %add3A_474 = arith.constant 466689008 : i32
      %add3A_475 = vector.broadcast %add3A_474 : i32 to vector<16x1024xi32>
      %add3A_476 = arith.addi %xor3A_470, %add3A_475 : vector<16x1024xi32>
      %add3A_477 = arith.constant 4 : i32
      %add3A_478 = vector.broadcast %add3A_477 : i32 to vector<16x1024xi32>
      %add3A_479 = arith.addi %add3A_476, %add3A_478 : vector<16x1024xi32>
      %add3A_480 = arith.addi %add3A_473, %add3A_479 : vector<16x1024xi32>
      %shift_left3A_481 = arith.constant 13 : i32
      %shift_left3A_482 = vector.broadcast %shift_left3A_481 : i32 to vector<16x1024xi32>
      %shift_left3A_483 = arith.shli %add3A_479, %shift_left3A_482 : vector<16x1024xi32>
      %shift_right_logical3A_484 = arith.constant 19 : i32
      %shift_right_logical3A_485 = vector.broadcast %shift_right_logical3A_484 : i32 to vector<16x1024xi32>
      %shift_right_logical3A_486 = arith.shrui %add3A_479, %shift_right_logical3A_485 : vector<16x1024xi32>
      %or3A_487 = arith.ori %shift_left3A_483, %shift_right_logical3A_486 : vector<16x1024xi32>
      %xor3A_488 = arith.xori %add3A_480, %or3A_487 : vector<16x1024xi32>
      %add3A_489 = arith.addi %add3A_480, %xor3A_488 : vector<16x1024xi32>
      %shift_left3A_490 = arith.constant 15 : i32
      %shift_left3A_491 = vector.broadcast %shift_left3A_490 : i32 to vector<16x1024xi32>
      %shift_left3A_492 = arith.shli %xor3A_488, %shift_left3A_491 : vector<16x1024xi32>
      %shift_right_logical3A_493 = arith.constant 17 : i32
      %shift_right_logical3A_494 = vector.broadcast %shift_right_logical3A_493 : i32 to vector<16x1024xi32>
      %shift_right_logical3A_495 = arith.shrui %xor3A_488, %shift_right_logical3A_494 : vector<16x1024xi32>
      %or3A_496 = arith.ori %shift_left3A_492, %shift_right_logical3A_495 : vector<16x1024xi32>
      %xor3A_497 = arith.xori %add3A_489, %or3A_496 : vector<16x1024xi32>
      %add3A_498 = arith.addi %add3A_489, %xor3A_497 : vector<16x1024xi32>
      %shift_left3A_499 = arith.constant 26 : i32
      %shift_left3A_500 = vector.broadcast %shift_left3A_499 : i32 to vector<16x1024xi32>
      %shift_left3A_501 = arith.shli %xor3A_497, %shift_left3A_500 : vector<16x1024xi32>
      %shift_right_logical3A_502 = arith.constant 6 : i32
      %shift_right_logical3A_503 = vector.broadcast %shift_right_logical3A_502 : i32 to vector<16x1024xi32>
      %shift_right_logical3A_504 = arith.shrui %xor3A_497, %shift_right_logical3A_503 : vector<16x1024xi32>
      %or3A_505 = arith.ori %shift_left3A_501, %shift_right_logical3A_504 : vector<16x1024xi32>
      %xor3A_506 = arith.xori %add3A_498, %or3A_505 : vector<16x1024xi32>
      %add3A_507 = arith.addi %add3A_498, %xor3A_506 : vector<16x1024xi32>
      %shift_left3A_508 = arith.constant 6 : i32
      %shift_left3A_509 = vector.broadcast %shift_left3A_508 : i32 to vector<16x1024xi32>
      %shift_left3A_510 = arith.shli %xor3A_506, %shift_left3A_509 : vector<16x1024xi32>
      %shift_right_logical3A_511 = arith.constant 26 : i32
      %shift_right_logical3A_512 = vector.broadcast %shift_right_logical3A_511 : i32 to vector<16x1024xi32>
      %shift_right_logical3A_513 = arith.shrui %xor3A_506, %shift_right_logical3A_512 : vector<16x1024xi32>
      %or3A_514 = arith.ori %shift_left3A_510, %shift_right_logical3A_513 : vector<16x1024xi32>
      %xor3A_515 = arith.xori %add3A_507, %or3A_514 : vector<16x1024xi32>
      %add3A_516 = arith.constant 466689008 : i32
      %add3A_517 = vector.broadcast %add3A_516 : i32 to vector<16x1024xi32>
      %add3A_518 = arith.addi %add3A_507, %add3A_517 : vector<16x1024xi32>
      %add3A_519 = arith.constant 0 : i32
      %add3A_520 = vector.broadcast %add3A_519 : i32 to vector<16x1024xi32>
      %add3A_521 = arith.addi %xor3A_515, %add3A_520 : vector<16x1024xi32>
      %add3A_522 = arith.constant 5 : i32
      %add3A_523 = vector.broadcast %add3A_522 : i32 to vector<16x1024xi32>
      %add3A_524 = arith.addi %add3A_521, %add3A_523 : vector<16x1024xi32>
      %xor3A_525 = arith.xori %add3A_518, %add3A_524 : vector<16x1024xi32>
      %shift_right_logical3A_526 = arith.constant 9 : i32
      %shift_right_logical3A_527 = vector.broadcast %shift_right_logical3A_526 : i32 to vector<16x1024xi32>
      %shift_right_logical3A_528 = arith.shrui %xor3A_525, %shift_right_logical3A_527 : vector<16x1024xi32>
      %or3A_529 = arith.constant 1065353216 : i32
      %or3A_530 = vector.broadcast %or3A_529 : i32 to vector<16x1024xi32>
      %or3A_531 = arith.ori %shift_right_logical3A_528, %or3A_530 : vector<16x1024xi32>
      %bitcast_convert_type3A_532 = tpu.bitcast %or3A_531 : vector<16x1024xi32> -> vector<16x1024xf32>
      %sub3A_533 = arith.constant 1.000000e+00 : f32
      %sub3A_534 = vector.broadcast %sub3A_533 : f32 to vector<16x1024xf32>
      %sub3A_535 = arith.subf %bitcast_convert_type3A_532, %sub3A_534 : vector<16x1024xf32>
      %add3A_536 = arith.constant 1.17549435E-38 : f32
      %add3A_537 = vector.broadcast %add3A_536 : f32 to vector<16x1024xf32>
      %add3A_538 = arith.addf %sub3A_535, %add3A_537 : vector<16x1024xf32>
      %max3A_539 = arith.constant 1.17549435E-38 : f32
      %max3A_540 = vector.broadcast %max3A_539 : f32 to vector<16x1024xf32>
      %max3A_541 = arith.maximumf %max3A_540, %add3A_538 : vector<16x1024xf32>
      %log3A_542 = math.log %max3A_541 : vector<16x1024xf32>
      %neg3A_543 = arith.constant 0.000000e+00 : f32
      %neg3A_544 = vector.broadcast %neg3A_543 : f32 to vector<16x1024xf32>
      %neg3A_545 = arith.subf %neg3A_544, %log3A_542 : vector<16x1024xf32>
      %log3A_546 = math.log %neg3A_545 : vector<16x1024xf32>
      %neg3A_547 = arith.constant 0.000000e+00 : f32
      %neg3A_548 = vector.broadcast %neg3A_547 : f32 to vector<16x1024xf32>
      %neg3A_549 = arith.subf %neg3A_548, %log3A_546 : vector<16x1024xf32>
      %get3A_550 = arith.constant 0 : index
      %get3A_551 = arith.index_cast %add3A_294 : i32 to index
      %get3A_552 = vector.load %arg1[%get3A_550, %get3A_551] : memref<16x100000xf32, #tpu.memory_space<vmem>>, vector<16x1024xf32>
      %add3A_553 = arith.addf %neg3A_549, %get3A_552 : vector<16x1024xf32>
      %gt3A_554 = arith.cmpf ogt, %add3A_553, %scan3A_289 : vector<16x1024xf32>
      %select_n3A_555 = arith.select %gt3A_554, %add3A_553, %scan3A_289 : vector<16x1024xi1>, vector<16x1024xf32>
      %select_n3A_556 = arith.select %gt3A_554, %add3A_296, %scan3A_290 : vector<16x1024xi1>, vector<16x1024xi32>
      %scan3A_557 = arith.constant 1 : i32
      %scan3A_558 = arith.addi %scan3A_288, %scan3A_557 : i32
      %mul3A_559 = arith.constant 1024 : i32
      %mul3A_560 = arith.muli %scan3A_558, %mul3A_559 : i32
      %add3A_561 = arith.constant 33792 : i32
      %add3A_562 = arith.addi %add3A_561, %mul3A_560 : i32
      %add3A_563 = vector.broadcast %add3A_562 : i32 to vector<16x1024xi32>
      %add3A_564 = arith.addi %iota3A_2, %add3A_563 : vector<16x1024xi32>
      %add3A_565 = arith.addi %mul3A_5, %add3A_564 : vector<16x1024xi32>
      %add3A_566 = arith.constant 42 : i32
      %add3A_567 = vector.broadcast %add3A_566 : i32 to vector<16x1024xi32>
      %add3A_568 = arith.addi %add3A_565, %add3A_567 : vector<16x1024xi32>
      %shift_left3A_569 = arith.constant 13 : i32
      %shift_left3A_570 = vector.broadcast %shift_left3A_569 : i32 to vector<16x1024xi32>
      %shift_left3A_571 = arith.shli %add3A_568, %shift_left3A_570 : vector<16x1024xi32>
      %shift_right_logical3A_572 = arith.constant 19 : i32
      %shift_right_logical3A_573 = vector.broadcast %shift_right_logical3A_572 : i32 to vector<16x1024xi32>
      %shift_right_logical3A_574 = arith.shrui %add3A_568, %shift_right_logical3A_573 : vector<16x1024xi32>
      %or3A_575 = arith.ori %shift_left3A_571, %shift_right_logical3A_574 : vector<16x1024xi32>
      %xor3A_576 = arith.xori %add3A_568, %or3A_575 : vector<16x1024xi32>
      %add3A_577 = arith.addi %add3A_568, %xor3A_576 : vector<16x1024xi32>
      %shift_left3A_578 = arith.constant 15 : i32
      %shift_left3A_579 = vector.broadcast %shift_left3A_578 : i32 to vector<16x1024xi32>
      %shift_left3A_580 = arith.shli %xor3A_576, %shift_left3A_579 : vector<16x1024xi32>
      %shift_right_logical3A_581 = arith.constant 17 : i32
      %shift_right_logical3A_582 = vector.broadcast %shift_right_logical3A_581 : i32 to vector<16x1024xi32>
      %shift_right_logical3A_583 = arith.shrui %xor3A_576, %shift_right_logical3A_582 : vector<16x1024xi32>
      %or3A_584 = arith.ori %shift_left3A_580, %shift_right_logical3A_583 : vector<16x1024xi32>
      %xor3A_585 = arith.xori %add3A_577, %or3A_584 : vector<16x1024xi32>
      %add3A_586 = arith.addi %add3A_577, %xor3A_585 : vector<16x1024xi32>
      %shift_left3A_587 = arith.constant 26 : i32
      %shift_left3A_588 = vector.broadcast %shift_left3A_587 : i32 to vector<16x1024xi32>
      %shift_left3A_589 = arith.shli %xor3A_585, %shift_left3A_588 : vector<16x1024xi32>
      %shift_right_logical3A_590 = arith.constant 6 : i32
      %shift_right_logical3A_591 = vector.broadcast %shift_right_logical3A_590 : i32 to vector<16x1024xi32>
      %shift_right_logical3A_592 = arith.shrui %xor3A_585, %shift_right_logical3A_591 : vector<16x1024xi32>
      %or3A_593 = arith.ori %shift_left3A_589, %shift_right_logical3A_592 : vector<16x1024xi32>
      %xor3A_594 = arith.xori %add3A_586, %or3A_593 : vector<16x1024xi32>
      %add3A_595 = arith.addi %add3A_586, %xor3A_594 : vector<16x1024xi32>
      %shift_left3A_596 = arith.constant 6 : i32
      %shift_left3A_597 = vector.broadcast %shift_left3A_596 : i32 to vector<16x1024xi32>
      %shift_left3A_598 = arith.shli %xor3A_594, %shift_left3A_597 : vector<16x1024xi32>
      %shift_right_logical3A_599 = arith.constant 26 : i32
      %shift_right_logical3A_600 = vector.broadcast %shift_right_logical3A_599 : i32 to vector<16x1024xi32>
      %shift_right_logical3A_601 = arith.shrui %xor3A_594, %shift_right_logical3A_600 : vector<16x1024xi32>
      %or3A_602 = arith.ori %shift_left3A_598, %shift_right_logical3A_601 : vector<16x1024xi32>
      %xor3A_603 = arith.xori %add3A_595, %or3A_602 : vector<16x1024xi32>
      %add3A_604 = arith.constant 42 : i32
      %add3A_605 = vector.broadcast %add3A_604 : i32 to vector<16x1024xi32>
      %add3A_606 = arith.addi %add3A_595, %add3A_605 : vector<16x1024xi32>
      %add3A_607 = arith.constant 466689008 : i32
      %add3A_608 = vector.broadcast %add3A_607 : i32 to vector<16x1024xi32>
      %add3A_609 = arith.addi %xor3A_603, %add3A_608 : vector<16x1024xi32>
      %add3A_610 = arith.constant 1 : i32
      %add3A_611 = vector.broadcast %add3A_610 : i32 to vector<16x1024xi32>
      %add3A_612 = arith.addi %add3A_609, %add3A_611 : vector<16x1024xi32>
      %add3A_613 = arith.addi %add3A_606, %add3A_612 : vector<16x1024xi32>
      %shift_left3A_614 = arith.constant 17 : i32
      %shift_left3A_615 = vector.broadcast %shift_left3A_614 : i32 to vector<16x1024xi32>
      %shift_left3A_616 = arith.shli %add3A_612, %shift_left3A_615 : vector<16x1024xi32>
      %shift_right_logical3A_617 = arith.constant 15 : i32
      %shift_right_logical3A_618 = vector.broadcast %shift_right_logical3A_617 : i32 to vector<16x1024xi32>
      %shift_right_logical3A_619 = arith.shrui %add3A_612, %shift_right_logical3A_618 : vector<16x1024xi32>
      %or3A_620 = arith.ori %shift_left3A_616, %shift_right_logical3A_619 : vector<16x1024xi32>
      %xor3A_621 = arith.xori %add3A_613, %or3A_620 : vector<16x1024xi32>
      %add3A_622 = arith.addi %add3A_613, %xor3A_621 : vector<16x1024xi32>
      %shift_left3A_623 = arith.constant 29 : i32
      %shift_left3A_624 = vector.broadcast %shift_left3A_623 : i32 to vector<16x1024xi32>
      %shift_left3A_625 = arith.shli %xor3A_621, %shift_left3A_624 : vector<16x1024xi32>
      %shift_right_logical3A_626 = arith.constant 3 : i32
      %shift_right_logical3A_627 = vector.broadcast %shift_right_logical3A_626 : i32 to vector<16x1024xi32>
      %shift_right_logical3A_628 = arith.shrui %xor3A_621, %shift_right_logical3A_627 : vector<16x1024xi32>
      %or3A_629 = arith.ori %shift_left3A_625, %shift_right_logical3A_628 : vector<16x1024xi32>
      %xor3A_630 = arith.xori %add3A_622, %or3A_629 : vector<16x1024xi32>
      %add3A_631 = arith.addi %add3A_622, %xor3A_630 : vector<16x1024xi32>
      %shift_left3A_632 = arith.constant 16 : i32
      %shift_left3A_633 = vector.broadcast %shift_left3A_632 : i32 to vector<16x1024xi32>
      %shift_left3A_634 = arith.shli %xor3A_630, %shift_left3A_633 : vector<16x1024xi32>
      %shift_right_logical3A_635 = arith.constant 16 : i32
      %shift_right_logical3A_636 = vector.broadcast %shift_right_logical3A_635 : i32 to vector<16x1024xi32>
      %shift_right_logical3A_637 = arith.shrui %xor3A_630, %shift_right_logical3A_636 : vector<16x1024xi32>
      %or3A_638 = arith.ori %shift_left3A_634, %shift_right_logical3A_637 : vector<16x1024xi32>
      %xor3A_639 = arith.xori %add3A_631, %or3A_638 : vector<16x1024xi32>
      %add3A_640 = arith.addi %add3A_631, %xor3A_639 : vector<16x1024xi32>
      %shift_left3A_641 = arith.constant 24 : i32
      %shift_left3A_642 = vector.broadcast %shift_left3A_641 : i32 to vector<16x1024xi32>
      %shift_left3A_643 = arith.shli %xor3A_639, %shift_left3A_642 : vector<16x1024xi32>
      %shift_right_logical3A_644 = arith.constant 8 : i32
      %shift_right_logical3A_645 = vector.broadcast %shift_right_logical3A_644 : i32 to vector<16x1024xi32>
      %shift_right_logical3A_646 = arith.shrui %xor3A_639, %shift_right_logical3A_645 : vector<16x1024xi32>
      %or3A_647 = arith.ori %shift_left3A_643, %shift_right_logical3A_646 : vector<16x1024xi32>
      %xor3A_648 = arith.xori %add3A_640, %or3A_647 : vector<16x1024xi32>
      %add3A_649 = arith.constant 466689008 : i32
      %add3A_650 = vector.broadcast %add3A_649 : i32 to vector<16x1024xi32>
      %add3A_651 = arith.addi %add3A_640, %add3A_650 : vector<16x1024xi32>
      %add3A_652 = arith.constant 0 : i32
      %add3A_653 = vector.broadcast %add3A_652 : i32 to vector<16x1024xi32>
      %add3A_654 = arith.addi %xor3A_648, %add3A_653 : vector<16x1024xi32>
      %add3A_655 = arith.constant 2 : i32
      %add3A_656 = vector.broadcast %add3A_655 : i32 to vector<16x1024xi32>
      %add3A_657 = arith.addi %add3A_654, %add3A_656 : vector<16x1024xi32>
      %add3A_658 = arith.addi %add3A_651, %add3A_657 : vector<16x1024xi32>
      %shift_left3A_659 = arith.constant 13 : i32
      %shift_left3A_660 = vector.broadcast %shift_left3A_659 : i32 to vector<16x1024xi32>
      %shift_left3A_661 = arith.shli %add3A_657, %shift_left3A_660 : vector<16x1024xi32>
      %shift_right_logical3A_662 = arith.constant 19 : i32
      %shift_right_logical3A_663 = vector.broadcast %shift_right_logical3A_662 : i32 to vector<16x1024xi32>
      %shift_right_logical3A_664 = arith.shrui %add3A_657, %shift_right_logical3A_663 : vector<16x1024xi32>
      %or3A_665 = arith.ori %shift_left3A_661, %shift_right_logical3A_664 : vector<16x1024xi32>
      %xor3A_666 = arith.xori %add3A_658, %or3A_665 : vector<16x1024xi32>
      %add3A_667 = arith.addi %add3A_658, %xor3A_666 : vector<16x1024xi32>
      %shift_left3A_668 = arith.constant 15 : i32
      %shift_left3A_669 = vector.broadcast %shift_left3A_668 : i32 to vector<16x1024xi32>
      %shift_left3A_670 = arith.shli %xor3A_666, %shift_left3A_669 : vector<16x1024xi32>
      %shift_right_logical3A_671 = arith.constant 17 : i32
      %shift_right_logical3A_672 = vector.broadcast %shift_right_logical3A_671 : i32 to vector<16x1024xi32>
      %shift_right_logical3A_673 = arith.shrui %xor3A_666, %shift_right_logical3A_672 : vector<16x1024xi32>
      %or3A_674 = arith.ori %shift_left3A_670, %shift_right_logical3A_673 : vector<16x1024xi32>
      %xor3A_675 = arith.xori %add3A_667, %or3A_674 : vector<16x1024xi32>
      %add3A_676 = arith.addi %add3A_667, %xor3A_675 : vector<16x1024xi32>
      %shift_left3A_677 = arith.constant 26 : i32
      %shift_left3A_678 = vector.broadcast %shift_left3A_677 : i32 to vector<16x1024xi32>
      %shift_left3A_679 = arith.shli %xor3A_675, %shift_left3A_678 : vector<16x1024xi32>
      %shift_right_logical3A_680 = arith.constant 6 : i32
      %shift_right_logical3A_681 = vector.broadcast %shift_right_logical3A_680 : i32 to vector<16x1024xi32>
      %shift_right_logical3A_682 = arith.shrui %xor3A_675, %shift_right_logical3A_681 : vector<16x1024xi32>
      %or3A_683 = arith.ori %shift_left3A_679, %shift_right_logical3A_682 : vector<16x1024xi32>
      %xor3A_684 = arith.xori %add3A_676, %or3A_683 : vector<16x1024xi32>
      %add3A_685 = arith.addi %add3A_676, %xor3A_684 : vector<16x1024xi32>
      %shift_left3A_686 = arith.constant 6 : i32
      %shift_left3A_687 = vector.broadcast %shift_left3A_686 : i32 to vector<16x1024xi32>
      %shift_left3A_688 = arith.shli %xor3A_684, %shift_left3A_687 : vector<16x1024xi32>
      %shift_right_logical3A_689 = arith.constant 26 : i32
      %shift_right_logical3A_690 = vector.broadcast %shift_right_logical3A_689 : i32 to vector<16x1024xi32>
      %shift_right_logical3A_691 = arith.shrui %xor3A_684, %shift_right_logical3A_690 : vector<16x1024xi32>
      %or3A_692 = arith.ori %shift_left3A_688, %shift_right_logical3A_691 : vector<16x1024xi32>
      %xor3A_693 = arith.xori %add3A_685, %or3A_692 : vector<16x1024xi32>
      %add3A_694 = arith.constant 0 : i32
      %add3A_695 = vector.broadcast %add3A_694 : i32 to vector<16x1024xi32>
      %add3A_696 = arith.addi %add3A_685, %add3A_695 : vector<16x1024xi32>
      %add3A_697 = arith.constant 42 : i32
      %add3A_698 = vector.broadcast %add3A_697 : i32 to vector<16x1024xi32>
      %add3A_699 = arith.addi %xor3A_693, %add3A_698 : vector<16x1024xi32>
      %add3A_700 = arith.constant 3 : i32
      %add3A_701 = vector.broadcast %add3A_700 : i32 to vector<16x1024xi32>
      %add3A_702 = arith.addi %add3A_699, %add3A_701 : vector<16x1024xi32>
      %add3A_703 = arith.addi %add3A_696, %add3A_702 : vector<16x1024xi32>
      %shift_left3A_704 = arith.constant 17 : i32
      %shift_left3A_705 = vector.broadcast %shift_left3A_704 : i32 to vector<16x1024xi32>
      %shift_left3A_706 = arith.shli %add3A_702, %shift_left3A_705 : vector<16x1024xi32>
      %shift_right_logical3A_707 = arith.constant 15 : i32
      %shift_right_logical3A_708 = vector.broadcast %shift_right_logical3A_707 : i32 to vector<16x1024xi32>
      %shift_right_logical3A_709 = arith.shrui %add3A_702, %shift_right_logical3A_708 : vector<16x1024xi32>
      %or3A_710 = arith.ori %shift_left3A_706, %shift_right_logical3A_709 : vector<16x1024xi32>
      %xor3A_711 = arith.xori %add3A_703, %or3A_710 : vector<16x1024xi32>
      %add3A_712 = arith.addi %add3A_703, %xor3A_711 : vector<16x1024xi32>
      %shift_left3A_713 = arith.constant 29 : i32
      %shift_left3A_714 = vector.broadcast %shift_left3A_713 : i32 to vector<16x1024xi32>
      %shift_left3A_715 = arith.shli %xor3A_711, %shift_left3A_714 : vector<16x1024xi32>
      %shift_right_logical3A_716 = arith.constant 3 : i32
      %shift_right_logical3A_717 = vector.broadcast %shift_right_logical3A_716 : i32 to vector<16x1024xi32>
      %shift_right_logical3A_718 = arith.shrui %xor3A_711, %shift_right_logical3A_717 : vector<16x1024xi32>
      %or3A_719 = arith.ori %shift_left3A_715, %shift_right_logical3A_718 : vector<16x1024xi32>
      %xor3A_720 = arith.xori %add3A_712, %or3A_719 : vector<16x1024xi32>
      %add3A_721 = arith.addi %add3A_712, %xor3A_720 : vector<16x1024xi32>
      %shift_left3A_722 = arith.constant 16 : i32
      %shift_left3A_723 = vector.broadcast %shift_left3A_722 : i32 to vector<16x1024xi32>
      %shift_left3A_724 = arith.shli %xor3A_720, %shift_left3A_723 : vector<16x1024xi32>
      %shift_right_logical3A_725 = arith.constant 16 : i32
      %shift_right_logical3A_726 = vector.broadcast %shift_right_logical3A_725 : i32 to vector<16x1024xi32>
      %shift_right_logical3A_727 = arith.shrui %xor3A_720, %shift_right_logical3A_726 : vector<16x1024xi32>
      %or3A_728 = arith.ori %shift_left3A_724, %shift_right_logical3A_727 : vector<16x1024xi32>
      %xor3A_729 = arith.xori %add3A_721, %or3A_728 : vector<16x1024xi32>
      %add3A_730 = arith.addi %add3A_721, %xor3A_729 : vector<16x1024xi32>
      %shift_left3A_731 = arith.constant 24 : i32
      %shift_left3A_732 = vector.broadcast %shift_left3A_731 : i32 to vector<16x1024xi32>
      %shift_left3A_733 = arith.shli %xor3A_729, %shift_left3A_732 : vector<16x1024xi32>
      %shift_right_logical3A_734 = arith.constant 8 : i32
      %shift_right_logical3A_735 = vector.broadcast %shift_right_logical3A_734 : i32 to vector<16x1024xi32>
      %shift_right_logical3A_736 = arith.shrui %xor3A_729, %shift_right_logical3A_735 : vector<16x1024xi32>
      %or3A_737 = arith.ori %shift_left3A_733, %shift_right_logical3A_736 : vector<16x1024xi32>
      %xor3A_738 = arith.xori %add3A_730, %or3A_737 : vector<16x1024xi32>
      %add3A_739 = arith.constant 42 : i32
      %add3A_740 = vector.broadcast %add3A_739 : i32 to vector<16x1024xi32>
      %add3A_741 = arith.addi %add3A_730, %add3A_740 : vector<16x1024xi32>
      %add3A_742 = arith.constant 466689008 : i32
      %add3A_743 = vector.broadcast %add3A_742 : i32 to vector<16x1024xi32>
      %add3A_744 = arith.addi %xor3A_738, %add3A_743 : vector<16x1024xi32>
      %add3A_745 = arith.constant 4 : i32
      %add3A_746 = vector.broadcast %add3A_745 : i32 to vector<16x1024xi32>
      %add3A_747 = arith.addi %add3A_744, %add3A_746 : vector<16x1024xi32>
      %add3A_748 = arith.addi %add3A_741, %add3A_747 : vector<16x1024xi32>
      %shift_left3A_749 = arith.constant 13 : i32
      %shift_left3A_750 = vector.broadcast %shift_left3A_749 : i32 to vector<16x1024xi32>
      %shift_left3A_751 = arith.shli %add3A_747, %shift_left3A_750 : vector<16x1024xi32>
      %shift_right_logical3A_752 = arith.constant 19 : i32
      %shift_right_logical3A_753 = vector.broadcast %shift_right_logical3A_752 : i32 to vector<16x1024xi32>
      %shift_right_logical3A_754 = arith.shrui %add3A_747, %shift_right_logical3A_753 : vector<16x1024xi32>
      %or3A_755 = arith.ori %shift_left3A_751, %shift_right_logical3A_754 : vector<16x1024xi32>
      %xor3A_756 = arith.xori %add3A_748, %or3A_755 : vector<16x1024xi32>
      %add3A_757 = arith.addi %add3A_748, %xor3A_756 : vector<16x1024xi32>
      %shift_left3A_758 = arith.constant 15 : i32
      %shift_left3A_759 = vector.broadcast %shift_left3A_758 : i32 to vector<16x1024xi32>
      %shift_left3A_760 = arith.shli %xor3A_756, %shift_left3A_759 : vector<16x1024xi32>
      %shift_right_logical3A_761 = arith.constant 17 : i32
      %shift_right_logical3A_762 = vector.broadcast %shift_right_logical3A_761 : i32 to vector<16x1024xi32>
      %shift_right_logical3A_763 = arith.shrui %xor3A_756, %shift_right_logical3A_762 : vector<16x1024xi32>
      %or3A_764 = arith.ori %shift_left3A_760, %shift_right_logical3A_763 : vector<16x1024xi32>
      %xor3A_765 = arith.xori %add3A_757, %or3A_764 : vector<16x1024xi32>
      %add3A_766 = arith.addi %add3A_757, %xor3A_765 : vector<16x1024xi32>
      %shift_left3A_767 = arith.constant 26 : i32
      %shift_left3A_768 = vector.broadcast %shift_left3A_767 : i32 to vector<16x1024xi32>
      %shift_left3A_769 = arith.shli %xor3A_765, %shift_left3A_768 : vector<16x1024xi32>
      %shift_right_logical3A_770 = arith.constant 6 : i32
      %shift_right_logical3A_771 = vector.broadcast %shift_right_logical3A_770 : i32 to vector<16x1024xi32>
      %shift_right_logical3A_772 = arith.shrui %xor3A_765, %shift_right_logical3A_771 : vector<16x1024xi32>
      %or3A_773 = arith.ori %shift_left3A_769, %shift_right_logical3A_772 : vector<16x1024xi32>
      %xor3A_774 = arith.xori %add3A_766, %or3A_773 : vector<16x1024xi32>
      %add3A_775 = arith.addi %add3A_766, %xor3A_774 : vector<16x1024xi32>
      %shift_left3A_776 = arith.constant 6 : i32
      %shift_left3A_777 = vector.broadcast %shift_left3A_776 : i32 to vector<16x1024xi32>
      %shift_left3A_778 = arith.shli %xor3A_774, %shift_left3A_777 : vector<16x1024xi32>
      %shift_right_logical3A_779 = arith.constant 26 : i32
      %shift_right_logical3A_780 = vector.broadcast %shift_right_logical3A_779 : i32 to vector<16x1024xi32>
      %shift_right_logical3A_781 = arith.shrui %xor3A_774, %shift_right_logical3A_780 : vector<16x1024xi32>
      %or3A_782 = arith.ori %shift_left3A_778, %shift_right_logical3A_781 : vector<16x1024xi32>
      %xor3A_783 = arith.xori %add3A_775, %or3A_782 : vector<16x1024xi32>
      %add3A_784 = arith.constant 466689008 : i32
      %add3A_785 = vector.broadcast %add3A_784 : i32 to vector<16x1024xi32>
      %add3A_786 = arith.addi %add3A_775, %add3A_785 : vector<16x1024xi32>
      %add3A_787 = arith.constant 0 : i32
      %add3A_788 = vector.broadcast %add3A_787 : i32 to vector<16x1024xi32>
      %add3A_789 = arith.addi %xor3A_783, %add3A_788 : vector<16x1024xi32>
      %add3A_790 = arith.constant 5 : i32
      %add3A_791 = vector.broadcast %add3A_790 : i32 to vector<16x1024xi32>
      %add3A_792 = arith.addi %add3A_789, %add3A_791 : vector<16x1024xi32>
      %xor3A_793 = arith.xori %add3A_786, %add3A_792 : vector<16x1024xi32>
      %shift_right_logical3A_794 = arith.constant 9 : i32
      %shift_right_logical3A_795 = vector.broadcast %shift_right_logical3A_794 : i32 to vector<16x1024xi32>
      %shift_right_logical3A_796 = arith.shrui %xor3A_793, %shift_right_logical3A_795 : vector<16x1024xi32>
      %or3A_797 = arith.constant 1065353216 : i32
      %or3A_798 = vector.broadcast %or3A_797 : i32 to vector<16x1024xi32>
      %or3A_799 = arith.ori %shift_right_logical3A_796, %or3A_798 : vector<16x1024xi32>
      %bitcast_convert_type3A_800 = tpu.bitcast %or3A_799 : vector<16x1024xi32> -> vector<16x1024xf32>
      %sub3A_801 = arith.constant 1.000000e+00 : f32
      %sub3A_802 = vector.broadcast %sub3A_801 : f32 to vector<16x1024xf32>
      %sub3A_803 = arith.subf %bitcast_convert_type3A_800, %sub3A_802 : vector<16x1024xf32>
      %add3A_804 = arith.constant 1.17549435E-38 : f32
      %add3A_805 = vector.broadcast %add3A_804 : f32 to vector<16x1024xf32>
      %add3A_806 = arith.addf %sub3A_803, %add3A_805 : vector<16x1024xf32>
      %max3A_807 = arith.constant 1.17549435E-38 : f32
      %max3A_808 = vector.broadcast %max3A_807 : f32 to vector<16x1024xf32>
      %max3A_809 = arith.maximumf %max3A_808, %add3A_806 : vector<16x1024xf32>
      %log3A_810 = math.log %max3A_809 : vector<16x1024xf32>
      %neg3A_811 = arith.constant 0.000000e+00 : f32
      %neg3A_812 = vector.broadcast %neg3A_811 : f32 to vector<16x1024xf32>
      %neg3A_813 = arith.subf %neg3A_812, %log3A_810 : vector<16x1024xf32>
      %log3A_814 = math.log %neg3A_813 : vector<16x1024xf32>
      %neg3A_815 = arith.constant 0.000000e+00 : f32
      %neg3A_816 = vector.broadcast %neg3A_815 : f32 to vector<16x1024xf32>
      %neg3A_817 = arith.subf %neg3A_816, %log3A_814 : vector<16x1024xf32>
      %get3A_818 = arith.constant 0 : index
      %get3A_819 = arith.index_cast %add3A_562 : i32 to index
      %get3A_820 = vector.load %arg1[%get3A_818, %get3A_819] : memref<16x100000xf32, #tpu.memory_space<vmem>>, vector<16x1024xf32>
      %add3A_821 = arith.addf %neg3A_817, %get3A_820 : vector<16x1024xf32>
      %gt3A_822 = arith.cmpf ogt, %add3A_821, %select_n3A_555 : vector<16x1024xf32>
      %select_n3A_823 = arith.select %gt3A_822, %add3A_821, %select_n3A_555 : vector<16x1024xi1>, vector<16x1024xf32>
      %select_n3A_824 = arith.select %gt3A_822, %add3A_564, %select_n3A_556 : vector<16x1024xi1>, vector<16x1024xi32>
      %scan3A_825 = arith.constant 2 : i32
      %scan3A_826 = arith.addi %scan3A_288, %scan3A_825 : i32
      %mul3A_827 = arith.constant 1024 : i32
      %mul3A_828 = arith.muli %scan3A_826, %mul3A_827 : i32
      %add3A_829 = arith.constant 33792 : i32
      %add3A_830 = arith.addi %add3A_829, %mul3A_828 : i32
      %add3A_831 = vector.broadcast %add3A_830 : i32 to vector<16x1024xi32>
      %add3A_832 = arith.addi %iota3A_2, %add3A_831 : vector<16x1024xi32>
      %add3A_833 = arith.addi %mul3A_5, %add3A_832 : vector<16x1024xi32>
      %add3A_834 = arith.constant 42 : i32
      %add3A_835 = vector.broadcast %add3A_834 : i32 to vector<16x1024xi32>
      %add3A_836 = arith.addi %add3A_833, %add3A_835 : vector<16x1024xi32>
      %shift_left3A_837 = arith.constant 13 : i32
      %shift_left3A_838 = vector.broadcast %shift_left3A_837 : i32 to vector<16x1024xi32>
      %shift_left3A_839 = arith.shli %add3A_836, %shift_left3A_838 : vector<16x1024xi32>
      %shift_right_logical3A_840 = arith.constant 19 : i32
      %shift_right_logical3A_841 = vector.broadcast %shift_right_logical3A_840 : i32 to vector<16x1024xi32>
      %shift_right_logical3A_842 = arith.shrui %add3A_836, %shift_right_logical3A_841 : vector<16x1024xi32>
      %or3A_843 = arith.ori %shift_left3A_839, %shift_right_logical3A_842 : vector<16x1024xi32>
      %xor3A_844 = arith.xori %add3A_836, %or3A_843 : vector<16x1024xi32>
      %add3A_845 = arith.addi %add3A_836, %xor3A_844 : vector<16x1024xi32>
      %shift_left3A_846 = arith.constant 15 : i32
      %shift_left3A_847 = vector.broadcast %shift_left3A_846 : i32 to vector<16x1024xi32>
      %shift_left3A_848 = arith.shli %xor3A_844, %shift_left3A_847 : vector<16x1024xi32>
      %shift_right_logical3A_849 = arith.constant 17 : i32
      %shift_right_logical3A_850 = vector.broadcast %shift_right_logical3A_849 : i32 to vector<16x1024xi32>
      %shift_right_logical3A_851 = arith.shrui %xor3A_844, %shift_right_logical3A_850 : vector<16x1024xi32>
      %or3A_852 = arith.ori %shift_left3A_848, %shift_right_logical3A_851 : vector<16x1024xi32>
      %xor3A_853 = arith.xori %add3A_845, %or3A_852 : vector<16x1024xi32>
      %add3A_854 = arith.addi %add3A_845, %xor3A_853 : vector<16x1024xi32>
      %shift_left3A_855 = arith.constant 26 : i32
      %shift_left3A_856 = vector.broadcast %shift_left3A_855 : i32 to vector<16x1024xi32>
      %shift_left3A_857 = arith.shli %xor3A_853, %shift_left3A_856 : vector<16x1024xi32>
      %shift_right_logical3A_858 = arith.constant 6 : i32
      %shift_right_logical3A_859 = vector.broadcast %shift_right_logical3A_858 : i32 to vector<16x1024xi32>
      %shift_right_logical3A_860 = arith.shrui %xor3A_853, %shift_right_logical3A_859 : vector<16x1024xi32>
      %or3A_861 = arith.ori %shift_left3A_857, %shift_right_logical3A_860 : vector<16x1024xi32>
      %xor3A_862 = arith.xori %add3A_854, %or3A_861 : vector<16x1024xi32>
      %add3A_863 = arith.addi %add3A_854, %xor3A_862 : vector<16x1024xi32>
      %shift_left3A_864 = arith.constant 6 : i32
      %shift_left3A_865 = vector.broadcast %shift_left3A_864 : i32 to vector<16x1024xi32>
      %shift_left3A_866 = arith.shli %xor3A_862, %shift_left3A_865 : vector<16x1024xi32>
      %shift_right_logical3A_867 = arith.constant 26 : i32
      %shift_right_logical3A_868 = vector.broadcast %shift_right_logical3A_867 : i32 to vector<16x1024xi32>
      %shift_right_logical3A_869 = arith.shrui %xor3A_862, %shift_right_logical3A_868 : vector<16x1024xi32>
      %or3A_870 = arith.ori %shift_left3A_866, %shift_right_logical3A_869 : vector<16x1024xi32>
      %xor3A_871 = arith.xori %add3A_863, %or3A_870 : vector<16x1024xi32>
      %add3A_872 = arith.constant 42 : i32
      %add3A_873 = vector.broadcast %add3A_872 : i32 to vector<16x1024xi32>
      %add3A_874 = arith.addi %add3A_863, %add3A_873 : vector<16x1024xi32>
      %add3A_875 = arith.constant 466689008 : i32
      %add3A_876 = vector.broadcast %add3A_875 : i32 to vector<16x1024xi32>
      %add3A_877 = arith.addi %xor3A_871, %add3A_876 : vector<16x1024xi32>
      %add3A_878 = arith.constant 1 : i32
      %add3A_879 = vector.broadcast %add3A_878 : i32 to vector<16x1024xi32>
      %add3A_880 = arith.addi %add3A_877, %add3A_879 : vector<16x1024xi32>
      %add3A_881 = arith.addi %add3A_874, %add3A_880 : vector<16x1024xi32>
      %shift_left3A_882 = arith.constant 17 : i32
      %shift_left3A_883 = vector.broadcast %shift_left3A_882 : i32 to vector<16x1024xi32>
      %shift_left3A_884 = arith.shli %add3A_880, %shift_left3A_883 : vector<16x1024xi32>
      %shift_right_logical3A_885 = arith.constant 15 : i32
      %shift_right_logical3A_886 = vector.broadcast %shift_right_logical3A_885 : i32 to vector<16x1024xi32>
      %shift_right_logical3A_887 = arith.shrui %add3A_880, %shift_right_logical3A_886 : vector<16x1024xi32>
      %or3A_888 = arith.ori %shift_left3A_884, %shift_right_logical3A_887 : vector<16x1024xi32>
      %xor3A_889 = arith.xori %add3A_881, %or3A_888 : vector<16x1024xi32>
      %add3A_890 = arith.addi %add3A_881, %xor3A_889 : vector<16x1024xi32>
      %shift_left3A_891 = arith.constant 29 : i32
      %shift_left3A_892 = vector.broadcast %shift_left3A_891 : i32 to vector<16x1024xi32>
      %shift_left3A_893 = arith.shli %xor3A_889, %shift_left3A_892 : vector<16x1024xi32>
      %shift_right_logical3A_894 = arith.constant 3 : i32
      %shift_right_logical3A_895 = vector.broadcast %shift_right_logical3A_894 : i32 to vector<16x1024xi32>
      %shift_right_logical3A_896 = arith.shrui %xor3A_889, %shift_right_logical3A_895 : vector<16x1024xi32>
      %or3A_897 = arith.ori %shift_left3A_893, %shift_right_logical3A_896 : vector<16x1024xi32>
      %xor3A_898 = arith.xori %add3A_890, %or3A_897 : vector<16x1024xi32>
      %add3A_899 = arith.addi %add3A_890, %xor3A_898 : vector<16x1024xi32>
      %shift_left3A_900 = arith.constant 16 : i32
      %shift_left3A_901 = vector.broadcast %shift_left3A_900 : i32 to vector<16x1024xi32>
      %shift_left3A_902 = arith.shli %xor3A_898, %shift_left3A_901 : vector<16x1024xi32>
      %shift_right_logical3A_903 = arith.constant 16 : i32
      %shift_right_logical3A_904 = vector.broadcast %shift_right_logical3A_903 : i32 to vector<16x1024xi32>
      %shift_right_logical3A_905 = arith.shrui %xor3A_898, %shift_right_logical3A_904 : vector<16x1024xi32>
      %or3A_906 = arith.ori %shift_left3A_902, %shift_right_logical3A_905 : vector<16x1024xi32>
      %xor3A_907 = arith.xori %add3A_899, %or3A_906 : vector<16x1024xi32>
      %add3A_908 = arith.addi %add3A_899, %xor3A_907 : vector<16x1024xi32>
      %shift_left3A_909 = arith.constant 24 : i32
      %shift_left3A_910 = vector.broadcast %shift_left3A_909 : i32 to vector<16x1024xi32>
      %shift_left3A_911 = arith.shli %xor3A_907, %shift_left3A_910 : vector<16x1024xi32>
      %shift_right_logical3A_912 = arith.constant 8 : i32
      %shift_right_logical3A_913 = vector.broadcast %shift_right_logical3A_912 : i32 to vector<16x1024xi32>
      %shift_right_logical3A_914 = arith.shrui %xor3A_907, %shift_right_logical3A_913 : vector<16x1024xi32>
      %or3A_915 = arith.ori %shift_left3A_911, %shift_right_logical3A_914 : vector<16x1024xi32>
      %xor3A_916 = arith.xori %add3A_908, %or3A_915 : vector<16x1024xi32>
      %add3A_917 = arith.constant 466689008 : i32
      %add3A_918 = vector.broadcast %add3A_917 : i32 to vector<16x1024xi32>
      %add3A_919 = arith.addi %add3A_908, %add3A_918 : vector<16x1024xi32>
      %add3A_920 = arith.constant 0 : i32
      %add3A_921 = vector.broadcast %add3A_920 : i32 to vector<16x1024xi32>
      %add3A_922 = arith.addi %xor3A_916, %add3A_921 : vector<16x1024xi32>
      %add3A_923 = arith.constant 2 : i32
      %add3A_924 = vector.broadcast %add3A_923 : i32 to vector<16x1024xi32>
      %add3A_925 = arith.addi %add3A_922, %add3A_924 : vector<16x1024xi32>
      %add3A_926 = arith.addi %add3A_919, %add3A_925 : vector<16x1024xi32>
      %shift_left3A_927 = arith.constant 13 : i32
      %shift_left3A_928 = vector.broadcast %shift_left3A_927 : i32 to vector<16x1024xi32>
      %shift_left3A_929 = arith.shli %add3A_925, %shift_left3A_928 : vector<16x1024xi32>
      %shift_right_logical3A_930 = arith.constant 19 : i32
      %shift_right_logical3A_931 = vector.broadcast %shift_right_logical3A_930 : i32 to vector<16x1024xi32>
      %shift_right_logical3A_932 = arith.shrui %add3A_925, %shift_right_logical3A_931 : vector<16x1024xi32>
      %or3A_933 = arith.ori %shift_left3A_929, %shift_right_logical3A_932 : vector<16x1024xi32>
      %xor3A_934 = arith.xori %add3A_926, %or3A_933 : vector<16x1024xi32>
      %add3A_935 = arith.addi %add3A_926, %xor3A_934 : vector<16x1024xi32>
      %shift_left3A_936 = arith.constant 15 : i32
      %shift_left3A_937 = vector.broadcast %shift_left3A_936 : i32 to vector<16x1024xi32>
      %shift_left3A_938 = arith.shli %xor3A_934, %shift_left3A_937 : vector<16x1024xi32>
      %shift_right_logical3A_939 = arith.constant 17 : i32
      %shift_right_logical3A_940 = vector.broadcast %shift_right_logical3A_939 : i32 to vector<16x1024xi32>
      %shift_right_logical3A_941 = arith.shrui %xor3A_934, %shift_right_logical3A_940 : vector<16x1024xi32>
      %or3A_942 = arith.ori %shift_left3A_938, %shift_right_logical3A_941 : vector<16x1024xi32>
      %xor3A_943 = arith.xori %add3A_935, %or3A_942 : vector<16x1024xi32>
      %add3A_944 = arith.addi %add3A_935, %xor3A_943 : vector<16x1024xi32>
      %shift_left3A_945 = arith.constant 26 : i32
      %shift_left3A_946 = vector.broadcast %shift_left3A_945 : i32 to vector<16x1024xi32>
      %shift_left3A_947 = arith.shli %xor3A_943, %shift_left3A_946 : vector<16x1024xi32>
      %shift_right_logical3A_948 = arith.constant 6 : i32
      %shift_right_logical3A_949 = vector.broadcast %shift_right_logical3A_948 : i32 to vector<16x1024xi32>
      %shift_right_logical3A_950 = arith.shrui %xor3A_943, %shift_right_logical3A_949 : vector<16x1024xi32>
      %or3A_951 = arith.ori %shift_left3A_947, %shift_right_logical3A_950 : vector<16x1024xi32>
      %xor3A_952 = arith.xori %add3A_944, %or3A_951 : vector<16x1024xi32>
      %add3A_953 = arith.addi %add3A_944, %xor3A_952 : vector<16x1024xi32>
      %shift_left3A_954 = arith.constant 6 : i32
      %shift_left3A_955 = vector.broadcast %shift_left3A_954 : i32 to vector<16x1024xi32>
      %shift_left3A_956 = arith.shli %xor3A_952, %shift_left3A_955 : vector<16x1024xi32>
      %shift_right_logical3A_957 = arith.constant 26 : i32
      %shift_right_logical3A_958 = vector.broadcast %shift_right_logical3A_957 : i32 to vector<16x1024xi32>
      %shift_right_logical3A_959 = arith.shrui %xor3A_952, %shift_right_logical3A_958 : vector<16x1024xi32>
      %or3A_960 = arith.ori %shift_left3A_956, %shift_right_logical3A_959 : vector<16x1024xi32>
      %xor3A_961 = arith.xori %add3A_953, %or3A_960 : vector<16x1024xi32>
      %add3A_962 = arith.constant 0 : i32
      %add3A_963 = vector.broadcast %add3A_962 : i32 to vector<16x1024xi32>
      %add3A_964 = arith.addi %add3A_953, %add3A_963 : vector<16x1024xi32>
      %add3A_965 = arith.constant 42 : i32
      %add3A_966 = vector.broadcast %add3A_965 : i32 to vector<16x1024xi32>
      %add3A_967 = arith.addi %xor3A_961, %add3A_966 : vector<16x1024xi32>
      %add3A_968 = arith.constant 3 : i32
      %add3A_969 = vector.broadcast %add3A_968 : i32 to vector<16x1024xi32>
      %add3A_970 = arith.addi %add3A_967, %add3A_969 : vector<16x1024xi32>
      %add3A_971 = arith.addi %add3A_964, %add3A_970 : vector<16x1024xi32>
      %shift_left3A_972 = arith.constant 17 : i32
      %shift_left3A_973 = vector.broadcast %shift_left3A_972 : i32 to vector<16x1024xi32>
      %shift_left3A_974 = arith.shli %add3A_970, %shift_left3A_973 : vector<16x1024xi32>
      %shift_right_logical3A_975 = arith.constant 15 : i32
      %shift_right_logical3A_976 = vector.broadcast %shift_right_logical3A_975 : i32 to vector<16x1024xi32>
      %shift_right_logical3A_977 = arith.shrui %add3A_970, %shift_right_logical3A_976 : vector<16x1024xi32>
      %or3A_978 = arith.ori %shift_left3A_974, %shift_right_logical3A_977 : vector<16x1024xi32>
      %xor3A_979 = arith.xori %add3A_971, %or3A_978 : vector<16x1024xi32>
      %add3A_980 = arith.addi %add3A_971, %xor3A_979 : vector<16x1024xi32>
      %shift_left3A_981 = arith.constant 29 : i32
      %shift_left3A_982 = vector.broadcast %shift_left3A_981 : i32 to vector<16x1024xi32>
      %shift_left3A_983 = arith.shli %xor3A_979, %shift_left3A_982 : vector<16x1024xi32>
      %shift_right_logical3A_984 = arith.constant 3 : i32
      %shift_right_logical3A_985 = vector.broadcast %shift_right_logical3A_984 : i32 to vector<16x1024xi32>
      %shift_right_logical3A_986 = arith.shrui %xor3A_979, %shift_right_logical3A_985 : vector<16x1024xi32>
      %or3A_987 = arith.ori %shift_left3A_983, %shift_right_logical3A_986 : vector<16x1024xi32>
      %xor3A_988 = arith.xori %add3A_980, %or3A_987 : vector<16x1024xi32>
      %add3A_989 = arith.addi %add3A_980, %xor3A_988 : vector<16x1024xi32>
      %shift_left3A_990 = arith.constant 16 : i32
      %shift_left3A_991 = vector.broadcast %shift_left3A_990 : i32 to vector<16x1024xi32>
      %shift_left3A_992 = arith.shli %xor3A_988, %shift_left3A_991 : vector<16x1024xi32>
      %shift_right_logical3A_993 = arith.constant 16 : i32
      %shift_right_logical3A_994 = vector.broadcast %shift_right_logical3A_993 : i32 to vector<16x1024xi32>
      %shift_right_logical3A_995 = arith.shrui %xor3A_988, %shift_right_logical3A_994 : vector<16x1024xi32>
      %or3A_996 = arith.ori %shift_left3A_992, %shift_right_logical3A_995 : vector<16x1024xi32>
      %xor3A_997 = arith.xori %add3A_989, %or3A_996 : vector<16x1024xi32>
      %add3A_998 = arith.addi %add3A_989, %xor3A_997 : vector<16x1024xi32>
      %shift_left3A_999 = arith.constant 24 : i32
      %shift_left3A_1000 = vector.broadcast %shift_left3A_999 : i32 to vector<16x1024xi32>
      %shift_left3A_1001 = arith.shli %xor3A_997, %shift_left3A_1000 : vector<16x1024xi32>
      %shift_right_logical3A_1002 = arith.constant 8 : i32
      %shift_right_logical3A_1003 = vector.broadcast %shift_right_logical3A_1002 : i32 to vector<16x1024xi32>
      %shift_right_logical3A_1004 = arith.shrui %xor3A_997, %shift_right_logical3A_1003 : vector<16x1024xi32>
      %or3A_1005 = arith.ori %shift_left3A_1001, %shift_right_logical3A_1004 : vector<16x1024xi32>
      %xor3A_1006 = arith.xori %add3A_998, %or3A_1005 : vector<16x1024xi32>
      %add3A_1007 = arith.constant 42 : i32
      %add3A_1008 = vector.broadcast %add3A_1007 : i32 to vector<16x1024xi32>
      %add3A_1009 = arith.addi %add3A_998, %add3A_1008 : vector<16x1024xi32>
      %add3A_1010 = arith.constant 466689008 : i32
      %add3A_1011 = vector.broadcast %add3A_1010 : i32 to vector<16x1024xi32>
      %add3A_1012 = arith.addi %xor3A_1006, %add3A_1011 : vector<16x1024xi32>
      %add3A_1013 = arith.constant 4 : i32
      %add3A_1014 = vector.broadcast %add3A_1013 : i32 to vector<16x1024xi32>
      %add3A_1015 = arith.addi %add3A_1012, %add3A_1014 : vector<16x1024xi32>
      %add3A_1016 = arith.addi %add3A_1009, %add3A_1015 : vector<16x1024xi32>
      %shift_left3A_1017 = arith.constant 13 : i32
      %shift_left3A_1018 = vector.broadcast %shift_left3A_1017 : i32 to vector<16x1024xi32>
      %shift_left3A_1019 = arith.shli %add3A_1015, %shift_left3A_1018 : vector<16x1024xi32>
      %shift_right_logical3A_1020 = arith.constant 19 : i32
      %shift_right_logical3A_1021 = vector.broadcast %shift_right_logical3A_1020 : i32 to vector<16x1024xi32>
      %shift_right_logical3A_1022 = arith.shrui %add3A_1015, %shift_right_logical3A_1021 : vector<16x1024xi32>
      %or3A_1023 = arith.ori %shift_left3A_1019, %shift_right_logical3A_1022 : vector<16x1024xi32>
      %xor3A_1024 = arith.xori %add3A_1016, %or3A_1023 : vector<16x1024xi32>
      %add3A_1025 = arith.addi %add3A_1016, %xor3A_1024 : vector<16x1024xi32>
      %shift_left3A_1026 = arith.constant 15 : i32
      %shift_left3A_1027 = vector.broadcast %shift_left3A_1026 : i32 to vector<16x1024xi32>
      %shift_left3A_1028 = arith.shli %xor3A_1024, %shift_left3A_1027 : vector<16x1024xi32>
      %shift_right_logical3A_1029 = arith.constant 17 : i32
      %shift_right_logical3A_1030 = vector.broadcast %shift_right_logical3A_1029 : i32 to vector<16x1024xi32>
      %shift_right_logical3A_1031 = arith.shrui %xor3A_1024, %shift_right_logical3A_1030 : vector<16x1024xi32>
      %or3A_1032 = arith.ori %shift_left3A_1028, %shift_right_logical3A_1031 : vector<16x1024xi32>
      %xor3A_1033 = arith.xori %add3A_1025, %or3A_1032 : vector<16x1024xi32>
      %add3A_1034 = arith.addi %add3A_1025, %xor3A_1033 : vector<16x1024xi32>
      %shift_left3A_1035 = arith.constant 26 : i32
      %shift_left3A_1036 = vector.broadcast %shift_left3A_1035 : i32 to vector<16x1024xi32>
      %shift_left3A_1037 = arith.shli %xor3A_1033, %shift_left3A_1036 : vector<16x1024xi32>
      %shift_right_logical3A_1038 = arith.constant 6 : i32
      %shift_right_logical3A_1039 = vector.broadcast %shift_right_logical3A_1038 : i32 to vector<16x1024xi32>
      %shift_right_logical3A_1040 = arith.shrui %xor3A_1033, %shift_right_logical3A_1039 : vector<16x1024xi32>
      %or3A_1041 = arith.ori %shift_left3A_1037, %shift_right_logical3A_1040 : vector<16x1024xi32>
      %xor3A_1042 = arith.xori %add3A_1034, %or3A_1041 : vector<16x1024xi32>
      %add3A_1043 = arith.addi %add3A_1034, %xor3A_1042 : vector<16x1024xi32>
      %shift_left3A_1044 = arith.constant 6 : i32
      %shift_left3A_1045 = vector.broadcast %shift_left3A_1044 : i32 to vector<16x1024xi32>
      %shift_left3A_1046 = arith.shli %xor3A_1042, %shift_left3A_1045 : vector<16x1024xi32>
      %shift_right_logical3A_1047 = arith.constant 26 : i32
      %shift_right_logical3A_1048 = vector.broadcast %shift_right_logical3A_1047 : i32 to vector<16x1024xi32>
      %shift_right_logical3A_1049 = arith.shrui %xor3A_1042, %shift_right_logical3A_1048 : vector<16x1024xi32>
      %or3A_1050 = arith.ori %shift_left3A_1046, %shift_right_logical3A_1049 : vector<16x1024xi32>
      %xor3A_1051 = arith.xori %add3A_1043, %or3A_1050 : vector<16x1024xi32>
      %add3A_1052 = arith.constant 466689008 : i32
      %add3A_1053 = vector.broadcast %add3A_1052 : i32 to vector<16x1024xi32>
      %add3A_1054 = arith.addi %add3A_1043, %add3A_1053 : vector<16x1024xi32>
      %add3A_1055 = arith.constant 0 : i32
      %add3A_1056 = vector.broadcast %add3A_1055 : i32 to vector<16x1024xi32>
      %add3A_1057 = arith.addi %xor3A_1051, %add3A_1056 : vector<16x1024xi32>
      %add3A_1058 = arith.constant 5 : i32
      %add3A_1059 = vector.broadcast %add3A_1058 : i32 to vector<16x1024xi32>
      %add3A_1060 = arith.addi %add3A_1057, %add3A_1059 : vector<16x1024xi32>
      %xor3A_1061 = arith.xori %add3A_1054, %add3A_1060 : vector<16x1024xi32>
      %shift_right_logical3A_1062 = arith.constant 9 : i32
      %shift_right_logical3A_1063 = vector.broadcast %shift_right_logical3A_1062 : i32 to vector<16x1024xi32>
      %shift_right_logical3A_1064 = arith.shrui %xor3A_1061, %shift_right_logical3A_1063 : vector<16x1024xi32>
      %or3A_1065 = arith.constant 1065353216 : i32
      %or3A_1066 = vector.broadcast %or3A_1065 : i32 to vector<16x1024xi32>
      %or3A_1067 = arith.ori %shift_right_logical3A_1064, %or3A_1066 : vector<16x1024xi32>
      %bitcast_convert_type3A_1068 = tpu.bitcast %or3A_1067 : vector<16x1024xi32> -> vector<16x1024xf32>
      %sub3A_1069 = arith.constant 1.000000e+00 : f32
      %sub3A_1070 = vector.broadcast %sub3A_1069 : f32 to vector<16x1024xf32>
      %sub3A_1071 = arith.subf %bitcast_convert_type3A_1068, %sub3A_1070 : vector<16x1024xf32>
      %add3A_1072 = arith.constant 1.17549435E-38 : f32
      %add3A_1073 = vector.broadcast %add3A_1072 : f32 to vector<16x1024xf32>
      %add3A_1074 = arith.addf %sub3A_1071, %add3A_1073 : vector<16x1024xf32>
      %max3A_1075 = arith.constant 1.17549435E-38 : f32
      %max3A_1076 = vector.broadcast %max3A_1075 : f32 to vector<16x1024xf32>
      %max3A_1077 = arith.maximumf %max3A_1076, %add3A_1074 : vector<16x1024xf32>
      %log3A_1078 = math.log %max3A_1077 : vector<16x1024xf32>
      %neg3A_1079 = arith.constant 0.000000e+00 : f32
      %neg3A_1080 = vector.broadcast %neg3A_1079 : f32 to vector<16x1024xf32>
      %neg3A_1081 = arith.subf %neg3A_1080, %log3A_1078 : vector<16x1024xf32>
      %log3A_1082 = math.log %neg3A_1081 : vector<16x1024xf32>
      %neg3A_1083 = arith.constant 0.000000e+00 : f32
      %neg3A_1084 = vector.broadcast %neg3A_1083 : f32 to vector<16x1024xf32>
      %neg3A_1085 = arith.subf %neg3A_1084, %log3A_1082 : vector<16x1024xf32>
      %get3A_1086 = arith.constant 0 : index
      %get3A_1087 = arith.index_cast %add3A_830 : i32 to index
      %get3A_1088 = vector.load %arg1[%get3A_1086, %get3A_1087] : memref<16x100000xf32, #tpu.memory_space<vmem>>, vector<16x1024xf32>
      %add3A_1089 = arith.addf %neg3A_1085, %get3A_1088 : vector<16x1024xf32>
      %gt3A_1090 = arith.cmpf ogt, %add3A_1089, %select_n3A_823 : vector<16x1024xf32>
      %select_n3A_1091 = arith.select %gt3A_1090, %add3A_1089, %select_n3A_823 : vector<16x1024xi1>, vector<16x1024xf32>
      %select_n3A_1092 = arith.select %gt3A_1090, %add3A_832, %select_n3A_824 : vector<16x1024xi1>, vector<16x1024xi32>
      %scan3A_1093 = arith.constant 3 : i32
      %scan3A_1094 = arith.addi %scan3A_288, %scan3A_1093 : i32
      %mul3A_1095 = arith.constant 1024 : i32
      %mul3A_1096 = arith.muli %scan3A_1094, %mul3A_1095 : i32
      %add3A_1097 = arith.constant 33792 : i32
      %add3A_1098 = arith.addi %add3A_1097, %mul3A_1096 : i32
      %add3A_1099 = vector.broadcast %add3A_1098 : i32 to vector<16x1024xi32>
      %add3A_1100 = arith.addi %iota3A_2, %add3A_1099 : vector<16x1024xi32>
      %add3A_1101 = arith.addi %mul3A_5, %add3A_1100 : vector<16x1024xi32>
      %add3A_1102 = arith.constant 42 : i32
      %add3A_1103 = vector.broadcast %add3A_1102 : i32 to vector<16x1024xi32>
      %add3A_1104 = arith.addi %add3A_1101, %add3A_1103 : vector<16x1024xi32>
      %shift_left3A_1105 = arith.constant 13 : i32
      %shift_left3A_1106 = vector.broadcast %shift_left3A_1105 : i32 to vector<16x1024xi32>
      %shift_left3A_1107 = arith.shli %add3A_1104, %shift_left3A_1106 : vector<16x1024xi32>
      %shift_right_logical3A_1108 = arith.constant 19 : i32
      %shift_right_logical3A_1109 = vector.broadcast %shift_right_logical3A_1108 : i32 to vector<16x1024xi32>
      %shift_right_logical3A_1110 = arith.shrui %add3A_1104, %shift_right_logical3A_1109 : vector<16x1024xi32>
      %or3A_1111 = arith.ori %shift_left3A_1107, %shift_right_logical3A_1110 : vector<16x1024xi32>
      %xor3A_1112 = arith.xori %add3A_1104, %or3A_1111 : vector<16x1024xi32>
      %add3A_1113 = arith.addi %add3A_1104, %xor3A_1112 : vector<16x1024xi32>
      %shift_left3A_1114 = arith.constant 15 : i32
      %shift_left3A_1115 = vector.broadcast %shift_left3A_1114 : i32 to vector<16x1024xi32>
      %shift_left3A_1116 = arith.shli %xor3A_1112, %shift_left3A_1115 : vector<16x1024xi32>
      %shift_right_logical3A_1117 = arith.constant 17 : i32
      %shift_right_logical3A_1118 = vector.broadcast %shift_right_logical3A_1117 : i32 to vector<16x1024xi32>
      %shift_right_logical3A_1119 = arith.shrui %xor3A_1112, %shift_right_logical3A_1118 : vector<16x1024xi32>
      %or3A_1120 = arith.ori %shift_left3A_1116, %shift_right_logical3A_1119 : vector<16x1024xi32>
      %xor3A_1121 = arith.xori %add3A_1113, %or3A_1120 : vector<16x1024xi32>
      %add3A_1122 = arith.addi %add3A_1113, %xor3A_1121 : vector<16x1024xi32>
      %shift_left3A_1123 = arith.constant 26 : i32
      %shift_left3A_1124 = vector.broadcast %shift_left3A_1123 : i32 to vector<16x1024xi32>
      %shift_left3A_1125 = arith.shli %xor3A_1121, %shift_left3A_1124 : vector<16x1024xi32>
      %shift_right_logical3A_1126 = arith.constant 6 : i32
      %shift_right_logical3A_1127 = vector.broadcast %shift_right_logical3A_1126 : i32 to vector<16x1024xi32>
      %shift_right_logical3A_1128 = arith.shrui %xor3A_1121, %shift_right_logical3A_1127 : vector<16x1024xi32>
      %or3A_1129 = arith.ori %shift_left3A_1125, %shift_right_logical3A_1128 : vector<16x1024xi32>
      %xor3A_1130 = arith.xori %add3A_1122, %or3A_1129 : vector<16x1024xi32>
      %add3A_1131 = arith.addi %add3A_1122, %xor3A_1130 : vector<16x1024xi32>
      %shift_left3A_1132 = arith.constant 6 : i32
      %shift_left3A_1133 = vector.broadcast %shift_left3A_1132 : i32 to vector<16x1024xi32>
      %shift_left3A_1134 = arith.shli %xor3A_1130, %shift_left3A_1133 : vector<16x1024xi32>
      %shift_right_logical3A_1135 = arith.constant 26 : i32
      %shift_right_logical3A_1136 = vector.broadcast %shift_right_logical3A_1135 : i32 to vector<16x1024xi32>
      %shift_right_logical3A_1137 = arith.shrui %xor3A_1130, %shift_right_logical3A_1136 : vector<16x1024xi32>
      %or3A_1138 = arith.ori %shift_left3A_1134, %shift_right_logical3A_1137 : vector<16x1024xi32>
      %xor3A_1139 = arith.xori %add3A_1131, %or3A_1138 : vector<16x1024xi32>
      %add3A_1140 = arith.constant 42 : i32
      %add3A_1141 = vector.broadcast %add3A_1140 : i32 to vector<16x1024xi32>
      %add3A_1142 = arith.addi %add3A_1131, %add3A_1141 : vector<16x1024xi32>
      %add3A_1143 = arith.constant 466689008 : i32
      %add3A_1144 = vector.broadcast %add3A_1143 : i32 to vector<16x1024xi32>
      %add3A_1145 = arith.addi %xor3A_1139, %add3A_1144 : vector<16x1024xi32>
      %add3A_1146 = arith.constant 1 : i32
      %add3A_1147 = vector.broadcast %add3A_1146 : i32 to vector<16x1024xi32>
      %add3A_1148 = arith.addi %add3A_1145, %add3A_1147 : vector<16x1024xi32>
      %add3A_1149 = arith.addi %add3A_1142, %add3A_1148 : vector<16x1024xi32>
      %shift_left3A_1150 = arith.constant 17 : i32
      %shift_left3A_1151 = vector.broadcast %shift_left3A_1150 : i32 to vector<16x1024xi32>
      %shift_left3A_1152 = arith.shli %add3A_1148, %shift_left3A_1151 : vector<16x1024xi32>
      %shift_right_logical3A_1153 = arith.constant 15 : i32
      %shift_right_logical3A_1154 = vector.broadcast %shift_right_logical3A_1153 : i32 to vector<16x1024xi32>
      %shift_right_logical3A_1155 = arith.shrui %add3A_1148, %shift_right_logical3A_1154 : vector<16x1024xi32>
      %or3A_1156 = arith.ori %shift_left3A_1152, %shift_right_logical3A_1155 : vector<16x1024xi32>
      %xor3A_1157 = arith.xori %add3A_1149, %or3A_1156 : vector<16x1024xi32>
      %add3A_1158 = arith.addi %add3A_1149, %xor3A_1157 : vector<16x1024xi32>
      %shift_left3A_1159 = arith.constant 29 : i32
      %shift_left3A_1160 = vector.broadcast %shift_left3A_1159 : i32 to vector<16x1024xi32>
      %shift_left3A_1161 = arith.shli %xor3A_1157, %shift_left3A_1160 : vector<16x1024xi32>
      %shift_right_logical3A_1162 = arith.constant 3 : i32
      %shift_right_logical3A_1163 = vector.broadcast %shift_right_logical3A_1162 : i32 to vector<16x1024xi32>
      %shift_right_logical3A_1164 = arith.shrui %xor3A_1157, %shift_right_logical3A_1163 : vector<16x1024xi32>
      %or3A_1165 = arith.ori %shift_left3A_1161, %shift_right_logical3A_1164 : vector<16x1024xi32>
      %xor3A_1166 = arith.xori %add3A_1158, %or3A_1165 : vector<16x1024xi32>
      %add3A_1167 = arith.addi %add3A_1158, %xor3A_1166 : vector<16x1024xi32>
      %shift_left3A_1168 = arith.constant 16 : i32
      %shift_left3A_1169 = vector.broadcast %shift_left3A_1168 : i32 to vector<16x1024xi32>
      %shift_left3A_1170 = arith.shli %xor3A_1166, %shift_left3A_1169 : vector<16x1024xi32>
      %shift_right_logical3A_1171 = arith.constant 16 : i32
      %shift_right_logical3A_1172 = vector.broadcast %shift_right_logical3A_1171 : i32 to vector<16x1024xi32>
      %shift_right_logical3A_1173 = arith.shrui %xor3A_1166, %shift_right_logical3A_1172 : vector<16x1024xi32>
      %or3A_1174 = arith.ori %shift_left3A_1170, %shift_right_logical3A_1173 : vector<16x1024xi32>
      %xor3A_1175 = arith.xori %add3A_1167, %or3A_1174 : vector<16x1024xi32>
      %add3A_1176 = arith.addi %add3A_1167, %xor3A_1175 : vector<16x1024xi32>
      %shift_left3A_1177 = arith.constant 24 : i32
      %shift_left3A_1178 = vector.broadcast %shift_left3A_1177 : i32 to vector<16x1024xi32>
      %shift_left3A_1179 = arith.shli %xor3A_1175, %shift_left3A_1178 : vector<16x1024xi32>
      %shift_right_logical3A_1180 = arith.constant 8 : i32
      %shift_right_logical3A_1181 = vector.broadcast %shift_right_logical3A_1180 : i32 to vector<16x1024xi32>
      %shift_right_logical3A_1182 = arith.shrui %xor3A_1175, %shift_right_logical3A_1181 : vector<16x1024xi32>
      %or3A_1183 = arith.ori %shift_left3A_1179, %shift_right_logical3A_1182 : vector<16x1024xi32>
      %xor3A_1184 = arith.xori %add3A_1176, %or3A_1183 : vector<16x1024xi32>
      %add3A_1185 = arith.constant 466689008 : i32
      %add3A_1186 = vector.broadcast %add3A_1185 : i32 to vector<16x1024xi32>
      %add3A_1187 = arith.addi %add3A_1176, %add3A_1186 : vector<16x1024xi32>
      %add3A_1188 = arith.constant 0 : i32
      %add3A_1189 = vector.broadcast %add3A_1188 : i32 to vector<16x1024xi32>
      %add3A_1190 = arith.addi %xor3A_1184, %add3A_1189 : vector<16x1024xi32>
      %add3A_1191 = arith.constant 2 : i32
      %add3A_1192 = vector.broadcast %add3A_1191 : i32 to vector<16x1024xi32>
      %add3A_1193 = arith.addi %add3A_1190, %add3A_1192 : vector<16x1024xi32>
      %add3A_1194 = arith.addi %add3A_1187, %add3A_1193 : vector<16x1024xi32>
      %shift_left3A_1195 = arith.constant 13 : i32
      %shift_left3A_1196 = vector.broadcast %shift_left3A_1195 : i32 to vector<16x1024xi32>
      %shift_left3A_1197 = arith.shli %add3A_1193, %shift_left3A_1196 : vector<16x1024xi32>
      %shift_right_logical3A_1198 = arith.constant 19 : i32
      %shift_right_logical3A_1199 = vector.broadcast %shift_right_logical3A_1198 : i32 to vector<16x1024xi32>
      %shift_right_logical3A_1200 = arith.shrui %add3A_1193, %shift_right_logical3A_1199 : vector<16x1024xi32>
      %or3A_1201 = arith.ori %shift_left3A_1197, %shift_right_logical3A_1200 : vector<16x1024xi32>
      %xor3A_1202 = arith.xori %add3A_1194, %or3A_1201 : vector<16x1024xi32>
      %add3A_1203 = arith.addi %add3A_1194, %xor3A_1202 : vector<16x1024xi32>
      %shift_left3A_1204 = arith.constant 15 : i32
      %shift_left3A_1205 = vector.broadcast %shift_left3A_1204 : i32 to vector<16x1024xi32>
      %shift_left3A_1206 = arith.shli %xor3A_1202, %shift_left3A_1205 : vector<16x1024xi32>
      %shift_right_logical3A_1207 = arith.constant 17 : i32
      %shift_right_logical3A_1208 = vector.broadcast %shift_right_logical3A_1207 : i32 to vector<16x1024xi32>
      %shift_right_logical3A_1209 = arith.shrui %xor3A_1202, %shift_right_logical3A_1208 : vector<16x1024xi32>
      %or3A_1210 = arith.ori %shift_left3A_1206, %shift_right_logical3A_1209 : vector<16x1024xi32>
      %xor3A_1211 = arith.xori %add3A_1203, %or3A_1210 : vector<16x1024xi32>
      %add3A_1212 = arith.addi %add3A_1203, %xor3A_1211 : vector<16x1024xi32>
      %shift_left3A_1213 = arith.constant 26 : i32
      %shift_left3A_1214 = vector.broadcast %shift_left3A_1213 : i32 to vector<16x1024xi32>
      %shift_left3A_1215 = arith.shli %xor3A_1211, %shift_left3A_1214 : vector<16x1024xi32>
      %shift_right_logical3A_1216 = arith.constant 6 : i32
      %shift_right_logical3A_1217 = vector.broadcast %shift_right_logical3A_1216 : i32 to vector<16x1024xi32>
      %shift_right_logical3A_1218 = arith.shrui %xor3A_1211, %shift_right_logical3A_1217 : vector<16x1024xi32>
      %or3A_1219 = arith.ori %shift_left3A_1215, %shift_right_logical3A_1218 : vector<16x1024xi32>
      %xor3A_1220 = arith.xori %add3A_1212, %or3A_1219 : vector<16x1024xi32>
      %add3A_1221 = arith.addi %add3A_1212, %xor3A_1220 : vector<16x1024xi32>
      %shift_left3A_1222 = arith.constant 6 : i32
      %shift_left3A_1223 = vector.broadcast %shift_left3A_1222 : i32 to vector<16x1024xi32>
      %shift_left3A_1224 = arith.shli %xor3A_1220, %shift_left3A_1223 : vector<16x1024xi32>
      %shift_right_logical3A_1225 = arith.constant 26 : i32
      %shift_right_logical3A_1226 = vector.broadcast %shift_right_logical3A_1225 : i32 to vector<16x1024xi32>
      %shift_right_logical3A_1227 = arith.shrui %xor3A_1220, %shift_right_logical3A_1226 : vector<16x1024xi32>
      %or3A_1228 = arith.ori %shift_left3A_1224, %shift_right_logical3A_1227 : vector<16x1024xi32>
      %xor3A_1229 = arith.xori %add3A_1221, %or3A_1228 : vector<16x1024xi32>
      %add3A_1230 = arith.constant 0 : i32
      %add3A_1231 = vector.broadcast %add3A_1230 : i32 to vector<16x1024xi32>
      %add3A_1232 = arith.addi %add3A_1221, %add3A_1231 : vector<16x1024xi32>
      %add3A_1233 = arith.constant 42 : i32
      %add3A_1234 = vector.broadcast %add3A_1233 : i32 to vector<16x1024xi32>
      %add3A_1235 = arith.addi %xor3A_1229, %add3A_1234 : vector<16x1024xi32>
      %add3A_1236 = arith.constant 3 : i32
      %add3A_1237 = vector.broadcast %add3A_1236 : i32 to vector<16x1024xi32>
      %add3A_1238 = arith.addi %add3A_1235, %add3A_1237 : vector<16x1024xi32>
      %add3A_1239 = arith.addi %add3A_1232, %add3A_1238 : vector<16x1024xi32>
      %shift_left3A_1240 = arith.constant 17 : i32
      %shift_left3A_1241 = vector.broadcast %shift_left3A_1240 : i32 to vector<16x1024xi32>
      %shift_left3A_1242 = arith.shli %add3A_1238, %shift_left3A_1241 : vector<16x1024xi32>
      %shift_right_logical3A_1243 = arith.constant 15 : i32
      %shift_right_logical3A_1244 = vector.broadcast %shift_right_logical3A_1243 : i32 to vector<16x1024xi32>
      %shift_right_logical3A_1245 = arith.shrui %add3A_1238, %shift_right_logical3A_1244 : vector<16x1024xi32>
      %or3A_1246 = arith.ori %shift_left3A_1242, %shift_right_logical3A_1245 : vector<16x1024xi32>
      %xor3A_1247 = arith.xori %add3A_1239, %or3A_1246 : vector<16x1024xi32>
      %add3A_1248 = arith.addi %add3A_1239, %xor3A_1247 : vector<16x1024xi32>
      %shift_left3A_1249 = arith.constant 29 : i32
      %shift_left3A_1250 = vector.broadcast %shift_left3A_1249 : i32 to vector<16x1024xi32>
      %shift_left3A_1251 = arith.shli %xor3A_1247, %shift_left3A_1250 : vector<16x1024xi32>
      %shift_right_logical3A_1252 = arith.constant 3 : i32
      %shift_right_logical3A_1253 = vector.broadcast %shift_right_logical3A_1252 : i32 to vector<16x1024xi32>
      %shift_right_logical3A_1254 = arith.shrui %xor3A_1247, %shift_right_logical3A_1253 : vector<16x1024xi32>
      %or3A_1255 = arith.ori %shift_left3A_1251, %shift_right_logical3A_1254 : vector<16x1024xi32>
      %xor3A_1256 = arith.xori %add3A_1248, %or3A_1255 : vector<16x1024xi32>
      %add3A_1257 = arith.addi %add3A_1248, %xor3A_1256 : vector<16x1024xi32>
      %shift_left3A_1258 = arith.constant 16 : i32
      %shift_left3A_1259 = vector.broadcast %shift_left3A_1258 : i32 to vector<16x1024xi32>
      %shift_left3A_1260 = arith.shli %xor3A_1256, %shift_left3A_1259 : vector<16x1024xi32>
      %shift_right_logical3A_1261 = arith.constant 16 : i32
      %shift_right_logical3A_1262 = vector.broadcast %shift_right_logical3A_1261 : i32 to vector<16x1024xi32>
      %shift_right_logical3A_1263 = arith.shrui %xor3A_1256, %shift_right_logical3A_1262 : vector<16x1024xi32>
      %or3A_1264 = arith.ori %shift_left3A_1260, %shift_right_logical3A_1263 : vector<16x1024xi32>
      %xor3A_1265 = arith.xori %add3A_1257, %or3A_1264 : vector<16x1024xi32>
      %add3A_1266 = arith.addi %add3A_1257, %xor3A_1265 : vector<16x1024xi32>
      %shift_left3A_1267 = arith.constant 24 : i32
      %shift_left3A_1268 = vector.broadcast %shift_left3A_1267 : i32 to vector<16x1024xi32>
      %shift_left3A_1269 = arith.shli %xor3A_1265, %shift_left3A_1268 : vector<16x1024xi32>
      %shift_right_logical3A_1270 = arith.constant 8 : i32
      %shift_right_logical3A_1271 = vector.broadcast %shift_right_logical3A_1270 : i32 to vector<16x1024xi32>
      %shift_right_logical3A_1272 = arith.shrui %xor3A_1265, %shift_right_logical3A_1271 : vector<16x1024xi32>
      %or3A_1273 = arith.ori %shift_left3A_1269, %shift_right_logical3A_1272 : vector<16x1024xi32>
      %xor3A_1274 = arith.xori %add3A_1266, %or3A_1273 : vector<16x1024xi32>
      %add3A_1275 = arith.constant 42 : i32
      %add3A_1276 = vector.broadcast %add3A_1275 : i32 to vector<16x1024xi32>
      %add3A_1277 = arith.addi %add3A_1266, %add3A_1276 : vector<16x1024xi32>
      %add3A_1278 = arith.constant 466689008 : i32
      %add3A_1279 = vector.broadcast %add3A_1278 : i32 to vector<16x1024xi32>
      %add3A_1280 = arith.addi %xor3A_1274, %add3A_1279 : vector<16x1024xi32>
      %add3A_1281 = arith.constant 4 : i32
      %add3A_1282 = vector.broadcast %add3A_1281 : i32 to vector<16x1024xi32>
      %add3A_1283 = arith.addi %add3A_1280, %add3A_1282 : vector<16x1024xi32>
      %add3A_1284 = arith.addi %add3A_1277, %add3A_1283 : vector<16x1024xi32>
      %shift_left3A_1285 = arith.constant 13 : i32
      %shift_left3A_1286 = vector.broadcast %shift_left3A_1285 : i32 to vector<16x1024xi32>
      %shift_left3A_1287 = arith.shli %add3A_1283, %shift_left3A_1286 : vector<16x1024xi32>
      %shift_right_logical3A_1288 = arith.constant 19 : i32
      %shift_right_logical3A_1289 = vector.broadcast %shift_right_logical3A_1288 : i32 to vector<16x1024xi32>
      %shift_right_logical3A_1290 = arith.shrui %add3A_1283, %shift_right_logical3A_1289 : vector<16x1024xi32>
      %or3A_1291 = arith.ori %shift_left3A_1287, %shift_right_logical3A_1290 : vector<16x1024xi32>
      %xor3A_1292 = arith.xori %add3A_1284, %or3A_1291 : vector<16x1024xi32>
      %add3A_1293 = arith.addi %add3A_1284, %xor3A_1292 : vector<16x1024xi32>
      %shift_left3A_1294 = arith.constant 15 : i32
      %shift_left3A_1295 = vector.broadcast %shift_left3A_1294 : i32 to vector<16x1024xi32>
      %shift_left3A_1296 = arith.shli %xor3A_1292, %shift_left3A_1295 : vector<16x1024xi32>
      %shift_right_logical3A_1297 = arith.constant 17 : i32
      %shift_right_logical3A_1298 = vector.broadcast %shift_right_logical3A_1297 : i32 to vector<16x1024xi32>
      %shift_right_logical3A_1299 = arith.shrui %xor3A_1292, %shift_right_logical3A_1298 : vector<16x1024xi32>
      %or3A_1300 = arith.ori %shift_left3A_1296, %shift_right_logical3A_1299 : vector<16x1024xi32>
      %xor3A_1301 = arith.xori %add3A_1293, %or3A_1300 : vector<16x1024xi32>
      %add3A_1302 = arith.addi %add3A_1293, %xor3A_1301 : vector<16x1024xi32>
      %shift_left3A_1303 = arith.constant 26 : i32
      %shift_left3A_1304 = vector.broadcast %shift_left3A_1303 : i32 to vector<16x1024xi32>
      %shift_left3A_1305 = arith.shli %xor3A_1301, %shift_left3A_1304 : vector<16x1024xi32>
      %shift_right_logical3A_1306 = arith.constant 6 : i32
      %shift_right_logical3A_1307 = vector.broadcast %shift_right_logical3A_1306 : i32 to vector<16x1024xi32>
      %shift_right_logical3A_1308 = arith.shrui %xor3A_1301, %shift_right_logical3A_1307 : vector<16x1024xi32>
      %or3A_1309 = arith.ori %shift_left3A_1305, %shift_right_logical3A_1308 : vector<16x1024xi32>
      %xor3A_1310 = arith.xori %add3A_1302, %or3A_1309 : vector<16x1024xi32>
      %add3A_1311 = arith.addi %add3A_1302, %xor3A_1310 : vector<16x1024xi32>
      %shift_left3A_1312 = arith.constant 6 : i32
      %shift_left3A_1313 = vector.broadcast %shift_left3A_1312 : i32 to vector<16x1024xi32>
      %shift_left3A_1314 = arith.shli %xor3A_1310, %shift_left3A_1313 : vector<16x1024xi32>
      %shift_right_logical3A_1315 = arith.constant 26 : i32
      %shift_right_logical3A_1316 = vector.broadcast %shift_right_logical3A_1315 : i32 to vector<16x1024xi32>
      %shift_right_logical3A_1317 = arith.shrui %xor3A_1310, %shift_right_logical3A_1316 : vector<16x1024xi32>
      %or3A_1318 = arith.ori %shift_left3A_1314, %shift_right_logical3A_1317 : vector<16x1024xi32>
      %xor3A_1319 = arith.xori %add3A_1311, %or3A_1318 : vector<16x1024xi32>
      %add3A_1320 = arith.constant 466689008 : i32
      %add3A_1321 = vector.broadcast %add3A_1320 : i32 to vector<16x1024xi32>
      %add3A_1322 = arith.addi %add3A_1311, %add3A_1321 : vector<16x1024xi32>
      %add3A_1323 = arith.constant 0 : i32
      %add3A_1324 = vector.broadcast %add3A_1323 : i32 to vector<16x1024xi32>
      %add3A_1325 = arith.addi %xor3A_1319, %add3A_1324 : vector<16x1024xi32>
      %add3A_1326 = arith.constant 5 : i32
      %add3A_1327 = vector.broadcast %add3A_1326 : i32 to vector<16x1024xi32>
      %add3A_1328 = arith.addi %add3A_1325, %add3A_1327 : vector<16x1024xi32>
      %xor3A_1329 = arith.xori %add3A_1322, %add3A_1328 : vector<16x1024xi32>
      %shift_right_logical3A_1330 = arith.constant 9 : i32
      %shift_right_logical3A_1331 = vector.broadcast %shift_right_logical3A_1330 : i32 to vector<16x1024xi32>
      %shift_right_logical3A_1332 = arith.shrui %xor3A_1329, %shift_right_logical3A_1331 : vector<16x1024xi32>
      %or3A_1333 = arith.constant 1065353216 : i32
      %or3A_1334 = vector.broadcast %or3A_1333 : i32 to vector<16x1024xi32>
      %or3A_1335 = arith.ori %shift_right_logical3A_1332, %or3A_1334 : vector<16x1024xi32>
      %bitcast_convert_type3A_1336 = tpu.bitcast %or3A_1335 : vector<16x1024xi32> -> vector<16x1024xf32>
      %sub3A_1337 = arith.constant 1.000000e+00 : f32
      %sub3A_1338 = vector.broadcast %sub3A_1337 : f32 to vector<16x1024xf32>
      %sub3A_1339 = arith.subf %bitcast_convert_type3A_1336, %sub3A_1338 : vector<16x1024xf32>
      %add3A_1340 = arith.constant 1.17549435E-38 : f32
      %add3A_1341 = vector.broadcast %add3A_1340 : f32 to vector<16x1024xf32>
      %add3A_1342 = arith.addf %sub3A_1339, %add3A_1341 : vector<16x1024xf32>
      %max3A_1343 = arith.constant 1.17549435E-38 : f32
      %max3A_1344 = vector.broadcast %max3A_1343 : f32 to vector<16x1024xf32>
      %max3A_1345 = arith.maximumf %max3A_1344, %add3A_1342 : vector<16x1024xf32>
      %log3A_1346 = math.log %max3A_1345 : vector<16x1024xf32>
      %neg3A_1347 = arith.constant 0.000000e+00 : f32
      %neg3A_1348 = vector.broadcast %neg3A_1347 : f32 to vector<16x1024xf32>
      %neg3A_1349 = arith.subf %neg3A_1348, %log3A_1346 : vector<16x1024xf32>
      %log3A_1350 = math.log %neg3A_1349 : vector<16x1024xf32>
      %neg3A_1351 = arith.constant 0.000000e+00 : f32
      %neg3A_1352 = vector.broadcast %neg3A_1351 : f32 to vector<16x1024xf32>
      %neg3A_1353 = arith.subf %neg3A_1352, %log3A_1350 : vector<16x1024xf32>
      %get3A_1354 = arith.constant 0 : index
      %get3A_1355 = arith.index_cast %add3A_1098 : i32 to index
      %get3A_1356 = vector.load %arg1[%get3A_1354, %get3A_1355] : memref<16x100000xf32, #tpu.memory_space<vmem>>, vector<16x1024xf32>
      %add3A_1357 = arith.addf %neg3A_1353, %get3A_1356 : vector<16x1024xf32>
      %gt3A_1358 = arith.cmpf ogt, %add3A_1357, %select_n3A_1091 : vector<16x1024xf32>
      %select_n3A_1359 = arith.select %gt3A_1358, %add3A_1357, %select_n3A_1091 : vector<16x1024xi1>, vector<16x1024xf32>
      %select_n3A_1360 = arith.select %gt3A_1358, %add3A_1100, %select_n3A_1092 : vector<16x1024xi1>, vector<16x1024xi32>
      %scan3A_1361 = arith.constant 4 : i32
      %scan3A_1362 = arith.addi %scan3A_288, %scan3A_1361 : i32
      %mul3A_1363 = arith.constant 1024 : i32
      %mul3A_1364 = arith.muli %scan3A_1362, %mul3A_1363 : i32
      %add3A_1365 = arith.constant 33792 : i32
      %add3A_1366 = arith.addi %add3A_1365, %mul3A_1364 : i32
      %add3A_1367 = vector.broadcast %add3A_1366 : i32 to vector<16x1024xi32>
      %add3A_1368 = arith.addi %iota3A_2, %add3A_1367 : vector<16x1024xi32>
      %add3A_1369 = arith.addi %mul3A_5, %add3A_1368 : vector<16x1024xi32>
      %add3A_1370 = arith.constant 42 : i32
      %add3A_1371 = vector.broadcast %add3A_1370 : i32 to vector<16x1024xi32>
      %add3A_1372 = arith.addi %add3A_1369, %add3A_1371 : vector<16x1024xi32>
      %shift_left3A_1373 = arith.constant 13 : i32
      %shift_left3A_1374 = vector.broadcast %shift_left3A_1373 : i32 to vector<16x1024xi32>
      %shift_left3A_1375 = arith.shli %add3A_1372, %shift_left3A_1374 : vector<16x1024xi32>
      %shift_right_logical3A_1376 = arith.constant 19 : i32
      %shift_right_logical3A_1377 = vector.broadcast %shift_right_logical3A_1376 : i32 to vector<16x1024xi32>
      %shift_right_logical3A_1378 = arith.shrui %add3A_1372, %shift_right_logical3A_1377 : vector<16x1024xi32>
      %or3A_1379 = arith.ori %shift_left3A_1375, %shift_right_logical3A_1378 : vector<16x1024xi32>
      %xor3A_1380 = arith.xori %add3A_1372, %or3A_1379 : vector<16x1024xi32>
      %add3A_1381 = arith.addi %add3A_1372, %xor3A_1380 : vector<16x1024xi32>
      %shift_left3A_1382 = arith.constant 15 : i32
      %shift_left3A_1383 = vector.broadcast %shift_left3A_1382 : i32 to vector<16x1024xi32>
      %shift_left3A_1384 = arith.shli %xor3A_1380, %shift_left3A_1383 : vector<16x1024xi32>
      %shift_right_logical3A_1385 = arith.constant 17 : i32
      %shift_right_logical3A_1386 = vector.broadcast %shift_right_logical3A_1385 : i32 to vector<16x1024xi32>
      %shift_right_logical3A_1387 = arith.shrui %xor3A_1380, %shift_right_logical3A_1386 : vector<16x1024xi32>
      %or3A_1388 = arith.ori %shift_left3A_1384, %shift_right_logical3A_1387 : vector<16x1024xi32>
      %xor3A_1389 = arith.xori %add3A_1381, %or3A_1388 : vector<16x1024xi32>
      %add3A_1390 = arith.addi %add3A_1381, %xor3A_1389 : vector<16x1024xi32>
      %shift_left3A_1391 = arith.constant 26 : i32
      %shift_left3A_1392 = vector.broadcast %shift_left3A_1391 : i32 to vector<16x1024xi32>
      %shift_left3A_1393 = arith.shli %xor3A_1389, %shift_left3A_1392 : vector<16x1024xi32>
      %shift_right_logical3A_1394 = arith.constant 6 : i32
      %shift_right_logical3A_1395 = vector.broadcast %shift_right_logical3A_1394 : i32 to vector<16x1024xi32>
      %shift_right_logical3A_1396 = arith.shrui %xor3A_1389, %shift_right_logical3A_1395 : vector<16x1024xi32>
      %or3A_1397 = arith.ori %shift_left3A_1393, %shift_right_logical3A_1396 : vector<16x1024xi32>
      %xor3A_1398 = arith.xori %add3A_1390, %or3A_1397 : vector<16x1024xi32>
      %add3A_1399 = arith.addi %add3A_1390, %xor3A_1398 : vector<16x1024xi32>
      %shift_left3A_1400 = arith.constant 6 : i32
      %shift_left3A_1401 = vector.broadcast %shift_left3A_1400 : i32 to vector<16x1024xi32>
      %shift_left3A_1402 = arith.shli %xor3A_1398, %shift_left3A_1401 : vector<16x1024xi32>
      %shift_right_logical3A_1403 = arith.constant 26 : i32
      %shift_right_logical3A_1404 = vector.broadcast %shift_right_logical3A_1403 : i32 to vector<16x1024xi32>
      %shift_right_logical3A_1405 = arith.shrui %xor3A_1398, %shift_right_logical3A_1404 : vector<16x1024xi32>
      %or3A_1406 = arith.ori %shift_left3A_1402, %shift_right_logical3A_1405 : vector<16x1024xi32>
      %xor3A_1407 = arith.xori %add3A_1399, %or3A_1406 : vector<16x1024xi32>
      %add3A_1408 = arith.constant 42 : i32
      %add3A_1409 = vector.broadcast %add3A_1408 : i32 to vector<16x1024xi32>
      %add3A_1410 = arith.addi %add3A_1399, %add3A_1409 : vector<16x1024xi32>
      %add3A_1411 = arith.constant 466689008 : i32
      %add3A_1412 = vector.broadcast %add3A_1411 : i32 to vector<16x1024xi32>
      %add3A_1413 = arith.addi %xor3A_1407, %add3A_1412 : vector<16x1024xi32>
      %add3A_1414 = arith.constant 1 : i32
      %add3A_1415 = vector.broadcast %add3A_1414 : i32 to vector<16x1024xi32>
      %add3A_1416 = arith.addi %add3A_1413, %add3A_1415 : vector<16x1024xi32>
      %add3A_1417 = arith.addi %add3A_1410, %add3A_1416 : vector<16x1024xi32>
      %shift_left3A_1418 = arith.constant 17 : i32
      %shift_left3A_1419 = vector.broadcast %shift_left3A_1418 : i32 to vector<16x1024xi32>
      %shift_left3A_1420 = arith.shli %add3A_1416, %shift_left3A_1419 : vector<16x1024xi32>
      %shift_right_logical3A_1421 = arith.constant 15 : i32
      %shift_right_logical3A_1422 = vector.broadcast %shift_right_logical3A_1421 : i32 to vector<16x1024xi32>
      %shift_right_logical3A_1423 = arith.shrui %add3A_1416, %shift_right_logical3A_1422 : vector<16x1024xi32>
      %or3A_1424 = arith.ori %shift_left3A_1420, %shift_right_logical3A_1423 : vector<16x1024xi32>
      %xor3A_1425 = arith.xori %add3A_1417, %or3A_1424 : vector<16x1024xi32>
      %add3A_1426 = arith.addi %add3A_1417, %xor3A_1425 : vector<16x1024xi32>
      %shift_left3A_1427 = arith.constant 29 : i32
      %shift_left3A_1428 = vector.broadcast %shift_left3A_1427 : i32 to vector<16x1024xi32>
      %shift_left3A_1429 = arith.shli %xor3A_1425, %shift_left3A_1428 : vector<16x1024xi32>
      %shift_right_logical3A_1430 = arith.constant 3 : i32
      %shift_right_logical3A_1431 = vector.broadcast %shift_right_logical3A_1430 : i32 to vector<16x1024xi32>
      %shift_right_logical3A_1432 = arith.shrui %xor3A_1425, %shift_right_logical3A_1431 : vector<16x1024xi32>
      %or3A_1433 = arith.ori %shift_left3A_1429, %shift_right_logical3A_1432 : vector<16x1024xi32>
      %xor3A_1434 = arith.xori %add3A_1426, %or3A_1433 : vector<16x1024xi32>
      %add3A_1435 = arith.addi %add3A_1426, %xor3A_1434 : vector<16x1024xi32>
      %shift_left3A_1436 = arith.constant 16 : i32
      %shift_left3A_1437 = vector.broadcast %shift_left3A_1436 : i32 to vector<16x1024xi32>
      %shift_left3A_1438 = arith.shli %xor3A_1434, %shift_left3A_1437 : vector<16x1024xi32>
      %shift_right_logical3A_1439 = arith.constant 16 : i32
      %shift_right_logical3A_1440 = vector.broadcast %shift_right_logical3A_1439 : i32 to vector<16x1024xi32>
      %shift_right_logical3A_1441 = arith.shrui %xor3A_1434, %shift_right_logical3A_1440 : vector<16x1024xi32>
      %or3A_1442 = arith.ori %shift_left3A_1438, %shift_right_logical3A_1441 : vector<16x1024xi32>
      %xor3A_1443 = arith.xori %add3A_1435, %or3A_1442 : vector<16x1024xi32>
      %add3A_1444 = arith.addi %add3A_1435, %xor3A_1443 : vector<16x1024xi32>
      %shift_left3A_1445 = arith.constant 24 : i32
      %shift_left3A_1446 = vector.broadcast %shift_left3A_1445 : i32 to vector<16x1024xi32>
      %shift_left3A_1447 = arith.shli %xor3A_1443, %shift_left3A_1446 : vector<16x1024xi32>
      %shift_right_logical3A_1448 = arith.constant 8 : i32
      %shift_right_logical3A_1449 = vector.broadcast %shift_right_logical3A_1448 : i32 to vector<16x1024xi32>
      %shift_right_logical3A_1450 = arith.shrui %xor3A_1443, %shift_right_logical3A_1449 : vector<16x1024xi32>
      %or3A_1451 = arith.ori %shift_left3A_1447, %shift_right_logical3A_1450 : vector<16x1024xi32>
      %xor3A_1452 = arith.xori %add3A_1444, %or3A_1451 : vector<16x1024xi32>
      %add3A_1453 = arith.constant 466689008 : i32
      %add3A_1454 = vector.broadcast %add3A_1453 : i32 to vector<16x1024xi32>
      %add3A_1455 = arith.addi %add3A_1444, %add3A_1454 : vector<16x1024xi32>
      %add3A_1456 = arith.constant 0 : i32
      %add3A_1457 = vector.broadcast %add3A_1456 : i32 to vector<16x1024xi32>
      %add3A_1458 = arith.addi %xor3A_1452, %add3A_1457 : vector<16x1024xi32>
      %add3A_1459 = arith.constant 2 : i32
      %add3A_1460 = vector.broadcast %add3A_1459 : i32 to vector<16x1024xi32>
      %add3A_1461 = arith.addi %add3A_1458, %add3A_1460 : vector<16x1024xi32>
      %add3A_1462 = arith.addi %add3A_1455, %add3A_1461 : vector<16x1024xi32>
      %shift_left3A_1463 = arith.constant 13 : i32
      %shift_left3A_1464 = vector.broadcast %shift_left3A_1463 : i32 to vector<16x1024xi32>
      %shift_left3A_1465 = arith.shli %add3A_1461, %shift_left3A_1464 : vector<16x1024xi32>
      %shift_right_logical3A_1466 = arith.constant 19 : i32
      %shift_right_logical3A_1467 = vector.broadcast %shift_right_logical3A_1466 : i32 to vector<16x1024xi32>
      %shift_right_logical3A_1468 = arith.shrui %add3A_1461, %shift_right_logical3A_1467 : vector<16x1024xi32>
      %or3A_1469 = arith.ori %shift_left3A_1465, %shift_right_logical3A_1468 : vector<16x1024xi32>
      %xor3A_1470 = arith.xori %add3A_1462, %or3A_1469 : vector<16x1024xi32>
      %add3A_1471 = arith.addi %add3A_1462, %xor3A_1470 : vector<16x1024xi32>
      %shift_left3A_1472 = arith.constant 15 : i32
      %shift_left3A_1473 = vector.broadcast %shift_left3A_1472 : i32 to vector<16x1024xi32>
      %shift_left3A_1474 = arith.shli %xor3A_1470, %shift_left3A_1473 : vector<16x1024xi32>
      %shift_right_logical3A_1475 = arith.constant 17 : i32
      %shift_right_logical3A_1476 = vector.broadcast %shift_right_logical3A_1475 : i32 to vector<16x1024xi32>
      %shift_right_logical3A_1477 = arith.shrui %xor3A_1470, %shift_right_logical3A_1476 : vector<16x1024xi32>
      %or3A_1478 = arith.ori %shift_left3A_1474, %shift_right_logical3A_1477 : vector<16x1024xi32>
      %xor3A_1479 = arith.xori %add3A_1471, %or3A_1478 : vector<16x1024xi32>
      %add3A_1480 = arith.addi %add3A_1471, %xor3A_1479 : vector<16x1024xi32>
      %shift_left3A_1481 = arith.constant 26 : i32
      %shift_left3A_1482 = vector.broadcast %shift_left3A_1481 : i32 to vector<16x1024xi32>
      %shift_left3A_1483 = arith.shli %xor3A_1479, %shift_left3A_1482 : vector<16x1024xi32>
      %shift_right_logical3A_1484 = arith.constant 6 : i32
      %shift_right_logical3A_1485 = vector.broadcast %shift_right_logical3A_1484 : i32 to vector<16x1024xi32>
      %shift_right_logical3A_1486 = arith.shrui %xor3A_1479, %shift_right_logical3A_1485 : vector<16x1024xi32>
      %or3A_1487 = arith.ori %shift_left3A_1483, %shift_right_logical3A_1486 : vector<16x1024xi32>
      %xor3A_1488 = arith.xori %add3A_1480, %or3A_1487 : vector<16x1024xi32>
      %add3A_1489 = arith.addi %add3A_1480, %xor3A_1488 : vector<16x1024xi32>
      %shift_left3A_1490 = arith.constant 6 : i32
      %shift_left3A_1491 = vector.broadcast %shift_left3A_1490 : i32 to vector<16x1024xi32>
      %shift_left3A_1492 = arith.shli %xor3A_1488, %shift_left3A_1491 : vector<16x1024xi32>
      %shift_right_logical3A_1493 = arith.constant 26 : i32
      %shift_right_logical3A_1494 = vector.broadcast %shift_right_logical3A_1493 : i32 to vector<16x1024xi32>
      %shift_right_logical3A_1495 = arith.shrui %xor3A_1488, %shift_right_logical3A_1494 : vector<16x1024xi32>
      %or3A_1496 = arith.ori %shift_left3A_1492, %shift_right_logical3A_1495 : vector<16x1024xi32>
      %xor3A_1497 = arith.xori %add3A_1489, %or3A_1496 : vector<16x1024xi32>
      %add3A_1498 = arith.constant 0 : i32
      %add3A_1499 = vector.broadcast %add3A_1498 : i32 to vector<16x1024xi32>
      %add3A_1500 = arith.addi %add3A_1489, %add3A_1499 : vector<16x1024xi32>
      %add3A_1501 = arith.constant 42 : i32
      %add3A_1502 = vector.broadcast %add3A_1501 : i32 to vector<16x1024xi32>
      %add3A_1503 = arith.addi %xor3A_1497, %add3A_1502 : vector<16x1024xi32>
      %add3A_1504 = arith.constant 3 : i32
      %add3A_1505 = vector.broadcast %add3A_1504 : i32 to vector<16x1024xi32>
      %add3A_1506 = arith.addi %add3A_1503, %add3A_1505 : vector<16x1024xi32>
      %add3A_1507 = arith.addi %add3A_1500, %add3A_1506 : vector<16x1024xi32>
      %shift_left3A_1508 = arith.constant 17 : i32
      %shift_left3A_1509 = vector.broadcast %shift_left3A_1508 : i32 to vector<16x1024xi32>
      %shift_left3A_1510 = arith.shli %add3A_1506, %shift_left3A_1509 : vector<16x1024xi32>
      %shift_right_logical3A_1511 = arith.constant 15 : i32
      %shift_right_logical3A_1512 = vector.broadcast %shift_right_logical3A_1511 : i32 to vector<16x1024xi32>
      %shift_right_logical3A_1513 = arith.shrui %add3A_1506, %shift_right_logical3A_1512 : vector<16x1024xi32>
      %or3A_1514 = arith.ori %shift_left3A_1510, %shift_right_logical3A_1513 : vector<16x1024xi32>
      %xor3A_1515 = arith.xori %add3A_1507, %or3A_1514 : vector<16x1024xi32>
      %add3A_1516 = arith.addi %add3A_1507, %xor3A_1515 : vector<16x1024xi32>
      %shift_left3A_1517 = arith.constant 29 : i32
      %shift_left3A_1518 = vector.broadcast %shift_left3A_1517 : i32 to vector<16x1024xi32>
      %shift_left3A_1519 = arith.shli %xor3A_1515, %shift_left3A_1518 : vector<16x1024xi32>
      %shift_right_logical3A_1520 = arith.constant 3 : i32
      %shift_right_logical3A_1521 = vector.broadcast %shift_right_logical3A_1520 : i32 to vector<16x1024xi32>
      %shift_right_logical3A_1522 = arith.shrui %xor3A_1515, %shift_right_logical3A_1521 : vector<16x1024xi32>
      %or3A_1523 = arith.ori %shift_left3A_1519, %shift_right_logical3A_1522 : vector<16x1024xi32>
      %xor3A_1524 = arith.xori %add3A_1516, %or3A_1523 : vector<16x1024xi32>
      %add3A_1525 = arith.addi %add3A_1516, %xor3A_1524 : vector<16x1024xi32>
      %shift_left3A_1526 = arith.constant 16 : i32
      %shift_left3A_1527 = vector.broadcast %shift_left3A_1526 : i32 to vector<16x1024xi32>
      %shift_left3A_1528 = arith.shli %xor3A_1524, %shift_left3A_1527 : vector<16x1024xi32>
      %shift_right_logical3A_1529 = arith.constant 16 : i32
      %shift_right_logical3A_1530 = vector.broadcast %shift_right_logical3A_1529 : i32 to vector<16x1024xi32>
      %shift_right_logical3A_1531 = arith.shrui %xor3A_1524, %shift_right_logical3A_1530 : vector<16x1024xi32>
      %or3A_1532 = arith.ori %shift_left3A_1528, %shift_right_logical3A_1531 : vector<16x1024xi32>
      %xor3A_1533 = arith.xori %add3A_1525, %or3A_1532 : vector<16x1024xi32>
      %add3A_1534 = arith.addi %add3A_1525, %xor3A_1533 : vector<16x1024xi32>
      %shift_left3A_1535 = arith.constant 24 : i32
      %shift_left3A_1536 = vector.broadcast %shift_left3A_1535 : i32 to vector<16x1024xi32>
      %shift_left3A_1537 = arith.shli %xor3A_1533, %shift_left3A_1536 : vector<16x1024xi32>
      %shift_right_logical3A_1538 = arith.constant 8 : i32
      %shift_right_logical3A_1539 = vector.broadcast %shift_right_logical3A_1538 : i32 to vector<16x1024xi32>
      %shift_right_logical3A_1540 = arith.shrui %xor3A_1533, %shift_right_logical3A_1539 : vector<16x1024xi32>
      %or3A_1541 = arith.ori %shift_left3A_1537, %shift_right_logical3A_1540 : vector<16x1024xi32>
      %xor3A_1542 = arith.xori %add3A_1534, %or3A_1541 : vector<16x1024xi32>
      %add3A_1543 = arith.constant 42 : i32
      %add3A_1544 = vector.broadcast %add3A_1543 : i32 to vector<16x1024xi32>
      %add3A_1545 = arith.addi %add3A_1534, %add3A_1544 : vector<16x1024xi32>
      %add3A_1546 = arith.constant 466689008 : i32
      %add3A_1547 = vector.broadcast %add3A_1546 : i32 to vector<16x1024xi32>
      %add3A_1548 = arith.addi %xor3A_1542, %add3A_1547 : vector<16x1024xi32>
      %add3A_1549 = arith.constant 4 : i32
      %add3A_1550 = vector.broadcast %add3A_1549 : i32 to vector<16x1024xi32>
      %add3A_1551 = arith.addi %add3A_1548, %add3A_1550 : vector<16x1024xi32>
      %add3A_1552 = arith.addi %add3A_1545, %add3A_1551 : vector<16x1024xi32>
      %shift_left3A_1553 = arith.constant 13 : i32
      %shift_left3A_1554 = vector.broadcast %shift_left3A_1553 : i32 to vector<16x1024xi32>
      %shift_left3A_1555 = arith.shli %add3A_1551, %shift_left3A_1554 : vector<16x1024xi32>
      %shift_right_logical3A_1556 = arith.constant 19 : i32
      %shift_right_logical3A_1557 = vector.broadcast %shift_right_logical3A_1556 : i32 to vector<16x1024xi32>
      %shift_right_logical3A_1558 = arith.shrui %add3A_1551, %shift_right_logical3A_1557 : vector<16x1024xi32>
      %or3A_1559 = arith.ori %shift_left3A_1555, %shift_right_logical3A_1558 : vector<16x1024xi32>
      %xor3A_1560 = arith.xori %add3A_1552, %or3A_1559 : vector<16x1024xi32>
      %add3A_1561 = arith.addi %add3A_1552, %xor3A_1560 : vector<16x1024xi32>
      %shift_left3A_1562 = arith.constant 15 : i32
      %shift_left3A_1563 = vector.broadcast %shift_left3A_1562 : i32 to vector<16x1024xi32>
      %shift_left3A_1564 = arith.shli %xor3A_1560, %shift_left3A_1563 : vector<16x1024xi32>
      %shift_right_logical3A_1565 = arith.constant 17 : i32
      %shift_right_logical3A_1566 = vector.broadcast %shift_right_logical3A_1565 : i32 to vector<16x1024xi32>
      %shift_right_logical3A_1567 = arith.shrui %xor3A_1560, %shift_right_logical3A_1566 : vector<16x1024xi32>
      %or3A_1568 = arith.ori %shift_left3A_1564, %shift_right_logical3A_1567 : vector<16x1024xi32>
      %xor3A_1569 = arith.xori %add3A_1561, %or3A_1568 : vector<16x1024xi32>
      %add3A_1570 = arith.addi %add3A_1561, %xor3A_1569 : vector<16x1024xi32>
      %shift_left3A_1571 = arith.constant 26 : i32
      %shift_left3A_1572 = vector.broadcast %shift_left3A_1571 : i32 to vector<16x1024xi32>
      %shift_left3A_1573 = arith.shli %xor3A_1569, %shift_left3A_1572 : vector<16x1024xi32>
      %shift_right_logical3A_1574 = arith.constant 6 : i32
      %shift_right_logical3A_1575 = vector.broadcast %shift_right_logical3A_1574 : i32 to vector<16x1024xi32>
      %shift_right_logical3A_1576 = arith.shrui %xor3A_1569, %shift_right_logical3A_1575 : vector<16x1024xi32>
      %or3A_1577 = arith.ori %shift_left3A_1573, %shift_right_logical3A_1576 : vector<16x1024xi32>
      %xor3A_1578 = arith.xori %add3A_1570, %or3A_1577 : vector<16x1024xi32>
      %add3A_1579 = arith.addi %add3A_1570, %xor3A_1578 : vector<16x1024xi32>
      %shift_left3A_1580 = arith.constant 6 : i32
      %shift_left3A_1581 = vector.broadcast %shift_left3A_1580 : i32 to vector<16x1024xi32>
      %shift_left3A_1582 = arith.shli %xor3A_1578, %shift_left3A_1581 : vector<16x1024xi32>
      %shift_right_logical3A_1583 = arith.constant 26 : i32
      %shift_right_logical3A_1584 = vector.broadcast %shift_right_logical3A_1583 : i32 to vector<16x1024xi32>
      %shift_right_logical3A_1585 = arith.shrui %xor3A_1578, %shift_right_logical3A_1584 : vector<16x1024xi32>
      %or3A_1586 = arith.ori %shift_left3A_1582, %shift_right_logical3A_1585 : vector<16x1024xi32>
      %xor3A_1587 = arith.xori %add3A_1579, %or3A_1586 : vector<16x1024xi32>
      %add3A_1588 = arith.constant 466689008 : i32
      %add3A_1589 = vector.broadcast %add3A_1588 : i32 to vector<16x1024xi32>
      %add3A_1590 = arith.addi %add3A_1579, %add3A_1589 : vector<16x1024xi32>
      %add3A_1591 = arith.constant 0 : i32
      %add3A_1592 = vector.broadcast %add3A_1591 : i32 to vector<16x1024xi32>
      %add3A_1593 = arith.addi %xor3A_1587, %add3A_1592 : vector<16x1024xi32>
      %add3A_1594 = arith.constant 5 : i32
      %add3A_1595 = vector.broadcast %add3A_1594 : i32 to vector<16x1024xi32>
      %add3A_1596 = arith.addi %add3A_1593, %add3A_1595 : vector<16x1024xi32>
      %xor3A_1597 = arith.xori %add3A_1590, %add3A_1596 : vector<16x1024xi32>
      %shift_right_logical3A_1598 = arith.constant 9 : i32
      %shift_right_logical3A_1599 = vector.broadcast %shift_right_logical3A_1598 : i32 to vector<16x1024xi32>
      %shift_right_logical3A_1600 = arith.shrui %xor3A_1597, %shift_right_logical3A_1599 : vector<16x1024xi32>
      %or3A_1601 = arith.constant 1065353216 : i32
      %or3A_1602 = vector.broadcast %or3A_1601 : i32 to vector<16x1024xi32>
      %or3A_1603 = arith.ori %shift_right_logical3A_1600, %or3A_1602 : vector<16x1024xi32>
      %bitcast_convert_type3A_1604 = tpu.bitcast %or3A_1603 : vector<16x1024xi32> -> vector<16x1024xf32>
      %sub3A_1605 = arith.constant 1.000000e+00 : f32
      %sub3A_1606 = vector.broadcast %sub3A_1605 : f32 to vector<16x1024xf32>
      %sub3A_1607 = arith.subf %bitcast_convert_type3A_1604, %sub3A_1606 : vector<16x1024xf32>
      %add3A_1608 = arith.constant 1.17549435E-38 : f32
      %add3A_1609 = vector.broadcast %add3A_1608 : f32 to vector<16x1024xf32>
      %add3A_1610 = arith.addf %sub3A_1607, %add3A_1609 : vector<16x1024xf32>
      %max3A_1611 = arith.constant 1.17549435E-38 : f32
      %max3A_1612 = vector.broadcast %max3A_1611 : f32 to vector<16x1024xf32>
      %max3A_1613 = arith.maximumf %max3A_1612, %add3A_1610 : vector<16x1024xf32>
      %log3A_1614 = math.log %max3A_1613 : vector<16x1024xf32>
      %neg3A_1615 = arith.constant 0.000000e+00 : f32
      %neg3A_1616 = vector.broadcast %neg3A_1615 : f32 to vector<16x1024xf32>
      %neg3A_1617 = arith.subf %neg3A_1616, %log3A_1614 : vector<16x1024xf32>
      %log3A_1618 = math.log %neg3A_1617 : vector<16x1024xf32>
      %neg3A_1619 = arith.constant 0.000000e+00 : f32
      %neg3A_1620 = vector.broadcast %neg3A_1619 : f32 to vector<16x1024xf32>
      %neg3A_1621 = arith.subf %neg3A_1620, %log3A_1618 : vector<16x1024xf32>
      %get3A_1622 = arith.constant 0 : index
      %get3A_1623 = arith.index_cast %add3A_1366 : i32 to index
      %get3A_1624 = vector.load %arg1[%get3A_1622, %get3A_1623] : memref<16x100000xf32, #tpu.memory_space<vmem>>, vector<16x1024xf32>
      %add3A_1625 = arith.addf %neg3A_1621, %get3A_1624 : vector<16x1024xf32>
      %gt3A_1626 = arith.cmpf ogt, %add3A_1625, %select_n3A_1359 : vector<16x1024xf32>
      %select_n3A_1627 = arith.select %gt3A_1626, %add3A_1625, %select_n3A_1359 : vector<16x1024xi1>, vector<16x1024xf32>
      %select_n3A_1628 = arith.select %gt3A_1626, %add3A_1368, %select_n3A_1360 : vector<16x1024xi1>, vector<16x1024xi32>
      %scan3A_1629 = arith.constant 5 : i32
      %scan3A_1630 = arith.addi %scan3A_288, %scan3A_1629 : i32
      %mul3A_1631 = arith.constant 1024 : i32
      %mul3A_1632 = arith.muli %scan3A_1630, %mul3A_1631 : i32
      %add3A_1633 = arith.constant 33792 : i32
      %add3A_1634 = arith.addi %add3A_1633, %mul3A_1632 : i32
      %add3A_1635 = vector.broadcast %add3A_1634 : i32 to vector<16x1024xi32>
      %add3A_1636 = arith.addi %iota3A_2, %add3A_1635 : vector<16x1024xi32>
      %add3A_1637 = arith.addi %mul3A_5, %add3A_1636 : vector<16x1024xi32>
      %add3A_1638 = arith.constant 42 : i32
      %add3A_1639 = vector.broadcast %add3A_1638 : i32 to vector<16x1024xi32>
      %add3A_1640 = arith.addi %add3A_1637, %add3A_1639 : vector<16x1024xi32>
      %shift_left3A_1641 = arith.constant 13 : i32
      %shift_left3A_1642 = vector.broadcast %shift_left3A_1641 : i32 to vector<16x1024xi32>
      %shift_left3A_1643 = arith.shli %add3A_1640, %shift_left3A_1642 : vector<16x1024xi32>
      %shift_right_logical3A_1644 = arith.constant 19 : i32
      %shift_right_logical3A_1645 = vector.broadcast %shift_right_logical3A_1644 : i32 to vector<16x1024xi32>
      %shift_right_logical3A_1646 = arith.shrui %add3A_1640, %shift_right_logical3A_1645 : vector<16x1024xi32>
      %or3A_1647 = arith.ori %shift_left3A_1643, %shift_right_logical3A_1646 : vector<16x1024xi32>
      %xor3A_1648 = arith.xori %add3A_1640, %or3A_1647 : vector<16x1024xi32>
      %add3A_1649 = arith.addi %add3A_1640, %xor3A_1648 : vector<16x1024xi32>
      %shift_left3A_1650 = arith.constant 15 : i32
      %shift_left3A_1651 = vector.broadcast %shift_left3A_1650 : i32 to vector<16x1024xi32>
      %shift_left3A_1652 = arith.shli %xor3A_1648, %shift_left3A_1651 : vector<16x1024xi32>
      %shift_right_logical3A_1653 = arith.constant 17 : i32
      %shift_right_logical3A_1654 = vector.broadcast %shift_right_logical3A_1653 : i32 to vector<16x1024xi32>
      %shift_right_logical3A_1655 = arith.shrui %xor3A_1648, %shift_right_logical3A_1654 : vector<16x1024xi32>
      %or3A_1656 = arith.ori %shift_left3A_1652, %shift_right_logical3A_1655 : vector<16x1024xi32>
      %xor3A_1657 = arith.xori %add3A_1649, %or3A_1656 : vector<16x1024xi32>
      %add3A_1658 = arith.addi %add3A_1649, %xor3A_1657 : vector<16x1024xi32>
      %shift_left3A_1659 = arith.constant 26 : i32
      %shift_left3A_1660 = vector.broadcast %shift_left3A_1659 : i32 to vector<16x1024xi32>
      %shift_left3A_1661 = arith.shli %xor3A_1657, %shift_left3A_1660 : vector<16x1024xi32>
      %shift_right_logical3A_1662 = arith.constant 6 : i32
      %shift_right_logical3A_1663 = vector.broadcast %shift_right_logical3A_1662 : i32 to vector<16x1024xi32>
      %shift_right_logical3A_1664 = arith.shrui %xor3A_1657, %shift_right_logical3A_1663 : vector<16x1024xi32>
      %or3A_1665 = arith.ori %shift_left3A_1661, %shift_right_logical3A_1664 : vector<16x1024xi32>
      %xor3A_1666 = arith.xori %add3A_1658, %or3A_1665 : vector<16x1024xi32>
      %add3A_1667 = arith.addi %add3A_1658, %xor3A_1666 : vector<16x1024xi32>
      %shift_left3A_1668 = arith.constant 6 : i32
      %shift_left3A_1669 = vector.broadcast %shift_left3A_1668 : i32 to vector<16x1024xi32>
      %shift_left3A_1670 = arith.shli %xor3A_1666, %shift_left3A_1669 : vector<16x1024xi32>
      %shift_right_logical3A_1671 = arith.constant 26 : i32
      %shift_right_logical3A_1672 = vector.broadcast %shift_right_logical3A_1671 : i32 to vector<16x1024xi32>
      %shift_right_logical3A_1673 = arith.shrui %xor3A_1666, %shift_right_logical3A_1672 : vector<16x1024xi32>
      %or3A_1674 = arith.ori %shift_left3A_1670, %shift_right_logical3A_1673 : vector<16x1024xi32>
      %xor3A_1675 = arith.xori %add3A_1667, %or3A_1674 : vector<16x1024xi32>
      %add3A_1676 = arith.constant 42 : i32
      %add3A_1677 = vector.broadcast %add3A_1676 : i32 to vector<16x1024xi32>
      %add3A_1678 = arith.addi %add3A_1667, %add3A_1677 : vector<16x1024xi32>
      %add3A_1679 = arith.constant 466689008 : i32
      %add3A_1680 = vector.broadcast %add3A_1679 : i32 to vector<16x1024xi32>
      %add3A_1681 = arith.addi %xor3A_1675, %add3A_1680 : vector<16x1024xi32>
      %add3A_1682 = arith.constant 1 : i32
      %add3A_1683 = vector.broadcast %add3A_1682 : i32 to vector<16x1024xi32>
      %add3A_1684 = arith.addi %add3A_1681, %add3A_1683 : vector<16x1024xi32>
      %add3A_1685 = arith.addi %add3A_1678, %add3A_1684 : vector<16x1024xi32>
      %shift_left3A_1686 = arith.constant 17 : i32
      %shift_left3A_1687 = vector.broadcast %shift_left3A_1686 : i32 to vector<16x1024xi32>
      %shift_left3A_1688 = arith.shli %add3A_1684, %shift_left3A_1687 : vector<16x1024xi32>
      %shift_right_logical3A_1689 = arith.constant 15 : i32
      %shift_right_logical3A_1690 = vector.broadcast %shift_right_logical3A_1689 : i32 to vector<16x1024xi32>
      %shift_right_logical3A_1691 = arith.shrui %add3A_1684, %shift_right_logical3A_1690 : vector<16x1024xi32>
      %or3A_1692 = arith.ori %shift_left3A_1688, %shift_right_logical3A_1691 : vector<16x1024xi32>
      %xor3A_1693 = arith.xori %add3A_1685, %or3A_1692 : vector<16x1024xi32>
      %add3A_1694 = arith.addi %add3A_1685, %xor3A_1693 : vector<16x1024xi32>
      %shift_left3A_1695 = arith.constant 29 : i32
      %shift_left3A_1696 = vector.broadcast %shift_left3A_1695 : i32 to vector<16x1024xi32>
      %shift_left3A_1697 = arith.shli %xor3A_1693, %shift_left3A_1696 : vector<16x1024xi32>
      %shift_right_logical3A_1698 = arith.constant 3 : i32
      %shift_right_logical3A_1699 = vector.broadcast %shift_right_logical3A_1698 : i32 to vector<16x1024xi32>
      %shift_right_logical3A_1700 = arith.shrui %xor3A_1693, %shift_right_logical3A_1699 : vector<16x1024xi32>
      %or3A_1701 = arith.ori %shift_left3A_1697, %shift_right_logical3A_1700 : vector<16x1024xi32>
      %xor3A_1702 = arith.xori %add3A_1694, %or3A_1701 : vector<16x1024xi32>
      %add3A_1703 = arith.addi %add3A_1694, %xor3A_1702 : vector<16x1024xi32>
      %shift_left3A_1704 = arith.constant 16 : i32
      %shift_left3A_1705 = vector.broadcast %shift_left3A_1704 : i32 to vector<16x1024xi32>
      %shift_left3A_1706 = arith.shli %xor3A_1702, %shift_left3A_1705 : vector<16x1024xi32>
      %shift_right_logical3A_1707 = arith.constant 16 : i32
      %shift_right_logical3A_1708 = vector.broadcast %shift_right_logical3A_1707 : i32 to vector<16x1024xi32>
      %shift_right_logical3A_1709 = arith.shrui %xor3A_1702, %shift_right_logical3A_1708 : vector<16x1024xi32>
      %or3A_1710 = arith.ori %shift_left3A_1706, %shift_right_logical3A_1709 : vector<16x1024xi32>
      %xor3A_1711 = arith.xori %add3A_1703, %or3A_1710 : vector<16x1024xi32>
      %add3A_1712 = arith.addi %add3A_1703, %xor3A_1711 : vector<16x1024xi32>
      %shift_left3A_1713 = arith.constant 24 : i32
      %shift_left3A_1714 = vector.broadcast %shift_left3A_1713 : i32 to vector<16x1024xi32>
      %shift_left3A_1715 = arith.shli %xor3A_1711, %shift_left3A_1714 : vector<16x1024xi32>
      %shift_right_logical3A_1716 = arith.constant 8 : i32
      %shift_right_logical3A_1717 = vector.broadcast %shift_right_logical3A_1716 : i32 to vector<16x1024xi32>
      %shift_right_logical3A_1718 = arith.shrui %xor3A_1711, %shift_right_logical3A_1717 : vector<16x1024xi32>
      %or3A_1719 = arith.ori %shift_left3A_1715, %shift_right_logical3A_1718 : vector<16x1024xi32>
      %xor3A_1720 = arith.xori %add3A_1712, %or3A_1719 : vector<16x1024xi32>
      %add3A_1721 = arith.constant 466689008 : i32
      %add3A_1722 = vector.broadcast %add3A_1721 : i32 to vector<16x1024xi32>
      %add3A_1723 = arith.addi %add3A_1712, %add3A_1722 : vector<16x1024xi32>
      %add3A_1724 = arith.constant 0 : i32
      %add3A_1725 = vector.broadcast %add3A_1724 : i32 to vector<16x1024xi32>
      %add3A_1726 = arith.addi %xor3A_1720, %add3A_1725 : vector<16x1024xi32>
      %add3A_1727 = arith.constant 2 : i32
      %add3A_1728 = vector.broadcast %add3A_1727 : i32 to vector<16x1024xi32>
      %add3A_1729 = arith.addi %add3A_1726, %add3A_1728 : vector<16x1024xi32>
      %add3A_1730 = arith.addi %add3A_1723, %add3A_1729 : vector<16x1024xi32>
      %shift_left3A_1731 = arith.constant 13 : i32
      %shift_left3A_1732 = vector.broadcast %shift_left3A_1731 : i32 to vector<16x1024xi32>
      %shift_left3A_1733 = arith.shli %add3A_1729, %shift_left3A_1732 : vector<16x1024xi32>
      %shift_right_logical3A_1734 = arith.constant 19 : i32
      %shift_right_logical3A_1735 = vector.broadcast %shift_right_logical3A_1734 : i32 to vector<16x1024xi32>
      %shift_right_logical3A_1736 = arith.shrui %add3A_1729, %shift_right_logical3A_1735 : vector<16x1024xi32>
      %or3A_1737 = arith.ori %shift_left3A_1733, %shift_right_logical3A_1736 : vector<16x1024xi32>
      %xor3A_1738 = arith.xori %add3A_1730, %or3A_1737 : vector<16x1024xi32>
      %add3A_1739 = arith.addi %add3A_1730, %xor3A_1738 : vector<16x1024xi32>
      %shift_left3A_1740 = arith.constant 15 : i32
      %shift_left3A_1741 = vector.broadcast %shift_left3A_1740 : i32 to vector<16x1024xi32>
      %shift_left3A_1742 = arith.shli %xor3A_1738, %shift_left3A_1741 : vector<16x1024xi32>
      %shift_right_logical3A_1743 = arith.constant 17 : i32
      %shift_right_logical3A_1744 = vector.broadcast %shift_right_logical3A_1743 : i32 to vector<16x1024xi32>
      %shift_right_logical3A_1745 = arith.shrui %xor3A_1738, %shift_right_logical3A_1744 : vector<16x1024xi32>
      %or3A_1746 = arith.ori %shift_left3A_1742, %shift_right_logical3A_1745 : vector<16x1024xi32>
      %xor3A_1747 = arith.xori %add3A_1739, %or3A_1746 : vector<16x1024xi32>
      %add3A_1748 = arith.addi %add3A_1739, %xor3A_1747 : vector<16x1024xi32>
      %shift_left3A_1749 = arith.constant 26 : i32
      %shift_left3A_1750 = vector.broadcast %shift_left3A_1749 : i32 to vector<16x1024xi32>
      %shift_left3A_1751 = arith.shli %xor3A_1747, %shift_left3A_1750 : vector<16x1024xi32>
      %shift_right_logical3A_1752 = arith.constant 6 : i32
      %shift_right_logical3A_1753 = vector.broadcast %shift_right_logical3A_1752 : i32 to vector<16x1024xi32>
      %shift_right_logical3A_1754 = arith.shrui %xor3A_1747, %shift_right_logical3A_1753 : vector<16x1024xi32>
      %or3A_1755 = arith.ori %shift_left3A_1751, %shift_right_logical3A_1754 : vector<16x1024xi32>
      %xor3A_1756 = arith.xori %add3A_1748, %or3A_1755 : vector<16x1024xi32>
      %add3A_1757 = arith.addi %add3A_1748, %xor3A_1756 : vector<16x1024xi32>
      %shift_left3A_1758 = arith.constant 6 : i32
      %shift_left3A_1759 = vector.broadcast %shift_left3A_1758 : i32 to vector<16x1024xi32>
      %shift_left3A_1760 = arith.shli %xor3A_1756, %shift_left3A_1759 : vector<16x1024xi32>
      %shift_right_logical3A_1761 = arith.constant 26 : i32
      %shift_right_logical3A_1762 = vector.broadcast %shift_right_logical3A_1761 : i32 to vector<16x1024xi32>
      %shift_right_logical3A_1763 = arith.shrui %xor3A_1756, %shift_right_logical3A_1762 : vector<16x1024xi32>
      %or3A_1764 = arith.ori %shift_left3A_1760, %shift_right_logical3A_1763 : vector<16x1024xi32>
      %xor3A_1765 = arith.xori %add3A_1757, %or3A_1764 : vector<16x1024xi32>
      %add3A_1766 = arith.constant 0 : i32
      %add3A_1767 = vector.broadcast %add3A_1766 : i32 to vector<16x1024xi32>
      %add3A_1768 = arith.addi %add3A_1757, %add3A_1767 : vector<16x1024xi32>
      %add3A_1769 = arith.constant 42 : i32
      %add3A_1770 = vector.broadcast %add3A_1769 : i32 to vector<16x1024xi32>
      %add3A_1771 = arith.addi %xor3A_1765, %add3A_1770 : vector<16x1024xi32>
      %add3A_1772 = arith.constant 3 : i32
      %add3A_1773 = vector.broadcast %add3A_1772 : i32 to vector<16x1024xi32>
      %add3A_1774 = arith.addi %add3A_1771, %add3A_1773 : vector<16x1024xi32>
      %add3A_1775 = arith.addi %add3A_1768, %add3A_1774 : vector<16x1024xi32>
      %shift_left3A_1776 = arith.constant 17 : i32
      %shift_left3A_1777 = vector.broadcast %shift_left3A_1776 : i32 to vector<16x1024xi32>
      %shift_left3A_1778 = arith.shli %add3A_1774, %shift_left3A_1777 : vector<16x1024xi32>
      %shift_right_logical3A_1779 = arith.constant 15 : i32
      %shift_right_logical3A_1780 = vector.broadcast %shift_right_logical3A_1779 : i32 to vector<16x1024xi32>
      %shift_right_logical3A_1781 = arith.shrui %add3A_1774, %shift_right_logical3A_1780 : vector<16x1024xi32>
      %or3A_1782 = arith.ori %shift_left3A_1778, %shift_right_logical3A_1781 : vector<16x1024xi32>
      %xor3A_1783 = arith.xori %add3A_1775, %or3A_1782 : vector<16x1024xi32>
      %add3A_1784 = arith.addi %add3A_1775, %xor3A_1783 : vector<16x1024xi32>
      %shift_left3A_1785 = arith.constant 29 : i32
      %shift_left3A_1786 = vector.broadcast %shift_left3A_1785 : i32 to vector<16x1024xi32>
      %shift_left3A_1787 = arith.shli %xor3A_1783, %shift_left3A_1786 : vector<16x1024xi32>
      %shift_right_logical3A_1788 = arith.constant 3 : i32
      %shift_right_logical3A_1789 = vector.broadcast %shift_right_logical3A_1788 : i32 to vector<16x1024xi32>
      %shift_right_logical3A_1790 = arith.shrui %xor3A_1783, %shift_right_logical3A_1789 : vector<16x1024xi32>
      %or3A_1791 = arith.ori %shift_left3A_1787, %shift_right_logical3A_1790 : vector<16x1024xi32>
      %xor3A_1792 = arith.xori %add3A_1784, %or3A_1791 : vector<16x1024xi32>
      %add3A_1793 = arith.addi %add3A_1784, %xor3A_1792 : vector<16x1024xi32>
      %shift_left3A_1794 = arith.constant 16 : i32
      %shift_left3A_1795 = vector.broadcast %shift_left3A_1794 : i32 to vector<16x1024xi32>
      %shift_left3A_1796 = arith.shli %xor3A_1792, %shift_left3A_1795 : vector<16x1024xi32>
      %shift_right_logical3A_1797 = arith.constant 16 : i32
      %shift_right_logical3A_1798 = vector.broadcast %shift_right_logical3A_1797 : i32 to vector<16x1024xi32>
      %shift_right_logical3A_1799 = arith.shrui %xor3A_1792, %shift_right_logical3A_1798 : vector<16x1024xi32>
      %or3A_1800 = arith.ori %shift_left3A_1796, %shift_right_logical3A_1799 : vector<16x1024xi32>
      %xor3A_1801 = arith.xori %add3A_1793, %or3A_1800 : vector<16x1024xi32>
      %add3A_1802 = arith.addi %add3A_1793, %xor3A_1801 : vector<16x1024xi32>
      %shift_left3A_1803 = arith.constant 24 : i32
      %shift_left3A_1804 = vector.broadcast %shift_left3A_1803 : i32 to vector<16x1024xi32>
      %shift_left3A_1805 = arith.shli %xor3A_1801, %shift_left3A_1804 : vector<16x1024xi32>
      %shift_right_logical3A_1806 = arith.constant 8 : i32
      %shift_right_logical3A_1807 = vector.broadcast %shift_right_logical3A_1806 : i32 to vector<16x1024xi32>
      %shift_right_logical3A_1808 = arith.shrui %xor3A_1801, %shift_right_logical3A_1807 : vector<16x1024xi32>
      %or3A_1809 = arith.ori %shift_left3A_1805, %shift_right_logical3A_1808 : vector<16x1024xi32>
      %xor3A_1810 = arith.xori %add3A_1802, %or3A_1809 : vector<16x1024xi32>
      %add3A_1811 = arith.constant 42 : i32
      %add3A_1812 = vector.broadcast %add3A_1811 : i32 to vector<16x1024xi32>
      %add3A_1813 = arith.addi %add3A_1802, %add3A_1812 : vector<16x1024xi32>
      %add3A_1814 = arith.constant 466689008 : i32
      %add3A_1815 = vector.broadcast %add3A_1814 : i32 to vector<16x1024xi32>
      %add3A_1816 = arith.addi %xor3A_1810, %add3A_1815 : vector<16x1024xi32>
      %add3A_1817 = arith.constant 4 : i32
      %add3A_1818 = vector.broadcast %add3A_1817 : i32 to vector<16x1024xi32>
      %add3A_1819 = arith.addi %add3A_1816, %add3A_1818 : vector<16x1024xi32>
      %add3A_1820 = arith.addi %add3A_1813, %add3A_1819 : vector<16x1024xi32>
      %shift_left3A_1821 = arith.constant 13 : i32
      %shift_left3A_1822 = vector.broadcast %shift_left3A_1821 : i32 to vector<16x1024xi32>
      %shift_left3A_1823 = arith.shli %add3A_1819, %shift_left3A_1822 : vector<16x1024xi32>
      %shift_right_logical3A_1824 = arith.constant 19 : i32
      %shift_right_logical3A_1825 = vector.broadcast %shift_right_logical3A_1824 : i32 to vector<16x1024xi32>
      %shift_right_logical3A_1826 = arith.shrui %add3A_1819, %shift_right_logical3A_1825 : vector<16x1024xi32>
      %or3A_1827 = arith.ori %shift_left3A_1823, %shift_right_logical3A_1826 : vector<16x1024xi32>
      %xor3A_1828 = arith.xori %add3A_1820, %or3A_1827 : vector<16x1024xi32>
      %add3A_1829 = arith.addi %add3A_1820, %xor3A_1828 : vector<16x1024xi32>
      %shift_left3A_1830 = arith.constant 15 : i32
      %shift_left3A_1831 = vector.broadcast %shift_left3A_1830 : i32 to vector<16x1024xi32>
      %shift_left3A_1832 = arith.shli %xor3A_1828, %shift_left3A_1831 : vector<16x1024xi32>
      %shift_right_logical3A_1833 = arith.constant 17 : i32
      %shift_right_logical3A_1834 = vector.broadcast %shift_right_logical3A_1833 : i32 to vector<16x1024xi32>
      %shift_right_logical3A_1835 = arith.shrui %xor3A_1828, %shift_right_logical3A_1834 : vector<16x1024xi32>
      %or3A_1836 = arith.ori %shift_left3A_1832, %shift_right_logical3A_1835 : vector<16x1024xi32>
      %xor3A_1837 = arith.xori %add3A_1829, %or3A_1836 : vector<16x1024xi32>
      %add3A_1838 = arith.addi %add3A_1829, %xor3A_1837 : vector<16x1024xi32>
      %shift_left3A_1839 = arith.constant 26 : i32
      %shift_left3A_1840 = vector.broadcast %shift_left3A_1839 : i32 to vector<16x1024xi32>
      %shift_left3A_1841 = arith.shli %xor3A_1837, %shift_left3A_1840 : vector<16x1024xi32>
      %shift_right_logical3A_1842 = arith.constant 6 : i32
      %shift_right_logical3A_1843 = vector.broadcast %shift_right_logical3A_1842 : i32 to vector<16x1024xi32>
      %shift_right_logical3A_1844 = arith.shrui %xor3A_1837, %shift_right_logical3A_1843 : vector<16x1024xi32>
      %or3A_1845 = arith.ori %shift_left3A_1841, %shift_right_logical3A_1844 : vector<16x1024xi32>
      %xor3A_1846 = arith.xori %add3A_1838, %or3A_1845 : vector<16x1024xi32>
      %add3A_1847 = arith.addi %add3A_1838, %xor3A_1846 : vector<16x1024xi32>
      %shift_left3A_1848 = arith.constant 6 : i32
      %shift_left3A_1849 = vector.broadcast %shift_left3A_1848 : i32 to vector<16x1024xi32>
      %shift_left3A_1850 = arith.shli %xor3A_1846, %shift_left3A_1849 : vector<16x1024xi32>
      %shift_right_logical3A_1851 = arith.constant 26 : i32
      %shift_right_logical3A_1852 = vector.broadcast %shift_right_logical3A_1851 : i32 to vector<16x1024xi32>
      %shift_right_logical3A_1853 = arith.shrui %xor3A_1846, %shift_right_logical3A_1852 : vector<16x1024xi32>
      %or3A_1854 = arith.ori %shift_left3A_1850, %shift_right_logical3A_1853 : vector<16x1024xi32>
      %xor3A_1855 = arith.xori %add3A_1847, %or3A_1854 : vector<16x1024xi32>
      %add3A_1856 = arith.constant 466689008 : i32
      %add3A_1857 = vector.broadcast %add3A_1856 : i32 to vector<16x1024xi32>
      %add3A_1858 = arith.addi %add3A_1847, %add3A_1857 : vector<16x1024xi32>
      %add3A_1859 = arith.constant 0 : i32
      %add3A_1860 = vector.broadcast %add3A_1859 : i32 to vector<16x1024xi32>
      %add3A_1861 = arith.addi %xor3A_1855, %add3A_1860 : vector<16x1024xi32>
      %add3A_1862 = arith.constant 5 : i32
      %add3A_1863 = vector.broadcast %add3A_1862 : i32 to vector<16x1024xi32>
      %add3A_1864 = arith.addi %add3A_1861, %add3A_1863 : vector<16x1024xi32>
      %xor3A_1865 = arith.xori %add3A_1858, %add3A_1864 : vector<16x1024xi32>
      %shift_right_logical3A_1866 = arith.constant 9 : i32
      %shift_right_logical3A_1867 = vector.broadcast %shift_right_logical3A_1866 : i32 to vector<16x1024xi32>
      %shift_right_logical3A_1868 = arith.shrui %xor3A_1865, %shift_right_logical3A_1867 : vector<16x1024xi32>
      %or3A_1869 = arith.constant 1065353216 : i32
      %or3A_1870 = vector.broadcast %or3A_1869 : i32 to vector<16x1024xi32>
      %or3A_1871 = arith.ori %shift_right_logical3A_1868, %or3A_1870 : vector<16x1024xi32>
      %bitcast_convert_type3A_1872 = tpu.bitcast %or3A_1871 : vector<16x1024xi32> -> vector<16x1024xf32>
      %sub3A_1873 = arith.constant 1.000000e+00 : f32
      %sub3A_1874 = vector.broadcast %sub3A_1873 : f32 to vector<16x1024xf32>
      %sub3A_1875 = arith.subf %bitcast_convert_type3A_1872, %sub3A_1874 : vector<16x1024xf32>
      %add3A_1876 = arith.constant 1.17549435E-38 : f32
      %add3A_1877 = vector.broadcast %add3A_1876 : f32 to vector<16x1024xf32>
      %add3A_1878 = arith.addf %sub3A_1875, %add3A_1877 : vector<16x1024xf32>
      %max3A_1879 = arith.constant 1.17549435E-38 : f32
      %max3A_1880 = vector.broadcast %max3A_1879 : f32 to vector<16x1024xf32>
      %max3A_1881 = arith.maximumf %max3A_1880, %add3A_1878 : vector<16x1024xf32>
      %log3A_1882 = math.log %max3A_1881 : vector<16x1024xf32>
      %neg3A_1883 = arith.constant 0.000000e+00 : f32
      %neg3A_1884 = vector.broadcast %neg3A_1883 : f32 to vector<16x1024xf32>
      %neg3A_1885 = arith.subf %neg3A_1884, %log3A_1882 : vector<16x1024xf32>
      %log3A_1886 = math.log %neg3A_1885 : vector<16x1024xf32>
      %neg3A_1887 = arith.constant 0.000000e+00 : f32
      %neg3A_1888 = vector.broadcast %neg3A_1887 : f32 to vector<16x1024xf32>
      %neg3A_1889 = arith.subf %neg3A_1888, %log3A_1886 : vector<16x1024xf32>
      %get3A_1890 = arith.constant 0 : index
      %get3A_1891 = arith.index_cast %add3A_1634 : i32 to index
      %get3A_1892 = vector.load %arg1[%get3A_1890, %get3A_1891] : memref<16x100000xf32, #tpu.memory_space<vmem>>, vector<16x1024xf32>
      %add3A_1893 = arith.addf %neg3A_1889, %get3A_1892 : vector<16x1024xf32>
      %gt3A_1894 = arith.cmpf ogt, %add3A_1893, %select_n3A_1627 : vector<16x1024xf32>
      %select_n3A_1895 = arith.select %gt3A_1894, %add3A_1893, %select_n3A_1627 : vector<16x1024xi1>, vector<16x1024xf32>
      %select_n3A_1896 = arith.select %gt3A_1894, %add3A_1636, %select_n3A_1628 : vector<16x1024xi1>, vector<16x1024xi32>
      %scan3A_1897 = arith.constant 6 : i32
      %scan3A_1898 = arith.addi %scan3A_288, %scan3A_1897 : i32
      %mul3A_1899 = arith.constant 1024 : i32
      %mul3A_1900 = arith.muli %scan3A_1898, %mul3A_1899 : i32
      %add3A_1901 = arith.constant 33792 : i32
      %add3A_1902 = arith.addi %add3A_1901, %mul3A_1900 : i32
      %add3A_1903 = vector.broadcast %add3A_1902 : i32 to vector<16x1024xi32>
      %add3A_1904 = arith.addi %iota3A_2, %add3A_1903 : vector<16x1024xi32>
      %add3A_1905 = arith.addi %mul3A_5, %add3A_1904 : vector<16x1024xi32>
      %add3A_1906 = arith.constant 42 : i32
      %add3A_1907 = vector.broadcast %add3A_1906 : i32 to vector<16x1024xi32>
      %add3A_1908 = arith.addi %add3A_1905, %add3A_1907 : vector<16x1024xi32>
      %shift_left3A_1909 = arith.constant 13 : i32
      %shift_left3A_1910 = vector.broadcast %shift_left3A_1909 : i32 to vector<16x1024xi32>
      %shift_left3A_1911 = arith.shli %add3A_1908, %shift_left3A_1910 : vector<16x1024xi32>
      %shift_right_logical3A_1912 = arith.constant 19 : i32
      %shift_right_logical3A_1913 = vector.broadcast %shift_right_logical3A_1912 : i32 to vector<16x1024xi32>
      %shift_right_logical3A_1914 = arith.shrui %add3A_1908, %shift_right_logical3A_1913 : vector<16x1024xi32>
      %or3A_1915 = arith.ori %shift_left3A_1911, %shift_right_logical3A_1914 : vector<16x1024xi32>
      %xor3A_1916 = arith.xori %add3A_1908, %or3A_1915 : vector<16x1024xi32>
      %add3A_1917 = arith.addi %add3A_1908, %xor3A_1916 : vector<16x1024xi32>
      %shift_left3A_1918 = arith.constant 15 : i32
      %shift_left3A_1919 = vector.broadcast %shift_left3A_1918 : i32 to vector<16x1024xi32>
      %shift_left3A_1920 = arith.shli %xor3A_1916, %shift_left3A_1919 : vector<16x1024xi32>
      %shift_right_logical3A_1921 = arith.constant 17 : i32
      %shift_right_logical3A_1922 = vector.broadcast %shift_right_logical3A_1921 : i32 to vector<16x1024xi32>
      %shift_right_logical3A_1923 = arith.shrui %xor3A_1916, %shift_right_logical3A_1922 : vector<16x1024xi32>
      %or3A_1924 = arith.ori %shift_left3A_1920, %shift_right_logical3A_1923 : vector<16x1024xi32>
      %xor3A_1925 = arith.xori %add3A_1917, %or3A_1924 : vector<16x1024xi32>
      %add3A_1926 = arith.addi %add3A_1917, %xor3A_1925 : vector<16x1024xi32>
      %shift_left3A_1927 = arith.constant 26 : i32
      %shift_left3A_1928 = vector.broadcast %shift_left3A_1927 : i32 to vector<16x1024xi32>
      %shift_left3A_1929 = arith.shli %xor3A_1925, %shift_left3A_1928 : vector<16x1024xi32>
      %shift_right_logical3A_1930 = arith.constant 6 : i32
      %shift_right_logical3A_1931 = vector.broadcast %shift_right_logical3A_1930 : i32 to vector<16x1024xi32>
      %shift_right_logical3A_1932 = arith.shrui %xor3A_1925, %shift_right_logical3A_1931 : vector<16x1024xi32>
      %or3A_1933 = arith.ori %shift_left3A_1929, %shift_right_logical3A_1932 : vector<16x1024xi32>
      %xor3A_1934 = arith.xori %add3A_1926, %or3A_1933 : vector<16x1024xi32>
      %add3A_1935 = arith.addi %add3A_1926, %xor3A_1934 : vector<16x1024xi32>
      %shift_left3A_1936 = arith.constant 6 : i32
      %shift_left3A_1937 = vector.broadcast %shift_left3A_1936 : i32 to vector<16x1024xi32>
      %shift_left3A_1938 = arith.shli %xor3A_1934, %shift_left3A_1937 : vector<16x1024xi32>
      %shift_right_logical3A_1939 = arith.constant 26 : i32
      %shift_right_logical3A_1940 = vector.broadcast %shift_right_logical3A_1939 : i32 to vector<16x1024xi32>
      %shift_right_logical3A_1941 = arith.shrui %xor3A_1934, %shift_right_logical3A_1940 : vector<16x1024xi32>
      %or3A_1942 = arith.ori %shift_left3A_1938, %shift_right_logical3A_1941 : vector<16x1024xi32>
      %xor3A_1943 = arith.xori %add3A_1935, %or3A_1942 : vector<16x1024xi32>
      %add3A_1944 = arith.constant 42 : i32
      %add3A_1945 = vector.broadcast %add3A_1944 : i32 to vector<16x1024xi32>
      %add3A_1946 = arith.addi %add3A_1935, %add3A_1945 : vector<16x1024xi32>
      %add3A_1947 = arith.constant 466689008 : i32
      %add3A_1948 = vector.broadcast %add3A_1947 : i32 to vector<16x1024xi32>
      %add3A_1949 = arith.addi %xor3A_1943, %add3A_1948 : vector<16x1024xi32>
      %add3A_1950 = arith.constant 1 : i32
      %add3A_1951 = vector.broadcast %add3A_1950 : i32 to vector<16x1024xi32>
      %add3A_1952 = arith.addi %add3A_1949, %add3A_1951 : vector<16x1024xi32>
      %add3A_1953 = arith.addi %add3A_1946, %add3A_1952 : vector<16x1024xi32>
      %shift_left3A_1954 = arith.constant 17 : i32
      %shift_left3A_1955 = vector.broadcast %shift_left3A_1954 : i32 to vector<16x1024xi32>
      %shift_left3A_1956 = arith.shli %add3A_1952, %shift_left3A_1955 : vector<16x1024xi32>
      %shift_right_logical3A_1957 = arith.constant 15 : i32
      %shift_right_logical3A_1958 = vector.broadcast %shift_right_logical3A_1957 : i32 to vector<16x1024xi32>
      %shift_right_logical3A_1959 = arith.shrui %add3A_1952, %shift_right_logical3A_1958 : vector<16x1024xi32>
      %or3A_1960 = arith.ori %shift_left3A_1956, %shift_right_logical3A_1959 : vector<16x1024xi32>
      %xor3A_1961 = arith.xori %add3A_1953, %or3A_1960 : vector<16x1024xi32>
      %add3A_1962 = arith.addi %add3A_1953, %xor3A_1961 : vector<16x1024xi32>
      %shift_left3A_1963 = arith.constant 29 : i32
      %shift_left3A_1964 = vector.broadcast %shift_left3A_1963 : i32 to vector<16x1024xi32>
      %shift_left3A_1965 = arith.shli %xor3A_1961, %shift_left3A_1964 : vector<16x1024xi32>
      %shift_right_logical3A_1966 = arith.constant 3 : i32
      %shift_right_logical3A_1967 = vector.broadcast %shift_right_logical3A_1966 : i32 to vector<16x1024xi32>
      %shift_right_logical3A_1968 = arith.shrui %xor3A_1961, %shift_right_logical3A_1967 : vector<16x1024xi32>
      %or3A_1969 = arith.ori %shift_left3A_1965, %shift_right_logical3A_1968 : vector<16x1024xi32>
      %xor3A_1970 = arith.xori %add3A_1962, %or3A_1969 : vector<16x1024xi32>
      %add3A_1971 = arith.addi %add3A_1962, %xor3A_1970 : vector<16x1024xi32>
      %shift_left3A_1972 = arith.constant 16 : i32
      %shift_left3A_1973 = vector.broadcast %shift_left3A_1972 : i32 to vector<16x1024xi32>
      %shift_left3A_1974 = arith.shli %xor3A_1970, %shift_left3A_1973 : vector<16x1024xi32>
      %shift_right_logical3A_1975 = arith.constant 16 : i32
      %shift_right_logical3A_1976 = vector.broadcast %shift_right_logical3A_1975 : i32 to vector<16x1024xi32>
      %shift_right_logical3A_1977 = arith.shrui %xor3A_1970, %shift_right_logical3A_1976 : vector<16x1024xi32>
      %or3A_1978 = arith.ori %shift_left3A_1974, %shift_right_logical3A_1977 : vector<16x1024xi32>
      %xor3A_1979 = arith.xori %add3A_1971, %or3A_1978 : vector<16x1024xi32>
      %add3A_1980 = arith.addi %add3A_1971, %xor3A_1979 : vector<16x1024xi32>
      %shift_left3A_1981 = arith.constant 24 : i32
      %shift_left3A_1982 = vector.broadcast %shift_left3A_1981 : i32 to vector<16x1024xi32>
      %shift_left3A_1983 = arith.shli %xor3A_1979, %shift_left3A_1982 : vector<16x1024xi32>
      %shift_right_logical3A_1984 = arith.constant 8 : i32
      %shift_right_logical3A_1985 = vector.broadcast %shift_right_logical3A_1984 : i32 to vector<16x1024xi32>
      %shift_right_logical3A_1986 = arith.shrui %xor3A_1979, %shift_right_logical3A_1985 : vector<16x1024xi32>
      %or3A_1987 = arith.ori %shift_left3A_1983, %shift_right_logical3A_1986 : vector<16x1024xi32>
      %xor3A_1988 = arith.xori %add3A_1980, %or3A_1987 : vector<16x1024xi32>
      %add3A_1989 = arith.constant 466689008 : i32
      %add3A_1990 = vector.broadcast %add3A_1989 : i32 to vector<16x1024xi32>
      %add3A_1991 = arith.addi %add3A_1980, %add3A_1990 : vector<16x1024xi32>
      %add3A_1992 = arith.constant 0 : i32
      %add3A_1993 = vector.broadcast %add3A_1992 : i32 to vector<16x1024xi32>
      %add3A_1994 = arith.addi %xor3A_1988, %add3A_1993 : vector<16x1024xi32>
      %add3A_1995 = arith.constant 2 : i32
      %add3A_1996 = vector.broadcast %add3A_1995 : i32 to vector<16x1024xi32>
      %add3A_1997 = arith.addi %add3A_1994, %add3A_1996 : vector<16x1024xi32>
      %add3A_1998 = arith.addi %add3A_1991, %add3A_1997 : vector<16x1024xi32>
      %shift_left3A_1999 = arith.constant 13 : i32
      %shift_left3A_2000 = vector.broadcast %shift_left3A_1999 : i32 to vector<16x1024xi32>
      %shift_left3A_2001 = arith.shli %add3A_1997, %shift_left3A_2000 : vector<16x1024xi32>
      %shift_right_logical3A_2002 = arith.constant 19 : i32
      %shift_right_logical3A_2003 = vector.broadcast %shift_right_logical3A_2002 : i32 to vector<16x1024xi32>
      %shift_right_logical3A_2004 = arith.shrui %add3A_1997, %shift_right_logical3A_2003 : vector<16x1024xi32>
      %or3A_2005 = arith.ori %shift_left3A_2001, %shift_right_logical3A_2004 : vector<16x1024xi32>
      %xor3A_2006 = arith.xori %add3A_1998, %or3A_2005 : vector<16x1024xi32>
      %add3A_2007 = arith.addi %add3A_1998, %xor3A_2006 : vector<16x1024xi32>
      %shift_left3A_2008 = arith.constant 15 : i32
      %shift_left3A_2009 = vector.broadcast %shift_left3A_2008 : i32 to vector<16x1024xi32>
      %shift_left3A_2010 = arith.shli %xor3A_2006, %shift_left3A_2009 : vector<16x1024xi32>
      %shift_right_logical3A_2011 = arith.constant 17 : i32
      %shift_right_logical3A_2012 = vector.broadcast %shift_right_logical3A_2011 : i32 to vector<16x1024xi32>
      %shift_right_logical3A_2013 = arith.shrui %xor3A_2006, %shift_right_logical3A_2012 : vector<16x1024xi32>
      %or3A_2014 = arith.ori %shift_left3A_2010, %shift_right_logical3A_2013 : vector<16x1024xi32>
      %xor3A_2015 = arith.xori %add3A_2007, %or3A_2014 : vector<16x1024xi32>
      %add3A_2016 = arith.addi %add3A_2007, %xor3A_2015 : vector<16x1024xi32>
      %shift_left3A_2017 = arith.constant 26 : i32
      %shift_left3A_2018 = vector.broadcast %shift_left3A_2017 : i32 to vector<16x1024xi32>
      %shift_left3A_2019 = arith.shli %xor3A_2015, %shift_left3A_2018 : vector<16x1024xi32>
      %shift_right_logical3A_2020 = arith.constant 6 : i32
      %shift_right_logical3A_2021 = vector.broadcast %shift_right_logical3A_2020 : i32 to vector<16x1024xi32>
      %shift_right_logical3A_2022 = arith.shrui %xor3A_2015, %shift_right_logical3A_2021 : vector<16x1024xi32>
      %or3A_2023 = arith.ori %shift_left3A_2019, %shift_right_logical3A_2022 : vector<16x1024xi32>
      %xor3A_2024 = arith.xori %add3A_2016, %or3A_2023 : vector<16x1024xi32>
      %add3A_2025 = arith.addi %add3A_2016, %xor3A_2024 : vector<16x1024xi32>
      %shift_left3A_2026 = arith.constant 6 : i32
      %shift_left3A_2027 = vector.broadcast %shift_left3A_2026 : i32 to vector<16x1024xi32>
      %shift_left3A_2028 = arith.shli %xor3A_2024, %shift_left3A_2027 : vector<16x1024xi32>
      %shift_right_logical3A_2029 = arith.constant 26 : i32
      %shift_right_logical3A_2030 = vector.broadcast %shift_right_logical3A_2029 : i32 to vector<16x1024xi32>
      %shift_right_logical3A_2031 = arith.shrui %xor3A_2024, %shift_right_logical3A_2030 : vector<16x1024xi32>
      %or3A_2032 = arith.ori %shift_left3A_2028, %shift_right_logical3A_2031 : vector<16x1024xi32>
      %xor3A_2033 = arith.xori %add3A_2025, %or3A_2032 : vector<16x1024xi32>
      %add3A_2034 = arith.constant 0 : i32
      %add3A_2035 = vector.broadcast %add3A_2034 : i32 to vector<16x1024xi32>
      %add3A_2036 = arith.addi %add3A_2025, %add3A_2035 : vector<16x1024xi32>
      %add3A_2037 = arith.constant 42 : i32
      %add3A_2038 = vector.broadcast %add3A_2037 : i32 to vector<16x1024xi32>
      %add3A_2039 = arith.addi %xor3A_2033, %add3A_2038 : vector<16x1024xi32>
      %add3A_2040 = arith.constant 3 : i32
      %add3A_2041 = vector.broadcast %add3A_2040 : i32 to vector<16x1024xi32>
      %add3A_2042 = arith.addi %add3A_2039, %add3A_2041 : vector<16x1024xi32>
      %add3A_2043 = arith.addi %add3A_2036, %add3A_2042 : vector<16x1024xi32>
      %shift_left3A_2044 = arith.constant 17 : i32
      %shift_left3A_2045 = vector.broadcast %shift_left3A_2044 : i32 to vector<16x1024xi32>
      %shift_left3A_2046 = arith.shli %add3A_2042, %shift_left3A_2045 : vector<16x1024xi32>
      %shift_right_logical3A_2047 = arith.constant 15 : i32
      %shift_right_logical3A_2048 = vector.broadcast %shift_right_logical3A_2047 : i32 to vector<16x1024xi32>
      %shift_right_logical3A_2049 = arith.shrui %add3A_2042, %shift_right_logical3A_2048 : vector<16x1024xi32>
      %or3A_2050 = arith.ori %shift_left3A_2046, %shift_right_logical3A_2049 : vector<16x1024xi32>
      %xor3A_2051 = arith.xori %add3A_2043, %or3A_2050 : vector<16x1024xi32>
      %add3A_2052 = arith.addi %add3A_2043, %xor3A_2051 : vector<16x1024xi32>
      %shift_left3A_2053 = arith.constant 29 : i32
      %shift_left3A_2054 = vector.broadcast %shift_left3A_2053 : i32 to vector<16x1024xi32>
      %shift_left3A_2055 = arith.shli %xor3A_2051, %shift_left3A_2054 : vector<16x1024xi32>
      %shift_right_logical3A_2056 = arith.constant 3 : i32
      %shift_right_logical3A_2057 = vector.broadcast %shift_right_logical3A_2056 : i32 to vector<16x1024xi32>
      %shift_right_logical3A_2058 = arith.shrui %xor3A_2051, %shift_right_logical3A_2057 : vector<16x1024xi32>
      %or3A_2059 = arith.ori %shift_left3A_2055, %shift_right_logical3A_2058 : vector<16x1024xi32>
      %xor3A_2060 = arith.xori %add3A_2052, %or3A_2059 : vector<16x1024xi32>
      %add3A_2061 = arith.addi %add3A_2052, %xor3A_2060 : vector<16x1024xi32>
      %shift_left3A_2062 = arith.constant 16 : i32
      %shift_left3A_2063 = vector.broadcast %shift_left3A_2062 : i32 to vector<16x1024xi32>
      %shift_left3A_2064 = arith.shli %xor3A_2060, %shift_left3A_2063 : vector<16x1024xi32>
      %shift_right_logical3A_2065 = arith.constant 16 : i32
      %shift_right_logical3A_2066 = vector.broadcast %shift_right_logical3A_2065 : i32 to vector<16x1024xi32>
      %shift_right_logical3A_2067 = arith.shrui %xor3A_2060, %shift_right_logical3A_2066 : vector<16x1024xi32>
      %or3A_2068 = arith.ori %shift_left3A_2064, %shift_right_logical3A_2067 : vector<16x1024xi32>
      %xor3A_2069 = arith.xori %add3A_2061, %or3A_2068 : vector<16x1024xi32>
      %add3A_2070 = arith.addi %add3A_2061, %xor3A_2069 : vector<16x1024xi32>
      %shift_left3A_2071 = arith.constant 24 : i32
      %shift_left3A_2072 = vector.broadcast %shift_left3A_2071 : i32 to vector<16x1024xi32>
      %shift_left3A_2073 = arith.shli %xor3A_2069, %shift_left3A_2072 : vector<16x1024xi32>
      %shift_right_logical3A_2074 = arith.constant 8 : i32
      %shift_right_logical3A_2075 = vector.broadcast %shift_right_logical3A_2074 : i32 to vector<16x1024xi32>
      %shift_right_logical3A_2076 = arith.shrui %xor3A_2069, %shift_right_logical3A_2075 : vector<16x1024xi32>
      %or3A_2077 = arith.ori %shift_left3A_2073, %shift_right_logical3A_2076 : vector<16x1024xi32>
      %xor3A_2078 = arith.xori %add3A_2070, %or3A_2077 : vector<16x1024xi32>
      %add3A_2079 = arith.constant 42 : i32
      %add3A_2080 = vector.broadcast %add3A_2079 : i32 to vector<16x1024xi32>
      %add3A_2081 = arith.addi %add3A_2070, %add3A_2080 : vector<16x1024xi32>
      %add3A_2082 = arith.constant 466689008 : i32
      %add3A_2083 = vector.broadcast %add3A_2082 : i32 to vector<16x1024xi32>
      %add3A_2084 = arith.addi %xor3A_2078, %add3A_2083 : vector<16x1024xi32>
      %add3A_2085 = arith.constant 4 : i32
      %add3A_2086 = vector.broadcast %add3A_2085 : i32 to vector<16x1024xi32>
      %add3A_2087 = arith.addi %add3A_2084, %add3A_2086 : vector<16x1024xi32>
      %add3A_2088 = arith.addi %add3A_2081, %add3A_2087 : vector<16x1024xi32>
      %shift_left3A_2089 = arith.constant 13 : i32
      %shift_left3A_2090 = vector.broadcast %shift_left3A_2089 : i32 to vector<16x1024xi32>
      %shift_left3A_2091 = arith.shli %add3A_2087, %shift_left3A_2090 : vector<16x1024xi32>
      %shift_right_logical3A_2092 = arith.constant 19 : i32
      %shift_right_logical3A_2093 = vector.broadcast %shift_right_logical3A_2092 : i32 to vector<16x1024xi32>
      %shift_right_logical3A_2094 = arith.shrui %add3A_2087, %shift_right_logical3A_2093 : vector<16x1024xi32>
      %or3A_2095 = arith.ori %shift_left3A_2091, %shift_right_logical3A_2094 : vector<16x1024xi32>
      %xor3A_2096 = arith.xori %add3A_2088, %or3A_2095 : vector<16x1024xi32>
      %add3A_2097 = arith.addi %add3A_2088, %xor3A_2096 : vector<16x1024xi32>
      %shift_left3A_2098 = arith.constant 15 : i32
      %shift_left3A_2099 = vector.broadcast %shift_left3A_2098 : i32 to vector<16x1024xi32>
      %shift_left3A_2100 = arith.shli %xor3A_2096, %shift_left3A_2099 : vector<16x1024xi32>
      %shift_right_logical3A_2101 = arith.constant 17 : i32
      %shift_right_logical3A_2102 = vector.broadcast %shift_right_logical3A_2101 : i32 to vector<16x1024xi32>
      %shift_right_logical3A_2103 = arith.shrui %xor3A_2096, %shift_right_logical3A_2102 : vector<16x1024xi32>
      %or3A_2104 = arith.ori %shift_left3A_2100, %shift_right_logical3A_2103 : vector<16x1024xi32>
      %xor3A_2105 = arith.xori %add3A_2097, %or3A_2104 : vector<16x1024xi32>
      %add3A_2106 = arith.addi %add3A_2097, %xor3A_2105 : vector<16x1024xi32>
      %shift_left3A_2107 = arith.constant 26 : i32
      %shift_left3A_2108 = vector.broadcast %shift_left3A_2107 : i32 to vector<16x1024xi32>
      %shift_left3A_2109 = arith.shli %xor3A_2105, %shift_left3A_2108 : vector<16x1024xi32>
      %shift_right_logical3A_2110 = arith.constant 6 : i32
      %shift_right_logical3A_2111 = vector.broadcast %shift_right_logical3A_2110 : i32 to vector<16x1024xi32>
      %shift_right_logical3A_2112 = arith.shrui %xor3A_2105, %shift_right_logical3A_2111 : vector<16x1024xi32>
      %or3A_2113 = arith.ori %shift_left3A_2109, %shift_right_logical3A_2112 : vector<16x1024xi32>
      %xor3A_2114 = arith.xori %add3A_2106, %or3A_2113 : vector<16x1024xi32>
      %add3A_2115 = arith.addi %add3A_2106, %xor3A_2114 : vector<16x1024xi32>
      %shift_left3A_2116 = arith.constant 6 : i32
      %shift_left3A_2117 = vector.broadcast %shift_left3A_2116 : i32 to vector<16x1024xi32>
      %shift_left3A_2118 = arith.shli %xor3A_2114, %shift_left3A_2117 : vector<16x1024xi32>
      %shift_right_logical3A_2119 = arith.constant 26 : i32
      %shift_right_logical3A_2120 = vector.broadcast %shift_right_logical3A_2119 : i32 to vector<16x1024xi32>
      %shift_right_logical3A_2121 = arith.shrui %xor3A_2114, %shift_right_logical3A_2120 : vector<16x1024xi32>
      %or3A_2122 = arith.ori %shift_left3A_2118, %shift_right_logical3A_2121 : vector<16x1024xi32>
      %xor3A_2123 = arith.xori %add3A_2115, %or3A_2122 : vector<16x1024xi32>
      %add3A_2124 = arith.constant 466689008 : i32
      %add3A_2125 = vector.broadcast %add3A_2124 : i32 to vector<16x1024xi32>
      %add3A_2126 = arith.addi %add3A_2115, %add3A_2125 : vector<16x1024xi32>
      %add3A_2127 = arith.constant 0 : i32
      %add3A_2128 = vector.broadcast %add3A_2127 : i32 to vector<16x1024xi32>
      %add3A_2129 = arith.addi %xor3A_2123, %add3A_2128 : vector<16x1024xi32>
      %add3A_2130 = arith.constant 5 : i32
      %add3A_2131 = vector.broadcast %add3A_2130 : i32 to vector<16x1024xi32>
      %add3A_2132 = arith.addi %add3A_2129, %add3A_2131 : vector<16x1024xi32>
      %xor3A_2133 = arith.xori %add3A_2126, %add3A_2132 : vector<16x1024xi32>
      %shift_right_logical3A_2134 = arith.constant 9 : i32
      %shift_right_logical3A_2135 = vector.broadcast %shift_right_logical3A_2134 : i32 to vector<16x1024xi32>
      %shift_right_logical3A_2136 = arith.shrui %xor3A_2133, %shift_right_logical3A_2135 : vector<16x1024xi32>
      %or3A_2137 = arith.constant 1065353216 : i32
      %or3A_2138 = vector.broadcast %or3A_2137 : i32 to vector<16x1024xi32>
      %or3A_2139 = arith.ori %shift_right_logical3A_2136, %or3A_2138 : vector<16x1024xi32>
      %bitcast_convert_type3A_2140 = tpu.bitcast %or3A_2139 : vector<16x1024xi32> -> vector<16x1024xf32>
      %sub3A_2141 = arith.constant 1.000000e+00 : f32
      %sub3A_2142 = vector.broadcast %sub3A_2141 : f32 to vector<16x1024xf32>
      %sub3A_2143 = arith.subf %bitcast_convert_type3A_2140, %sub3A_2142 : vector<16x1024xf32>
      %add3A_2144 = arith.constant 1.17549435E-38 : f32
      %add3A_2145 = vector.broadcast %add3A_2144 : f32 to vector<16x1024xf32>
      %add3A_2146 = arith.addf %sub3A_2143, %add3A_2145 : vector<16x1024xf32>
      %max3A_2147 = arith.constant 1.17549435E-38 : f32
      %max3A_2148 = vector.broadcast %max3A_2147 : f32 to vector<16x1024xf32>
      %max3A_2149 = arith.maximumf %max3A_2148, %add3A_2146 : vector<16x1024xf32>
      %log3A_2150 = math.log %max3A_2149 : vector<16x1024xf32>
      %neg3A_2151 = arith.constant 0.000000e+00 : f32
      %neg3A_2152 = vector.broadcast %neg3A_2151 : f32 to vector<16x1024xf32>
      %neg3A_2153 = arith.subf %neg3A_2152, %log3A_2150 : vector<16x1024xf32>
      %log3A_2154 = math.log %neg3A_2153 : vector<16x1024xf32>
      %neg3A_2155 = arith.constant 0.000000e+00 : f32
      %neg3A_2156 = vector.broadcast %neg3A_2155 : f32 to vector<16x1024xf32>
      %neg3A_2157 = arith.subf %neg3A_2156, %log3A_2154 : vector<16x1024xf32>
      %get3A_2158 = arith.constant 0 : index
      %get3A_2159 = arith.index_cast %add3A_1902 : i32 to index
      %get3A_2160 = vector.load %arg1[%get3A_2158, %get3A_2159] : memref<16x100000xf32, #tpu.memory_space<vmem>>, vector<16x1024xf32>
      %add3A_2161 = arith.addf %neg3A_2157, %get3A_2160 : vector<16x1024xf32>
      %gt3A_2162 = arith.cmpf ogt, %add3A_2161, %select_n3A_1895 : vector<16x1024xf32>
      %select_n3A_2163 = arith.select %gt3A_2162, %add3A_2161, %select_n3A_1895 : vector<16x1024xi1>, vector<16x1024xf32>
      %select_n3A_2164 = arith.select %gt3A_2162, %add3A_1904, %select_n3A_1896 : vector<16x1024xi1>, vector<16x1024xi32>
      %scan3A_2165 = arith.constant 7 : i32
      %scan3A_2166 = arith.addi %scan3A_288, %scan3A_2165 : i32
      %mul3A_2167 = arith.constant 1024 : i32
      %mul3A_2168 = arith.muli %scan3A_2166, %mul3A_2167 : i32
      %add3A_2169 = arith.constant 33792 : i32
      %add3A_2170 = arith.addi %add3A_2169, %mul3A_2168 : i32
      %add3A_2171 = vector.broadcast %add3A_2170 : i32 to vector<16x1024xi32>
      %add3A_2172 = arith.addi %iota3A_2, %add3A_2171 : vector<16x1024xi32>
      %add3A_2173 = arith.addi %mul3A_5, %add3A_2172 : vector<16x1024xi32>
      %add3A_2174 = arith.constant 42 : i32
      %add3A_2175 = vector.broadcast %add3A_2174 : i32 to vector<16x1024xi32>
      %add3A_2176 = arith.addi %add3A_2173, %add3A_2175 : vector<16x1024xi32>
      %shift_left3A_2177 = arith.constant 13 : i32
      %shift_left3A_2178 = vector.broadcast %shift_left3A_2177 : i32 to vector<16x1024xi32>
      %shift_left3A_2179 = arith.shli %add3A_2176, %shift_left3A_2178 : vector<16x1024xi32>
      %shift_right_logical3A_2180 = arith.constant 19 : i32
      %shift_right_logical3A_2181 = vector.broadcast %shift_right_logical3A_2180 : i32 to vector<16x1024xi32>
      %shift_right_logical3A_2182 = arith.shrui %add3A_2176, %shift_right_logical3A_2181 : vector<16x1024xi32>
      %or3A_2183 = arith.ori %shift_left3A_2179, %shift_right_logical3A_2182 : vector<16x1024xi32>
      %xor3A_2184 = arith.xori %add3A_2176, %or3A_2183 : vector<16x1024xi32>
      %add3A_2185 = arith.addi %add3A_2176, %xor3A_2184 : vector<16x1024xi32>
      %shift_left3A_2186 = arith.constant 15 : i32
      %shift_left3A_2187 = vector.broadcast %shift_left3A_2186 : i32 to vector<16x1024xi32>
      %shift_left3A_2188 = arith.shli %xor3A_2184, %shift_left3A_2187 : vector<16x1024xi32>
      %shift_right_logical3A_2189 = arith.constant 17 : i32
      %shift_right_logical3A_2190 = vector.broadcast %shift_right_logical3A_2189 : i32 to vector<16x1024xi32>
      %shift_right_logical3A_2191 = arith.shrui %xor3A_2184, %shift_right_logical3A_2190 : vector<16x1024xi32>
      %or3A_2192 = arith.ori %shift_left3A_2188, %shift_right_logical3A_2191 : vector<16x1024xi32>
      %xor3A_2193 = arith.xori %add3A_2185, %or3A_2192 : vector<16x1024xi32>
      %add3A_2194 = arith.addi %add3A_2185, %xor3A_2193 : vector<16x1024xi32>
      %shift_left3A_2195 = arith.constant 26 : i32
      %shift_left3A_2196 = vector.broadcast %shift_left3A_2195 : i32 to vector<16x1024xi32>
      %shift_left3A_2197 = arith.shli %xor3A_2193, %shift_left3A_2196 : vector<16x1024xi32>
      %shift_right_logical3A_2198 = arith.constant 6 : i32
      %shift_right_logical3A_2199 = vector.broadcast %shift_right_logical3A_2198 : i32 to vector<16x1024xi32>
      %shift_right_logical3A_2200 = arith.shrui %xor3A_2193, %shift_right_logical3A_2199 : vector<16x1024xi32>
      %or3A_2201 = arith.ori %shift_left3A_2197, %shift_right_logical3A_2200 : vector<16x1024xi32>
      %xor3A_2202 = arith.xori %add3A_2194, %or3A_2201 : vector<16x1024xi32>
      %add3A_2203 = arith.addi %add3A_2194, %xor3A_2202 : vector<16x1024xi32>
      %shift_left3A_2204 = arith.constant 6 : i32
      %shift_left3A_2205 = vector.broadcast %shift_left3A_2204 : i32 to vector<16x1024xi32>
      %shift_left3A_2206 = arith.shli %xor3A_2202, %shift_left3A_2205 : vector<16x1024xi32>
      %shift_right_logical3A_2207 = arith.constant 26 : i32
      %shift_right_logical3A_2208 = vector.broadcast %shift_right_logical3A_2207 : i32 to vector<16x1024xi32>
      %shift_right_logical3A_2209 = arith.shrui %xor3A_2202, %shift_right_logical3A_2208 : vector<16x1024xi32>
      %or3A_2210 = arith.ori %shift_left3A_2206, %shift_right_logical3A_2209 : vector<16x1024xi32>
      %xor3A_2211 = arith.xori %add3A_2203, %or3A_2210 : vector<16x1024xi32>
      %add3A_2212 = arith.constant 42 : i32
      %add3A_2213 = vector.broadcast %add3A_2212 : i32 to vector<16x1024xi32>
      %add3A_2214 = arith.addi %add3A_2203, %add3A_2213 : vector<16x1024xi32>
      %add3A_2215 = arith.constant 466689008 : i32
      %add3A_2216 = vector.broadcast %add3A_2215 : i32 to vector<16x1024xi32>
      %add3A_2217 = arith.addi %xor3A_2211, %add3A_2216 : vector<16x1024xi32>
      %add3A_2218 = arith.constant 1 : i32
      %add3A_2219 = vector.broadcast %add3A_2218 : i32 to vector<16x1024xi32>
      %add3A_2220 = arith.addi %add3A_2217, %add3A_2219 : vector<16x1024xi32>
      %add3A_2221 = arith.addi %add3A_2214, %add3A_2220 : vector<16x1024xi32>
      %shift_left3A_2222 = arith.constant 17 : i32
      %shift_left3A_2223 = vector.broadcast %shift_left3A_2222 : i32 to vector<16x1024xi32>
      %shift_left3A_2224 = arith.shli %add3A_2220, %shift_left3A_2223 : vector<16x1024xi32>
      %shift_right_logical3A_2225 = arith.constant 15 : i32
      %shift_right_logical3A_2226 = vector.broadcast %shift_right_logical3A_2225 : i32 to vector<16x1024xi32>
      %shift_right_logical3A_2227 = arith.shrui %add3A_2220, %shift_right_logical3A_2226 : vector<16x1024xi32>
      %or3A_2228 = arith.ori %shift_left3A_2224, %shift_right_logical3A_2227 : vector<16x1024xi32>
      %xor3A_2229 = arith.xori %add3A_2221, %or3A_2228 : vector<16x1024xi32>
      %add3A_2230 = arith.addi %add3A_2221, %xor3A_2229 : vector<16x1024xi32>
      %shift_left3A_2231 = arith.constant 29 : i32
      %shift_left3A_2232 = vector.broadcast %shift_left3A_2231 : i32 to vector<16x1024xi32>
      %shift_left3A_2233 = arith.shli %xor3A_2229, %shift_left3A_2232 : vector<16x1024xi32>
      %shift_right_logical3A_2234 = arith.constant 3 : i32
      %shift_right_logical3A_2235 = vector.broadcast %shift_right_logical3A_2234 : i32 to vector<16x1024xi32>
      %shift_right_logical3A_2236 = arith.shrui %xor3A_2229, %shift_right_logical3A_2235 : vector<16x1024xi32>
      %or3A_2237 = arith.ori %shift_left3A_2233, %shift_right_logical3A_2236 : vector<16x1024xi32>
      %xor3A_2238 = arith.xori %add3A_2230, %or3A_2237 : vector<16x1024xi32>
      %add3A_2239 = arith.addi %add3A_2230, %xor3A_2238 : vector<16x1024xi32>
      %shift_left3A_2240 = arith.constant 16 : i32
      %shift_left3A_2241 = vector.broadcast %shift_left3A_2240 : i32 to vector<16x1024xi32>
      %shift_left3A_2242 = arith.shli %xor3A_2238, %shift_left3A_2241 : vector<16x1024xi32>
      %shift_right_logical3A_2243 = arith.constant 16 : i32
      %shift_right_logical3A_2244 = vector.broadcast %shift_right_logical3A_2243 : i32 to vector<16x1024xi32>
      %shift_right_logical3A_2245 = arith.shrui %xor3A_2238, %shift_right_logical3A_2244 : vector<16x1024xi32>
      %or3A_2246 = arith.ori %shift_left3A_2242, %shift_right_logical3A_2245 : vector<16x1024xi32>
      %xor3A_2247 = arith.xori %add3A_2239, %or3A_2246 : vector<16x1024xi32>
      %add3A_2248 = arith.addi %add3A_2239, %xor3A_2247 : vector<16x1024xi32>
      %shift_left3A_2249 = arith.constant 24 : i32
      %shift_left3A_2250 = vector.broadcast %shift_left3A_2249 : i32 to vector<16x1024xi32>
      %shift_left3A_2251 = arith.shli %xor3A_2247, %shift_left3A_2250 : vector<16x1024xi32>
      %shift_right_logical3A_2252 = arith.constant 8 : i32
      %shift_right_logical3A_2253 = vector.broadcast %shift_right_logical3A_2252 : i32 to vector<16x1024xi32>
      %shift_right_logical3A_2254 = arith.shrui %xor3A_2247, %shift_right_logical3A_2253 : vector<16x1024xi32>
      %or3A_2255 = arith.ori %shift_left3A_2251, %shift_right_logical3A_2254 : vector<16x1024xi32>
      %xor3A_2256 = arith.xori %add3A_2248, %or3A_2255 : vector<16x1024xi32>
      %add3A_2257 = arith.constant 466689008 : i32
      %add3A_2258 = vector.broadcast %add3A_2257 : i32 to vector<16x1024xi32>
      %add3A_2259 = arith.addi %add3A_2248, %add3A_2258 : vector<16x1024xi32>
      %add3A_2260 = arith.constant 0 : i32
      %add3A_2261 = vector.broadcast %add3A_2260 : i32 to vector<16x1024xi32>
      %add3A_2262 = arith.addi %xor3A_2256, %add3A_2261 : vector<16x1024xi32>
      %add3A_2263 = arith.constant 2 : i32
      %add3A_2264 = vector.broadcast %add3A_2263 : i32 to vector<16x1024xi32>
      %add3A_2265 = arith.addi %add3A_2262, %add3A_2264 : vector<16x1024xi32>
      %add3A_2266 = arith.addi %add3A_2259, %add3A_2265 : vector<16x1024xi32>
      %shift_left3A_2267 = arith.constant 13 : i32
      %shift_left3A_2268 = vector.broadcast %shift_left3A_2267 : i32 to vector<16x1024xi32>
      %shift_left3A_2269 = arith.shli %add3A_2265, %shift_left3A_2268 : vector<16x1024xi32>
      %shift_right_logical3A_2270 = arith.constant 19 : i32
      %shift_right_logical3A_2271 = vector.broadcast %shift_right_logical3A_2270 : i32 to vector<16x1024xi32>
      %shift_right_logical3A_2272 = arith.shrui %add3A_2265, %shift_right_logical3A_2271 : vector<16x1024xi32>
      %or3A_2273 = arith.ori %shift_left3A_2269, %shift_right_logical3A_2272 : vector<16x1024xi32>
      %xor3A_2274 = arith.xori %add3A_2266, %or3A_2273 : vector<16x1024xi32>
      %add3A_2275 = arith.addi %add3A_2266, %xor3A_2274 : vector<16x1024xi32>
      %shift_left3A_2276 = arith.constant 15 : i32
      %shift_left3A_2277 = vector.broadcast %shift_left3A_2276 : i32 to vector<16x1024xi32>
      %shift_left3A_2278 = arith.shli %xor3A_2274, %shift_left3A_2277 : vector<16x1024xi32>
      %shift_right_logical3A_2279 = arith.constant 17 : i32
      %shift_right_logical3A_2280 = vector.broadcast %shift_right_logical3A_2279 : i32 to vector<16x1024xi32>
      %shift_right_logical3A_2281 = arith.shrui %xor3A_2274, %shift_right_logical3A_2280 : vector<16x1024xi32>
      %or3A_2282 = arith.ori %shift_left3A_2278, %shift_right_logical3A_2281 : vector<16x1024xi32>
      %xor3A_2283 = arith.xori %add3A_2275, %or3A_2282 : vector<16x1024xi32>
      %add3A_2284 = arith.addi %add3A_2275, %xor3A_2283 : vector<16x1024xi32>
      %shift_left3A_2285 = arith.constant 26 : i32
      %shift_left3A_2286 = vector.broadcast %shift_left3A_2285 : i32 to vector<16x1024xi32>
      %shift_left3A_2287 = arith.shli %xor3A_2283, %shift_left3A_2286 : vector<16x1024xi32>
      %shift_right_logical3A_2288 = arith.constant 6 : i32
      %shift_right_logical3A_2289 = vector.broadcast %shift_right_logical3A_2288 : i32 to vector<16x1024xi32>
      %shift_right_logical3A_2290 = arith.shrui %xor3A_2283, %shift_right_logical3A_2289 : vector<16x1024xi32>
      %or3A_2291 = arith.ori %shift_left3A_2287, %shift_right_logical3A_2290 : vector<16x1024xi32>
      %xor3A_2292 = arith.xori %add3A_2284, %or3A_2291 : vector<16x1024xi32>
      %add3A_2293 = arith.addi %add3A_2284, %xor3A_2292 : vector<16x1024xi32>
      %shift_left3A_2294 = arith.constant 6 : i32
      %shift_left3A_2295 = vector.broadcast %shift_left3A_2294 : i32 to vector<16x1024xi32>
      %shift_left3A_2296 = arith.shli %xor3A_2292, %shift_left3A_2295 : vector<16x1024xi32>
      %shift_right_logical3A_2297 = arith.constant 26 : i32
      %shift_right_logical3A_2298 = vector.broadcast %shift_right_logical3A_2297 : i32 to vector<16x1024xi32>
      %shift_right_logical3A_2299 = arith.shrui %xor3A_2292, %shift_right_logical3A_2298 : vector<16x1024xi32>
      %or3A_2300 = arith.ori %shift_left3A_2296, %shift_right_logical3A_2299 : vector<16x1024xi32>
      %xor3A_2301 = arith.xori %add3A_2293, %or3A_2300 : vector<16x1024xi32>
      %add3A_2302 = arith.constant 0 : i32
      %add3A_2303 = vector.broadcast %add3A_2302 : i32 to vector<16x1024xi32>
      %add3A_2304 = arith.addi %add3A_2293, %add3A_2303 : vector<16x1024xi32>
      %add3A_2305 = arith.constant 42 : i32
      %add3A_2306 = vector.broadcast %add3A_2305 : i32 to vector<16x1024xi32>
      %add3A_2307 = arith.addi %xor3A_2301, %add3A_2306 : vector<16x1024xi32>
      %add3A_2308 = arith.constant 3 : i32
      %add3A_2309 = vector.broadcast %add3A_2308 : i32 to vector<16x1024xi32>
      %add3A_2310 = arith.addi %add3A_2307, %add3A_2309 : vector<16x1024xi32>
      %add3A_2311 = arith.addi %add3A_2304, %add3A_2310 : vector<16x1024xi32>
      %shift_left3A_2312 = arith.constant 17 : i32
      %shift_left3A_2313 = vector.broadcast %shift_left3A_2312 : i32 to vector<16x1024xi32>
      %shift_left3A_2314 = arith.shli %add3A_2310, %shift_left3A_2313 : vector<16x1024xi32>
      %shift_right_logical3A_2315 = arith.constant 15 : i32
      %shift_right_logical3A_2316 = vector.broadcast %shift_right_logical3A_2315 : i32 to vector<16x1024xi32>
      %shift_right_logical3A_2317 = arith.shrui %add3A_2310, %shift_right_logical3A_2316 : vector<16x1024xi32>
      %or3A_2318 = arith.ori %shift_left3A_2314, %shift_right_logical3A_2317 : vector<16x1024xi32>
      %xor3A_2319 = arith.xori %add3A_2311, %or3A_2318 : vector<16x1024xi32>
      %add3A_2320 = arith.addi %add3A_2311, %xor3A_2319 : vector<16x1024xi32>
      %shift_left3A_2321 = arith.constant 29 : i32
      %shift_left3A_2322 = vector.broadcast %shift_left3A_2321 : i32 to vector<16x1024xi32>
      %shift_left3A_2323 = arith.shli %xor3A_2319, %shift_left3A_2322 : vector<16x1024xi32>
      %shift_right_logical3A_2324 = arith.constant 3 : i32
      %shift_right_logical3A_2325 = vector.broadcast %shift_right_logical3A_2324 : i32 to vector<16x1024xi32>
      %shift_right_logical3A_2326 = arith.shrui %xor3A_2319, %shift_right_logical3A_2325 : vector<16x1024xi32>
      %or3A_2327 = arith.ori %shift_left3A_2323, %shift_right_logical3A_2326 : vector<16x1024xi32>
      %xor3A_2328 = arith.xori %add3A_2320, %or3A_2327 : vector<16x1024xi32>
      %add3A_2329 = arith.addi %add3A_2320, %xor3A_2328 : vector<16x1024xi32>
      %shift_left3A_2330 = arith.constant 16 : i32
      %shift_left3A_2331 = vector.broadcast %shift_left3A_2330 : i32 to vector<16x1024xi32>
      %shift_left3A_2332 = arith.shli %xor3A_2328, %shift_left3A_2331 : vector<16x1024xi32>
      %shift_right_logical3A_2333 = arith.constant 16 : i32
      %shift_right_logical3A_2334 = vector.broadcast %shift_right_logical3A_2333 : i32 to vector<16x1024xi32>
      %shift_right_logical3A_2335 = arith.shrui %xor3A_2328, %shift_right_logical3A_2334 : vector<16x1024xi32>
      %or3A_2336 = arith.ori %shift_left3A_2332, %shift_right_logical3A_2335 : vector<16x1024xi32>
      %xor3A_2337 = arith.xori %add3A_2329, %or3A_2336 : vector<16x1024xi32>
      %add3A_2338 = arith.addi %add3A_2329, %xor3A_2337 : vector<16x1024xi32>
      %shift_left3A_2339 = arith.constant 24 : i32
      %shift_left3A_2340 = vector.broadcast %shift_left3A_2339 : i32 to vector<16x1024xi32>
      %shift_left3A_2341 = arith.shli %xor3A_2337, %shift_left3A_2340 : vector<16x1024xi32>
      %shift_right_logical3A_2342 = arith.constant 8 : i32
      %shift_right_logical3A_2343 = vector.broadcast %shift_right_logical3A_2342 : i32 to vector<16x1024xi32>
      %shift_right_logical3A_2344 = arith.shrui %xor3A_2337, %shift_right_logical3A_2343 : vector<16x1024xi32>
      %or3A_2345 = arith.ori %shift_left3A_2341, %shift_right_logical3A_2344 : vector<16x1024xi32>
      %xor3A_2346 = arith.xori %add3A_2338, %or3A_2345 : vector<16x1024xi32>
      %add3A_2347 = arith.constant 42 : i32
      %add3A_2348 = vector.broadcast %add3A_2347 : i32 to vector<16x1024xi32>
      %add3A_2349 = arith.addi %add3A_2338, %add3A_2348 : vector<16x1024xi32>
      %add3A_2350 = arith.constant 466689008 : i32
      %add3A_2351 = vector.broadcast %add3A_2350 : i32 to vector<16x1024xi32>
      %add3A_2352 = arith.addi %xor3A_2346, %add3A_2351 : vector<16x1024xi32>
      %add3A_2353 = arith.constant 4 : i32
      %add3A_2354 = vector.broadcast %add3A_2353 : i32 to vector<16x1024xi32>
      %add3A_2355 = arith.addi %add3A_2352, %add3A_2354 : vector<16x1024xi32>
      %add3A_2356 = arith.addi %add3A_2349, %add3A_2355 : vector<16x1024xi32>
      %shift_left3A_2357 = arith.constant 13 : i32
      %shift_left3A_2358 = vector.broadcast %shift_left3A_2357 : i32 to vector<16x1024xi32>
      %shift_left3A_2359 = arith.shli %add3A_2355, %shift_left3A_2358 : vector<16x1024xi32>
      %shift_right_logical3A_2360 = arith.constant 19 : i32
      %shift_right_logical3A_2361 = vector.broadcast %shift_right_logical3A_2360 : i32 to vector<16x1024xi32>
      %shift_right_logical3A_2362 = arith.shrui %add3A_2355, %shift_right_logical3A_2361 : vector<16x1024xi32>
      %or3A_2363 = arith.ori %shift_left3A_2359, %shift_right_logical3A_2362 : vector<16x1024xi32>
      %xor3A_2364 = arith.xori %add3A_2356, %or3A_2363 : vector<16x1024xi32>
      %add3A_2365 = arith.addi %add3A_2356, %xor3A_2364 : vector<16x1024xi32>
      %shift_left3A_2366 = arith.constant 15 : i32
      %shift_left3A_2367 = vector.broadcast %shift_left3A_2366 : i32 to vector<16x1024xi32>
      %shift_left3A_2368 = arith.shli %xor3A_2364, %shift_left3A_2367 : vector<16x1024xi32>
      %shift_right_logical3A_2369 = arith.constant 17 : i32
      %shift_right_logical3A_2370 = vector.broadcast %shift_right_logical3A_2369 : i32 to vector<16x1024xi32>
      %shift_right_logical3A_2371 = arith.shrui %xor3A_2364, %shift_right_logical3A_2370 : vector<16x1024xi32>
      %or3A_2372 = arith.ori %shift_left3A_2368, %shift_right_logical3A_2371 : vector<16x1024xi32>
      %xor3A_2373 = arith.xori %add3A_2365, %or3A_2372 : vector<16x1024xi32>
      %add3A_2374 = arith.addi %add3A_2365, %xor3A_2373 : vector<16x1024xi32>
      %shift_left3A_2375 = arith.constant 26 : i32
      %shift_left3A_2376 = vector.broadcast %shift_left3A_2375 : i32 to vector<16x1024xi32>
      %shift_left3A_2377 = arith.shli %xor3A_2373, %shift_left3A_2376 : vector<16x1024xi32>
      %shift_right_logical3A_2378 = arith.constant 6 : i32
      %shift_right_logical3A_2379 = vector.broadcast %shift_right_logical3A_2378 : i32 to vector<16x1024xi32>
      %shift_right_logical3A_2380 = arith.shrui %xor3A_2373, %shift_right_logical3A_2379 : vector<16x1024xi32>
      %or3A_2381 = arith.ori %shift_left3A_2377, %shift_right_logical3A_2380 : vector<16x1024xi32>
      %xor3A_2382 = arith.xori %add3A_2374, %or3A_2381 : vector<16x1024xi32>
      %add3A_2383 = arith.addi %add3A_2374, %xor3A_2382 : vector<16x1024xi32>
      %shift_left3A_2384 = arith.constant 6 : i32
      %shift_left3A_2385 = vector.broadcast %shift_left3A_2384 : i32 to vector<16x1024xi32>
      %shift_left3A_2386 = arith.shli %xor3A_2382, %shift_left3A_2385 : vector<16x1024xi32>
      %shift_right_logical3A_2387 = arith.constant 26 : i32
      %shift_right_logical3A_2388 = vector.broadcast %shift_right_logical3A_2387 : i32 to vector<16x1024xi32>
      %shift_right_logical3A_2389 = arith.shrui %xor3A_2382, %shift_right_logical3A_2388 : vector<16x1024xi32>
      %or3A_2390 = arith.ori %shift_left3A_2386, %shift_right_logical3A_2389 : vector<16x1024xi32>
      %xor3A_2391 = arith.xori %add3A_2383, %or3A_2390 : vector<16x1024xi32>
      %add3A_2392 = arith.constant 466689008 : i32
      %add3A_2393 = vector.broadcast %add3A_2392 : i32 to vector<16x1024xi32>
      %add3A_2394 = arith.addi %add3A_2383, %add3A_2393 : vector<16x1024xi32>
      %add3A_2395 = arith.constant 0 : i32
      %add3A_2396 = vector.broadcast %add3A_2395 : i32 to vector<16x1024xi32>
      %add3A_2397 = arith.addi %xor3A_2391, %add3A_2396 : vector<16x1024xi32>
      %add3A_2398 = arith.constant 5 : i32
      %add3A_2399 = vector.broadcast %add3A_2398 : i32 to vector<16x1024xi32>
      %add3A_2400 = arith.addi %add3A_2397, %add3A_2399 : vector<16x1024xi32>
      %xor3A_2401 = arith.xori %add3A_2394, %add3A_2400 : vector<16x1024xi32>
      %shift_right_logical3A_2402 = arith.constant 9 : i32
      %shift_right_logical3A_2403 = vector.broadcast %shift_right_logical3A_2402 : i32 to vector<16x1024xi32>
      %shift_right_logical3A_2404 = arith.shrui %xor3A_2401, %shift_right_logical3A_2403 : vector<16x1024xi32>
      %or3A_2405 = arith.constant 1065353216 : i32
      %or3A_2406 = vector.broadcast %or3A_2405 : i32 to vector<16x1024xi32>
      %or3A_2407 = arith.ori %shift_right_logical3A_2404, %or3A_2406 : vector<16x1024xi32>
      %bitcast_convert_type3A_2408 = tpu.bitcast %or3A_2407 : vector<16x1024xi32> -> vector<16x1024xf32>
      %sub3A_2409 = arith.constant 1.000000e+00 : f32
      %sub3A_2410 = vector.broadcast %sub3A_2409 : f32 to vector<16x1024xf32>
      %sub3A_2411 = arith.subf %bitcast_convert_type3A_2408, %sub3A_2410 : vector<16x1024xf32>
      %add3A_2412 = arith.constant 1.17549435E-38 : f32
      %add3A_2413 = vector.broadcast %add3A_2412 : f32 to vector<16x1024xf32>
      %add3A_2414 = arith.addf %sub3A_2411, %add3A_2413 : vector<16x1024xf32>
      %max3A_2415 = arith.constant 1.17549435E-38 : f32
      %max3A_2416 = vector.broadcast %max3A_2415 : f32 to vector<16x1024xf32>
      %max3A_2417 = arith.maximumf %max3A_2416, %add3A_2414 : vector<16x1024xf32>
      %log3A_2418 = math.log %max3A_2417 : vector<16x1024xf32>
      %neg3A_2419 = arith.constant 0.000000e+00 : f32
      %neg3A_2420 = vector.broadcast %neg3A_2419 : f32 to vector<16x1024xf32>
      %neg3A_2421 = arith.subf %neg3A_2420, %log3A_2418 : vector<16x1024xf32>
      %log3A_2422 = math.log %neg3A_2421 : vector<16x1024xf32>
      %neg3A_2423 = arith.constant 0.000000e+00 : f32
      %neg3A_2424 = vector.broadcast %neg3A_2423 : f32 to vector<16x1024xf32>
      %neg3A_2425 = arith.subf %neg3A_2424, %log3A_2422 : vector<16x1024xf32>
      %get3A_2426 = arith.constant 0 : index
      %get3A_2427 = arith.index_cast %add3A_2170 : i32 to index
      %get3A_2428 = vector.load %arg1[%get3A_2426, %get3A_2427] : memref<16x100000xf32, #tpu.memory_space<vmem>>, vector<16x1024xf32>
      %add3A_2429 = arith.addf %neg3A_2425, %get3A_2428 : vector<16x1024xf32>
      %gt3A_2430 = arith.cmpf ogt, %add3A_2429, %select_n3A_2163 : vector<16x1024xf32>
      %select_n3A_2431 = arith.select %gt3A_2430, %add3A_2429, %select_n3A_2163 : vector<16x1024xi1>, vector<16x1024xf32>
      %select_n3A_2432 = arith.select %gt3A_2430, %add3A_2172, %select_n3A_2164 : vector<16x1024xi1>, vector<16x1024xi32>
      scf.yield %select_n3A_2431, %select_n3A_2432 : vector<16x1024xf32>, vector<16x1024xi32>
    }
    %scan3A_13 = arith.constant 64 : i32
    %scan3A_14 = arith.constant 64 : i32
    %mul3A_15 = arith.constant 1024 : i32
    %mul3A_16 = arith.muli %scan3A_14, %mul3A_15 : i32
    %add3A_17 = arith.constant 33792 : i32
    %add3A_18 = arith.addi %add3A_17, %mul3A_16 : i32
    %min3A = arith.constant 99072 : i32
    %min3A_19 = arith.minsi %add3A_18, %min3A : i32
    %add3A_20 = vector.broadcast %min3A_19 : i32 to vector<16x1024xi32>
    %add3A_21 = arith.addi %iota3A_2, %add3A_20 : vector<16x1024xi32>
    %add3A_22 = arith.addi %mul3A_5, %add3A_21 : vector<16x1024xi32>
    %add3A_23 = arith.constant 42 : i32
    %add3A_24 = vector.broadcast %add3A_23 : i32 to vector<16x1024xi32>
    %add3A_25 = arith.addi %add3A_22, %add3A_24 : vector<16x1024xi32>
    %shift_left3A = arith.constant 13 : i32
    %shift_left3A_26 = vector.broadcast %shift_left3A : i32 to vector<16x1024xi32>
    %shift_left3A_27 = arith.shli %add3A_25, %shift_left3A_26 : vector<16x1024xi32>
    %shift_right_logical3A = arith.constant 19 : i32
    %shift_right_logical3A_28 = vector.broadcast %shift_right_logical3A : i32 to vector<16x1024xi32>
    %shift_right_logical3A_29 = arith.shrui %add3A_25, %shift_right_logical3A_28 : vector<16x1024xi32>
    %or3A = arith.ori %shift_left3A_27, %shift_right_logical3A_29 : vector<16x1024xi32>
    %xor3A = arith.xori %add3A_25, %or3A : vector<16x1024xi32>
    %add3A_30 = arith.addi %add3A_25, %xor3A : vector<16x1024xi32>
    %shift_left3A_31 = arith.constant 15 : i32
    %shift_left3A_32 = vector.broadcast %shift_left3A_31 : i32 to vector<16x1024xi32>
    %shift_left3A_33 = arith.shli %xor3A, %shift_left3A_32 : vector<16x1024xi32>
    %shift_right_logical3A_34 = arith.constant 17 : i32
    %shift_right_logical3A_35 = vector.broadcast %shift_right_logical3A_34 : i32 to vector<16x1024xi32>
    %shift_right_logical3A_36 = arith.shrui %xor3A, %shift_right_logical3A_35 : vector<16x1024xi32>
    %or3A_37 = arith.ori %shift_left3A_33, %shift_right_logical3A_36 : vector<16x1024xi32>
    %xor3A_38 = arith.xori %add3A_30, %or3A_37 : vector<16x1024xi32>
    %add3A_39 = arith.addi %add3A_30, %xor3A_38 : vector<16x1024xi32>
    %shift_left3A_40 = arith.constant 26 : i32
    %shift_left3A_41 = vector.broadcast %shift_left3A_40 : i32 to vector<16x1024xi32>
    %shift_left3A_42 = arith.shli %xor3A_38, %shift_left3A_41 : vector<16x1024xi32>
    %shift_right_logical3A_43 = arith.constant 6 : i32
    %shift_right_logical3A_44 = vector.broadcast %shift_right_logical3A_43 : i32 to vector<16x1024xi32>
    %shift_right_logical3A_45 = arith.shrui %xor3A_38, %shift_right_logical3A_44 : vector<16x1024xi32>
    %or3A_46 = arith.ori %shift_left3A_42, %shift_right_logical3A_45 : vector<16x1024xi32>
    %xor3A_47 = arith.xori %add3A_39, %or3A_46 : vector<16x1024xi32>
    %add3A_48 = arith.addi %add3A_39, %xor3A_47 : vector<16x1024xi32>
    %shift_left3A_49 = arith.constant 6 : i32
    %shift_left3A_50 = vector.broadcast %shift_left3A_49 : i32 to vector<16x1024xi32>
    %shift_left3A_51 = arith.shli %xor3A_47, %shift_left3A_50 : vector<16x1024xi32>
    %shift_right_logical3A_52 = arith.constant 26 : i32
    %shift_right_logical3A_53 = vector.broadcast %shift_right_logical3A_52 : i32 to vector<16x1024xi32>
    %shift_right_logical3A_54 = arith.shrui %xor3A_47, %shift_right_logical3A_53 : vector<16x1024xi32>
    %or3A_55 = arith.ori %shift_left3A_51, %shift_right_logical3A_54 : vector<16x1024xi32>
    %xor3A_56 = arith.xori %add3A_48, %or3A_55 : vector<16x1024xi32>
    %add3A_57 = arith.constant 42 : i32
    %add3A_58 = vector.broadcast %add3A_57 : i32 to vector<16x1024xi32>
    %add3A_59 = arith.addi %add3A_48, %add3A_58 : vector<16x1024xi32>
    %add3A_60 = arith.constant 466689008 : i32
    %add3A_61 = vector.broadcast %add3A_60 : i32 to vector<16x1024xi32>
    %add3A_62 = arith.addi %xor3A_56, %add3A_61 : vector<16x1024xi32>
    %add3A_63 = arith.constant 1 : i32
    %add3A_64 = vector.broadcast %add3A_63 : i32 to vector<16x1024xi32>
    %add3A_65 = arith.addi %add3A_62, %add3A_64 : vector<16x1024xi32>
    %add3A_66 = arith.addi %add3A_59, %add3A_65 : vector<16x1024xi32>
    %shift_left3A_67 = arith.constant 17 : i32
    %shift_left3A_68 = vector.broadcast %shift_left3A_67 : i32 to vector<16x1024xi32>
    %shift_left3A_69 = arith.shli %add3A_65, %shift_left3A_68 : vector<16x1024xi32>
    %shift_right_logical3A_70 = arith.constant 15 : i32
    %shift_right_logical3A_71 = vector.broadcast %shift_right_logical3A_70 : i32 to vector<16x1024xi32>
    %shift_right_logical3A_72 = arith.shrui %add3A_65, %shift_right_logical3A_71 : vector<16x1024xi32>
    %or3A_73 = arith.ori %shift_left3A_69, %shift_right_logical3A_72 : vector<16x1024xi32>
    %xor3A_74 = arith.xori %add3A_66, %or3A_73 : vector<16x1024xi32>
    %add3A_75 = arith.addi %add3A_66, %xor3A_74 : vector<16x1024xi32>
    %shift_left3A_76 = arith.constant 29 : i32
    %shift_left3A_77 = vector.broadcast %shift_left3A_76 : i32 to vector<16x1024xi32>
    %shift_left3A_78 = arith.shli %xor3A_74, %shift_left3A_77 : vector<16x1024xi32>
    %shift_right_logical3A_79 = arith.constant 3 : i32
    %shift_right_logical3A_80 = vector.broadcast %shift_right_logical3A_79 : i32 to vector<16x1024xi32>
    %shift_right_logical3A_81 = arith.shrui %xor3A_74, %shift_right_logical3A_80 : vector<16x1024xi32>
    %or3A_82 = arith.ori %shift_left3A_78, %shift_right_logical3A_81 : vector<16x1024xi32>
    %xor3A_83 = arith.xori %add3A_75, %or3A_82 : vector<16x1024xi32>
    %add3A_84 = arith.addi %add3A_75, %xor3A_83 : vector<16x1024xi32>
    %shift_left3A_85 = arith.constant 16 : i32
    %shift_left3A_86 = vector.broadcast %shift_left3A_85 : i32 to vector<16x1024xi32>
    %shift_left3A_87 = arith.shli %xor3A_83, %shift_left3A_86 : vector<16x1024xi32>
    %shift_right_logical3A_88 = arith.constant 16 : i32
    %shift_right_logical3A_89 = vector.broadcast %shift_right_logical3A_88 : i32 to vector<16x1024xi32>
    %shift_right_logical3A_90 = arith.shrui %xor3A_83, %shift_right_logical3A_89 : vector<16x1024xi32>
    %or3A_91 = arith.ori %shift_left3A_87, %shift_right_logical3A_90 : vector<16x1024xi32>
    %xor3A_92 = arith.xori %add3A_84, %or3A_91 : vector<16x1024xi32>
    %add3A_93 = arith.addi %add3A_84, %xor3A_92 : vector<16x1024xi32>
    %shift_left3A_94 = arith.constant 24 : i32
    %shift_left3A_95 = vector.broadcast %shift_left3A_94 : i32 to vector<16x1024xi32>
    %shift_left3A_96 = arith.shli %xor3A_92, %shift_left3A_95 : vector<16x1024xi32>
    %shift_right_logical3A_97 = arith.constant 8 : i32
    %shift_right_logical3A_98 = vector.broadcast %shift_right_logical3A_97 : i32 to vector<16x1024xi32>
    %shift_right_logical3A_99 = arith.shrui %xor3A_92, %shift_right_logical3A_98 : vector<16x1024xi32>
    %or3A_100 = arith.ori %shift_left3A_96, %shift_right_logical3A_99 : vector<16x1024xi32>
    %xor3A_101 = arith.xori %add3A_93, %or3A_100 : vector<16x1024xi32>
    %add3A_102 = arith.constant 466689008 : i32
    %add3A_103 = vector.broadcast %add3A_102 : i32 to vector<16x1024xi32>
    %add3A_104 = arith.addi %add3A_93, %add3A_103 : vector<16x1024xi32>
    %add3A_105 = arith.constant 0 : i32
    %add3A_106 = vector.broadcast %add3A_105 : i32 to vector<16x1024xi32>
    %add3A_107 = arith.addi %xor3A_101, %add3A_106 : vector<16x1024xi32>
    %add3A_108 = arith.constant 2 : i32
    %add3A_109 = vector.broadcast %add3A_108 : i32 to vector<16x1024xi32>
    %add3A_110 = arith.addi %add3A_107, %add3A_109 : vector<16x1024xi32>
    %add3A_111 = arith.addi %add3A_104, %add3A_110 : vector<16x1024xi32>
    %shift_left3A_112 = arith.constant 13 : i32
    %shift_left3A_113 = vector.broadcast %shift_left3A_112 : i32 to vector<16x1024xi32>
    %shift_left3A_114 = arith.shli %add3A_110, %shift_left3A_113 : vector<16x1024xi32>
    %shift_right_logical3A_115 = arith.constant 19 : i32
    %shift_right_logical3A_116 = vector.broadcast %shift_right_logical3A_115 : i32 to vector<16x1024xi32>
    %shift_right_logical3A_117 = arith.shrui %add3A_110, %shift_right_logical3A_116 : vector<16x1024xi32>
    %or3A_118 = arith.ori %shift_left3A_114, %shift_right_logical3A_117 : vector<16x1024xi32>
    %xor3A_119 = arith.xori %add3A_111, %or3A_118 : vector<16x1024xi32>
    %add3A_120 = arith.addi %add3A_111, %xor3A_119 : vector<16x1024xi32>
    %shift_left3A_121 = arith.constant 15 : i32
    %shift_left3A_122 = vector.broadcast %shift_left3A_121 : i32 to vector<16x1024xi32>
    %shift_left3A_123 = arith.shli %xor3A_119, %shift_left3A_122 : vector<16x1024xi32>
    %shift_right_logical3A_124 = arith.constant 17 : i32
    %shift_right_logical3A_125 = vector.broadcast %shift_right_logical3A_124 : i32 to vector<16x1024xi32>
    %shift_right_logical3A_126 = arith.shrui %xor3A_119, %shift_right_logical3A_125 : vector<16x1024xi32>
    %or3A_127 = arith.ori %shift_left3A_123, %shift_right_logical3A_126 : vector<16x1024xi32>
    %xor3A_128 = arith.xori %add3A_120, %or3A_127 : vector<16x1024xi32>
    %add3A_129 = arith.addi %add3A_120, %xor3A_128 : vector<16x1024xi32>
    %shift_left3A_130 = arith.constant 26 : i32
    %shift_left3A_131 = vector.broadcast %shift_left3A_130 : i32 to vector<16x1024xi32>
    %shift_left3A_132 = arith.shli %xor3A_128, %shift_left3A_131 : vector<16x1024xi32>
    %shift_right_logical3A_133 = arith.constant 6 : i32
    %shift_right_logical3A_134 = vector.broadcast %shift_right_logical3A_133 : i32 to vector<16x1024xi32>
    %shift_right_logical3A_135 = arith.shrui %xor3A_128, %shift_right_logical3A_134 : vector<16x1024xi32>
    %or3A_136 = arith.ori %shift_left3A_132, %shift_right_logical3A_135 : vector<16x1024xi32>
    %xor3A_137 = arith.xori %add3A_129, %or3A_136 : vector<16x1024xi32>
    %add3A_138 = arith.addi %add3A_129, %xor3A_137 : vector<16x1024xi32>
    %shift_left3A_139 = arith.constant 6 : i32
    %shift_left3A_140 = vector.broadcast %shift_left3A_139 : i32 to vector<16x1024xi32>
    %shift_left3A_141 = arith.shli %xor3A_137, %shift_left3A_140 : vector<16x1024xi32>
    %shift_right_logical3A_142 = arith.constant 26 : i32
    %shift_right_logical3A_143 = vector.broadcast %shift_right_logical3A_142 : i32 to vector<16x1024xi32>
    %shift_right_logical3A_144 = arith.shrui %xor3A_137, %shift_right_logical3A_143 : vector<16x1024xi32>
    %or3A_145 = arith.ori %shift_left3A_141, %shift_right_logical3A_144 : vector<16x1024xi32>
    %xor3A_146 = arith.xori %add3A_138, %or3A_145 : vector<16x1024xi32>
    %add3A_147 = arith.constant 0 : i32
    %add3A_148 = vector.broadcast %add3A_147 : i32 to vector<16x1024xi32>
    %add3A_149 = arith.addi %add3A_138, %add3A_148 : vector<16x1024xi32>
    %add3A_150 = arith.constant 42 : i32
    %add3A_151 = vector.broadcast %add3A_150 : i32 to vector<16x1024xi32>
    %add3A_152 = arith.addi %xor3A_146, %add3A_151 : vector<16x1024xi32>
    %add3A_153 = arith.constant 3 : i32
    %add3A_154 = vector.broadcast %add3A_153 : i32 to vector<16x1024xi32>
    %add3A_155 = arith.addi %add3A_152, %add3A_154 : vector<16x1024xi32>
    %add3A_156 = arith.addi %add3A_149, %add3A_155 : vector<16x1024xi32>
    %shift_left3A_157 = arith.constant 17 : i32
    %shift_left3A_158 = vector.broadcast %shift_left3A_157 : i32 to vector<16x1024xi32>
    %shift_left3A_159 = arith.shli %add3A_155, %shift_left3A_158 : vector<16x1024xi32>
    %shift_right_logical3A_160 = arith.constant 15 : i32
    %shift_right_logical3A_161 = vector.broadcast %shift_right_logical3A_160 : i32 to vector<16x1024xi32>
    %shift_right_logical3A_162 = arith.shrui %add3A_155, %shift_right_logical3A_161 : vector<16x1024xi32>
    %or3A_163 = arith.ori %shift_left3A_159, %shift_right_logical3A_162 : vector<16x1024xi32>
    %xor3A_164 = arith.xori %add3A_156, %or3A_163 : vector<16x1024xi32>
    %add3A_165 = arith.addi %add3A_156, %xor3A_164 : vector<16x1024xi32>
    %shift_left3A_166 = arith.constant 29 : i32
    %shift_left3A_167 = vector.broadcast %shift_left3A_166 : i32 to vector<16x1024xi32>
    %shift_left3A_168 = arith.shli %xor3A_164, %shift_left3A_167 : vector<16x1024xi32>
    %shift_right_logical3A_169 = arith.constant 3 : i32
    %shift_right_logical3A_170 = vector.broadcast %shift_right_logical3A_169 : i32 to vector<16x1024xi32>
    %shift_right_logical3A_171 = arith.shrui %xor3A_164, %shift_right_logical3A_170 : vector<16x1024xi32>
    %or3A_172 = arith.ori %shift_left3A_168, %shift_right_logical3A_171 : vector<16x1024xi32>
    %xor3A_173 = arith.xori %add3A_165, %or3A_172 : vector<16x1024xi32>
    %add3A_174 = arith.addi %add3A_165, %xor3A_173 : vector<16x1024xi32>
    %shift_left3A_175 = arith.constant 16 : i32
    %shift_left3A_176 = vector.broadcast %shift_left3A_175 : i32 to vector<16x1024xi32>
    %shift_left3A_177 = arith.shli %xor3A_173, %shift_left3A_176 : vector<16x1024xi32>
    %shift_right_logical3A_178 = arith.constant 16 : i32
    %shift_right_logical3A_179 = vector.broadcast %shift_right_logical3A_178 : i32 to vector<16x1024xi32>
    %shift_right_logical3A_180 = arith.shrui %xor3A_173, %shift_right_logical3A_179 : vector<16x1024xi32>
    %or3A_181 = arith.ori %shift_left3A_177, %shift_right_logical3A_180 : vector<16x1024xi32>
    %xor3A_182 = arith.xori %add3A_174, %or3A_181 : vector<16x1024xi32>
    %add3A_183 = arith.addi %add3A_174, %xor3A_182 : vector<16x1024xi32>
    %shift_left3A_184 = arith.constant 24 : i32
    %shift_left3A_185 = vector.broadcast %shift_left3A_184 : i32 to vector<16x1024xi32>
    %shift_left3A_186 = arith.shli %xor3A_182, %shift_left3A_185 : vector<16x1024xi32>
    %shift_right_logical3A_187 = arith.constant 8 : i32
    %shift_right_logical3A_188 = vector.broadcast %shift_right_logical3A_187 : i32 to vector<16x1024xi32>
    %shift_right_logical3A_189 = arith.shrui %xor3A_182, %shift_right_logical3A_188 : vector<16x1024xi32>
    %or3A_190 = arith.ori %shift_left3A_186, %shift_right_logical3A_189 : vector<16x1024xi32>
    %xor3A_191 = arith.xori %add3A_183, %or3A_190 : vector<16x1024xi32>
    %add3A_192 = arith.constant 42 : i32
    %add3A_193 = vector.broadcast %add3A_192 : i32 to vector<16x1024xi32>
    %add3A_194 = arith.addi %add3A_183, %add3A_193 : vector<16x1024xi32>
    %add3A_195 = arith.constant 466689008 : i32
    %add3A_196 = vector.broadcast %add3A_195 : i32 to vector<16x1024xi32>
    %add3A_197 = arith.addi %xor3A_191, %add3A_196 : vector<16x1024xi32>
    %add3A_198 = arith.constant 4 : i32
    %add3A_199 = vector.broadcast %add3A_198 : i32 to vector<16x1024xi32>
    %add3A_200 = arith.addi %add3A_197, %add3A_199 : vector<16x1024xi32>
    %add3A_201 = arith.addi %add3A_194, %add3A_200 : vector<16x1024xi32>
    %shift_left3A_202 = arith.constant 13 : i32
    %shift_left3A_203 = vector.broadcast %shift_left3A_202 : i32 to vector<16x1024xi32>
    %shift_left3A_204 = arith.shli %add3A_200, %shift_left3A_203 : vector<16x1024xi32>
    %shift_right_logical3A_205 = arith.constant 19 : i32
    %shift_right_logical3A_206 = vector.broadcast %shift_right_logical3A_205 : i32 to vector<16x1024xi32>
    %shift_right_logical3A_207 = arith.shrui %add3A_200, %shift_right_logical3A_206 : vector<16x1024xi32>
    %or3A_208 = arith.ori %shift_left3A_204, %shift_right_logical3A_207 : vector<16x1024xi32>
    %xor3A_209 = arith.xori %add3A_201, %or3A_208 : vector<16x1024xi32>
    %add3A_210 = arith.addi %add3A_201, %xor3A_209 : vector<16x1024xi32>
    %shift_left3A_211 = arith.constant 15 : i32
    %shift_left3A_212 = vector.broadcast %shift_left3A_211 : i32 to vector<16x1024xi32>
    %shift_left3A_213 = arith.shli %xor3A_209, %shift_left3A_212 : vector<16x1024xi32>
    %shift_right_logical3A_214 = arith.constant 17 : i32
    %shift_right_logical3A_215 = vector.broadcast %shift_right_logical3A_214 : i32 to vector<16x1024xi32>
    %shift_right_logical3A_216 = arith.shrui %xor3A_209, %shift_right_logical3A_215 : vector<16x1024xi32>
    %or3A_217 = arith.ori %shift_left3A_213, %shift_right_logical3A_216 : vector<16x1024xi32>
    %xor3A_218 = arith.xori %add3A_210, %or3A_217 : vector<16x1024xi32>
    %add3A_219 = arith.addi %add3A_210, %xor3A_218 : vector<16x1024xi32>
    %shift_left3A_220 = arith.constant 26 : i32
    %shift_left3A_221 = vector.broadcast %shift_left3A_220 : i32 to vector<16x1024xi32>
    %shift_left3A_222 = arith.shli %xor3A_218, %shift_left3A_221 : vector<16x1024xi32>
    %shift_right_logical3A_223 = arith.constant 6 : i32
    %shift_right_logical3A_224 = vector.broadcast %shift_right_logical3A_223 : i32 to vector<16x1024xi32>
    %shift_right_logical3A_225 = arith.shrui %xor3A_218, %shift_right_logical3A_224 : vector<16x1024xi32>
    %or3A_226 = arith.ori %shift_left3A_222, %shift_right_logical3A_225 : vector<16x1024xi32>
    %xor3A_227 = arith.xori %add3A_219, %or3A_226 : vector<16x1024xi32>
    %add3A_228 = arith.addi %add3A_219, %xor3A_227 : vector<16x1024xi32>
    %shift_left3A_229 = arith.constant 6 : i32
    %shift_left3A_230 = vector.broadcast %shift_left3A_229 : i32 to vector<16x1024xi32>
    %shift_left3A_231 = arith.shli %xor3A_227, %shift_left3A_230 : vector<16x1024xi32>
    %shift_right_logical3A_232 = arith.constant 26 : i32
    %shift_right_logical3A_233 = vector.broadcast %shift_right_logical3A_232 : i32 to vector<16x1024xi32>
    %shift_right_logical3A_234 = arith.shrui %xor3A_227, %shift_right_logical3A_233 : vector<16x1024xi32>
    %or3A_235 = arith.ori %shift_left3A_231, %shift_right_logical3A_234 : vector<16x1024xi32>
    %xor3A_236 = arith.xori %add3A_228, %or3A_235 : vector<16x1024xi32>
    %add3A_237 = arith.constant 466689008 : i32
    %add3A_238 = vector.broadcast %add3A_237 : i32 to vector<16x1024xi32>
    %add3A_239 = arith.addi %add3A_228, %add3A_238 : vector<16x1024xi32>
    %add3A_240 = arith.constant 0 : i32
    %add3A_241 = vector.broadcast %add3A_240 : i32 to vector<16x1024xi32>
    %add3A_242 = arith.addi %xor3A_236, %add3A_241 : vector<16x1024xi32>
    %add3A_243 = arith.constant 5 : i32
    %add3A_244 = vector.broadcast %add3A_243 : i32 to vector<16x1024xi32>
    %add3A_245 = arith.addi %add3A_242, %add3A_244 : vector<16x1024xi32>
    %xor3A_246 = arith.xori %add3A_239, %add3A_245 : vector<16x1024xi32>
    %shift_right_logical3A_247 = arith.constant 9 : i32
    %shift_right_logical3A_248 = vector.broadcast %shift_right_logical3A_247 : i32 to vector<16x1024xi32>
    %shift_right_logical3A_249 = arith.shrui %xor3A_246, %shift_right_logical3A_248 : vector<16x1024xi32>
    %or3A_250 = arith.constant 1065353216 : i32
    %or3A_251 = vector.broadcast %or3A_250 : i32 to vector<16x1024xi32>
    %or3A_252 = arith.ori %shift_right_logical3A_249, %or3A_251 : vector<16x1024xi32>
    %bitcast_convert_type3A = tpu.bitcast %or3A_252 : vector<16x1024xi32> -> vector<16x1024xf32>
    %sub3A = arith.constant 1.000000e+00 : f32
    %sub3A_253 = vector.broadcast %sub3A : f32 to vector<16x1024xf32>
    %sub3A_254 = arith.subf %bitcast_convert_type3A, %sub3A_253 : vector<16x1024xf32>
    %add3A_255 = arith.constant 1.17549435E-38 : f32
    %add3A_256 = vector.broadcast %add3A_255 : f32 to vector<16x1024xf32>
    %add3A_257 = arith.addf %sub3A_254, %add3A_256 : vector<16x1024xf32>
    %max3A = arith.constant 1.17549435E-38 : f32
    %max3A_258 = vector.broadcast %max3A : f32 to vector<16x1024xf32>
    %max3A_259 = arith.maximumf %max3A_258, %add3A_257 : vector<16x1024xf32>
    %log3A = math.log %max3A_259 : vector<16x1024xf32>
    %neg3A = arith.constant 0.000000e+00 : f32
    %neg3A_260 = vector.broadcast %neg3A : f32 to vector<16x1024xf32>
    %neg3A_261 = arith.subf %neg3A_260, %log3A : vector<16x1024xf32>
    %log3A_262 = math.log %neg3A_261 : vector<16x1024xf32>
    %neg3A_263 = arith.constant 0.000000e+00 : f32
    %neg3A_264 = vector.broadcast %neg3A_263 : f32 to vector<16x1024xf32>
    %neg3A_265 = arith.subf %neg3A_264, %log3A_262 : vector<16x1024xf32>
    %get3A = arith.constant 0 : index
    %get3A_266 = arith.index_cast %min3A_19 : i32 to index
    %get3A_267 = vector.load %arg1[%get3A, %get3A_266] : memref<16x100000xf32, #tpu.memory_space<vmem>>, vector<16x1024xf32>
    %add3A_268 = arith.addf %neg3A_265, %get3A_267 : vector<16x1024xf32>
    %lt3A = arith.constant 100000 : i32
    %lt3A_269 = vector.broadcast %lt3A : i32 to vector<16x1024xi32>
    %lt3A_270 = arith.cmpi slt, %add3A_21, %lt3A_269 : vector<16x1024xi32>
    %jit3A = arith.constant 0xFF800000 : f32
    %broadcast_in_dim3A_271 = vector.broadcast %jit3A : f32 to vector<16x1024xf32>
    %select_n3A = arith.select %lt3A_270, %add3A_268, %broadcast_in_dim3A_271 : vector<16x1024xi1>, vector<16x1024xf32>
    %gt3A = arith.cmpf ogt, %select_n3A, %scan3A_12#0 : vector<16x1024xf32>
    %select_n3A_272 = arith.select %gt3A, %select_n3A, %scan3A_12#0 : vector<16x1024xi1>, vector<16x1024xf32>
    %select_n3A_273 = arith.select %gt3A, %add3A_21, %scan3A_12#1 : vector<16x1024xi1>, vector<16x1024xi32>
    %scan3A_274 = arith.constant 1 : i32
    %reduce_max3A = arith.constant dense<0xFF800000> : vector<16xf32>
    %reduce_max3A_275 = vector.multi_reduction <maximumf>, %select_n3A_272, %reduce_max3A [1] : vector<16x1024xf32> to vector<16xf32>
    %broadcast_in_dim3A_276 = vector.shape_cast %reduce_max3A_275 : vector<16xf32> to vector<16x1xf32>
    %eq3A = vector.broadcast %broadcast_in_dim3A_276 : vector<16x1xf32> to vector<16x1024xf32>
    %eq3A_277 = arith.cmpf oeq, %select_n3A_272, %eq3A : vector<16x1024xf32>
    %jit3A_278 = arith.constant 2147483647 : i32
    %broadcast_in_dim3A_279 = vector.broadcast %jit3A_278 : i32 to vector<16x1024xi32>
    %select_n3A_280 = arith.select %eq3A_277, %select_n3A_273, %broadcast_in_dim3A_279 : vector<16x1024xi1>, vector<16x1024xi32>
    %reduce_min3A = arith.constant dense<2147483647> : vector<16xi32>
    %reduce_min3A_281 = vector.multi_reduction <minsi>, %select_n3A_280, %reduce_min3A [1] : vector<16x1024xi32> to vector<16xi32>
    %broadcast_in_dim3A_282 = vector.shape_cast %reduce_min3A_281 : vector<16xi32> to vector<16x1xi32>
    %swap3A = arith.constant 0 : index
    %swap3A_283 = arith.constant 0 : index
    %swap3A_284 = vector.load %arg2[%swap3A, %swap3A_283] : memref<16x1xf32, #tpu.memory_space<vmem>>, vector<16x1xf32>
    tpu.vector_store %arg2[%swap3A, %swap3A_283], %broadcast_in_dim3A_276 {strides = array<i32>} : memref<16x1xf32, #tpu.memory_space<vmem>>, vector<16x1xf32>,
    %swap3A_285 = arith.constant 0 : index
    %swap3A_286 = arith.constant 0 : index
    %swap3A_287 = vector.load %arg3[%swap3A_285, %swap3A_286] : memref<16x1xi32, #tpu.memory_space<vmem>>, vector<16x1xi32>
    tpu.vector_store %arg3[%swap3A_285, %swap3A_286], %broadcast_in_dim3A_282 {strides = array<i32>} : memref<16x1xi32, #tpu.memory_space<vmem>>, vector<16x1xi32>,
    return
  }
  func.func @transform_0(%arg0: i32) -> (i32, i32) {
    %c0_i32 = arith.constant 0 : i32
    %c0_i32_0 = arith.constant 0 : i32
    return %arg0, %c0_i32 : i32, i32
  }
  func.func @transform_1(%arg0: i32) -> (i32, i32) {
    %c0_i32 = arith.constant 0 : i32
    %c0_i32_0 = arith.constant 0 : i32
    return %arg0, %c0_i32 : i32, i32
  }
  func.func @transform_2(%arg0: i32) -> (i32, i32) {
    %c0_i32 = arith.constant 0 : i32
    %c0_i32_0 = arith.constant 0 : i32
    return %arg0, %c0_i32 : i32, i32
  }
}

module attributes {stable_mosaic.version = 14 : i64} {
  func.func @_tc_merge_kernel(%arg0: i32, %arg1: memref<16x33920xf32, #tpu.memory_space<vmem>>, %arg2: memref<16x33920xf32, #tpu.memory_space<vmem>>, %arg3: memref<16x1xf32, #tpu.memory_space<vmem>>, %arg4: memref<16x1xi32, #tpu.memory_space<vmem>>, %arg5: memref<16x1xi32, #tpu.memory_space<vmem>>) attributes {dimension_semantics = [#tpu.dimension_semantics<arbitrary>], iteration_bounds = array<i64: 8>, scalar_prefetch = 0 : i64, scratch_operands = 0 : i64, tpu.core_type = #tpu.core_type<tc>, window_params = [{transform_indices = @transform_0, window_bounds = array<i64: 16, 33920>}, {transform_indices = @transform_1, window_bounds = array<i64: 16, 33920>}, {transform_indices = @transform_2, window_bounds = array<i64: 16, 1>}, {transform_indices = @transform_3, window_bounds = array<i64: 16, 1>}, {transform_indices = @transform_4, window_bounds = array<i64: 16, 1>}]} {
    %iota3A = tpu.iota {dimensions = array<i32: 1>} : vector<16x1024xi32>
    %broadcast_in_dim3A = arith.constant 0xFF800000 : f32
    %broadcast_in_dim3A_0 = vector.broadcast %broadcast_in_dim3A : f32 to vector<16x1024xf32>
    %broadcast_in_dim3A_1 = arith.constant 0 : i32
    %broadcast_in_dim3A_2 = vector.broadcast %broadcast_in_dim3A_1 : i32 to vector<16x1024xi32>
    %scan3A = arith.constant 0 : i32
    %scan3A_3 = arith.constant 32 : i32
    %scan3A_4 = arith.addi %scan3A, %scan3A_3 : i32
    %scan3A_5 = arith.constant 8 : i32
    %scan3A_6:2 = scf.for %scan3A_68 = %scan3A to %scan3A_4 step %scan3A_5 iter_args(%scan3A_69 = %broadcast_in_dim3A_0, %scan3A_70 = %broadcast_in_dim3A_2) -> (vector<16x1024xf32>, vector<16x1024xi32>)  : i32 {
      %mul3A_71 = arith.constant 1024 : i32
      %mul3A_72 = arith.muli %scan3A_68, %mul3A_71 : i32
      %min3A_73 = arith.constant 32896 : i32
      %min3A_74 = arith.minsi %mul3A_72, %min3A_73 : i32
      %add3A_75 = vector.broadcast %min3A_74 : i32 to vector<16x1024xi32>
      %add3A_76 = arith.addi %iota3A, %add3A_75 : vector<16x1024xi32>
      %get3A_77 = arith.constant 0 : index
      %get3A_78 = arith.index_cast %min3A_74 : i32 to index
      %get3A_79 = vector.load %arg2[%get3A_77, %get3A_78] : memref<16x33920xf32, #tpu.memory_space<vmem>>, vector<16x1024xf32>
      %log3A_80 = math.log %get3A_79 : vector<16x1024xf32>
      %neg3A_81 = arith.constant 0.000000e+00 : f32
      %neg3A_82 = vector.broadcast %neg3A_81 : f32 to vector<16x1024xf32>
      %neg3A_83 = arith.subf %neg3A_82, %log3A_80 : vector<16x1024xf32>
      %log3A_84 = math.log %neg3A_83 : vector<16x1024xf32>
      %neg3A_85 = arith.constant 0.000000e+00 : f32
      %neg3A_86 = vector.broadcast %neg3A_85 : f32 to vector<16x1024xf32>
      %neg3A_87 = arith.subf %neg3A_86, %log3A_84 : vector<16x1024xf32>
      %get3A_88 = arith.constant 0 : index
      %get3A_89 = arith.index_cast %min3A_74 : i32 to index
      %get3A_90 = vector.load %arg1[%get3A_88, %get3A_89] : memref<16x33920xf32, #tpu.memory_space<vmem>>, vector<16x1024xf32>
      %add3A_91 = arith.addf %neg3A_87, %get3A_90 : vector<16x1024xf32>
      %gt3A_92 = arith.cmpf ogt, %add3A_91, %scan3A_69 : vector<16x1024xf32>
      %select_n3A_93 = arith.select %gt3A_92, %add3A_91, %scan3A_69 : vector<16x1024xi1>, vector<16x1024xf32>
      %select_n3A_94 = arith.select %gt3A_92, %add3A_76, %scan3A_70 : vector<16x1024xi1>, vector<16x1024xi32>
      %scan3A_95 = arith.constant 1 : i32
      %scan3A_96 = arith.addi %scan3A_68, %scan3A_95 : i32
      %mul3A_97 = arith.constant 1024 : i32
      %mul3A_98 = arith.muli %scan3A_96, %mul3A_97 : i32
      %min3A_99 = arith.constant 32896 : i32
      %min3A_100 = arith.minsi %mul3A_98, %min3A_99 : i32
      %add3A_101 = vector.broadcast %min3A_100 : i32 to vector<16x1024xi32>
      %add3A_102 = arith.addi %iota3A, %add3A_101 : vector<16x1024xi32>
      %get3A_103 = arith.constant 0 : index
      %get3A_104 = arith.index_cast %min3A_100 : i32 to index
      %get3A_105 = vector.load %arg2[%get3A_103, %get3A_104] : memref<16x33920xf32, #tpu.memory_space<vmem>>, vector<16x1024xf32>
      %log3A_106 = math.log %get3A_105 : vector<16x1024xf32>
      %neg3A_107 = arith.constant 0.000000e+00 : f32
      %neg3A_108 = vector.broadcast %neg3A_107 : f32 to vector<16x1024xf32>
      %neg3A_109 = arith.subf %neg3A_108, %log3A_106 : vector<16x1024xf32>
      %log3A_110 = math.log %neg3A_109 : vector<16x1024xf32>
      %neg3A_111 = arith.constant 0.000000e+00 : f32
      %neg3A_112 = vector.broadcast %neg3A_111 : f32 to vector<16x1024xf32>
      %neg3A_113 = arith.subf %neg3A_112, %log3A_110 : vector<16x1024xf32>
      %get3A_114 = arith.constant 0 : index
      %get3A_115 = arith.index_cast %min3A_100 : i32 to index
      %get3A_116 = vector.load %arg1[%get3A_114, %get3A_115] : memref<16x33920xf32, #tpu.memory_space<vmem>>, vector<16x1024xf32>
      %add3A_117 = arith.addf %neg3A_113, %get3A_116 : vector<16x1024xf32>
      %gt3A_118 = arith.cmpf ogt, %add3A_117, %select_n3A_93 : vector<16x1024xf32>
      %select_n3A_119 = arith.select %gt3A_118, %add3A_117, %select_n3A_93 : vector<16x1024xi1>, vector<16x1024xf32>
      %select_n3A_120 = arith.select %gt3A_118, %add3A_102, %select_n3A_94 : vector<16x1024xi1>, vector<16x1024xi32>
      %scan3A_121 = arith.constant 2 : i32
      %scan3A_122 = arith.addi %scan3A_68, %scan3A_121 : i32
      %mul3A_123 = arith.constant 1024 : i32
      %mul3A_124 = arith.muli %scan3A_122, %mul3A_123 : i32
      %min3A_125 = arith.constant 32896 : i32
      %min3A_126 = arith.minsi %mul3A_124, %min3A_125 : i32
      %add3A_127 = vector.broadcast %min3A_126 : i32 to vector<16x1024xi32>
      %add3A_128 = arith.addi %iota3A, %add3A_127 : vector<16x1024xi32>
      %get3A_129 = arith.constant 0 : index
      %get3A_130 = arith.index_cast %min3A_126 : i32 to index
      %get3A_131 = vector.load %arg2[%get3A_129, %get3A_130] : memref<16x33920xf32, #tpu.memory_space<vmem>>, vector<16x1024xf32>
      %log3A_132 = math.log %get3A_131 : vector<16x1024xf32>
      %neg3A_133 = arith.constant 0.000000e+00 : f32
      %neg3A_134 = vector.broadcast %neg3A_133 : f32 to vector<16x1024xf32>
      %neg3A_135 = arith.subf %neg3A_134, %log3A_132 : vector<16x1024xf32>
      %log3A_136 = math.log %neg3A_135 : vector<16x1024xf32>
      %neg3A_137 = arith.constant 0.000000e+00 : f32
      %neg3A_138 = vector.broadcast %neg3A_137 : f32 to vector<16x1024xf32>
      %neg3A_139 = arith.subf %neg3A_138, %log3A_136 : vector<16x1024xf32>
      %get3A_140 = arith.constant 0 : index
      %get3A_141 = arith.index_cast %min3A_126 : i32 to index
      %get3A_142 = vector.load %arg1[%get3A_140, %get3A_141] : memref<16x33920xf32, #tpu.memory_space<vmem>>, vector<16x1024xf32>
      %add3A_143 = arith.addf %neg3A_139, %get3A_142 : vector<16x1024xf32>
      %gt3A_144 = arith.cmpf ogt, %add3A_143, %select_n3A_119 : vector<16x1024xf32>
      %select_n3A_145 = arith.select %gt3A_144, %add3A_143, %select_n3A_119 : vector<16x1024xi1>, vector<16x1024xf32>
      %select_n3A_146 = arith.select %gt3A_144, %add3A_128, %select_n3A_120 : vector<16x1024xi1>, vector<16x1024xi32>
      %scan3A_147 = arith.constant 3 : i32
      %scan3A_148 = arith.addi %scan3A_68, %scan3A_147 : i32
      %mul3A_149 = arith.constant 1024 : i32
      %mul3A_150 = arith.muli %scan3A_148, %mul3A_149 : i32
      %min3A_151 = arith.constant 32896 : i32
      %min3A_152 = arith.minsi %mul3A_150, %min3A_151 : i32
      %add3A_153 = vector.broadcast %min3A_152 : i32 to vector<16x1024xi32>
      %add3A_154 = arith.addi %iota3A, %add3A_153 : vector<16x1024xi32>
      %get3A_155 = arith.constant 0 : index
      %get3A_156 = arith.index_cast %min3A_152 : i32 to index
      %get3A_157 = vector.load %arg2[%get3A_155, %get3A_156] : memref<16x33920xf32, #tpu.memory_space<vmem>>, vector<16x1024xf32>
      %log3A_158 = math.log %get3A_157 : vector<16x1024xf32>
      %neg3A_159 = arith.constant 0.000000e+00 : f32
      %neg3A_160 = vector.broadcast %neg3A_159 : f32 to vector<16x1024xf32>
      %neg3A_161 = arith.subf %neg3A_160, %log3A_158 : vector<16x1024xf32>
      %log3A_162 = math.log %neg3A_161 : vector<16x1024xf32>
      %neg3A_163 = arith.constant 0.000000e+00 : f32
      %neg3A_164 = vector.broadcast %neg3A_163 : f32 to vector<16x1024xf32>
      %neg3A_165 = arith.subf %neg3A_164, %log3A_162 : vector<16x1024xf32>
      %get3A_166 = arith.constant 0 : index
      %get3A_167 = arith.index_cast %min3A_152 : i32 to index
      %get3A_168 = vector.load %arg1[%get3A_166, %get3A_167] : memref<16x33920xf32, #tpu.memory_space<vmem>>, vector<16x1024xf32>
      %add3A_169 = arith.addf %neg3A_165, %get3A_168 : vector<16x1024xf32>
      %gt3A_170 = arith.cmpf ogt, %add3A_169, %select_n3A_145 : vector<16x1024xf32>
      %select_n3A_171 = arith.select %gt3A_170, %add3A_169, %select_n3A_145 : vector<16x1024xi1>, vector<16x1024xf32>
      %select_n3A_172 = arith.select %gt3A_170, %add3A_154, %select_n3A_146 : vector<16x1024xi1>, vector<16x1024xi32>
      %scan3A_173 = arith.constant 4 : i32
      %scan3A_174 = arith.addi %scan3A_68, %scan3A_173 : i32
      %mul3A_175 = arith.constant 1024 : i32
      %mul3A_176 = arith.muli %scan3A_174, %mul3A_175 : i32
      %min3A_177 = arith.constant 32896 : i32
      %min3A_178 = arith.minsi %mul3A_176, %min3A_177 : i32
      %add3A_179 = vector.broadcast %min3A_178 : i32 to vector<16x1024xi32>
      %add3A_180 = arith.addi %iota3A, %add3A_179 : vector<16x1024xi32>
      %get3A_181 = arith.constant 0 : index
      %get3A_182 = arith.index_cast %min3A_178 : i32 to index
      %get3A_183 = vector.load %arg2[%get3A_181, %get3A_182] : memref<16x33920xf32, #tpu.memory_space<vmem>>, vector<16x1024xf32>
      %log3A_184 = math.log %get3A_183 : vector<16x1024xf32>
      %neg3A_185 = arith.constant 0.000000e+00 : f32
      %neg3A_186 = vector.broadcast %neg3A_185 : f32 to vector<16x1024xf32>
      %neg3A_187 = arith.subf %neg3A_186, %log3A_184 : vector<16x1024xf32>
      %log3A_188 = math.log %neg3A_187 : vector<16x1024xf32>
      %neg3A_189 = arith.constant 0.000000e+00 : f32
      %neg3A_190 = vector.broadcast %neg3A_189 : f32 to vector<16x1024xf32>
      %neg3A_191 = arith.subf %neg3A_190, %log3A_188 : vector<16x1024xf32>
      %get3A_192 = arith.constant 0 : index
      %get3A_193 = arith.index_cast %min3A_178 : i32 to index
      %get3A_194 = vector.load %arg1[%get3A_192, %get3A_193] : memref<16x33920xf32, #tpu.memory_space<vmem>>, vector<16x1024xf32>
      %add3A_195 = arith.addf %neg3A_191, %get3A_194 : vector<16x1024xf32>
      %gt3A_196 = arith.cmpf ogt, %add3A_195, %select_n3A_171 : vector<16x1024xf32>
      %select_n3A_197 = arith.select %gt3A_196, %add3A_195, %select_n3A_171 : vector<16x1024xi1>, vector<16x1024xf32>
      %select_n3A_198 = arith.select %gt3A_196, %add3A_180, %select_n3A_172 : vector<16x1024xi1>, vector<16x1024xi32>
      %scan3A_199 = arith.constant 5 : i32
      %scan3A_200 = arith.addi %scan3A_68, %scan3A_199 : i32
      %mul3A_201 = arith.constant 1024 : i32
      %mul3A_202 = arith.muli %scan3A_200, %mul3A_201 : i32
      %min3A_203 = arith.constant 32896 : i32
      %min3A_204 = arith.minsi %mul3A_202, %min3A_203 : i32
      %add3A_205 = vector.broadcast %min3A_204 : i32 to vector<16x1024xi32>
      %add3A_206 = arith.addi %iota3A, %add3A_205 : vector<16x1024xi32>
      %get3A_207 = arith.constant 0 : index
      %get3A_208 = arith.index_cast %min3A_204 : i32 to index
      %get3A_209 = vector.load %arg2[%get3A_207, %get3A_208] : memref<16x33920xf32, #tpu.memory_space<vmem>>, vector<16x1024xf32>
      %log3A_210 = math.log %get3A_209 : vector<16x1024xf32>
      %neg3A_211 = arith.constant 0.000000e+00 : f32
      %neg3A_212 = vector.broadcast %neg3A_211 : f32 to vector<16x1024xf32>
      %neg3A_213 = arith.subf %neg3A_212, %log3A_210 : vector<16x1024xf32>
      %log3A_214 = math.log %neg3A_213 : vector<16x1024xf32>
      %neg3A_215 = arith.constant 0.000000e+00 : f32
      %neg3A_216 = vector.broadcast %neg3A_215 : f32 to vector<16x1024xf32>
      %neg3A_217 = arith.subf %neg3A_216, %log3A_214 : vector<16x1024xf32>
      %get3A_218 = arith.constant 0 : index
      %get3A_219 = arith.index_cast %min3A_204 : i32 to index
      %get3A_220 = vector.load %arg1[%get3A_218, %get3A_219] : memref<16x33920xf32, #tpu.memory_space<vmem>>, vector<16x1024xf32>
      %add3A_221 = arith.addf %neg3A_217, %get3A_220 : vector<16x1024xf32>
      %gt3A_222 = arith.cmpf ogt, %add3A_221, %select_n3A_197 : vector<16x1024xf32>
      %select_n3A_223 = arith.select %gt3A_222, %add3A_221, %select_n3A_197 : vector<16x1024xi1>, vector<16x1024xf32>
      %select_n3A_224 = arith.select %gt3A_222, %add3A_206, %select_n3A_198 : vector<16x1024xi1>, vector<16x1024xi32>
      %scan3A_225 = arith.constant 6 : i32
      %scan3A_226 = arith.addi %scan3A_68, %scan3A_225 : i32
      %mul3A_227 = arith.constant 1024 : i32
      %mul3A_228 = arith.muli %scan3A_226, %mul3A_227 : i32
      %min3A_229 = arith.constant 32896 : i32
      %min3A_230 = arith.minsi %mul3A_228, %min3A_229 : i32
      %add3A_231 = vector.broadcast %min3A_230 : i32 to vector<16x1024xi32>
      %add3A_232 = arith.addi %iota3A, %add3A_231 : vector<16x1024xi32>
      %get3A_233 = arith.constant 0 : index
      %get3A_234 = arith.index_cast %min3A_230 : i32 to index
      %get3A_235 = vector.load %arg2[%get3A_233, %get3A_234] : memref<16x33920xf32, #tpu.memory_space<vmem>>, vector<16x1024xf32>
      %log3A_236 = math.log %get3A_235 : vector<16x1024xf32>
      %neg3A_237 = arith.constant 0.000000e+00 : f32
      %neg3A_238 = vector.broadcast %neg3A_237 : f32 to vector<16x1024xf32>
      %neg3A_239 = arith.subf %neg3A_238, %log3A_236 : vector<16x1024xf32>
      %log3A_240 = math.log %neg3A_239 : vector<16x1024xf32>
      %neg3A_241 = arith.constant 0.000000e+00 : f32
      %neg3A_242 = vector.broadcast %neg3A_241 : f32 to vector<16x1024xf32>
      %neg3A_243 = arith.subf %neg3A_242, %log3A_240 : vector<16x1024xf32>
      %get3A_244 = arith.constant 0 : index
      %get3A_245 = arith.index_cast %min3A_230 : i32 to index
      %get3A_246 = vector.load %arg1[%get3A_244, %get3A_245] : memref<16x33920xf32, #tpu.memory_space<vmem>>, vector<16x1024xf32>
      %add3A_247 = arith.addf %neg3A_243, %get3A_246 : vector<16x1024xf32>
      %gt3A_248 = arith.cmpf ogt, %add3A_247, %select_n3A_223 : vector<16x1024xf32>
      %select_n3A_249 = arith.select %gt3A_248, %add3A_247, %select_n3A_223 : vector<16x1024xi1>, vector<16x1024xf32>
      %select_n3A_250 = arith.select %gt3A_248, %add3A_232, %select_n3A_224 : vector<16x1024xi1>, vector<16x1024xi32>
      %scan3A_251 = arith.constant 7 : i32
      %scan3A_252 = arith.addi %scan3A_68, %scan3A_251 : i32
      %mul3A_253 = arith.constant 1024 : i32
      %mul3A_254 = arith.muli %scan3A_252, %mul3A_253 : i32
      %min3A_255 = arith.constant 32896 : i32
      %min3A_256 = arith.minsi %mul3A_254, %min3A_255 : i32
      %add3A_257 = vector.broadcast %min3A_256 : i32 to vector<16x1024xi32>
      %add3A_258 = arith.addi %iota3A, %add3A_257 : vector<16x1024xi32>
      %get3A_259 = arith.constant 0 : index
      %get3A_260 = arith.index_cast %min3A_256 : i32 to index
      %get3A_261 = vector.load %arg2[%get3A_259, %get3A_260] : memref<16x33920xf32, #tpu.memory_space<vmem>>, vector<16x1024xf32>
      %log3A_262 = math.log %get3A_261 : vector<16x1024xf32>
      %neg3A_263 = arith.constant 0.000000e+00 : f32
      %neg3A_264 = vector.broadcast %neg3A_263 : f32 to vector<16x1024xf32>
      %neg3A_265 = arith.subf %neg3A_264, %log3A_262 : vector<16x1024xf32>
      %log3A_266 = math.log %neg3A_265 : vector<16x1024xf32>
      %neg3A_267 = arith.constant 0.000000e+00 : f32
      %neg3A_268 = vector.broadcast %neg3A_267 : f32 to vector<16x1024xf32>
      %neg3A_269 = arith.subf %neg3A_268, %log3A_266 : vector<16x1024xf32>
      %get3A_270 = arith.constant 0 : index
      %get3A_271 = arith.index_cast %min3A_256 : i32 to index
      %get3A_272 = vector.load %arg1[%get3A_270, %get3A_271] : memref<16x33920xf32, #tpu.memory_space<vmem>>, vector<16x1024xf32>
      %add3A_273 = arith.addf %neg3A_269, %get3A_272 : vector<16x1024xf32>
      %gt3A_274 = arith.cmpf ogt, %add3A_273, %select_n3A_249 : vector<16x1024xf32>
      %select_n3A_275 = arith.select %gt3A_274, %add3A_273, %select_n3A_249 : vector<16x1024xi1>, vector<16x1024xf32>
      %select_n3A_276 = arith.select %gt3A_274, %add3A_258, %select_n3A_250 : vector<16x1024xi1>, vector<16x1024xi32>
      scf.yield %select_n3A_275, %select_n3A_276 : vector<16x1024xf32>, vector<16x1024xi32>
    }
    %scan3A_7 = arith.constant 32 : i32
    %scan3A_8 = arith.addi %scan3A, %scan3A_7 : i32
    %mul3A = arith.constant 1024 : i32
    %mul3A_9 = arith.muli %scan3A_8, %mul3A : i32
    %min3A = arith.constant 32896 : i32
    %min3A_10 = arith.minsi %mul3A_9, %min3A : i32
    %add3A = vector.broadcast %min3A_10 : i32 to vector<16x1024xi32>
    %add3A_11 = arith.addi %iota3A, %add3A : vector<16x1024xi32>
    %get3A = arith.constant 0 : index
    %get3A_12 = arith.index_cast %min3A_10 : i32 to index
    %get3A_13 = vector.load %arg2[%get3A, %get3A_12] : memref<16x33920xf32, #tpu.memory_space<vmem>>, vector<16x1024xf32>
    %log3A = math.log %get3A_13 : vector<16x1024xf32>
    %neg3A = arith.constant 0.000000e+00 : f32
    %neg3A_14 = vector.broadcast %neg3A : f32 to vector<16x1024xf32>
    %neg3A_15 = arith.subf %neg3A_14, %log3A : vector<16x1024xf32>
    %log3A_16 = math.log %neg3A_15 : vector<16x1024xf32>
    %neg3A_17 = arith.constant 0.000000e+00 : f32
    %neg3A_18 = vector.broadcast %neg3A_17 : f32 to vector<16x1024xf32>
    %neg3A_19 = arith.subf %neg3A_18, %log3A_16 : vector<16x1024xf32>
    %get3A_20 = arith.constant 0 : index
    %get3A_21 = arith.index_cast %min3A_10 : i32 to index
    %get3A_22 = vector.load %arg1[%get3A_20, %get3A_21] : memref<16x33920xf32, #tpu.memory_space<vmem>>, vector<16x1024xf32>
    %add3A_23 = arith.addf %neg3A_19, %get3A_22 : vector<16x1024xf32>
    %gt3A = arith.cmpf ogt, %add3A_23, %scan3A_6#0 : vector<16x1024xf32>
    %select_n3A = arith.select %gt3A, %add3A_23, %scan3A_6#0 : vector<16x1024xi1>, vector<16x1024xf32>
    %select_n3A_24 = arith.select %gt3A, %add3A_11, %scan3A_6#1 : vector<16x1024xi1>, vector<16x1024xi32>
    %scan3A_25 = arith.constant 33 : i32
    %scan3A_26 = arith.addi %scan3A, %scan3A_25 : i32
    %mul3A_27 = arith.constant 1024 : i32
    %mul3A_28 = arith.muli %scan3A_26, %mul3A_27 : i32
    %min3A_29 = arith.constant 32896 : i32
    %min3A_30 = arith.minsi %mul3A_28, %min3A_29 : i32
    %add3A_31 = vector.broadcast %min3A_30 : i32 to vector<16x1024xi32>
    %add3A_32 = arith.addi %iota3A, %add3A_31 : vector<16x1024xi32>
    %get3A_33 = arith.constant 0 : index
    %get3A_34 = arith.index_cast %min3A_30 : i32 to index
    %get3A_35 = vector.load %arg2[%get3A_33, %get3A_34] : memref<16x33920xf32, #tpu.memory_space<vmem>>, vector<16x1024xf32>
    %log3A_36 = math.log %get3A_35 : vector<16x1024xf32>
    %neg3A_37 = arith.constant 0.000000e+00 : f32
    %neg3A_38 = vector.broadcast %neg3A_37 : f32 to vector<16x1024xf32>
    %neg3A_39 = arith.subf %neg3A_38, %log3A_36 : vector<16x1024xf32>
    %log3A_40 = math.log %neg3A_39 : vector<16x1024xf32>
    %neg3A_41 = arith.constant 0.000000e+00 : f32
    %neg3A_42 = vector.broadcast %neg3A_41 : f32 to vector<16x1024xf32>
    %neg3A_43 = arith.subf %neg3A_42, %log3A_40 : vector<16x1024xf32>
    %get3A_44 = arith.constant 0 : index
    %get3A_45 = arith.index_cast %min3A_30 : i32 to index
    %get3A_46 = vector.load %arg1[%get3A_44, %get3A_45] : memref<16x33920xf32, #tpu.memory_space<vmem>>, vector<16x1024xf32>
    %add3A_47 = arith.addf %neg3A_43, %get3A_46 : vector<16x1024xf32>
    %gt3A_48 = arith.cmpf ogt, %add3A_47, %select_n3A : vector<16x1024xf32>
    %select_n3A_49 = arith.select %gt3A_48, %add3A_47, %select_n3A : vector<16x1024xi1>, vector<16x1024xf32>
    %select_n3A_50 = arith.select %gt3A_48, %add3A_32, %select_n3A_24 : vector<16x1024xi1>, vector<16x1024xi32>
    %scan3A_51 = arith.constant 34 : i32
    %reduce_max3A = arith.constant dense<0xFF800000> : vector<16xf32>
    %reduce_max3A_52 = vector.multi_reduction <maximumf>, %select_n3A_49, %reduce_max3A [1] : vector<16x1024xf32> to vector<16xf32>
    %broadcast_in_dim3A_53 = vector.shape_cast %reduce_max3A_52 : vector<16xf32> to vector<16x1xf32>
    %eq3A = vector.broadcast %broadcast_in_dim3A_53 : vector<16x1xf32> to vector<16x1024xf32>
    %eq3A_54 = arith.cmpf oeq, %select_n3A_49, %eq3A : vector<16x1024xf32>
    %jit3A = arith.constant 2147483647 : i32
    %broadcast_in_dim3A_55 = vector.broadcast %jit3A : i32 to vector<16x1024xi32>
    %select_n3A_56 = arith.select %eq3A_54, %select_n3A_50, %broadcast_in_dim3A_55 : vector<16x1024xi1>, vector<16x1024xi32>
    %reduce_min3A = arith.constant dense<2147483647> : vector<16xi32>
    %reduce_min3A_57 = vector.multi_reduction <minsi>, %select_n3A_56, %reduce_min3A [1] : vector<16x1024xi32> to vector<16xi32>
    %broadcast_in_dim3A_58 = vector.shape_cast %reduce_min3A_57 : vector<16xi32> to vector<16x1xi32>
    %get3A_59 = arith.constant 0 : index
    %get3A_60 = arith.constant 0 : index
    %get3A_61 = vector.load %arg3[%get3A_59, %get3A_60] : memref<16x1xf32, #tpu.memory_space<vmem>>, vector<16x1xf32>
    %ge3A = arith.cmpf oge, %broadcast_in_dim3A_53, %get3A_61 : vector<16x1xf32>
    %get3A_62 = arith.constant 0 : index
    %get3A_63 = arith.constant 0 : index
    %get3A_64 = vector.load %arg4[%get3A_62, %get3A_63] : memref<16x1xi32, #tpu.memory_space<vmem>>, vector<16x1xi32>
    %select_n3A_65 = arith.select %ge3A, %broadcast_in_dim3A_58, %get3A_64 : vector<16x1xi1>, vector<16x1xi32>
    %swap3A = arith.constant 0 : index
    %swap3A_66 = arith.constant 0 : index
    %swap3A_67 = vector.load %arg5[%swap3A, %swap3A_66] : memref<16x1xi32, #tpu.memory_space<vmem>>, vector<16x1xi32>
    tpu.vector_store %arg5[%swap3A, %swap3A_66], %select_n3A_65 {strides = array<i32>} : memref<16x1xi32, #tpu.memory_space<vmem>>, vector<16x1xi32>,
    return
  }
  func.func @transform_0(%arg0: i32) -> (i32, i32) {
    %c0_i32 = arith.constant 0 : i32
    %c0_i32_0 = arith.constant 0 : i32
    return %arg0, %c0_i32 : i32, i32
  }
  func.func @transform_1(%arg0: i32) -> (i32, i32) {
    %c0_i32 = arith.constant 0 : i32
    %c0_i32_0 = arith.constant 0 : i32
    return %arg0, %c0_i32 : i32, i32
  }
  func.func @transform_2(%arg0: i32) -> (i32, i32) {
    %c0_i32 = arith.constant 0 : i32
    %c0_i32_0 = arith.constant 0 : i32
    return %arg0, %c0_i32 : i32, i32
  }
  func.func @transform_3(%arg0: i32) -> (i32, i32) {
    %c0_i32 = arith.constant 0 : i32
    %c0_i32_0 = arith.constant 0 : i32
    return %arg0, %c0_i32 : i32, i32
  }
  func.func @transform_4(%arg0: i32) -> (i32, i32) {
    %c0_i32 = arith.constant 0 : i32
    %c0_i32_0 = arith.constant 0 : i32
    return %arg0, %c0_i32 : i32, i32
  }
}

</mosaic_0001>

<sc_bundles>
// kernel: kernel.5.cloned.1.call-start
scs
__scs_entry_jumppad:
0x0: {  	(pc) =	sbr.rel $0x88, $3  }
0x1: {  	(tag) =	ssettag $0x0;
	lr =	simm.s32 $0x1  }
0x2: {  	[smem:$0x3FA0] =	sst lr;
	_ =	strace $0xD0000000  }
0x3: {  	_ = 	snop  }
0x4: {  	_ = 	snop  }
0x5: {  	_ = 	snop  }
0x6: {  	_ = 	snop  }
0x7: {  	_ = 	snop  }
__scs_overlays_trampoline_lowered:
0x8: {  	[smem:$0x3FAF] =	sst s0  }
0x9: {  	[smem:$0x3FB0] =	sst s1  }
0xa: {  	[smem:$0x3FB1] =	sst s2  }
0xb: {  	[smem:$0x3FB2] =	sst s3  }
0xc: {  	[smem:$0x3FB3] =	sst s4  }
0xd: {  	[smem:$0x3FB4] =	sst s5  }
0xe: {  	[smem:$0x3FB5] =	sst s6  }
0xf: {  	[smem:$0x3FB6] =	sst s7  }
0x10: {  	[smem:$0x3FB7] =	sst s8  }
0x11: {  	[smem:$0x3FB8] =	sst s9;
	s0 =	simm.s32 @!p0 $0x0  }
0x12: {  	s1 =	sld [smem:$0x3F9E];
	s0 =	simm.s32 @p0 $0x1  }
0x13: {  	[smem:$0x3FB9] =	sst s0;
	s0 =	simm.s32 @!p1 $0x0  }
0x14: {  	s2 =	sld [smem:$0x3F9D];
	s0 =	simm.s32 @p1 $0x1  }
0x15: {  	[smem:$0x3FBA] =	sst s0;
	s0 =	simm.s32 @!p2 $0x0  }
0x16: {  	s3 =	sld [smem:$0x3FDB];
	s0 =	simm.s32 @p2 $0x1  }
0x17: {  	s4 =	simm.s32 $0x1BF5;
	[smem:$0x3FBC] =	sst s0  }
0x18: {  	s0 =	sld [smem:$0x3F9F];
	_ =	swait.ge [sflag:s4], $0x0  }
0x19: {  	s7 =	sld [smem:$0x3FA0]  }
0x1a: {  	s8 =	sadd.s32 $0xFFFFE003, lr  }
0x1b: {  	s9 =	sadd.s32 $0xFFFFFEF7, lr;
	s5 =	simm.s32 $0xFFFFFFFF;
	p2 =	slt.u32 s8, $0xFFFFF086  }
0x1c: {  	p1 =	slt.u32 s9, $0xF7A;
	s5 =	simm.s32 @!p2 $0x0  }
0x1d: {  	s5 =	simm.s32 @p1 $0x1;
	p0 =	seq.s32 s7, s2  }
0x1e: {  	s7 =	smul.u32 @!p0 $0xF7A, s2;
	p2 =	seq.s32 @!p0 s5, $0x0  }
0x1f: {  	s9 =	smul.u32 $0xF7A, s1;
	s8 =	simm.s32 @!p0 $0x1BF5;
	p2 =	por !p2, p0  }
0x20: {  	[sflag:s8] =	ssyncset.s32 @!p0 $0xFFFFF086;
	s6 =	sadd.s32 @!p0 s3, s7;
	s7 =	simm.s32 @!p0 $0x108  }
0x21: {  	s3 =	sadd.s32 s3, s9;
	s6 =	sadd.s32 @!p0 $0x88, s6;
	s7 =	simm.s32 @p2 $0x1082  }
0x22: {  	[simem:s7], [sflag:s8] =	dma.local @!p0 [hbm:s6], $0xF7A  }
0x23: {  	s9 =	sor.u32 $0xD0000000, s2;
	s6 =	simm.s32 $0x108;
	_ =	swait.ge @!p0 [sflag:s8], $0x0  }
0x24: {  	s3 =	sadd.s32 $0x88, s3;
	s6 =	simm.s32 @!p1 $0x1082;
	[sflag:s4] =	ssyncset.s32 $0xFFFFF086  }
0x25: {  	[simem:s6], [sflag:s4] =	dma.local [hbm:s3], $0xF7A  }
0x26: {  	[smem:$0x3FA0] =	sst s1;
	(tag) =	ssettag s2;
	_ =	strace s9  }
0x27: {  	s1 =	sld [smem:$0x3FB0]  }
0x28: {  	s2 =	sld [smem:$0x3FB1]  }
0x29: {  	s4 =	sld [smem:$0x3FB3]  }
0x2a: {  	p0 =	seq.s32 s5, $0x0;
	s5 =	sld [smem:$0x3FB4]  }
0x2b: {  	s6 =	sld [smem:$0x3FB5]  }
0x2c: {  	s7 =	sld [smem:$0x3FB6]  }
0x2d: {  	s3 =	simm.s32 $0x108;
	s8 =	sld [smem:$0x3FB7]  }
0x2e: {  	s3 =	simm.s32 @!p0 $0x1082;
	s9 =	sld [smem:$0x3FB8]  }
0x2f: {  	lr =	sadd.s32 s0, s3;
	s0 =	sld [smem:$0x3FAF]  }
0x30: {  	s3 =	sld [smem:$0x3FB2]  }
0x31: {  	[smem:$0x3FBB] =	sst s10  }
0x32: {  	s10 =	sld [smem:$0x3FB9];
	_ =	sdelay $0x3  }
0x33: {  	p0 =	seq.s32 s10, $0x1;
	s10 =	sld [smem:$0x3FBB];
	_ =	sdelay $0x3  }
0x34: {  	[smem:$0x3FBB] =	sst s10  }
0x35: {  	s10 =	sld [smem:$0x3FBA];
	_ =	sdelay $0x3  }
0x36: {  	p1 =	seq.s32 s10, $0x1;
	s10 =	sld [smem:$0x3FBB];
	_ =	sdelay $0x3  }
0x37: {  	[smem:$0x3FBB] =	sst s10  }
0x38: {  	s10 =	sld [smem:$0x3FBC]  }
0x39: {  	_ = 	snop;
	(pc) =	sbr.ind lr, $3  }
0x3a: {  	_ = 	snop  }
0x3b: {  	_ = 	snop  }
0x3c: {  	p2 =	seq.s32 s10, $0x1;
	s10 =	sld [smem:$0x3FBB]  }
0x3d: {  	_ =	shalt  }
0x3e: {  	_ =	shalt  }
0x3f: {  	_ =	shalt  }
0x40: {  	_ =	shalt  }
0x41: {  	_ =	shalt  }
0x42: {  	_ =	shalt  }
0x43: {  	_ =	shalt  }
0x44: {  	_ =	shalt  }
0x45: {  	_ =	shalt  }
0x46: {  	_ =	shalt  }
0x47: {  	_ =	shalt  }
0x48: {  	_ =	shalt  }
0x49: {  	_ =	shalt  }
0x4a: {  	_ =	shalt  }
0x4b: {  	_ =	shalt  }
0x4c: {  	_ =	shalt  }
0x4d: {  	_ =	shalt  }
0x4e: {  	_ =	shalt  }
0x4f: {  	_ =	shalt  }
0x50: {  	_ =	shalt  }
0x51: {  	_ =	shalt  }
0x52: {  	_ =	shalt  }
0x53: {  	_ =	shalt  }
0x54: {  	_ =	shalt  }
0x55: {  	_ =	shalt  }
0x56: {  	_ =	shalt  }
0x57: {  	_ =	shalt  }
0x58: {  	_ =	shalt  }
0x59: {  	_ =	shalt  }
0x5a: {  	_ =	shalt  }
0x5b: {  	_ =	shalt  }
0x5c: {  	_ =	shalt  }
0x5d: {  	_ =	shalt  }
0x5e: {  	_ =	shalt  }
0x5f: {  	_ =	shalt  }
0x60: {  	_ =	shalt  }
0x61: {  	_ =	shalt  }
0x62: {  	_ =	shalt  }
0x63: {  	_ =	shalt  }
0x64: {  	_ =	shalt  }
0x65: {  	_ =	shalt  }
0x66: {  	_ =	shalt  }
0x67: {  	_ =	shalt  }
0x68: {  	_ =	shalt  }
0x69: {  	_ =	shalt  }
0x6a: {  	_ =	shalt  }
0x6b: {  	_ =	shalt  }
0x6c: {  	_ =	shalt  }
0x6d: {  	_ =	shalt  }
0x6e: {  	_ =	shalt  }
0x6f: {  	_ =	shalt  }
0x70: {  	_ =	shalt  }
0x71: {  	_ =	shalt  }
0x72: {  	_ =	shalt  }
0x73: {  	_ =	shalt  }
0x74: {  	_ =	shalt  }
0x75: {  	_ =	shalt  }
0x76: {  	_ =	shalt  }
0x77: {  	_ =	shalt  }
0x78: {  	_ =	shalt  }
0x79: {  	_ =	shalt  }
0x7a: {  	_ =	shalt  }
0x7b: {  	_ =	shalt  }
0x7c: {  	_ =	shalt  }
0x7d: {  	_ =	shalt  }
0x7e: {  	_ =	shalt  }
0x7f: {  	_ =	shalt  }
0x80: {  	_ =	shalt  }
0x81: {  	_ =	shalt  }
0x82: {  	_ =	shalt  }
0x83: {  	_ =	shalt  }
0x84: {  	_ =	shalt  }
0x85: {  	_ =	shalt  }
0x86: {  	_ =	shalt  }
0x87: {  	_ =	shalt  }
.Lfunc_end0:
.L_simem_size_0:
called_computation_lowered:
.L_overlay_start_0:
0x88: {  	s2 =	sld [smem:$0x3FD9]  }
0x89: {  	s3 =	sld [smem:$0x3FFE];
	_ =	sdelay $0x1  }
0x8a: {  	s1 =	srdreg.scid  }
0x8b: {  	s0 =	sand.u32 $0x1, s1  }
0x8c: {  	s16 =	sshll.u32 s0, $0xA;
	s2 =	sadd.s32 s3, s2  }
0x8d: {  	s2 =	sadd.s32 s2, s16  }
0x8e: {  	[smem:$0x3FC7] =	sst s2  }
0x8f: {  	_ = 	snop  }
0x90: {  	(tm) =	ssettm $0x1  }
0x91: {  	s17 =	sld [smem:$0x3FFB];
	_ =	sdelay $0x3  }
0x92: {  	_ =	strace s17  }
0x93: {  	s2 =	sld [smem:$0x3FFC];
	_ =	sdelay $0x3  }
0x94: {  	_ =	strace s2  }
0x95: {  	s2 =	sld [smem:$0x3FFD];
	_ =	sdelay $0x3  }
0x96: {  	_ =	strace s2  }
0x97: {  	_ =	strace $0x8FFFFFFF  }
0x98: {  	s18 =	sld [smem:$0x3FDB];
	_ =	sdelay $0x1  }
0x99: {  	s19 =	simm.s32 $_scs_section_size  }
0x9a: {  	s4 =	simm.s32 $_size__tile_overlayer_lowered;
	s5 =	simm.s32 $_tile_overlayer_lowered  }
0x9b: {  	s22 =	simm.s32 $0x1BFF;
	s21 =	sshll.u32 s5, $0x1;
	s2 =	sadd.s32 s19, s18  }
0x9c: {  	s6 =	simm.s32 $0x0;
	s20 =	sshll.u32 s4, $0x1;
	s4 =	sadd.s32 s21, s2  }
0x9d: {  	[timem:s6], [sflag:s22] =	dma.local [hbm:s4], s20  }
0x9e: {  	_ =	swait.ge [sflag:s22], s20  }
0x9f: {  	s3 =	ssub.s32 $0x0, s20;
	[sflag:s22] =	ssyncset.done $0x0  }
0xa0: {  	[sflag:s22] =	ssyncadd.s32 s3;
	_ =	sdelay $0x1  }
0xa1: {  	s23 =	simm.s32 $0x1B8B  }
0xa2: {  	_ =	swait.ge [sflag:s23], $0x1  }
0xa3: {  	[sflag:s23] =	ssyncset.done $0x0  }
0xa4: {  	s25 =	simm.s32 $0x1B8E;
	s24 =	sld [smem:$0x3FFE];
	[sflag:s23] =	ssyncadd.s32 $0xFFFFFFFF  }
0xa5: {  	s26 =	simm.s32 $execute0_lowered;
	[smem:$0x3FD2] =	sst s25  }
0xa6: {  	s4 =	sshll.u32 s26, $0x1;
	_ =	strace $0x80000046;
	[dreg:$0x1] =	wrdreg $0xFFFFFFFF  }
0xa7: {  	s28 =	simm.s32 $_size_execute0_lowered;
	s2 =	sadd.s32 s2, s4;
	[dreg:$0x0] =	wrdreg $0x0  }
0xa8: {  	s4 =	sshll.u32 s28, $0x1;
	[dreg:$0x2] =	wrdreg s2  }
0xa9: {  	[dreg:$0x3] =	wrdreg s4  }
0xaa: {  	[dreg:$0x4] =	wrdreg $0xC0  }
0xab: {  	_ =	task [dreg:s6], $0x5FFFF  }
0xac: {  	[dreg:$0x1] =	wrdreg $0xFFFFFFFF  }
0xad: {  	[dreg:$0x0] =	wrdreg $0x60  }
0xae: {  	[dreg:$0x2] =	wrdreg s24  }
0xaf: {  	[dreg:$0x3] =	wrdreg $0x9  }
0xb0: {  	_ =	task.clear_ibuf [dreg:s6], $0x4FFFF;
	_ =	strace $0x90000046  }
0xb1: {  	s29 =	simm.s32 $0x9;
	_ =	strace $0x80000048  }
0xb2: {  	_ =	swait.ge [sflag:s29], $0x1  }
0xb3: {  	[sflag:s29] =	ssyncadd.s32 $0xFFFFFFFF  }
0xb4: {  	_ =	strace $0x90000048  }
0xb5: {  	_ =	sfence  }
0xb6: {  	s30 =	sld [smem:$0x0];
	_ =	sdelay $0x2  }
0xb7: {  	s31 =	sshll.u32 s1, $0xD;
	s1 =	sshrl.u32 s1, $0x2  }
0xb8: {  	s3 =	sand.u32 $0x4000, s31;
	s1 =	sadd.s32 s1, s30  }
0xb9: {  	s0 =	sor.u32 s3, s0;
	s1 =	sshll.u32 s1, $0x11  }
0xba: {  	s0 =	sor.u32 s1, s0  }
0xbb: {  	s0 =	sadd.s32 $0x8F2B, s0  }
0xbc: {  	[sflag:s0] =	ssyncadd.remote.s32 $0x1  }
0xbd: {  	_ =	sfence.sel $0xFFFF  }
0xbe: {  	[dreg:$0x0] =	wrdreg $0xFFFFFFFF;
	(pc) =	sbr.abs _section_cstart, $3  }
0xbf: {  	[dreg:$0x1] =	wrdreg $0xFFFFFFFF  }
0xc0: {  	_ =	task.clear_ibuf [dreg:s6], $0x2FFFF;
	_ =	strace $0x9FFFFFFF  }
0xc1: {  	(tm) =	ssettm $0x7FFFFFFF  }
tec
execute0_lowered:
.L_overlay_start_1:
0x0: {  	(tag) =	ssettag $0x1  }
0x1: {  	s3 =	rddreg [dreg:$0x0]  }
0x2: {  	s0 =	rddreg [dreg:$0x1];
	s2 =	simm.s32 $0x0;
	s4 =	srdreg.scid  }
0x3: {  	s1 =	stileid.u32;
	s9 =	simm.s32 $0x400;
	s10 =	simm.s32 $0x1  }
0x4: {  	s11 =	simm.s32 $0x0;
	[smem:$0x7FF] =	sst s2;
	s4 =	sand.u32 $0x1, s4  }
0x5: {  	s6 =	smul.u32 $0xC3500, s1;
	s3 =	sadd.s32 $0x400, s3;
	s31 =	sshll.u32 s1, $0x3  }
0x6: {  	s5 =	ssub.s32 $0x2, s4;
	s8 =	smul.u32 $0x61A80, s4;
	s4 =	sshll.u32 s4, $0x2  }
0x7: {  	_ =	strace $0x80000047;
	s7 =	sshrl.u32 s5, $0x1;
	s4 =	sor.u32 s4, s31  }
0x8: {  	v0 =	vlaneseq.u32;
	s7 =	ssub.s32 s5, s7;
	s5 =	smul.u32 $0x42400, s1;
	s8 =	sadd.s32 s8, s6  }
0x9: {  	v0 =	vadd.s32 $0x2A, v0;
	s6 =	smax.u32 s7, $0x1;
	s7 =	sor.u32 $0x70, s8;
	s8 =	simm.s32 $0x80  }
.LBB2_1:
0xa: {  	s12 =	smov.u32 s7;
	s13 =	simm.s32 $0x0  }
.LBB2_2:
0xb: {  	s14 =	sadd.s32 $0xFFFFFFA0, s12;
	s15 =	sadd.s32 $0xFFFFFFF0, s12;
	v1 =	vadd.s32 s12, v0  }
0xc: {  	s29 =	sadd.s32 $0xFFFFFFB0, s12;
	s30 =	sadd.s32 $0xFFFFFFC0, s12;
	s16 =	sadd.s32 $0xFFFFFF90, s12;
	v2 =	vadd.s32 s14, v0;
	v3 =	vadd.s32 s15, v0;
	v4 =	vshrl.u32 v1, $0x13  }
0xd: {  	s17 =	sadd.s32 $0xFFFFFFE0, s12;
	v5 =	vadd.s32 s29, v0;
	v8 =	vadd.s32 s16, v0;
	v9 =	vadd.s32 s30, v0  }
0xe: {  	v10 =	vadd.s32 s17, v0;
	v43 =	vshll.u32 v1, $0xD;
	v6 =	vshrl.u32 v3, $0x13  }
0xf: {  	v7 =	vshll.u32 v3, $0xD;
	v11 =	vshrl.u32 v8, $0x13;
	v14 =	vshll.u32 v8, $0xD  }
0x10: {  	v37 =	vshrl.u32 v2, $0x13;
	v38 =	vshll.u32 v2, $0xD;
	v15 =	vshrl.u32 v5, $0x13  }
0x11: {  	v18 =	vshll.u32 v5, $0xD;
	v39 =	vshrl.u32 v9, $0x13;
	v40 =	vshll.u32 v9, $0xD  }
0x12: {  	s31 =	sadd.s32 $0xFFFFFFD0, s12;
	v41 =	vshrl.u32 v10, $0x13;
	v42 =	vshll.u32 v10, $0xD;
	v4 =	vor.u32 v4, v43  }
0x13: {  	v6 =	vor.u32 v6, v7;
	v7 =	vadd.s32 s31, v0;
	v11 =	vor.u32 v11, v14  }
0x14: {  	v44 =	vor.u32 v15, v18;
	v45 =	vor.u32 v39, v40;
	v49 =	vor.u32 v41, v42  }
0x15: {  	v4 =	vxor.u32 v1, v4;
	v6 =	vxor.u32 v3, v6;
	v19 =	vshrl.u32 v7, $0x13  }
0x16: {  	v22 =	vshll.u32 v7, $0xD;
	v11 =	vxor.u32 v8, v11;
	v52 =	vxor.u32 v9, v45  }
0x17: {  	v54 =	vxor.u32 v10, v49;
	v36 =	vshrl.u32 v4, $0x11;
	v1 =	vadd.s32 v1, v4  }
0x18: {  	v12 =	vshrl.u32 v6, $0x11;
	v13 =	vshll.u32 v6, $0xF;
	v3 =	vadd.s32 v3, v6  }
0x19: {  	v46 =	vor.u32 v19, v22;
	v57 =	vshrl.u32 v11, $0x11;
	v58 =	vshll.u32 v11, $0xF  }
0x1a: {  	v33 =	vshrl.u32 v52, $0x11;
	v24 =	vshll.u32 v52, $0xF;
	v35 =	vshrl.u32 v54, $0x11  }
0x1b: {  	v28 =	vshll.u32 v54, $0xF;
	v8 =	vadd.s32 v8, v11;
	v9 =	vadd.s32 v9, v52  }
0x1c: {  	v10 =	vadd.s32 v10, v54;
	v6 =	vor.u32 v12, v13;
	v12 =	vor.u32 v37, v38  }
0x1d: {  	v13 =	vxor.u32 v5, v44;
	v53 =	vxor.u32 v7, v46;
	v37 =	vshll.u32 v4, $0xF  }
0x1e: {  	v40 =	vor.u32 v33, v24;
	v42 =	vor.u32 v35, v28;
	v6 =	vxor.u32 v6, v3  }
0x1f: {  	v12 =	vxor.u32 v2, v12;
	v16 =	vshrl.u32 v6, $0x6;
	v17 =	vshll.u32 v6, $0x1A  }
0x20: {  	v62 =	vshrl.u32 v13, $0x11;
	v3 =	vadd.s32 v3, v6;
	v6 =	vor.u32 v16, v17  }
0x21: {  	v63 =	vshll.u32 v13, $0xF;
	v27 =	vshrl.u32 v53, $0x11;
	v6 =	vxor.u32 v6, v3  }
0x22: {  	v34 =	vshll.u32 v53, $0xF;
	v20 =	vshrl.u32 v6, $0x1A;
	v21 =	vshll.u32 v6, $0x6  }
0x23: {  	v5 =	vadd.s32 v5, v13;
	v3 =	vadd.s32 v3, v6;
	v6 =	vor.u32 v20, v21  }
0x24: {  	v7 =	vadd.s32 v7, v53;
	v52 =	vxor.u32 v40, v9;
	v6 =	vxor.u32 v6, v3  }
0x25: {  	v11 =	vxor.u32 v42, v10;
	v59 =	vshrl.u32 v12, $0x11;
	v6 =	vadd.s32 $0x1BD11BF1, v6  }
0x26: {  	v3 =	vadd.s32 v6, v3;
	v23 =	vshrl.u32 v6, $0xF;
	v6 =	vshll.u32 v6, $0x11  }
0x27: {  	v60 =	vshll.u32 v12, $0xF;
	v3 =	vadd.s32 $0x2A, v3;
	v6 =	vor.u32 v23, v6  }
0x28: {  	v41 =	vor.u32 v27, v34;
	v2 =	vadd.s32 v2, v12;
	v6 =	vxor.u32 v6, v3  }
0x29: {  	v35 =	vshrl.u32 v11, $0x6;
	v47 =	vshrl.u32 v6, $0x3;
	v48 =	vshll.u32 v6, $0x1D  }
0x2a: {  	v17 =	vor.u32 v57, v58;
	v3 =	vadd.s32 v3, v6;
	v6 =	vor.u32 v47, v48  }
0x2b: {  	v19 =	vor.u32 v59, v60;
	v53 =	vxor.u32 v41, v7;
	v6 =	vxor.u32 v6, v3  }
0x2c: {  	v4 =	vxor.u32 v19, v2;
	v50 =	vshrl.u32 v6, $0x10;
	v51 =	vshll.u32 v6, $0x10  }
0x2d: {  	v33 =	vshrl.u32 v53, $0x6;
	v3 =	vadd.s32 v3, v6;
	v6 =	vor.u32 v50, v51  }
0x2e: {  	v34 =	vshll.u32 v53, $0x1A;
	v19 =	vshrl.u32 v4, $0x6;
	v6 =	vxor.u32 v6, v3  }
0x2f: {  	v58 =	vshll.u32 v4, $0x1A;
	v55 =	vshrl.u32 v6, $0x8;
	v56 =	vshll.u32 v6, $0x18  }
0x30: {  	v2 =	vadd.s32 v2, v4;
	v3 =	vadd.s32 v3, v6;
	v6 =	vor.u32 v55, v56  }
0x31: {  	v21 =	vor.u32 v62, v63;
	v62 =	vshrl.u32 v52, $0x6;
	v6 =	vxor.u32 v6, v3  }
0x32: {  	v63 =	vshll.u32 v52, $0x1A;
	v19 =	vor.u32 v19, v58;
	v6 =	vadd.s32 $0x2, v6  }
0x33: {  	v3 =	vadd.s32 v6, v3;
	v61 =	vshrl.u32 v6, $0x13;
	v6 =	vshll.u32 v6, $0xD  }
0x34: {  	v47 =	vor.u32 v36, v37;
	v3 =	vadd.s32 $0x1BD11BF0, v3;
	v6 =	vor.u32 v61, v6  }
0x35: {  	v48 =	vxor.u32 v17, v8;
	v36 =	vshll.u32 v11, $0x1A;
	v6 =	vxor.u32 v6, v3  }
0x36: {  	v12 =	vxor.u32 v47, v1;
	v25 =	vshrl.u32 v6, $0x11;
	v26 =	vshll.u32 v6, $0xF  }
0x37: {  	v57 =	vshll.u32 v48, $0x1A;
	v3 =	vadd.s32 v3, v6;
	v6 =	vor.u32 v25, v26  }
0x38: {  	v8 =	vadd.s32 v8, v48;
	v40 =	vshll.u32 v12, $0x1A;
	v6 =	vxor.u32 v6, v3  }
0x39: {  	v51 =	vxor.u32 v21, v5;
	v29 =	vshrl.u32 v6, $0x6;
	v30 =	vshll.u32 v6, $0x1A  }
0x3a: {  	v60 =	vshrl.u32 v51, $0x6;
	v3 =	vadd.s32 v3, v6;
	v6 =	vor.u32 v29, v30  }
0x3b: {  	v4 =	vadd.s32 v5, v51;
	v56 =	vshrl.u32 v48, $0x6;
	v6 =	vxor.u32 v6, v3  }
0x3c: {  	v17 =	vor.u32 v56, v57;
	v38 =	vshrl.u32 v6, $0x1A;
	v39 =	vshll.u32 v6, $0x6  }
0x3d: {  	v48 =	vxor.u32 v17, v8;
	v3 =	vadd.s32 v3, v6;
	v6 =	vor.u32 v38, v39  }
0x3e: {  	v5 =	vadd.s32 v9, v52;
	v17 =	vshll.u32 v48, $0x6;
	v6 =	vxor.u32 v6, v3  }
0x3f: {  	v8 =	vadd.s32 v8, v48;
	v61 =	vshll.u32 v51, $0x1A;
	v6 =	vadd.s32 $0x2D, v6  }
0x40: {  	v21 =	vor.u32 v60, v61;
	v43 =	vshrl.u32 v6, $0xF;
	v44 =	vshll.u32 v6, $0x11  }
0x41: {  	v39 =	vshrl.u32 v12, $0x6;
	v3 =	vadd.s32 v3, v6;
	v6 =	vor.u32 v43, v44  }
0x42: {  	v47 =	vor.u32 v39, v40;
	v43 =	vor.u32 v62, v63;
	v6 =	vxor.u32 v6, v3  }
0x43: {  	v44 =	vor.u32 v33, v34;
	v45 =	vshrl.u32 v6, $0x3;
	v46 =	vshll.u32 v6, $0x1D  }
0x44: {  	v14 =	vxor.u32 v43, v5;
	v3 =	vadd.s32 v3, v6;
	v6 =	vor.u32 v45, v46  }
0x45: {  	v5 =	vadd.s32 v5, v14;
	v45 =	vor.u32 v35, v36;
	v6 =	vxor.u32 v6, v3  }
0x46: {  	v46 =	vadd.s32 v1, v12;
	v49 =	vshrl.u32 v6, $0x10;
	v50 =	vshll.u32 v6, $0x10  }
0x47: {  	v3 =	vadd.s32 v3, v6;
	v6 =	vor.u32 v49, v50;
	v49 =	vxor.u32 v19, v2  }
0x48: {  	v50 =	vxor.u32 v21, v4;
	v6 =	vxor.u32 v6, v3;
	v52 =	vshrl.u32 v49, $0x1A  }
0x49: {  	v19 =	vshll.u32 v49, $0x6;
	v54 =	vshrl.u32 v6, $0x8;
	v55 =	vshll.u32 v6, $0x18  }
0x4a: {  	v21 =	vshll.u32 v50, $0x6;
	v3 =	vadd.s32 v3, v6;
	v6 =	vor.u32 v54, v55  }
0x4b: {  	v2 =	vadd.s32 v2, v49;
	v4 =	vadd.s32 v4, v50;
	v6 =	vxor.u32 v6, v3  }
0x4c: {  	v54 =	vshrl.u32 v14, $0x1A;
	v55 =	vshll.u32 v14, $0x6;
	v6 =	vadd.s32 $0x1BD11BF4, v6  }
0x4d: {  	v3 =	vadd.s32 v6, v3;
	v59 =	vshrl.u32 v6, $0x13;
	v6 =	vshll.u32 v6, $0xD  }
0x4e: {  	v63 =	vor.u32 v54, v55;
	v3 =	vadd.s32 $0x2A, v3;
	v6 =	vor.u32 v59, v6  }
0x4f: {  	v18 =	vor.u32 v52, v19;
	v14 =	vxor.u32 v63, v5;
	v6 =	vxor.u32 v6, v3  }
0x50: {  	v14 =	vadd.s32 $0x1BD11BF1, v14;
	v31 =	vshrl.u32 v6, $0x11;
	v32 =	vshll.u32 v6, $0xF  }
0x51: {  	v5 =	vadd.s32 v14, v5;
	v3 =	vadd.s32 v3, v6;
	v6 =	vor.u32 v31, v32  }
0x52: {  	v5 =	vadd.s32 $0x2A, v5;
	v31 =	vxor.u32 v18, v2;
	v6 =	vxor.u32 v6, v3  }
0x53: {  	v13 =	vadd.s32 $0x1BD11BF1, v31;
	v37 =	vshrl.u32 v6, $0x6;
	v38 =	vshll.u32 v6, $0x1A  }
0x54: {  	v3 =	vadd.s32 v3, v6;
	v2 =	vadd.s32 v13, v2;
	v35 =	vshrl.u32 v13, $0xF  }
0x55: {  	v13 =	vshll.u32 v13, $0x11;
	v6 =	vor.u32 v37, v38;
	v37 =	vshrl.u32 v14, $0xF  }
0x56: {  	v14 =	vshll.u32 v14, $0x11;
	v2 =	vadd.s32 $0x2A, v2;
	v6 =	vxor.u32 v6, v3  }
0x57: {  	v13 =	vor.u32 v35, v13;
	v41 =	vshrl.u32 v6, $0x1A;
	v42 =	vshll.u32 v6, $0x6  }
0x58: {  	v14 =	vor.u32 v37, v14;
	v3 =	vadd.s32 v3, v6;
	v6 =	vor.u32 v41, v42  }
0x59: {  	v13 =	vxor.u32 v13, v2;
	v14 =	vxor.u32 v14, v5;
	v6 =	vxor.u32 v6, v3  }
0x5a: {  	v43 =	vshrl.u32 v13, $0x3;
	v3 =	vadd.s32 $0x1BD11BF0, v3;
	v6 =	vadd.s32 $0x5, v6  }
0x5b: {  	v2 =	vadd.s32 v2, v13;
	v5 =	vadd.s32 v5, v14;
	v3 =	vxor.u32 v3, v6  }
0x5c: {  	v6 =	vadd.s32 v7, v53;
	v7 =	vadd.s32 v10, v11;
	v10 =	vxor.u32 v47, v46  }
0x5d: {  	v53 =	vshrl.u32 v50, $0x1A;
	v47 =	vshrl.u32 v14, $0x3;
	v3 =	vshrl.u32 v3, $0x9  }
0x5e: {  	v15 =	vxor.u32 v44, v6;
	v51 =	vxor.u32 v45, v7;
	v60 =	vshrl.u32 v10, $0x1A  }
0x5f: {  	v61 =	vshll.u32 v10, $0x6;
	v62 =	vor.u32 v53, v21;
	v9 =	vadd.s32 v46, v10  }
0x60: {  	v44 =	vshll.u32 v13, $0x1D;
	v3 =	vor.u32 $0x3F800000, v3;
	v56 =	vshrl.u32 v15, $0x1A  }
0x61: {  	v57 =	vshll.u32 v15, $0x6;
	v58 =	vshrl.u32 v51, $0x1A;
	v59 =	vshll.u32 v51, $0x6  }
0x62: {  	v6 =	vadd.s32 v6, v15;
	v7 =	vadd.s32 v7, v51;
	v30 =	vor.u32 v60, v61  }
0x63: {  	v32 =	vxor.u32 v62, v4;
	v18 =	vor.u32 v43, v44;
	v3 =	vadd.f32 $-1.000000000e+00, v3  }
0x64: {  	v25 =	vor.u32 v56, v57;
	v29 =	vor.u32 v58, v59;
	v12 =	vxor.u32 v30, v9  }
0x65: {  	v10 =	vadd.s32 $0x1BD11BF1, v32;
	v13 =	vxor.u32 v18, v2;
	v11 =	vxor.u32 v25, v6  }
0x66: {  	v33 =	vxor.u32 v29, v7;
	v12 =	vadd.s32 $0x1BD11BF1, v12;
	v4 =	vadd.s32 v10, v4  }
0x67: {  	v36 =	vshrl.u32 v10, $0xF;
	v10 =	vshll.u32 v10, $0x11;
	v18 =	vshrl.u32 v13, $0x10  }
0x68: {  	v32 =	vshll.u32 v13, $0x10;
	v2 =	vadd.s32 v2, v13;
	v1 =	vadd.f32 $1.175494350e-38, v3  }
0x69: {  	v3 =	vshrl.u32 v48, $0x1A;
	v11 =	vadd.s32 $0x1BD11BF1, v11;
	v15 =	vadd.s32 $0x1BD11BF1, v33  }
0x6a: {  	v9 =	vadd.s32 v12, v9;
	v40 =	vshrl.u32 v12, $0xF;
	v12 =	vshll.u32 v12, $0x11  }
0x6b: {  	v4 =	vadd.s32 $0x2A, v4;
	v10 =	vor.u32 v36, v10;
	v48 =	vshll.u32 v14, $0x1D  }
0x6c: {  	v3 =	vor.u32 v3, v17;
	v6 =	vadd.s32 v11, v6;
	v38 =	vshrl.u32 v11, $0xF  }
0x6d: {  	v11 =	vshll.u32 v11, $0x11;
	v7 =	vadd.s32 v15, v7;
	v39 =	vshrl.u32 v15, $0xF  }
0x6e: {  	v15 =	vshll.u32 v15, $0x11;
	v9 =	vadd.s32 $0x2A, v9;
	v12 =	vor.u32 v40, v12  }
0x6f: {  	v10 =	vxor.u32 v10, v4;
	v56 =	vor.u32 v47, v48;
	v3 =	vxor.u32 v3, v8  }
0x70: {  	v6 =	vadd.s32 $0x2A, v6;
	v11 =	vor.u32 v38, v11;
	v7 =	vadd.s32 $0x2A, v7  }
0x71: {  	v15 =	vor.u32 v39, v15;
	v12 =	vxor.u32 v12, v9;
	v45 =	vshrl.u32 v10, $0x3  }
0x72: {  	v46 =	vshll.u32 v10, $0x1D;
	v4 =	vadd.s32 v4, v10;
	v14 =	vxor.u32 v56, v5  }
0x73: {  	v3 =	vadd.s32 $0x1BD11BF1, v3;
	v11 =	vxor.u32 v11, v6;
	v15 =	vxor.u32 v15, v7  }
0x74: {  	v53 =	vshrl.u32 v12, $0x3;
	v54 =	vshll.u32 v12, $0x1D;
	v55 =	vor.u32 v45, v46  }
0x75: {  	v9 =	vadd.s32 v9, v12;
	v35 =	vshrl.u32 v14, $0x10;
	v36 =	vshll.u32 v14, $0x10  }
0x76: {  	v5 =	vadd.s32 v5, v14;
	v8 =	vadd.s32 v3, v8;
	v34 =	vshrl.u32 v3, $0xF  }
0x77: {  	v3 =	vshll.u32 v3, $0x11;
	v49 =	vshrl.u32 v11, $0x3;
	v50 =	vshll.u32 v11, $0x1D  }
0x78: {  	v51 =	vshrl.u32 v15, $0x3;
	v52 =	vshll.u32 v15, $0x1D;
	v6 =	vadd.s32 v6, v11  }
0x79: {  	v7 =	vadd.s32 v7, v15;
	v58 =	vor.u32 v53, v54;
	v60 =	vxor.u32 v55, v4  }
0x7a: {  	v45 =	vor.u32 v35, v36;
	v8 =	vadd.s32 $0x2A, v8;
	v3 =	vor.u32 v34, v3  }
0x7b: {  	v57 =	vor.u32 v51, v52;
	v10 =	vxor.u32 v58, v9;
	v33 =	vshrl.u32 v60, $0x10  }
0x7c: {  	v34 =	vshll.u32 v60, $0x10;
	v4 =	vadd.s32 v4, v60;
	v14 =	vxor.u32 v45, v5  }
0x7d: {  	v3 =	vxor.u32 v3, v8;
	v62 =	vxor.u32 v57, v7;
	v43 =	vshll.u32 v10, $0x10  }
0x7e: {  	v44 =	vor.u32 v33, v34;
	v60 =	vshll.u32 v14, $0x18;
	v5 =	vadd.s32 v5, v14  }
0x7f: {  	v41 =	vshrl.u32 v3, $0x3;
	v42 =	vshll.u32 v3, $0x1D;
	v3 =	vadd.s32 v8, v3  }
0x80: {  	v8 =	vor.u32 v49, v50;
	v39 =	vshrl.u32 v62, $0x10;
	v40 =	vshll.u32 v62, $0x10  }
0x81: {  	v7 =	vadd.s32 v7, v62;
	v51 =	vxor.u32 v44, v4;
	v16 =	vor.u32 v41, v42  }
0x82: {  	v8 =	vxor.u32 v8, v6;
	v41 =	vshrl.u32 v10, $0x10;
	v42 =	vor.u32 v18, v32  }
0x83: {  	v47 =	vor.u32 v39, v40;
	v57 =	vshrl.u32 v51, $0x8;
	v58 =	vshll.u32 v51, $0x18  }
0x84: {  	v4 =	vadd.s32 v4, v51;
	v59 =	vxor.u32 v16, v3;
	v37 =	vshrl.u32 v8, $0x10  }
0x85: {  	v38 =	vshll.u32 v8, $0x10;
	v6 =	vadd.s32 v6, v8;
	v8 =	vadd.s32 v9, v10  }
0x86: {  	v48 =	vor.u32 v41, v43;
	v50 =	vxor.u32 v42, v2;
	v11 =	vxor.u32 v47, v7  }
0x87: {  	v36 =	vor.u32 v57, v58;
	v61 =	vshrl.u32 v59, $0x10;
	v63 =	vshll.u32 v59, $0x10  }
0x88: {  	v46 =	vor.u32 v37, v38;
	v3 =	vadd.s32 v3, v59;
	v9 =	vxor.u32 v48, v8  }
0x89: {  	v55 =	vshrl.u32 v50, $0x8;
	v56 =	vshll.u32 v50, $0x18;
	v59 =	vshrl.u32 v14, $0x8  }
0x8a: {  	v32 =	vshll.u32 v11, $0x18;
	v2 =	vadd.s32 v2, v50;
	v7 =	vadd.s32 v7, v11  }
0x8b: {  	v42 =	vxor.u32 v36, v4;
	v15 =	vor.u32 v61, v63;
	v52 =	vxor.u32 v46, v6  }
0x8c: {  	v63 =	vshrl.u32 v11, $0x8;
	v33 =	vshrl.u32 v9, $0x8;
	v34 =	vshll.u32 v9, $0x18  }
0x8d: {  	v35 =	vor.u32 v55, v56;
	v37 =	vor.u32 v59, v60;
	v8 =	vadd.s32 v8, v9  }
0x8e: {  	v12 =	vadd.s32 $0x2, v42;
	v49 =	vxor.u32 v15, v3;
	v61 =	vshrl.u32 v52, $0x8  }
0x8f: {  	v62 =	vshll.u32 v52, $0x18;
	v39 =	vor.u32 v63, v32;
	v6 =	vadd.s32 v6, v52  }
0x90: {  	v40 =	vor.u32 v33, v34;
	v41 =	vxor.u32 v35, v2;
	v43 =	vxor.u32 v37, v5  }
0x91: {  	v4 =	vadd.s32 v12, v4;
	v48 =	vshrl.u32 v12, $0x13;
	v12 =	vshll.u32 v12, $0xD  }
0x92: {  	v53 =	vshrl.u32 v49, $0x8;
	v54 =	vshll.u32 v49, $0x18;
	v38 =	vor.u32 v61, v62  }
0x93: {  	v3 =	vadd.s32 v3, v49;
	v45 =	vxor.u32 v39, v7;
	v9 =	vxor.u32 v40, v8  }
0x94: {  	v11 =	vadd.s32 $0x2, v41;
	v13 =	vadd.s32 $0x2, v43;
	v4 =	vadd.s32 $0x1BD11BF0, v4  }
0x95: {  	v12 =	vor.u32 v48, v12;
	v16 =	vor.u32 v53, v54;
	v44 =	vxor.u32 v38, v6  }
0x96: {  	v15 =	vadd.s32 $0x2, v45;
	v9 =	vadd.s32 $0x2, v9;
	v2 =	vadd.s32 v11, v2  }
0x97: {  	v47 =	vshrl.u32 v11, $0x13;
	v11 =	vshll.u32 v11, $0xD;
	v5 =	vadd.s32 v13, v5  }
0x98: {  	v49 =	vshrl.u32 v13, $0x13;
	v13 =	vshll.u32 v13, $0xD;
	v12 =	vxor.u32 v12, v4  }
0x99: {  	v10 =	vxor.u32 v16, v3;
	v14 =	vadd.s32 $0x2, v44;
	v7 =	vadd.s32 v15, v7  }
0x9a: {  	v51 =	vshrl.u32 v15, $0x13;
	v15 =	vshll.u32 v15, $0xD;
	v8 =	vadd.s32 v9, v8  }
0x9b: {  	v52 =	vshrl.u32 v9, $0x13;
	v9 =	vshll.u32 v9, $0xD;
	v2 =	vadd.s32 $0x1BD11BF0, v2  }
0x9c: {  	v11 =	vor.u32 v47, v11;
	v5 =	vadd.s32 $0x1BD11BF0, v5;
	v13 =	vor.u32 v49, v13  }
0x9d: {  	v57 =	vshrl.u32 v12, $0x11;
	v58 =	vshll.u32 v12, $0xF;
	v4 =	vadd.s32 v4, v12  }
0x9e: {  	v10 =	vadd.s32 $0x2, v10;
	v6 =	vadd.s32 v14, v6;
	v50 =	vshrl.u32 v14, $0x13  }
0x9f: {  	v14 =	vshll.u32 v14, $0xD;
	v7 =	vadd.s32 $0x1BD11BF0, v7;
	v15 =	vor.u32 v51, v15  }
0xa0: {  	v8 =	vadd.s32 $0x1BD11BF0, v8;
	v9 =	vor.u32 v52, v9;
	v11 =	vxor.u32 v11, v2  }
0xa1: {  	v13 =	vxor.u32 v13, v5;
	v36 =	vor.u32 v57, v58;
	v3 =	vadd.s32 v10, v3  }
0xa2: {  	v46 =	vshrl.u32 v10, $0x13;
	v10 =	vshll.u32 v10, $0xD;
	v6 =	vadd.s32 $0x1BD11BF0, v6  }
0xa3: {  	v14 =	vor.u32 v50, v14;
	v15 =	vxor.u32 v15, v7;
	v9 =	vxor.u32 v9, v8  }
0xa4: {  	v55 =	vshrl.u32 v11, $0x11;
	v56 =	vshll.u32 v11, $0xF;
	v59 =	vshrl.u32 v13, $0x11  }
0xa5: {  	v60 =	vshll.u32 v13, $0xF;
	v2 =	vadd.s32 v2, v11;
	v5 =	vadd.s32 v5, v13  }
0xa6: {  	v12 =	vxor.u32 v36, v4;
	v3 =	vadd.s32 $0x1BD11BF0, v3;
	v10 =	vor.u32 v46, v10  }
0xa7: {  	v14 =	vxor.u32 v14, v6;
	v63 =	vshrl.u32 v15, $0x11;
	v32 =	vshll.u32 v15, $0xF  }
0xa8: {  	v33 =	vshrl.u32 v9, $0x11;
	v34 =	vshll.u32 v9, $0xF;
	v35 =	vor.u32 v55, v56  }
0xa9: {  	v37 =	vor.u32 v59, v60;
	v7 =	vadd.s32 v7, v15;
	v8 =	vadd.s32 v8, v9  }
0xaa: {  	v44 =	vshrl.u32 v12, $0x6;
	v45 =	vshll.u32 v12, $0x1A;
	v4 =	vadd.s32 v4, v12  }
0xab: {  	v10 =	vxor.u32 v10, v3;
	v61 =	vshrl.u32 v14, $0x11;
	v62 =	vshll.u32 v14, $0xF  }
0xac: {  	v39 =	vor.u32 v63, v32;
	v6 =	vadd.s32 v6, v14;
	v40 =	vor.u32 v33, v34  }
0xad: {  	v11 =	vxor.u32 v35, v2;
	v13 =	vxor.u32 v37, v5;
	v53 =	vshrl.u32 v10, $0x11  }
0xae: {  	v54 =	vshll.u32 v10, $0xF;
	v38 =	vor.u32 v61, v62;
	v3 =	vadd.s32 v3, v10  }
0xaf: {  	v15 =	vxor.u32 v39, v7;
	v9 =	vxor.u32 v40, v8;
	v42 =	vshrl.u32 v11, $0x6  }
0xb0: {  	v43 =	vshll.u32 v11, $0x1A;
	v46 =	vshrl.u32 v13, $0x6;
	v47 =	vshll.u32 v13, $0x1A  }
0xb1: {  	v2 =	vadd.s32 v2, v11;
	v5 =	vadd.s32 v5, v13;
	v16 =	vor.u32 v53, v54  }
0xb2: {  	v14 =	vxor.u32 v38, v6;
	v50 =	vshrl.u32 v15, $0x6;
	v51 =	vshll.u32 v15, $0x1A  }
0xb3: {  	v52 =	vshrl.u32 v9, $0x6;
	v53 =	vshll.u32 v9, $0x1A;
	v18 =	vor.u32 v42, v43  }
0xb4: {  	v54 =	vor.u32 v44, v45;
	v55 =	vor.u32 v46, v47;
	v7 =	vadd.s32 v7, v15  }
0xb5: {  	v8 =	vadd.s32 v8, v9;
	v10 =	vxor.u32 v16, v3;
	v48 =	vshrl.u32 v14, $0x6  }
0xb6: {  	v49 =	vshll.u32 v14, $0x1A;
	v57 =	vor.u32 v50, v51;
	v6 =	vadd.s32 v6, v14  }
0xb7: {  	v58 =	vor.u32 v52, v53;
	v60 =	vxor.u32 v18, v2;
	v61 =	vxor.u32 v54, v4  }
0xb8: {  	v62 =	vxor.u32 v55, v5;
	v16 =	vshrl.u32 v10, $0x6;
	v41 =	vshll.u32 v10, $0x1A  }
0xb9: {  	v3 =	vadd.s32 v3, v10;
	v56 =	vor.u32 v48, v49;
	v32 =	vxor.u32 v57, v7  }
0xba: {  	v11 =	vxor.u32 v58, v8;
	v18 =	vshrl.u32 v60, $0x1A;
	v34 =	vshll.u32 v60, $0x6  }
0xbb: {  	v35 =	vshrl.u32 v61, $0x1A;
	v36 =	vshll.u32 v61, $0x6;
	v37 =	vshrl.u32 v62, $0x1A  }
0xbc: {  	v38 =	vshll.u32 v62, $0x6;
	v2 =	vadd.s32 v2, v60;
	v4 =	vadd.s32 v4, v61  }
0xbd: {  	v5 =	vadd.s32 v5, v62;
	v16 =	vor.u32 v16, v41;
	v10 =	vxor.u32 v56, v6  }
0xbe: {  	v41 =	vshrl.u32 v32, $0x1A;
	v42 =	vshll.u32 v32, $0x6;
	v43 =	vshrl.u32 v11, $0x1A  }
0xbf: {  	v44 =	vor.u32 v18, v34;
	v45 =	vshll.u32 v11, $0x6;
	v46 =	vor.u32 v35, v36  }
0xc0: {  	v47 =	vor.u32 v37, v38;
	v7 =	vadd.s32 v7, v32;
	v8 =	vadd.s32 v8, v11  }
0xc1: {  	v59 =	vxor.u32 v16, v3;
	v39 =	vshrl.u32 v10, $0x1A;
	v40 =	vshll.u32 v10, $0x6  }
0xc2: {  	v49 =	vor.u32 v41, v42;
	v6 =	vadd.s32 v6, v10;
	v50 =	vor.u32 v43, v45  }
0xc3: {  	v52 =	vxor.u32 v44, v2;
	v53 =	vxor.u32 v46, v4;
	v14 =	vxor.u32 v47, v5  }
0xc4: {  	v63 =	vshrl.u32 v59, $0x1A;
	v33 =	vshll.u32 v59, $0x6;
	v48 =	vor.u32 v39, v40  }
0xc5: {  	v3 =	vadd.s32 v3, v59;
	v12 =	vxor.u32 v49, v7;
	v11 =	vadd.s32 $0x2D, v52  }
0xc6: {  	v9 =	vxor.u32 v50, v8;
	v13 =	vadd.s32 $0x2D, v53;
	v14 =	vadd.s32 $0x2D, v14  }
0xc7: {  	v15 =	vor.u32 v63, v33;
	v54 =	vxor.u32 v48, v6;
	v12 =	vadd.s32 $0x2D, v12  }
0xc8: {  	v9 =	vadd.s32 $0x2D, v9;
	v57 =	vshrl.u32 v11, $0xF;
	v58 =	vshll.u32 v11, $0x11  }
0xc9: {  	v59 =	vshrl.u32 v13, $0xF;
	v60 =	vshll.u32 v13, $0x11;
	v61 =	vshrl.u32 v14, $0xF  }
0xca: {  	v62 =	vshll.u32 v14, $0x11;
	v2 =	vadd.s32 v2, v11;
	v4 =	vadd.s32 v4, v13  }
0xcb: {  	v5 =	vadd.s32 v5, v14;
	v51 =	vxor.u32 v15, v3;
	v15 =	vadd.s32 $0x2D, v54  }
0xcc: {  	v33 =	vshrl.u32 v12, $0xF;
	v34 =	vshll.u32 v12, $0x11;
	v35 =	vshrl.u32 v9, $0xF  }
0xcd: {  	v36 =	vor.u32 v57, v58;
	v37 =	vshll.u32 v9, $0x11;
	v38 =	vor.u32 v59, v60  }
0xce: {  	v39 =	vor.u32 v61, v62;
	v7 =	vadd.s32 v7, v12;
	v8 =	vadd.s32 v8, v9  }
0xcf: {  	v10 =	vadd.s32 $0x2D, v51;
	v63 =	vshrl.u32 v15, $0xF;
	v32 =	vshll.u32 v15, $0x11  }
0xd0: {  	v41 =	vor.u32 v33, v34;
	v6 =	vadd.s32 v6, v15;
	v42 =	vor.u32 v35, v37  }
0xd1: {  	v44 =	vxor.u32 v36, v2;
	v13 =	vxor.u32 v38, v4;
	v14 =	vxor.u32 v39, v5  }
0xd2: {  	v55 =	vshrl.u32 v10, $0xF;
	v56 =	vshll.u32 v10, $0x11;
	v40 =	vor.u32 v63, v32  }
0xd3: {  	v3 =	vadd.s32 v3, v10;
	v10 =	vxor.u32 v41, v7;
	v9 =	vxor.u32 v42, v8  }
0xd4: {  	v46 =	vshrl.u32 v44, $0x3;
	v47 =	vshll.u32 v44, $0x1D;
	v48 =	vshrl.u32 v13, $0x3  }
0xd5: {  	v49 =	vshll.u32 v13, $0x1D;
	v50 =	vshrl.u32 v14, $0x3;
	v51 =	vshll.u32 v14, $0x1D  }
0xd6: {  	v2 =	vadd.s32 v2, v44;
	v4 =	vadd.s32 v4, v13;
	v5 =	vadd.s32 v5, v14  }
0xd7: {  	v16 =	vor.u32 v55, v56;
	v15 =	vxor.u32 v40, v6;
	v54 =	vshrl.u32 v10, $0x3  }
0xd8: {  	v55 =	vshll.u32 v10, $0x1D;
	v56 =	vshrl.u32 v9, $0x3;
	v57 =	vshll.u32 v9, $0x1D  }
0xd9: {  	v58 =	vor.u32 v46, v47;
	v59 =	vor.u32 v48, v49;
	v60 =	vor.u32 v50, v51  }
0xda: {  	v7 =	vadd.s32 v7, v10;
	v8 =	vadd.s32 v8, v9;
	v43 =	vxor.u32 v16, v3  }
0xdb: {  	v52 =	vshrl.u32 v15, $0x3;
	v53 =	vshll.u32 v15, $0x1D;
	v62 =	vor.u32 v54, v55  }
0xdc: {  	v6 =	vadd.s32 v6, v15;
	v31 =	vor.u32 v56, v57;
	v32 =	vxor.u32 v58, v2  }
0xdd: {  	v33 =	vxor.u32 v59, v4;
	v34 =	vxor.u32 v60, v5;
	v16 =	vshrl.u32 v43, $0x3  }
0xde: {  	v45 =	vshll.u32 v43, $0x1D;
	v61 =	vor.u32 v52, v53;
	v3 =	vadd.s32 v3, v43  }
0xdf: {  	v36 =	vxor.u32 v62, v7;
	v9 =	vxor.u32 v31, v8;
	v38 =	vshrl.u32 v32, $0x10  }
0xe0: {  	v39 =	vshll.u32 v32, $0x10;
	v40 =	vshrl.u32 v33, $0x10;
	v41 =	vshll.u32 v33, $0x10  }
0xe1: {  	v42 =	vshrl.u32 v34, $0x10;
	v43 =	vshll.u32 v34, $0x10;
	v2 =	vadd.s32 v2, v32  }
0xe2: {  	v4 =	vadd.s32 v4, v33;
	v5 =	vadd.s32 v5, v34;
	v16 =	vor.u32 v16, v45  }
0xe3: {  	v35 =	vxor.u32 v61, v6;
	v46 =	vshrl.u32 v36, $0x10;
	v47 =	vshll.u32 v36, $0x10  }
0xe4: {  	v48 =	vshrl.u32 v9, $0x10;
	v49 =	vshll.u32 v9, $0x10;
	v18 =	vor.u32 v38, v39  }
0xe5: {  	v50 =	vor.u32 v40, v41;
	v51 =	vor.u32 v42, v43;
	v7 =	vadd.s32 v7, v36  }
0xe6: {  	v8 =	vadd.s32 v8, v9;
	v63 =	vxor.u32 v16, v3;
	v44 =	vshrl.u32 v35, $0x10  }
0xe7: {  	v45 =	vshll.u32 v35, $0x10;
	v53 =	vor.u32 v46, v47;
	v6 =	vadd.s32 v6, v35  }
0xe8: {  	v54 =	vor.u32 v48, v49;
	v56 =	vxor.u32 v18, v2;
	v57 =	vxor.u32 v50, v4  }
0xe9: {  	v58 =	vxor.u32 v51, v5;
	v16 =	vshrl.u32 v63, $0x10;
	v37 =	vshll.u32 v63, $0x10  }
0xea: {  	v3 =	vadd.s32 v3, v63;
	v52 =	vor.u32 v44, v45;
	v60 =	vxor.u32 v53, v7  }
0xeb: {  	v11 =	vxor.u32 v54, v8;
	v18 =	vshrl.u32 v56, $0x8;
	v62 =	vshll.u32 v56, $0x18  }
0xec: {  	v63 =	vshrl.u32 v57, $0x8;
	v32 =	vshll.u32 v57, $0x18;
	v33 =	vshrl.u32 v58, $0x8  }
0xed: {  	v34 =	vshll.u32 v58, $0x18;
	v2 =	vadd.s32 v2, v56;
	v4 =	vadd.s32 v4, v57  }
0xee: {  	v5 =	vadd.s32 v5, v58;
	v16 =	vor.u32 v16, v37;
	v10 =	vxor.u32 v52, v6  }
0xef: {  	v37 =	vshrl.u32 v60, $0x8;
	v38 =	vshll.u32 v60, $0x18;
	v39 =	vshrl.u32 v11, $0x8  }
0xf0: {  	v40 =	vor.u32 v18, v62;
	v41 =	vshll.u32 v11, $0x18;
	v42 =	vor.u32 v63, v32  }
0xf1: {  	v43 =	vor.u32 v33, v34;
	v7 =	vadd.s32 v7, v60;
	v8 =	vadd.s32 v8, v11  }
0xf2: {  	v55 =	vxor.u32 v16, v3;
	v35 =	vshrl.u32 v10, $0x8;
	v36 =	vshll.u32 v10, $0x18  }
0xf3: {  	v45 =	vor.u32 v37, v38;
	v6 =	vadd.s32 v6, v10;
	v46 =	vor.u32 v39, v41  }
0xf4: {  	v48 =	vxor.u32 v40, v2;
	v49 =	vxor.u32 v42, v4;
	v14 =	vxor.u32 v43, v5  }
0xf5: {  	v59 =	vshrl.u32 v55, $0x8;
	v61 =	vshll.u32 v55, $0x18;
	v44 =	vor.u32 v35, v36  }
0xf6: {  	v3 =	vadd.s32 v3, v55;
	v12 =	vxor.u32 v45, v7;
	v11 =	vadd.s32 $0x1BD11BF4, v48  }
0xf7: {  	v9 =	vxor.u32 v46, v8;
	v13 =	vadd.s32 $0x1BD11BF4, v49;
	v14 =	vadd.s32 $0x1BD11BF4, v14  }
0xf8: {  	v15 =	vor.u32 v59, v61;
	v50 =	vxor.u32 v44, v6;
	v12 =	vadd.s32 $0x1BD11BF4, v12  }
0xf9: {  	v9 =	vadd.s32 $0x1BD11BF4, v9;
	v2 =	vadd.s32 v11, v2;
	v52 =	vshrl.u32 v11, $0x13  }
0xfa: {  	v11 =	vshll.u32 v11, $0xD;
	v4 =	vadd.s32 v13, v4;
	v53 =	vshrl.u32 v13, $0x13  }
0xfb: {  	v13 =	vshll.u32 v13, $0xD;
	v5 =	vadd.s32 v14, v5;
	v54 =	vshrl.u32 v14, $0x13  }
0xfc: {  	v14 =	vshll.u32 v14, $0xD;
	v47 =	vxor.u32 v15, v3;
	v15 =	vadd.s32 $0x1BD11BF4, v50  }
0xfd: {  	v7 =	vadd.s32 v12, v7;
	v56 =	vshrl.u32 v12, $0x13;
	v12 =	vshll.u32 v12, $0xD  }
0xfe: {  	v8 =	vadd.s32 v9, v8;
	v57 =	vshrl.u32 v9, $0x13;
	v9 =	vshll.u32 v9, $0xD  }
0xff: {  	v2 =	vadd.s32 $0x2A, v2;
	v11 =	vor.u32 v52, v11;
	v4 =	vadd.s32 $0x2A, v4  }
0x100: {  	v13 =	vor.u32 v53, v13;
	v5 =	vadd.s32 $0x2A, v5;
	v14 =	vor.u32 v54, v14  }
0x101: {  	v10 =	vadd.s32 $0x1BD11BF4, v47;
	v6 =	vadd.s32 v15, v6;
	v55 =	vshrl.u32 v15, $0x13  }
0x102: {  	v15 =	vshll.u32 v15, $0xD;
	v7 =	vadd.s32 $0x2A, v7;
	v12 =	vor.u32 v56, v12  }
0x103: {  	v8 =	vadd.s32 $0x2A, v8;
	v11 =	vxor.u32 v11, v2;
	v9 =	vor.u32 v57, v9  }
0x104: {  	v13 =	vxor.u32 v13, v4;
	v14 =	vxor.u32 v14, v5;
	v3 =	vadd.s32 v10, v3  }
0x105: {  	v51 =	vshrl.u32 v10, $0x13;
	v10 =	vshll.u32 v10, $0xD;
	v6 =	vadd.s32 $0x2A, v6  }
0x106: {  	v15 =	vor.u32 v55, v15;
	v12 =	vxor.u32 v12, v7;
	v9 =	vxor.u32 v9, v8  }
0x107: {  	v60 =	vshrl.u32 v11, $0x11;
	v61 =	vshll.u32 v11, $0xF;
	v62 =	vshrl.u32 v13, $0x11  }
0x108: {  	v63 =	vshll.u32 v13, $0xF;
	v32 =	vshrl.u32 v14, $0x11;
	v33 =	vshll.u32 v14, $0xF  }
0x109: {  	v2 =	vadd.s32 v2, v11;
	v4 =	vadd.s32 v4, v13;
	v5 =	vadd.s32 v5, v14  }
0x10a: {  	v3 =	vadd.s32 $0x2A, v3;
	v10 =	vor.u32 v51, v10;
	v15 =	vxor.u32 v15, v6  }
0x10b: {  	v36 =	vshrl.u32 v12, $0x11;
	v37 =	vshll.u32 v12, $0xF;
	v38 =	vshrl.u32 v9, $0x11  }
0x10c: {  	v39 =	vor.u32 v60, v61;
	v40 =	vshll.u32 v9, $0xF;
	v41 =	vor.u32 v62, v63  }
0x10d: {  	v42 =	vor.u32 v32, v33;
	v7 =	vadd.s32 v7, v12;
	v8 =	vadd.s32 v8, v9  }
0x10e: {  	v10 =	vxor.u32 v10, v3;
	v34 =	vshrl.u32 v15, $0x11;
	v35 =	vshll.u32 v15, $0xF  }
0x10f: {  	v44 =	vor.u32 v36, v37;
	v6 =	vadd.s32 v6, v15;
	v45 =	vor.u32 v38, v40  }
0x110: {  	v47 =	vxor.u32 v39, v2;
	v13 =	vxor.u32 v41, v4;
	v14 =	vxor.u32 v42, v5  }
0x111: {  	v58 =	vshrl.u32 v10, $0x11;
	v59 =	vshll.u32 v10, $0xF;
	v43 =	vor.u32 v34, v35  }
0x112: {  	v3 =	vadd.s32 v3, v10;
	v10 =	vxor.u32 v44, v7;
	v9 =	vxor.u32 v45, v8  }
0x113: {  	v49 =	vshrl.u32 v47, $0x6;
	v50 =	vshll.u32 v47, $0x1A;
	v51 =	vshrl.u32 v13, $0x6  }
0x114: {  	v52 =	vshll.u32 v13, $0x1A;
	v53 =	vshrl.u32 v14, $0x6;
	v54 =	vshll.u32 v14, $0x1A  }
0x115: {  	v2 =	vadd.s32 v2, v47;
	v4 =	vadd.s32 v4, v13;
	v5 =	vadd.s32 v5, v14  }
0x116: {  	v16 =	vor.u32 v58, v59;
	v15 =	vxor.u32 v43, v6;
	v57 =	vshrl.u32 v10, $0x6  }
0x117: {  	v58 =	vshll.u32 v10, $0x1A;
	v59 =	vshrl.u32 v9, $0x6;
	v60 =	vshll.u32 v9, $0x1A  }
0x118: {  	v61 =	vor.u32 v49, v50;
	v62 =	vor.u32 v51, v52;
	v63 =	vor.u32 v53, v54  }
0x119: {  	v7 =	vadd.s32 v7, v10;
	v8 =	vadd.s32 v8, v9;
	v46 =	vxor.u32 v16, v3  }
0x11a: {  	v55 =	vshrl.u32 v15, $0x6;
	v56 =	vshll.u32 v15, $0x1A;
	v31 =	vor.u32 v57, v58  }
0x11b: {  	v6 =	vadd.s32 v6, v15;
	v33 =	vor.u32 v59, v60;
	v34 =	vxor.u32 v61, v2  }
0x11c: {  	v35 =	vxor.u32 v62, v4;
	v36 =	vxor.u32 v63, v5;
	v16 =	vshrl.u32 v46, $0x6  }
0x11d: {  	v48 =	vshll.u32 v46, $0x1A;
	v30 =	vor.u32 v55, v56;
	v3 =	vadd.s32 v3, v46  }
0x11e: {  	v38 =	vxor.u32 v31, v7;
	v9 =	vxor.u32 v33, v8;
	v40 =	vshrl.u32 v34, $0x1A  }
0x11f: {  	v41 =	vshll.u32 v34, $0x6;
	v42 =	vshrl.u32 v35, $0x1A;
	v43 =	vshll.u32 v35, $0x6  }
0x120: {  	v44 =	vshrl.u32 v36, $0x1A;
	v45 =	vshll.u32 v36, $0x6;
	v2 =	vadd.s32 v2, v34  }
0x121: {  	v4 =	vadd.s32 v4, v35;
	v5 =	vadd.s32 v5, v36;
	v16 =	vor.u32 v16, v48  }
0x122: {  	v37 =	vxor.u32 v30, v6;
	v48 =	vshrl.u32 v38, $0x1A;
	v49 =	vshll.u32 v38, $0x6  }
0x123: {  	v50 =	vshrl.u32 v9, $0x1A;
	v51 =	vshll.u32 v9, $0x6;
	v18 =	vor.u32 v40, v41  }
0x124: {  	v52 =	vor.u32 v42, v43;
	v53 =	vor.u32 v44, v45;
	v7 =	vadd.s32 v7, v38  }
0x125: {  	v8 =	vadd.s32 v8, v9;
	v32 =	vxor.u32 v16, v3;
	v46 =	vshrl.u32 v37, $0x1A  }
0x126: {  	v47 =	vshll.u32 v37, $0x6;
	v55 =	vor.u32 v48, v49;
	v6 =	vadd.s32 v6, v37  }
0x127: {  	v56 =	vor.u32 v50, v51;
	v58 =	vxor.u32 v18, v2;
	v59 =	vxor.u32 v52, v4  }
0x128: {  	v60 =	vxor.u32 v53, v5;
	v2 =	vadd.s32 $0x1BD11BF0, v2;
	v4 =	vadd.s32 $0x1BD11BF0, v4  }
0x129: {  	v5 =	vadd.s32 $0x1BD11BF0, v5;
	v16 =	vshrl.u32 v32, $0x1A;
	v39 =	vshll.u32 v32, $0x6  }
0x12a: {  	v3 =	vadd.s32 v3, v32;
	v54 =	vor.u32 v46, v47;
	v15 =	vxor.u32 v55, v7  }
0x12b: {  	v11 =	vxor.u32 v56, v8;
	v13 =	vadd.s32 $0x5, v58;
	v9 =	vadd.s32 $0x5, v59  }
0x12c: {  	v14 =	vadd.s32 $0x5, v60;
	v7 =	vadd.s32 $0x1BD11BF0, v7;
	v8 =	vadd.s32 $0x1BD11BF0, v8  }
0x12d: {  	v16 =	vor.u32 v16, v39;
	v10 =	vxor.u32 v54, v6;
	v15 =	vadd.s32 $0x5, v15  }
0x12e: {  	v11 =	vadd.s32 $0x5, v11;
	v6 =	vadd.s32 $0x1BD11BF0, v6;
	v2 =	vxor.u32 v2, v13  }
0x12f: {  	v4 =	vxor.u32 v4, v9;
	v5 =	vxor.u32 v5, v14;
	v57 =	vxor.u32 v16, v3  }
0x130: {  	v10 =	vadd.s32 $0x5, v10;
	v3 =	vadd.s32 $0x1BD11BF0, v3;
	v7 =	vxor.u32 v7, v15  }
0x131: {  	v8 =	vxor.u32 v8, v11;
	v2 =	vshrl.u32 v2, $0x9;
	v4 =	vshrl.u32 v4, $0x9  }
0x132: {  	v5 =	vshrl.u32 v5, $0x9;
	v12 =	vadd.s32 $0x5, v57;
	v6 =	vxor.u32 v6, v10  }
0x133: {  	v7 =	vshrl.u32 v7, $0x9;
	v8 =	vshrl.u32 v8, $0x9;
	v2 =	vor.u32 $0x3F800000, v2  }
0x134: {  	v4 =	vor.u32 $0x3F800000, v4;
	v5 =	vor.u32 $0x3F800000, v5;
	v3 =	vxor.u32 v3, v12  }
0x135: {  	v6 =	vshrl.u32 v6, $0x9;
	v2 =	vadd.f32 $-1.000000000e+00, v2;
	v3 =	vshrl.u32 v3, $0x9  }
0x136: {  	v7 =	vor.u32 $0x3F800000, v7;
	v4 =	vadd.f32 $-1.000000000e+00, v4;
	v3 =	vor.u32 $0x3F800000, v3  }
0x137: {  	v61 =	vadd.f32 $-1.000000000e+00, v5;
	v5 =	vor.u32 $0x3F800000, v8;
	v3 =	vadd.f32 $-1.000000000e+00, v3  }
0x138: {  	v6 =	vor.u32 $0x3F800000, v6;
	v62 =	vadd.f32 $-1.000000000e+00, v7;
	v63 =	vadd.f32 $-1.000000000e+00, v5  }
0x139: {  	v8 =	vadd.f32 $-1.000000000e+00, v6;
	v3 =	vadd.f32 $1.175494350e-38, v3  }
0x13a: {  	s14 =	simm.s32 $0x40;
	v1 =	vmax.f32 v1, $1.175494350e-38;
	v7 =	vadd.f32 $1.175494350e-38, v2;
	v5 =	vadd.f32 $1.175494350e-38, v4  }
0x13b: {  	s18 =	sadd.s32 $0x80, s12;
	[tilespmem:s14+$0x20] =	vst v1;
	v6 =	vadd.f32 $1.175494350e-38, v61;
	v2 =	vadd.f32 $1.175494350e-38, v8;
	v1 =	vmax.f32 v3, $1.175494350e-38  }
0x13c: {  	s15 =	sadd.s32 s4, s13;
	s17 =	simm.s32 $0x0;
	s16 =	simm.s32 $0x40;
	v7 =	vmax.f32 v7, $1.175494350e-38;
	v3 =	vadd.f32 $1.175494350e-38, v62;
	[tilespmem:s14+$0xFFFFFFC0] =	vst v1;
	v1 =	vadd.f32 $1.175494350e-38, v63  }
.LBB2_3:
0x13d: {  	s19 =	sadd.s32 $0xFFFFFFA0, s18;
	s20 =	sadd.s32 $0xFFFFFFF0, s18;
	v4 =	vadd.s32 s18, v0;
	s17 =	sadd.s32 $0x8, s17;
	[tilespmem:s14+$0xFFFFFFD0] =	vst v7;
	v7 =	vmax.f32 v5, $1.175494350e-38;
	v8 =	vmax.f32 v6, $1.175494350e-38  }
0x13e: {  	s21 =	sadd.s32 $0xFFFFFFC0, s18;
	v5 =	vadd.s32 s19, v0;
	s19 =	sadd.s32 $0xFFFFFFB0, s18;
	v11 =	vadd.s32 s20, v0;
	v12 =	vshrl.u32 v4, $0x13;
	p0 =	slt.u32 s17, $0x840;
	[tilespmem:s14+$0xFFFFFFE0] =	vst v7  }
0x13f: {  	s22 =	sadd.s32 $0xFFFFFFE0, s18;
	s20 =	sadd.s32 $0xFFFFFF90, s18;
	v6 =	vadd.s32 s19, v0;
	s19 =	sadd.s32 $0xFFFFFFD0, s18;
	v9 =	vshrl.u32 v11, $0x13;
	v13 =	vshll.u32 v11, $0xD;
	[tilespmem:s14+$0xFFFFFFF0] =	vst v8  }
0x140: {  	v7 =	vadd.s32 s21, v0;
	v10 =	vadd.s32 s20, v0;
	v13 =	vor.u32 v9, v13  }
0x141: {  	v8 =	vadd.s32 s22, v0;
	v9 =	vadd.s32 s19, v0;
	v13 =	vxor.u32 v11, v13  }
0x142: {  	v14 =	vshrl.u32 v10, $0x13;
	v15 =	vshrl.u32 v13, $0x11;
	v16 =	vshll.u32 v13, $0xF  }
0x143: {  	v17 =	vshll.u32 v10, $0xD;
	v11 =	vadd.s32 v11, v13;
	v13 =	vor.u32 v15, v16  }
0x144: {  	v15 =	vshrl.u32 v5, $0x13;
	v16 =	vshll.u32 v5, $0xD;
	v13 =	vxor.u32 v13, v11  }
0x145: {  	v18 =	vshrl.u32 v6, $0x13;
	v19 =	vshrl.u32 v13, $0x6;
	v20 =	vshll.u32 v13, $0x1A  }
0x146: {  	v21 =	vshll.u32 v6, $0xD;
	v11 =	vadd.s32 v11, v13;
	v13 =	vor.u32 v19, v20  }
0x147: {  	v19 =	vshrl.u32 v7, $0x13;
	v20 =	vshll.u32 v7, $0xD;
	v13 =	vxor.u32 v13, v11  }
0x148: {  	v22 =	vshrl.u32 v9, $0x13;
	v23 =	vshrl.u32 v13, $0x1A;
	v24 =	vshll.u32 v13, $0x6  }
0x149: {  	v25 =	vshll.u32 v9, $0xD;
	v11 =	vadd.s32 v11, v13;
	v13 =	vor.u32 v23, v24  }
0x14a: {  	v23 =	vshrl.u32 v8, $0x13;
	v24 =	vshll.u32 v8, $0xD;
	v13 =	vxor.u32 v13, v11  }
0x14b: {  	v14 =	vor.u32 v14, v17;
	v17 =	vshll.u32 v4, $0xD;
	v13 =	vadd.s32 $0x1BD11BF1, v13  }
0x14c: {  	v11 =	vadd.s32 v13, v11;
	v26 =	vshrl.u32 v13, $0xF;
	v13 =	vshll.u32 v13, $0x11  }
0x14d: {  	v15 =	vor.u32 v15, v16;
	v11 =	vadd.s32 $0x2A, v11;
	v13 =	vor.u32 v26, v13  }
0x14e: {  	v16 =	vor.u32 v18, v21;
	v18 =	vor.u32 v19, v20;
	v13 =	vxor.u32 v13, v11  }
0x14f: {  	v19 =	vor.u32 v22, v25;
	v20 =	vshrl.u32 v13, $0x3;
	v21 =	vshll.u32 v13, $0x1D  }
0x150: {  	v22 =	vor.u32 v23, v24;
	v11 =	vadd.s32 v11, v13;
	v13 =	vor.u32 v20, v21  }
0x151: {  	v14 =	vxor.u32 v10, v14;
	v12 =	vor.u32 v12, v17;
	v13 =	vxor.u32 v13, v11  }
0x152: {  	v15 =	vxor.u32 v5, v15;
	v17 =	vshrl.u32 v13, $0x10;
	v20 =	vshll.u32 v13, $0x10  }
0x153: {  	v16 =	vxor.u32 v6, v16;
	v11 =	vadd.s32 v11, v13;
	v13 =	vor.u32 v17, v20  }
0x154: {  	v17 =	vxor.u32 v7, v18;
	v18 =	vxor.u32 v9, v19;
	v13 =	vxor.u32 v13, v11  }
0x155: {  	v19 =	vxor.u32 v8, v22;
	v20 =	vshrl.u32 v13, $0x8;
	v21 =	vshll.u32 v13, $0x18  }
0x156: {  	v12 =	vxor.u32 v4, v12;
	v11 =	vadd.s32 v11, v13;
	v13 =	vor.u32 v20, v21  }
0x157: {  	v20 =	vshrl.u32 v14, $0x11;
	v21 =	vshll.u32 v14, $0xF;
	v13 =	vxor.u32 v13, v11  }
0x158: {  	v23 =	vshll.u32 v15, $0xF;
	v22 =	vshrl.u32 v15, $0x11;
	v13 =	vadd.s32 $0x2, v13  }
0x159: {  	v11 =	vadd.s32 v13, v11;
	v24 =	vshrl.u32 v13, $0x13;
	v13 =	vshll.u32 v13, $0xD  }
0x15a: {  	v25 =	vshrl.u32 v16, $0x11;
	v11 =	vadd.s32 $0x1BD11BF0, v11;
	v13 =	vor.u32 v24, v13  }
0x15b: {  	v26 =	vshrl.u32 v17, $0x11;
	v24 =	vshll.u32 v16, $0xF;
	v13 =	vxor.u32 v13, v11  }
0x15c: {  	v27 =	vshll.u32 v17, $0xF;
	v28 =	vshrl.u32 v13, $0x11;
	v29 =	vshll.u32 v13, $0xF  }
0x15d: {  	v30 =	vshrl.u32 v18, $0x11;
	v11 =	vadd.s32 v11, v13;
	v13 =	vor.u32 v28, v29  }
0x15e: {  	v28 =	vshll.u32 v18, $0xF;
	v29 =	vshrl.u32 v19, $0x11;
	v13 =	vxor.u32 v13, v11  }
0x15f: {  	v31 =	vshll.u32 v19, $0xF;
	v32 =	vshrl.u32 v13, $0x6;
	v33 =	vshll.u32 v13, $0x1A  }
0x160: {  	v11 =	vadd.s32 v11, v13;
	v13 =	vor.u32 v32, v33;
	v32 =	vshrl.u32 v12, $0x11  }
0x161: {  	v20 =	vor.u32 v20, v21;
	v21 =	vshll.u32 v12, $0xF;
	v13 =	vxor.u32 v13, v11  }
0x162: {  	v22 =	vor.u32 v22, v23;
	v23 =	vshrl.u32 v13, $0x1A;
	v33 =	vshll.u32 v13, $0x6  }
0x163: {  	v24 =	vor.u32 v25, v24;
	v11 =	vadd.s32 v11, v13;
	v13 =	vor.u32 v23, v33  }
0x164: {  	v25 =	vor.u32 v30, v28;
	v23 =	vor.u32 v26, v27;
	v13 =	vxor.u32 v13, v11  }
0x165: {  	v10 =	vadd.s32 v10, v14;
	v14 =	vor.u32 v29, v31;
	v13 =	vadd.s32 $0x2D, v13  }
0x166: {  	v5 =	vadd.s32 v5, v15;
	v15 =	vshrl.u32 v13, $0xF;
	v26 =	vshll.u32 v13, $0x11  }
0x167: {  	v6 =	vadd.s32 v6, v16;
	v11 =	vadd.s32 v11, v13;
	v13 =	vor.u32 v15, v26  }
0x168: {  	v7 =	vadd.s32 v7, v17;
	v9 =	vadd.s32 v9, v18;
	v13 =	vxor.u32 v13, v11  }
0x169: {  	v8 =	vadd.s32 v8, v19;
	v15 =	vshrl.u32 v13, $0x3;
	v16 =	vshll.u32 v13, $0x1D  }
0x16a: {  	v11 =	vadd.s32 v11, v13;
	v13 =	vor.u32 v15, v16;
	v15 =	vor.u32 v32, v21  }
0x16b: {  	v4 =	vadd.s32 v4, v12;
	v16 =	vxor.u32 v20, v10;
	v13 =	vxor.u32 v13, v11  }
0x16c: {  	v12 =	vxor.u32 v22, v5;
	v17 =	vshrl.u32 v13, $0x10;
	v18 =	vshll.u32 v13, $0x10  }
0x16d: {  	v19 =	vxor.u32 v24, v6;
	v11 =	vadd.s32 v11, v13;
	v13 =	vor.u32 v17, v18  }
0x16e: {  	v17 =	vxor.u32 v23, v7;
	v18 =	vxor.u32 v25, v9;
	v13 =	vxor.u32 v13, v11  }
0x16f: {  	v14 =	vxor.u32 v14, v8;
	v20 =	vshrl.u32 v13, $0x8;
	v21 =	vshll.u32 v13, $0x18  }
0x170: {  	v15 =	vxor.u32 v15, v4;
	v11 =	vadd.s32 v11, v13;
	v13 =	vor.u32 v20, v21  }
0x171: {  	v20 =	vshrl.u32 v16, $0x6;
	v21 =	vshll.u32 v16, $0x1A;
	v13 =	vxor.u32 v13, v11  }
0x172: {  	v22 =	vshrl.u32 v12, $0x6;
	v23 =	vshll.u32 v12, $0x1A;
	v13 =	vadd.s32 $0x1BD11BF4, v13  }
0x173: {  	v11 =	vadd.s32 v13, v11;
	v24 =	vshrl.u32 v13, $0x13;
	v13 =	vshll.u32 v13, $0xD  }
0x174: {  	v25 =	vshrl.u32 v19, $0x6;
	v11 =	vadd.s32 $0x2A, v11;
	v13 =	vor.u32 v24, v13  }
0x175: {  	v26 =	vshrl.u32 v17, $0x6;
	v24 =	vshll.u32 v19, $0x1A;
	v13 =	vxor.u32 v13, v11  }
0x176: {  	v27 =	vshll.u32 v17, $0x1A;
	v28 =	vshrl.u32 v13, $0x11;
	v29 =	vshll.u32 v13, $0xF  }
0x177: {  	v30 =	vshrl.u32 v18, $0x6;
	v11 =	vadd.s32 v11, v13;
	v13 =	vor.u32 v28, v29  }
0x178: {  	v28 =	vshll.u32 v18, $0x1A;
	v29 =	vshrl.u32 v14, $0x6;
	v13 =	vxor.u32 v13, v11  }
0x179: {  	v31 =	vshll.u32 v14, $0x1A;
	v32 =	vshrl.u32 v13, $0x6;
	v33 =	vshll.u32 v13, $0x1A  }
0x17a: {  	v11 =	vadd.s32 v11, v13;
	v13 =	vor.u32 v32, v33;
	v32 =	vshrl.u32 v15, $0x6  }
0x17b: {  	v20 =	vor.u32 v20, v21;
	v21 =	vshll.u32 v15, $0x1A;
	v13 =	vxor.u32 v13, v11  }
0x17c: {  	v22 =	vor.u32 v22, v23;
	v23 =	vshrl.u32 v13, $0x1A;
	v33 =	vshll.u32 v13, $0x6  }
0x17d: {  	v24 =	vor.u32 v25, v24;
	v11 =	vadd.s32 v11, v13;
	v13 =	vor.u32 v23, v33  }
0x17e: {  	v25 =	vor.u32 v30, v28;
	v23 =	vor.u32 v26, v27;
	v13 =	vxor.u32 v13, v11  }
0x17f: {  	v26 =	vor.u32 v29, v31;
	v11 =	vadd.s32 $0x1BD11BF0, v11;
	v13 =	vadd.s32 $0x5, v13  }
0x180: {  	v5 =	vadd.s32 v5, v12;
	v10 =	vadd.s32 v10, v16;
	v11 =	vxor.u32 v11, v13  }
0x181: {  	v6 =	vadd.s32 v6, v19;
	v7 =	vadd.s32 v7, v17;
	v11 =	vshrl.u32 v11, $0x9  }
0x182: {  	v8 =	vadd.s32 v8, v14;
	v9 =	vadd.s32 v9, v18;
	v11 =	vor.u32 $0x3F800000, v11  }
0x183: {  	v4 =	vadd.s32 v4, v15;
	v12 =	vor.u32 v32, v21;
	v11 =	vadd.f32 $-1.000000000e+00, v11  }
0x184: {  	v14 =	vxor.u32 v22, v5;
	v15 =	vxor.u32 v24, v6;
	v13 =	vxor.u32 v20, v10  }
0x185: {  	v17 =	vxor.u32 v25, v9;
	v16 =	vxor.u32 v23, v7;
	v11 =	vadd.f32 $1.175494350e-38, v11  }
0x186: {  	v12 =	vxor.u32 v12, v4;
	v19 =	vxor.u32 v26, v8;
	v18 =	vshrl.u32 v13, $0x1A  }
0x187: {  	s14 =	sadd.s32 $0x80, s14;
	v21 =	vshrl.u32 v14, $0x1A;
	v20 =	vshll.u32 v13, $0x6;
	v11 =	vmax.f32 v11, $1.175494350e-38  }
0x188: {  	v22 =	vshll.u32 v14, $0x6;
	v24 =	vshll.u32 v15, $0x6;
	v23 =	vshrl.u32 v15, $0x1A;
	[tilespmem:s14+$0x20] =	vst v11  }
0x189: {  	v26 =	vshrl.u32 v17, $0x1A;
	v25 =	vshll.u32 v16, $0x6;
	v11 =	vshrl.u32 v16, $0x1A  }
0x18a: {  	v27 =	vshll.u32 v17, $0x6;
	v28 =	vshrl.u32 v19, $0x1A;
	v29 =	vshll.u32 v19, $0x6  }
0x18b: {  	v30 =	vshll.u32 v12, $0x6;
	v18 =	vor.u32 v18, v20;
	v20 =	vshrl.u32 v12, $0x1A  }
0x18c: {  	v21 =	vor.u32 v21, v22;
	v22 =	vor.u32 v23, v24;
	v11 =	vor.u32 v11, v25  }
0x18d: {  	v23 =	vor.u32 v28, v29;
	v10 =	vadd.s32 v10, v13;
	v13 =	vor.u32 v26, v27  }
0x18e: {  	v5 =	vadd.s32 v5, v14;
	v6 =	vadd.s32 v6, v15;
	v7 =	vadd.s32 v7, v16  }
0x18f: {  	v9 =	vadd.s32 v9, v17;
	v8 =	vadd.s32 v8, v19;
	v14 =	vor.u32 v20, v30  }
0x190: {  	v4 =	vadd.s32 v4, v12;
	v15 =	vxor.u32 v18, v10;
	v16 =	vxor.u32 v21, v5  }
0x191: {  	v12 =	vxor.u32 v22, v6;
	v13 =	vxor.u32 v13, v9;
	v11 =	vxor.u32 v11, v7  }
0x192: {  	v17 =	vxor.u32 v23, v8;
	v15 =	vadd.s32 $0x1BD11BF1, v15;
	v14 =	vxor.u32 v14, v4  }
0x193: {  	v12 =	vadd.s32 $0x1BD11BF1, v12;
	v16 =	vadd.s32 $0x1BD11BF1, v16;
	v11 =	vadd.s32 $0x1BD11BF1, v11  }
0x194: {  	v17 =	vadd.s32 $0x1BD11BF1, v17;
	v13 =	vadd.s32 $0x1BD11BF1, v13;
	v14 =	vadd.s32 $0x1BD11BF1, v14  }
0x195: {  	v10 =	vadd.s32 v15, v10;
	v18 =	vshrl.u32 v15, $0xF;
	v15 =	vshll.u32 v15, $0x11  }
0x196: {  	v5 =	vadd.s32 v16, v5;
	v19 =	vshrl.u32 v16, $0xF;
	v16 =	vshll.u32 v16, $0x11  }
0x197: {  	v6 =	vadd.s32 v12, v6;
	v20 =	vshrl.u32 v12, $0xF;
	v12 =	vshll.u32 v12, $0x11  }
0x198: {  	v7 =	vadd.s32 v11, v7;
	v21 =	vshrl.u32 v11, $0xF;
	v11 =	vshll.u32 v11, $0x11  }
0x199: {  	v9 =	vadd.s32 v13, v9;
	v22 =	vshrl.u32 v13, $0xF;
	v13 =	vshll.u32 v13, $0x11  }
0x19a: {  	v8 =	vadd.s32 v17, v8;
	v23 =	vshrl.u32 v17, $0xF;
	v17 =	vshll.u32 v17, $0x11  }
0x19b: {  	v4 =	vadd.s32 v14, v4;
	v24 =	vshrl.u32 v14, $0xF;
	v14 =	vshll.u32 v14, $0x11  }
0x19c: {  	v10 =	vadd.s32 $0x2A, v10;
	v15 =	vor.u32 v18, v15;
	v5 =	vadd.s32 $0x2A, v5  }
0x19d: {  	v6 =	vadd.s32 $0x2A, v6;
	v12 =	vor.u32 v20, v12;
	v16 =	vor.u32 v19, v16  }
0x19e: {  	v9 =	vadd.s32 $0x2A, v9;
	v7 =	vadd.s32 $0x2A, v7;
	v11 =	vor.u32 v21, v11  }
0x19f: {  	v8 =	vadd.s32 $0x2A, v8;
	v17 =	vor.u32 v23, v17;
	v13 =	vor.u32 v22, v13  }
0x1a0: {  	v15 =	vxor.u32 v15, v10;
	v4 =	vadd.s32 $0x2A, v4;
	v14 =	vor.u32 v24, v14  }
0x1a1: {  	v12 =	vxor.u32 v12, v6;
	v16 =	vxor.u32 v16, v5;
	v11 =	vxor.u32 v11, v7  }
0x1a2: {  	v17 =	vxor.u32 v17, v8;
	v13 =	vxor.u32 v13, v9;
	v14 =	vxor.u32 v14, v4  }
0x1a3: {  	v18 =	vshrl.u32 v15, $0x3;
	v19 =	vshll.u32 v15, $0x1D;
	v20 =	vshrl.u32 v16, $0x3  }
0x1a4: {  	v22 =	vshrl.u32 v12, $0x3;
	v23 =	vshll.u32 v12, $0x1D;
	v21 =	vshll.u32 v16, $0x1D  }
0x1a5: {  	v26 =	vshrl.u32 v13, $0x3;
	v24 =	vshrl.u32 v11, $0x3;
	v25 =	vshll.u32 v11, $0x1D  }
0x1a6: {  	v28 =	vshrl.u32 v17, $0x3;
	v29 =	vshll.u32 v17, $0x1D;
	v27 =	vshll.u32 v13, $0x1D  }
0x1a7: {  	v30 =	vshll.u32 v14, $0x1D;
	v18 =	vor.u32 v18, v19;
	v19 =	vshrl.u32 v14, $0x3  }
0x1a8: {  	v20 =	vor.u32 v20, v21;
	v21 =	vor.u32 v22, v23;
	v22 =	vor.u32 v24, v25  }
0x1a9: {  	v10 =	vadd.s32 v10, v15;
	v15 =	vor.u32 v26, v27;
	v23 =	vor.u32 v28, v29  }
0x1aa: {  	v6 =	vadd.s32 v6, v12;
	v5 =	vadd.s32 v5, v16;
	v7 =	vadd.s32 v7, v11  }
0x1ab: {  	v8 =	vadd.s32 v8, v17;
	v9 =	vadd.s32 v9, v13;
	v11 =	vor.u32 v19, v30  }
0x1ac: {  	v4 =	vadd.s32 v4, v14;
	v12 =	vxor.u32 v18, v10;
	v13 =	vxor.u32 v20, v5  }
0x1ad: {  	v15 =	vxor.u32 v15, v9;
	v14 =	vxor.u32 v21, v6;
	v16 =	vxor.u32 v22, v7  }
0x1ae: {  	v17 =	vshrl.u32 v12, $0x10;
	v18 =	vxor.u32 v23, v8;
	v11 =	vxor.u32 v11, v4  }
0x1af: {  	v19 =	vshll.u32 v12, $0x10;
	v20 =	vshrl.u32 v13, $0x10;
	v21 =	vshll.u32 v13, $0x10  }
0x1b0: {  	v23 =	vshll.u32 v14, $0x10;
	v22 =	vshrl.u32 v14, $0x10;
	v24 =	vshrl.u32 v16, $0x10  }
0x1b1: {  	v26 =	vshrl.u32 v15, $0x10;
	v27 =	vshll.u32 v15, $0x10;
	v25 =	vshll.u32 v16, $0x10  }
0x1b2: {  	v28 =	vshrl.u32 v18, $0x10;
	v29 =	vshll.u32 v18, $0x10;
	v30 =	vshrl.u32 v11, $0x10  }
0x1b3: {  	v17 =	vor.u32 v17, v19;
	v19 =	vor.u32 v20, v21;
	v20 =	vshll.u32 v11, $0x10  }
0x1b4: {  	v21 =	vor.u32 v22, v23;
	v23 =	vor.u32 v26, v27;
	v22 =	vor.u32 v24, v25  }
0x1b5: {  	v10 =	vadd.s32 v10, v12;
	v5 =	vadd.s32 v5, v13;
	v12 =	vor.u32 v28, v29  }
0x1b6: {  	v9 =	vadd.s32 v9, v15;
	v6 =	vadd.s32 v6, v14;
	v7 =	vadd.s32 v7, v16  }
0x1b7: {  	v8 =	vadd.s32 v8, v18;
	v4 =	vadd.s32 v4, v11;
	v11 =	vor.u32 v30, v20  }
0x1b8: {  	v13 =	vxor.u32 v17, v10;
	v14 =	vxor.u32 v19, v5;
	v15 =	vxor.u32 v21, v6  }
0x1b9: {  	v12 =	vxor.u32 v12, v8;
	v17 =	vxor.u32 v23, v9;
	v16 =	vxor.u32 v22, v7  }
0x1ba: {  	v18 =	vshrl.u32 v13, $0x8;
	v19 =	vshll.u32 v13, $0x18;
	v11 =	vxor.u32 v11, v4  }
0x1bb: {  	v20 =	vshrl.u32 v14, $0x8;
	v21 =	vshll.u32 v14, $0x18;
	v22 =	vshrl.u32 v15, $0x8  }
0x1bc: {  	v23 =	vshll.u32 v15, $0x18;
	v24 =	vshrl.u32 v16, $0x8;
	v25 =	vshll.u32 v16, $0x18  }
0x1bd: {  	v28 =	vshrl.u32 v12, $0x8;
	v26 =	vshrl.u32 v17, $0x8;
	v27 =	vshll.u32 v17, $0x18  }
0x1be: {  	v29 =	vshll.u32 v12, $0x18;
	v30 =	vshrl.u32 v11, $0x8;
	v31 =	vshll.u32 v11, $0x18  }
0x1bf: {  	v18 =	vor.u32 v18, v19;
	v19 =	vor.u32 v20, v21;
	v20 =	vor.u32 v22, v23  }
0x1c0: {  	v22 =	vor.u32 v26, v27;
	v23 =	vor.u32 v28, v29;
	v21 =	vor.u32 v24, v25  }
0x1c1: {  	v10 =	vadd.s32 v10, v13;
	v5 =	vadd.s32 v5, v14;
	v6 =	vadd.s32 v6, v15  }
0x1c2: {  	v8 =	vadd.s32 v8, v12;
	v9 =	vadd.s32 v9, v17;
	v7 =	vadd.s32 v7, v16  }
0x1c3: {  	v12 =	vxor.u32 v18, v10;
	v4 =	vadd.s32 v4, v11;
	v11 =	vor.u32 v30, v31  }
0x1c4: {  	v13 =	vxor.u32 v19, v5;
	v14 =	vxor.u32 v20, v6;
	v15 =	vxor.u32 v21, v7  }
0x1c5: {  	v16 =	vxor.u32 v22, v9;
	v17 =	vxor.u32 v23, v8;
	v11 =	vxor.u32 v11, v4  }
0x1c6: {  	v12 =	vadd.s32 $0x2, v12;
	v13 =	vadd.s32 $0x2, v13;
	v14 =	vadd.s32 $0x2, v14  }
0x1c7: {  	v16 =	vadd.s32 $0x2, v16;
	v17 =	vadd.s32 $0x2, v17;
	v15 =	vadd.s32 $0x2, v15  }
0x1c8: {  	v10 =	vadd.s32 v12, v10;
	v18 =	vshrl.u32 v12, $0x13;
	v11 =	vadd.s32 $0x2, v11  }
0x1c9: {  	v12 =	vshll.u32 v12, $0xD;
	v5 =	vadd.s32 v13, v5;
	v19 =	vshrl.u32 v13, $0x13  }
0x1ca: {  	v13 =	vshll.u32 v13, $0xD;
	v6 =	vadd.s32 v14, v6;
	v20 =	vshrl.u32 v14, $0x13  }
0x1cb: {  	v14 =	vshll.u32 v14, $0xD;
	v7 =	vadd.s32 v15, v7;
	v21 =	vshrl.u32 v15, $0x13  }
0x1cc: {  	v9 =	vadd.s32 v16, v9;
	v22 =	vshrl.u32 v16, $0x13;
	v15 =	vshll.u32 v15, $0xD  }
0x1cd: {  	v16 =	vshll.u32 v16, $0xD;
	v8 =	vadd.s32 v17, v8;
	v23 =	vshrl.u32 v17, $0x13  }
0x1ce: {  	v17 =	vshll.u32 v17, $0xD;
	v4 =	vadd.s32 v11, v4;
	v24 =	vshrl.u32 v11, $0x13  }
0x1cf: {  	v10 =	vadd.s32 $0x1BD11BF0, v10;
	v12 =	vor.u32 v18, v12;
	v11 =	vshll.u32 v11, $0xD  }
0x1d0: {  	v5 =	vadd.s32 $0x1BD11BF0, v5;
	v13 =	vor.u32 v19, v13;
	v6 =	vadd.s32 $0x1BD11BF0, v6  }
0x1d1: {  	v14 =	vor.u32 v20, v14;
	v7 =	vadd.s32 $0x1BD11BF0, v7;
	v15 =	vor.u32 v21, v15  }
0x1d2: {  	v9 =	vadd.s32 $0x1BD11BF0, v9;
	v16 =	vor.u32 v22, v16;
	v8 =	vadd.s32 $0x1BD11BF0, v8  }
0x1d3: {  	v17 =	vor.u32 v23, v17;
	v4 =	vadd.s32 $0x1BD11BF0, v4;
	v11 =	vor.u32 v24, v11  }
0x1d4: {  	v12 =	vxor.u32 v12, v10;
	v13 =	vxor.u32 v13, v5;
	v14 =	vxor.u32 v14, v6  }
0x1d5: {  	v16 =	vxor.u32 v16, v9;
	v17 =	vxor.u32 v17, v8;
	v15 =	vxor.u32 v15, v7  }
0x1d6: {  	v18 =	vshrl.u32 v12, $0x11;
	v19 =	vshll.u32 v12, $0xF;
	v11 =	vxor.u32 v11, v4  }
0x1d7: {  	v20 =	vshrl.u32 v13, $0x11;
	v21 =	vshll.u32 v13, $0xF;
	v22 =	vshrl.u32 v14, $0x11  }
0x1d8: {  	v23 =	vshll.u32 v14, $0xF;
	v24 =	vshrl.u32 v15, $0x11;
	v25 =	vshll.u32 v15, $0xF  }
0x1d9: {  	v26 =	vshrl.u32 v16, $0x11;
	v27 =	vshll.u32 v16, $0xF;
	v28 =	vshrl.u32 v17, $0x11  }
0x1da: {  	v29 =	vshll.u32 v17, $0xF;
	v30 =	vshrl.u32 v11, $0x11;
	v31 =	vshll.u32 v11, $0xF  }
0x1db: {  	v18 =	vor.u32 v18, v19;
	v19 =	vor.u32 v20, v21;
	v20 =	vor.u32 v22, v23  }
0x1dc: {  	v22 =	vor.u32 v26, v27;
	v23 =	vor.u32 v28, v29;
	v21 =	vor.u32 v24, v25  }
0x1dd: {  	v10 =	vadd.s32 v10, v12;
	v5 =	vadd.s32 v5, v13;
	v6 =	vadd.s32 v6, v14  }
0x1de: {  	v9 =	vadd.s32 v9, v16;
	v8 =	vadd.s32 v8, v17;
	v7 =	vadd.s32 v7, v15  }
0x1df: {  	v12 =	vxor.u32 v18, v10;
	v4 =	vadd.s32 v4, v11;
	v11 =	vor.u32 v30, v31  }
0x1e0: {  	v13 =	vxor.u32 v19, v5;
	v14 =	vxor.u32 v20, v6;
	v15 =	vxor.u32 v21, v7  }
0x1e1: {  	v16 =	vxor.u32 v22, v9;
	v17 =	vxor.u32 v23, v8;
	v11 =	vxor.u32 v11, v4  }
0x1e2: {  	v18 =	vshrl.u32 v12, $0x6;
	v19 =	vshll.u32 v12, $0x1A;
	v20 =	vshrl.u32 v13, $0x6  }
0x1e3: {  	v21 =	vshll.u32 v13, $0x1A;
	v22 =	vshrl.u32 v14, $0x6;
	v23 =	vshll.u32 v14, $0x1A  }
0x1e4: {  	v26 =	vshrl.u32 v16, $0x6;
	v24 =	vshrl.u32 v15, $0x6;
	v25 =	vshll.u32 v15, $0x1A  }
0x1e5: {  	v27 =	vshll.u32 v16, $0x1A;
	v28 =	vshrl.u32 v17, $0x6;
	v29 =	vshll.u32 v17, $0x1A  }
0x1e6: {  	v18 =	vor.u32 v18, v19;
	v19 =	vshrl.u32 v11, $0x6;
	v30 =	vshll.u32 v11, $0x1A  }
0x1e7: {  	v20 =	vor.u32 v20, v21;
	v21 =	vor.u32 v22, v23;
	v22 =	vor.u32 v24, v25  }
0x1e8: {  	v10 =	vadd.s32 v10, v12;
	v12 =	vor.u32 v26, v27;
	v23 =	vor.u32 v28, v29  }
0x1e9: {  	v5 =	vadd.s32 v5, v13;
	v6 =	vadd.s32 v6, v14;
	v7 =	vadd.s32 v7, v15  }
0x1ea: {  	v9 =	vadd.s32 v9, v16;
	v8 =	vadd.s32 v8, v17;
	v13 =	vor.u32 v19, v30  }
0x1eb: {  	v14 =	vxor.u32 v18, v10;
	v4 =	vadd.s32 v4, v11;
	v15 =	vxor.u32 v20, v5  }
0x1ec: {  	v11 =	vxor.u32 v21, v6;
	v12 =	vxor.u32 v12, v9;
	v16 =	vxor.u32 v22, v7  }
0x1ed: {  	v17 =	vshrl.u32 v14, $0x1A;
	v18 =	vxor.u32 v23, v8;
	v13 =	vxor.u32 v13, v4  }
0x1ee: {  	v19 =	vshll.u32 v14, $0x6;
	v20 =	vshrl.u32 v15, $0x1A;
	v21 =	vshll.u32 v15, $0x6  }
0x1ef: {  	v22 =	vshrl.u32 v11, $0x1A;
	v23 =	vshll.u32 v11, $0x6;
	v24 =	vshrl.u32 v16, $0x1A  }
0x1f0: {  	v26 =	vshrl.u32 v12, $0x1A;
	v27 =	vshll.u32 v12, $0x6;
	v25 =	vshll.u32 v16, $0x6  }
0x1f1: {  	v28 =	vshrl.u32 v18, $0x1A;
	v29 =	vshll.u32 v18, $0x6;
	v30 =	vshrl.u32 v13, $0x1A  }
0x1f2: {  	v17 =	vor.u32 v17, v19;
	v19 =	vor.u32 v20, v21;
	v20 =	vshll.u32 v13, $0x6  }
0x1f3: {  	v21 =	vor.u32 v22, v23;
	v23 =	vor.u32 v26, v27;
	v22 =	vor.u32 v24, v25  }
0x1f4: {  	v10 =	vadd.s32 v10, v14;
	v5 =	vadd.s32 v5, v15;
	v14 =	vor.u32 v28, v29  }
0x1f5: {  	v6 =	vadd.s32 v6, v11;
	v9 =	vadd.s32 v9, v12;
	v7 =	vadd.s32 v7, v16  }
0x1f6: {  	v8 =	vadd.s32 v8, v18;
	v4 =	vadd.s32 v4, v13;
	v11 =	vor.u32 v30, v20  }
0x1f7: {  	v12 =	vxor.u32 v17, v10;
	v13 =	vxor.u32 v19, v5;
	v15 =	vxor.u32 v21, v6  }
0x1f8: {  	v17 =	vxor.u32 v23, v9;
	v14 =	vxor.u32 v14, v8;
	v16 =	vxor.u32 v22, v7  }
0x1f9: {  	v12 =	vadd.s32 $0x2D, v12;
	v13 =	vadd.s32 $0x2D, v13;
	v11 =	vxor.u32 v11, v4  }
0x1fa: {  	v15 =	vadd.s32 $0x2D, v15;
	v17 =	vadd.s32 $0x2D, v17;
	v16 =	vadd.s32 $0x2D, v16  }
0x1fb: {  	v18 =	vshrl.u32 v12, $0xF;
	v14 =	vadd.s32 $0x2D, v14;
	v11 =	vadd.s32 $0x2D, v11  }
0x1fc: {  	v19 =	vshll.u32 v12, $0x11;
	v20 =	vshrl.u32 v13, $0xF;
	v21 =	vshll.u32 v13, $0x11  }
0x1fd: {  	v22 =	vshrl.u32 v15, $0xF;
	v23 =	vshll.u32 v15, $0x11;
	v24 =	vshrl.u32 v16, $0xF  }
0x1fe: {  	v26 =	vshrl.u32 v17, $0xF;
	v27 =	vshll.u32 v17, $0x11;
	v25 =	vshll.u32 v16, $0x11  }
0x1ff: {  	v28 =	vshrl.u32 v14, $0xF;
	v29 =	vshll.u32 v14, $0x11;
	v30 =	vshrl.u32 v11, $0xF  }
0x200: {  	v18 =	vor.u32 v18, v19;
	v19 =	vor.u32 v20, v21;
	v20 =	vshll.u32 v11, $0x11  }
0x201: {  	v21 =	vor.u32 v22, v23;
	v23 =	vor.u32 v26, v27;
	v22 =	vor.u32 v24, v25  }
0x202: {  	v10 =	vadd.s32 v10, v12;
	v5 =	vadd.s32 v5, v13;
	v12 =	vor.u32 v28, v29  }
0x203: {  	v6 =	vadd.s32 v6, v15;
	v9 =	vadd.s32 v9, v17;
	v7 =	vadd.s32 v7, v16  }
0x204: {  	v8 =	vadd.s32 v8, v14;
	v4 =	vadd.s32 v4, v11;
	v11 =	vor.u32 v30, v20  }
0x205: {  	v13 =	vxor.u32 v18, v10;
	v14 =	vxor.u32 v19, v5;
	v15 =	vxor.u32 v21, v6  }
0x206: {  	v17 =	vxor.u32 v23, v9;
	v12 =	vxor.u32 v12, v8;
	v16 =	vxor.u32 v22, v7  }
0x207: {  	v18 =	vshrl.u32 v13, $0x3;
	v19 =	vshll.u32 v13, $0x1D;
	v11 =	vxor.u32 v11, v4  }
0x208: {  	v20 =	vshrl.u32 v14, $0x3;
	v21 =	vshll.u32 v14, $0x1D;
	v22 =	vshrl.u32 v15, $0x3  }
0x209: {  	v23 =	vshll.u32 v15, $0x1D;
	v24 =	vshrl.u32 v16, $0x3;
	v25 =	vshll.u32 v16, $0x1D  }
0x20a: {  	v26 =	vshrl.u32 v17, $0x3;
	v27 =	vshll.u32 v17, $0x1D;
	v28 =	vshrl.u32 v12, $0x3  }
0x20b: {  	v29 =	vshll.u32 v12, $0x1D;
	v30 =	vshrl.u32 v11, $0x3;
	v31 =	vshll.u32 v11, $0x1D  }
0x20c: {  	v18 =	vor.u32 v18, v19;
	v19 =	vor.u32 v20, v21;
	v20 =	vor.u32 v22, v23  }
0x20d: {  	v22 =	vor.u32 v26, v27;
	v23 =	vor.u32 v28, v29;
	v21 =	vor.u32 v24, v25  }
0x20e: {  	v10 =	vadd.s32 v10, v13;
	v5 =	vadd.s32 v5, v14;
	v6 =	vadd.s32 v6, v15  }
0x20f: {  	v9 =	vadd.s32 v9, v17;
	v8 =	vadd.s32 v8, v12;
	v7 =	vadd.s32 v7, v16  }
0x210: {  	v12 =	vxor.u32 v18, v10;
	v4 =	vadd.s32 v4, v11;
	v11 =	vor.u32 v30, v31  }
0x211: {  	v13 =	vxor.u32 v19, v5;
	v14 =	vxor.u32 v20, v6;
	v15 =	vxor.u32 v21, v7  }
0x212: {  	v16 =	vxor.u32 v22, v9;
	v17 =	vxor.u32 v23, v8;
	v11 =	vxor.u32 v11, v4  }
0x213: {  	v18 =	vshrl.u32 v12, $0x10;
	v19 =	vshll.u32 v12, $0x10;
	v20 =	vshrl.u32 v13, $0x10  }
0x214: {  	v21 =	vshll.u32 v13, $0x10;
	v22 =	vshrl.u32 v14, $0x10;
	v23 =	vshll.u32 v14, $0x10  }
0x215: {  	v26 =	vshrl.u32 v16, $0x10;
	v24 =	vshrl.u32 v15, $0x10;
	v25 =	vshll.u32 v15, $0x10  }
0x216: {  	v27 =	vshll.u32 v16, $0x10;
	v28 =	vshrl.u32 v17, $0x10;
	v29 =	vshll.u32 v17, $0x10  }
0x217: {  	v18 =	vor.u32 v18, v19;
	v19 =	vshrl.u32 v11, $0x10;
	v30 =	vshll.u32 v11, $0x10  }
0x218: {  	v20 =	vor.u32 v20, v21;
	v21 =	vor.u32 v22, v23;
	v22 =	vor.u32 v24, v25  }
0x219: {  	v10 =	vadd.s32 v10, v12;
	v12 =	vor.u32 v26, v27;
	v23 =	vor.u32 v28, v29  }
0x21a: {  	v5 =	vadd.s32 v5, v13;
	v6 =	vadd.s32 v6, v14;
	v7 =	vadd.s32 v7, v15  }
0x21b: {  	v9 =	vadd.s32 v9, v16;
	v8 =	vadd.s32 v8, v17;
	v13 =	vor.u32 v19, v30  }
0x21c: {  	v14 =	vxor.u32 v18, v10;
	v4 =	vadd.s32 v4, v11;
	v15 =	vxor.u32 v20, v5  }
0x21d: {  	v11 =	vxor.u32 v21, v6;
	v12 =	vxor.u32 v12, v9;
	v16 =	vxor.u32 v22, v7  }
0x21e: {  	v17 =	vshrl.u32 v14, $0x8;
	v18 =	vxor.u32 v23, v8;
	v13 =	vxor.u32 v13, v4  }
0x21f: {  	v19 =	vshll.u32 v14, $0x18;
	v20 =	vshrl.u32 v15, $0x8;
	v21 =	vshll.u32 v15, $0x18  }
0x220: {  	v22 =	vshrl.u32 v11, $0x8;
	v23 =	vshll.u32 v11, $0x18;
	v24 =	vshrl.u32 v16, $0x8  }
0x221: {  	v26 =	vshrl.u32 v12, $0x8;
	v27 =	vshll.u32 v12, $0x18;
	v25 =	vshll.u32 v16, $0x18  }
0x222: {  	v28 =	vshrl.u32 v18, $0x8;
	v29 =	vshll.u32 v18, $0x18;
	v30 =	vshrl.u32 v13, $0x8  }
0x223: {  	v17 =	vor.u32 v17, v19;
	v19 =	vor.u32 v20, v21;
	v20 =	vshll.u32 v13, $0x18  }
0x224: {  	v21 =	vor.u32 v22, v23;
	v23 =	vor.u32 v26, v27;
	v22 =	vor.u32 v24, v25  }
0x225: {  	v10 =	vadd.s32 v10, v14;
	v5 =	vadd.s32 v5, v15;
	v14 =	vor.u32 v28, v29  }
0x226: {  	v6 =	vadd.s32 v6, v11;
	v9 =	vadd.s32 v9, v12;
	v7 =	vadd.s32 v7, v16  }
0x227: {  	v8 =	vadd.s32 v8, v18;
	v4 =	vadd.s32 v4, v13;
	v11 =	vor.u32 v30, v20  }
0x228: {  	v12 =	vxor.u32 v17, v10;
	v13 =	vxor.u32 v19, v5;
	v15 =	vxor.u32 v21, v6  }
0x229: {  	v17 =	vxor.u32 v23, v9;
	v14 =	vxor.u32 v14, v8;
	v16 =	vxor.u32 v22, v7  }
0x22a: {  	v12 =	vadd.s32 $0x1BD11BF4, v12;
	v13 =	vadd.s32 $0x1BD11BF4, v13;
	v11 =	vxor.u32 v11, v4  }
0x22b: {  	v15 =	vadd.s32 $0x1BD11BF4, v15;
	v17 =	vadd.s32 $0x1BD11BF4, v17;
	v16 =	vadd.s32 $0x1BD11BF4, v16  }
0x22c: {  	v10 =	vadd.s32 v12, v10;
	v14 =	vadd.s32 $0x1BD11BF4, v14;
	v11 =	vadd.s32 $0x1BD11BF4, v11  }
0x22d: {  	v18 =	vshrl.u32 v12, $0x13;
	v12 =	vshll.u32 v12, $0xD;
	v5 =	vadd.s32 v13, v5  }
0x22e: {  	v19 =	vshrl.u32 v13, $0x13;
	v13 =	vshll.u32 v13, $0xD;
	v6 =	vadd.s32 v15, v6  }
0x22f: {  	v20 =	vshrl.u32 v15, $0x13;
	v15 =	vshll.u32 v15, $0xD;
	v7 =	vadd.s32 v16, v7  }
0x230: {  	v9 =	vadd.s32 v17, v9;
	v21 =	vshrl.u32 v16, $0x13;
	v16 =	vshll.u32 v16, $0xD  }
0x231: {  	v22 =	vshrl.u32 v17, $0x13;
	v17 =	vshll.u32 v17, $0xD;
	v8 =	vadd.s32 v14, v8  }
0x232: {  	v23 =	vshrl.u32 v14, $0x13;
	v14 =	vshll.u32 v14, $0xD;
	v4 =	vadd.s32 v11, v4  }
0x233: {  	v10 =	vadd.s32 $0x2A, v10;
	v24 =	vshrl.u32 v11, $0x13;
	v11 =	vshll.u32 v11, $0xD  }
0x234: {  	v12 =	vor.u32 v18, v12;
	v5 =	vadd.s32 $0x2A, v5;
	v13 =	vor.u32 v19, v13  }
0x235: {  	v6 =	vadd.s32 $0x2A, v6;
	v15 =	vor.u32 v20, v15;
	v7 =	vadd.s32 $0x2A, v7  }
0x236: {  	v9 =	vadd.s32 $0x2A, v9;
	v17 =	vor.u32 v22, v17;
	v16 =	vor.u32 v21, v16  }
0x237: {  	v8 =	vadd.s32 $0x2A, v8;
	v14 =	vor.u32 v23, v14;
	v4 =	vadd.s32 $0x2A, v4  }
0x238: {  	v12 =	vxor.u32 v12, v10;
	v13 =	vxor.u32 v13, v5;
	v11 =	vor.u32 v24, v11  }
0x239: {  	v15 =	vxor.u32 v15, v6;
	v17 =	vxor.u32 v17, v9;
	v16 =	vxor.u32 v16, v7  }
0x23a: {  	v18 =	vshrl.u32 v12, $0x11;
	v14 =	vxor.u32 v14, v8;
	v11 =	vxor.u32 v11, v4  }
0x23b: {  	v19 =	vshll.u32 v12, $0xF;
	v20 =	vshrl.u32 v13, $0x11;
	v21 =	vshll.u32 v13, $0xF  }
0x23c: {  	v22 =	vshrl.u32 v15, $0x11;
	v23 =	vshll.u32 v15, $0xF;
	v24 =	vshrl.u32 v16, $0x11  }
0x23d: {  	v26 =	vshrl.u32 v17, $0x11;
	v27 =	vshll.u32 v17, $0xF;
	v25 =	vshll.u32 v16, $0xF  }
0x23e: {  	v28 =	vshrl.u32 v14, $0x11;
	v29 =	vshll.u32 v14, $0xF;
	v30 =	vshrl.u32 v11, $0x11  }
0x23f: {  	v18 =	vor.u32 v18, v19;
	v19 =	vor.u32 v20, v21;
	v20 =	vshll.u32 v11, $0xF  }
0x240: {  	v21 =	vor.u32 v22, v23;
	v23 =	vor.u32 v26, v27;
	v22 =	vor.u32 v24, v25  }
0x241: {  	v10 =	vadd.s32 v10, v12;
	v5 =	vadd.s32 v5, v13;
	v12 =	vor.u32 v28, v29  }
0x242: {  	v6 =	vadd.s32 v6, v15;
	v9 =	vadd.s32 v9, v17;
	v7 =	vadd.s32 v7, v16  }
0x243: {  	v8 =	vadd.s32 v8, v14;
	v4 =	vadd.s32 v4, v11;
	v11 =	vor.u32 v30, v20  }
0x244: {  	v13 =	vxor.u32 v18, v10;
	v14 =	vxor.u32 v19, v5;
	v15 =	vxor.u32 v21, v6  }
0x245: {  	v17 =	vxor.u32 v23, v9;
	v12 =	vxor.u32 v12, v8;
	v16 =	vxor.u32 v22, v7  }
0x246: {  	v18 =	vshrl.u32 v13, $0x6;
	v19 =	vshll.u32 v13, $0x1A;
	v11 =	vxor.u32 v11, v4  }
0x247: {  	v20 =	vshrl.u32 v14, $0x6;
	v21 =	vshll.u32 v14, $0x1A;
	v22 =	vshrl.u32 v15, $0x6  }
0x248: {  	v23 =	vshll.u32 v15, $0x1A;
	v24 =	vshrl.u32 v16, $0x6;
	v25 =	vshll.u32 v16, $0x1A  }
0x249: {  	v26 =	vshrl.u32 v17, $0x6;
	v27 =	vshll.u32 v17, $0x1A;
	v28 =	vshrl.u32 v12, $0x6  }
0x24a: {  	v29 =	vshll.u32 v12, $0x1A;
	v30 =	vshrl.u32 v11, $0x6;
	v31 =	vshll.u32 v11, $0x1A  }
0x24b: {  	v18 =	vor.u32 v18, v19;
	v19 =	vor.u32 v20, v21;
	v20 =	vor.u32 v22, v23  }
0x24c: {  	v22 =	vor.u32 v26, v27;
	v23 =	vor.u32 v28, v29;
	v21 =	vor.u32 v24, v25  }
0x24d: {  	v10 =	vadd.s32 v10, v13;
	v5 =	vadd.s32 v5, v14;
	v6 =	vadd.s32 v6, v15  }
0x24e: {  	v9 =	vadd.s32 v9, v17;
	v8 =	vadd.s32 v8, v12;
	v7 =	vadd.s32 v7, v16  }
0x24f: {  	v12 =	vxor.u32 v18, v10;
	v4 =	vadd.s32 v4, v11;
	v11 =	vor.u32 v30, v31  }
0x250: {  	v13 =	vxor.u32 v19, v5;
	v14 =	vxor.u32 v20, v6;
	v15 =	vxor.u32 v21, v7  }
0x251: {  	v16 =	vxor.u32 v22, v9;
	v17 =	vxor.u32 v23, v8;
	v11 =	vxor.u32 v11, v4  }
0x252: {  	v18 =	vshrl.u32 v12, $0x1A;
	v19 =	vshll.u32 v12, $0x6;
	v20 =	vshrl.u32 v13, $0x1A  }
0x253: {  	v21 =	vshll.u32 v13, $0x6;
	v22 =	vshrl.u32 v14, $0x1A;
	v23 =	vshll.u32 v14, $0x6  }
0x254: {  	v26 =	vshrl.u32 v16, $0x1A;
	v24 =	vshrl.u32 v15, $0x1A;
	v25 =	vshll.u32 v15, $0x6  }
0x255: {  	v27 =	vshll.u32 v16, $0x6;
	v28 =	vshrl.u32 v17, $0x1A;
	v29 =	vshll.u32 v17, $0x6  }
0x256: {  	v18 =	vor.u32 v18, v19;
	v19 =	vshrl.u32 v11, $0x1A;
	v30 =	vshll.u32 v11, $0x6  }
0x257: {  	v20 =	vor.u32 v20, v21;
	v21 =	vor.u32 v22, v23;
	v22 =	vor.u32 v24, v25  }
0x258: {  	v10 =	vadd.s32 v10, v12;
	v12 =	vor.u32 v26, v27;
	v23 =	vor.u32 v28, v29  }
0x259: {  	v5 =	vadd.s32 v5, v13;
	v6 =	vadd.s32 v6, v14;
	v7 =	vadd.s32 v7, v15  }
0x25a: {  	v9 =	vadd.s32 v9, v16;
	v8 =	vadd.s32 v8, v17;
	v13 =	vor.u32 v19, v30  }
0x25b: {  	v14 =	vxor.u32 v18, v10;
	v4 =	vadd.s32 v4, v11;
	v15 =	vxor.u32 v20, v5  }
0x25c: {  	v11 =	vxor.u32 v21, v6;
	v12 =	vxor.u32 v12, v9;
	v16 =	vxor.u32 v22, v7  }
0x25d: {  	v14 =	vadd.s32 $0x5, v14;
	v17 =	vxor.u32 v23, v8;
	v13 =	vxor.u32 v13, v4  }
0x25e: {  	v15 =	vadd.s32 $0x5, v15;
	v11 =	vadd.s32 $0x5, v11;
	v16 =	vadd.s32 $0x5, v16  }
0x25f: {  	v12 =	vadd.s32 $0x5, v12;
	v17 =	vadd.s32 $0x5, v17;
	v13 =	vadd.s32 $0x5, v13  }
0x260: {  	v10 =	vadd.s32 $0x1BD11BF0, v10;
	v5 =	vadd.s32 $0x1BD11BF0, v5;
	v6 =	vadd.s32 $0x1BD11BF0, v6  }
0x261: {  	v9 =	vadd.s32 $0x1BD11BF0, v9;
	v8 =	vadd.s32 $0x1BD11BF0, v8;
	v7 =	vadd.s32 $0x1BD11BF0, v7  }
0x262: {  	v10 =	vxor.u32 v10, v14;
	v4 =	vadd.s32 $0x1BD11BF0, v4;
	v5 =	vxor.u32 v5, v15  }
0x263: {  	v6 =	vxor.u32 v6, v11;
	v9 =	vxor.u32 v9, v12;
	v7 =	vxor.u32 v7, v16  }
0x264: {  	v10 =	vshrl.u32 v10, $0x9;
	v8 =	vxor.u32 v8, v17;
	v4 =	vxor.u32 v4, v13  }
0x265: {  	v5 =	vshrl.u32 v5, $0x9;
	v6 =	vshrl.u32 v6, $0x9;
	v7 =	vshrl.u32 v7, $0x9  }
0x266: {  	v9 =	vshrl.u32 v9, $0x9;
	v8 =	vshrl.u32 v8, $0x9;
	v4 =	vshrl.u32 v4, $0x9  }
0x267: {  	v10 =	vor.u32 $0x3F800000, v10;
	v5 =	vor.u32 $0x3F800000, v5;
	v6 =	vor.u32 $0x3F800000, v6  }
0x268: {  	v9 =	vor.u32 $0x3F800000, v9;
	v8 =	vor.u32 $0x3F800000, v8;
	v7 =	vor.u32 $0x3F800000, v7  }
0x269: {  	v10 =	vadd.f32 $-1.000000000e+00, v10;
	v5 =	vadd.f32 $-1.000000000e+00, v5;
	v4 =	vor.u32 $0x3F800000, v4  }
0x26a: {  	v2 =	vmax.f32 v2, $1.175494350e-38;
	v6 =	vadd.f32 $-1.000000000e+00, v6;
	v7 =	vadd.f32 $-1.000000000e+00, v7  }
.Ltmp0:
0x26b: {  	v9 =	vadd.f32 $-1.000000000e+00, v9;
	v8 =	vadd.f32 $-1.000000000e+00, v8;
	[tilespmem:s16+$0x0] =	vst v2;
	v2 =	vmax.f32 v3, $1.175494350e-38;
	(pc) =	sbr.rel @p0 .LBB2_3-.Ltmp0, $4  }
0x26c: {  	v1 =	vmax.f32 v1, $1.175494350e-38;
	v4 =	vadd.f32 $-1.000000000e+00, v4;
	v3 =	vadd.f32 $1.175494350e-38, v10;
	[tilespmem:s16+$0x10] =	vst v2  }
0x26d: {  	v10 =	vadd.f32 $1.175494350e-38, v5;
	v5 =	vadd.f32 $1.175494350e-38, v6;
	[tilespmem:s16+$0x30] =	vst v1;
	s16 =	smov.u32 s14  }
0x26e: {  	v6 =	vadd.f32 $1.175494350e-38, v7;
	v2 =	vadd.f32 $1.175494350e-38, v9;
	v1 =	vmax.f32 v3, $1.175494350e-38  }
0x26f: {  	s18 =	sadd.s32 $0x80, s18;
	v7 =	vmax.f32 v10, $1.175494350e-38;
	v3 =	vadd.f32 $1.175494350e-38, v8;
	[tilespmem:s14+$0xFFFFFFC0] =	vst v1;
	v1 =	vadd.f32 $1.175494350e-38, v4  }
0x270: {  	[tilespmem:s14+$0xFFFFFFD0] =	vst v7;
	v4 =	vmax.f32 v5, $1.175494350e-38  }
0x271: {  	v63 =	vmax.f32 v6, $1.175494350e-38;
	s15 =	sshll.u32 s15, $0x7;
	[tilespmem:s14+$0xFFFFFFE0] =	vst v4  }
0x272: {  	v2 =	vmax.f32 v2, $1.175494350e-38;
	[tilespmem:s14+$0xFFFFFFF0] =	vst v63;
	s31 =	sand.u32 $0x380, s15  }
0x273: {  	s13 =	sadd.s32 $0x1, s13;
	v1 =	vmax.f32 v1, $1.175494350e-38;
	[tilespmem:s16+$0x0] =	vst v2;
	s14 =	sor.u32 s5, s31  }
0x274: {  	p0 =	sne.s32 s13, $0x4;
	v2 =	vmax.f32 v3, $1.175494350e-38;
	[tilespmem:s16+$0x30] =	vst v1;
	s14 =	sshrl.u32 s14, $0x3  }
.Ltmp1:
0x275: {  	[tilespmem:s16+$0x10] =	vst v2;
	s14 =	sadd.s32 s3, s14;
	(pc) =	sbr.rel @p0 .LBB2_2-.Ltmp1, $4  }
0x276: {  	[hbm4b:s14+s8] =	stream.strided.scatter [tilespmem:s2], [sflag:$0x1], $0x8480, s9, s8, $0x38;
	[tilespmem:$0x8480] =	vst v63  }
0x277: {  	_ =	swait.ge [sflag:s10], $0x8480  }
0x278: {  	[sflag:s10] =	ssyncset.done $0x0  }
0x279: {  	s12 =	sadd.s32 $0x186A0, s12;
	[sflag:s10] =	ssyncadd.s32 $0xFFFF7B80  }
0x27a: {  	s11 =	sadd.s32 $0x1, s11  }
0x27b: {  	p0 =	sne.s32 s11, s6  }
.Ltmp2:
0x27c: {  	_ = 	snop;
	(pc) =	sbr.rel @p0 .LBB2_1-.Ltmp2, $1  }
0x27d: {  	_ =	sdelay $0x3  }
0x27e: {  	_ =	sfence.sel $0x180000  }
0x27f: {  	[bflag:$0x0] =	sbarrier.arrive $0xFFFF  }
0x280: {  	p0 =	sne.s32 s1, $0x0;
	_ =	strace $0x90000047  }
0x281: {  	s0 =	sadd.s32 @!p0 $0x100000, s0;
	[bflag:$0x2] =	sbarrier.arrive $0xFFFF  }
0x282: {  	[sflag:s0] =	ssyncadd.tile.s32 @!p0 $0x1;
	_ =	shalt  }
.Lfunc_end2:
_tile_overlayer_lowered:
.L_overlay_start_2:
0x283: {  	(tag) =	ssettag $0x2  }
0x284: {  	s0 =	rddreg [dreg:$0x0];
	s2 =	stileid.u32  }
0x285: {  	s1 =	rddreg [dreg:$0x1];
	p0 =	sne.s32 s2, $0x0  }
0x286: {  	s3 =	rddreg [dreg:$0x2];
	[bflag:$0x3] =	sbarrier.arrive $0xFFFF;
	s2 =	simm.s32 @!p0 $0x1C01  }
0x287: {  	[timem:s3], [sflag:s2] =	dma.local @!p0 [hbm:s0], s1  }
0x288: {  	s0 =	simm.s32 @!p0 $0x1  }
0x289: {  	_ =	swait.ge @!p0 [sflag:s0], s1  }
0x28a: {  	s1 =	ssub.s32 @!p0 $0x0, s1;
	[sflag:s0] =	ssyncset.done @!p0 $0x0  }
0x28b: {  	[sflag:s0] =	ssyncadd.s32 @!p0 s1  }
0x28c: {  	[bflag:$0x3] =	sbarrier.arrive $0xFFFF  }
0x28d: {  	_ =	shalt  }

</sc_bundles>
